<compile_context>
chip_gen: v7x
topology: tpu7x:2x2x1
jax: 0.10.2.dev20260603
libtpu: 0.0.44.dev20260713+nightly
codegen_flags: <defaults>
</compile_context>

<pallas_src>
import functools

import jax
import jax.numpy as jnp
from jax import lax
from jax.experimental import pallas as pl
from jax.experimental.pallas import tpu as pltpu
from jax.experimental.pallas import tpu_sc as plsc

N_NODES = 10000
N_EDGES = 160000
TEXT_REP = 256
NODE_TYPE_EMB = 128
EDGE_TYPE_EMB = 16
NODE_HIDDEN = 256
NUM_NODE_TYPES = 16

_NC = 2
_NS = 16
_NW = _NC * _NS
_BW = 4992
_BL = N_EDGES - _BW * (_NW - 1)

_RB = 5000
_G = N_NODES // _RB


def _node_body(ids_ref, text_ref, ntt_ref, w_ref, b_ref, out_ref):
    ft = jnp.dot(ntt_ref[:], w_ref[:NODE_TYPE_EMB, :],
                 preferred_element_type=jnp.float32) + b_ref[:]
    ids = ids_ref[0, 0, :]
    onehot = (ids[:, None] == lax.broadcasted_iota(
        jnp.int32, (_RB, NUM_NODE_TYPES), 1)).astype(jnp.float32)
    acc = jnp.dot(text_ref[:], w_ref[NODE_TYPE_EMB:, :],
                  preferred_element_type=jnp.float32)
    out_ref[:] = acc + jnp.dot(onehot, ft,
                               preferred_element_type=jnp.float32)


def _node_proj(ids3, text, ntt, w, b2):
    return pl.pallas_call(
        _node_body,
        grid=(_G,),
        compiler_params=pltpu.CompilerParams(
            allow_input_fusion=[True, True, True, True, True]),
        in_specs=[
            pl.BlockSpec((1, 1, _RB), lambda i: (i, 0, 0)),
            pl.BlockSpec((_RB, TEXT_REP), lambda i: (i, 0)),
            pl.BlockSpec((NUM_NODE_TYPES, NODE_TYPE_EMB), lambda i: (0, 0)),
            pl.BlockSpec((NODE_TYPE_EMB + TEXT_REP, NODE_HIDDEN),
                         lambda i: (0, 0)),
            pl.BlockSpec((1, NODE_HIDDEN), lambda i: (0, 0)),
        ],
        out_specs=pl.BlockSpec((_RB, NODE_HIDDEN), lambda i: (i, 0)),
        out_shape=jax.ShapeDtypeStruct((N_NODES, NODE_HIDDEN), jnp.float32),
    )(ids3, text, ntt, w, b2)


def _edge_gather_t(table, ids):
    mesh = plsc.VectorSubcoreMesh(core_axis_name="c", subcore_axis_name="s")

    @functools.partial(
        pl.kernel, mesh=mesh,
        compiler_params=pltpu.CompilerParams(
            needs_layout_passes=False, use_tc_tiling_on_sc=True),
        out_type=jax.ShapeDtypeStruct((EDGE_TYPE_EMB, N_EDGES), jnp.float32),
        scratch_types=[
            pltpu.VMEM((8, EDGE_TYPE_EMB), jnp.float32),
            pltpu.VMEM((_BL,), jnp.int32),
            pltpu.VMEM((EDGE_TYPE_EMB, _BL), jnp.float32),
            pltpu.SemaphoreType.DMA,
        ],
    )
    def k(table_hbm, idx_hbm, out_hbm, table_v, idx_v, out_c, sem):
        wid = lax.axis_index("s") * _NC + lax.axis_index("c")
        base = wid * _BW
        is_last = wid == _NW - 1
        pltpu.sync_copy(table_hbm, table_v)
        pltpu.sync_copy(idx_hbm.at[pl.ds(base, _BW)], idx_v.at[pl.ds(0, _BW)])

        @pl.when(is_last)
        def _():
            pltpu.sync_copy(idx_hbm.at[pl.ds(base + _BW, _BL - _BW)],
                            idx_v.at[pl.ds(_BW, _BL - _BW)])

        dnums = lax.GatherDimensionNumbers(
            offset_dims=(), collapsed_slice_dims=(0,), start_index_map=(0,))

        def reg_take(col, idx):
            return lax.gather(col, idx[:, None], dnums, (1,),
                              mode=lax.GatherScatterMode.PROMISE_IN_BOUNDS)

        lane = lax.broadcasted_iota(jnp.int32, (16,), 0)
        trows = [table_v[i, :] for i in range(8)]
        tcols = []
        for d in range(EDGE_TYPE_EMB):
            dvec = jnp.full((16,), d, jnp.int32)
            col = reg_take(trows[0], dvec)
            for i in range(1, 8):
                col = jnp.where(lane == i, reg_take(trows[i], dvec), col)
            tcols.append(col)

        def tile_col(cbase):
            for gi in range(8):
                ids16 = idx_v[pl.ds(cbase + gi * 16, 16)]
                vals = [reg_take(tcols[d], ids16)
                        for d in range(EDGE_TYPE_EMB)]
                for d in range(EDGE_TYPE_EMB):
                    out_c[d, pl.ds(cbase + gi * 16, 16)] = vals[d]

        ntc = jnp.where(is_last, _BL // 128, _BW // 128)

        def body(c, carry):
            cb = c * 128
            tile_col(cb)
            pltpu.async_copy(out_c.at[:, pl.ds(cb, 128)],
                             out_hbm.at[:, pl.ds(base + cb, 128)], sem)

            @pl.when(c > 0)
            def _():
                pltpu.make_async_copy(
                    out_c.at[:, pl.ds(0, 128)],
                    out_hbm.at[:, pl.ds(base, 128)], sem).wait()

            return carry

        lax.fori_loop(0, ntc, body, 0)
        pltpu.make_async_copy(out_c.at[:, pl.ds(0, 128)],
                              out_hbm.at[:, pl.ds(base, 128)], sem).wait()

    return k(table, ids)


def kernel(node_type_ids, text_encodings, edge_index, edge_type_ids,
           node_type_table, edge_type_table, W, b):
    del edge_index
    ids3 = node_type_ids.astype(jnp.int32).reshape(_G, 1, _RB)
    b2 = b.reshape(1, NODE_HIDDEN)
    node_h = _node_proj(ids3, text_encodings, node_type_table, W, b2)
    edge_h = _edge_gather_t(edge_type_table,
                            edge_type_ids.astype(jnp.int32)).T
    return node_h, edge_h

# --- scband reference (transcript-rebuilt; emitter-appended) ---
"""Pipeline reference for scband-graph-nn-15522011808371 (READ-ONLY COPY).

The authoritative reference and input builder live on the scoring server;
editing this copy changes nothing except your own understanding.
"""

import jax, jax.numpy as jnp
import numpy as np

N_NODES = 10000
N_EDGES = 160000
TEXT_REP = 256
NODE_TYPE_EMB = 128
EDGE_TYPE_EMB = 16
NODE_HIDDEN = 256
NUM_NODE_TYPES = 16
NUM_EDGE_TYPES = 8


def setup_inputs(seed: int = 0) -> dict:
    key = jax.random.key(seed)
    ks = jax.random.split(key, 8)
    node_type_ids = jax.random.randint(ks[0], (N_NODES,), 0, NUM_NODE_TYPES, dtype=jnp.int64 if jax.config.jax_enable_x64 else jnp.int32)
    text_encodings = jax.random.normal(ks[1], (N_NODES, TEXT_REP), dtype=jnp.float32)
    edge_index = jax.random.randint(ks[2], (2, N_EDGES), 0, N_NODES, dtype=jnp.int64 if jax.config.jax_enable_x64 else jnp.int32)
    edge_type_ids = jax.random.randint(ks[3], (N_EDGES,), 0, NUM_EDGE_TYPES, dtype=jnp.int64 if jax.config.jax_enable_x64 else jnp.int32)
    # learned parameters (sized per init_kwargs)
    node_type_table = jax.random.normal(ks[4], (NUM_NODE_TYPES, NODE_TYPE_EMB), dtype=jnp.float32) * 0.02
    edge_type_table = jax.random.normal(ks[5], (NUM_EDGE_TYPES, EDGE_TYPE_EMB), dtype=jnp.float32) * 0.02
    W = jax.random.normal(ks[6], (NODE_TYPE_EMB + TEXT_REP, NODE_HIDDEN), dtype=jnp.float32) * (1.0 / np.sqrt(NODE_TYPE_EMB + TEXT_REP))
    b = jnp.zeros((NODE_HIDDEN,), dtype=jnp.float32)
    return {
        "node_type_ids": node_type_ids,
        "text_encodings": text_encodings,
        "edge_index": edge_index,
        "edge_type_ids": edge_type_ids,
        "node_type_table": node_type_table,
        "edge_type_table": edge_type_table,
        "W": W,
        "b": b,
    }


def reference(node_type_ids, text_encodings, edge_index, edge_type_ids,
              node_type_table, edge_type_table, W, b):
    # Vectorized equivalent of GraphNN.build_graph:
    #  add_node: node 'hv' = projection_layer_node_init(cat(node_type_embedding, text_encoding))
    #  add_edge: edge 'he' = edge_type_embeddings(edge_type)
    type_emb = jnp.take(node_type_table, node_type_ids, axis=0)              # [N, 128] embedding gather
    init_vec = jnp.concatenate([type_emb, text_encodings], axis=-1)          # [N, 384]
    node_h = init_vec @ W + b                                                # [N, 256] linear projection
    edge_h = jnp.take(edge_type_table, edge_type_ids, axis=0)               # [E, 16] embedding gather
    # edge_index defines graph topology (stored in DGLGraph); 'he' is per-edge data aligned to it
    del edge_index
    return node_h, edge_h

if __name__ == "__main__":
    import jax
    _d = setup_inputs()
    print(jax.jit(kernel)(*tuple(_d.values())))

</pallas_src>

<mosaic_0001>
#map = affine_map<(d0, d1) -> (0, 0)>
#map1 = affine_map<(d0, d1) -> (0)>
module attributes {stable_mosaic.version = 14 : i64} {
  func.func @k(%arg0: i32, %arg1: i32, %arg2: memref<8x16xf32, #tpu.memory_space<hbm>>, %arg3: memref<160000xi32, #tpu.memory_space<hbm>>, %arg4: memref<16x160000xf32, #tpu.memory_space<hbm>>, %arg5: memref<8x16xf32, #tpu.memory_space<vmem>>, %arg6: memref<5248xi32, #tpu.memory_space<vmem>>, %arg7: memref<16x5248xf32, #tpu.memory_space<vmem>>, %arg8: memref<!tpu.dma_semaphore, #tpu.memory_space<semaphore_mem>>) attributes {dimension_semantics = [#tpu.dimension_semantics<core_parallel>, #tpu.dimension_semantics<subcore_parallel>], iteration_bounds = array<i64: 2, 16>, scalar_prefetch = 0 : i64, scratch_operands = 4 : i64, tpu.core_type = #tpu.core_type<sc_vector_subcore>, window_params = [{transform_indices = #map}, {transform_indices = #map1}, {transform_indices = #map}]} {
    %mul3A = arith.constant 2 : i32
    %mul3A_0 = arith.muli %arg1, %mul3A : i32
    %add3A = arith.addi %mul3A_0, %arg0 : i32
    %mul3A_1 = arith.constant 4992 : i32
    %mul3A_2 = arith.muli %add3A, %mul3A_1 : i32
    %eq3A = arith.constant 31 : i32
    %eq3A_3 = arith.cmpi eq, %add3A, %eq3A : i32
    "tpu.region"() ({
      %run_scoped3A = tpu.sem_alloc : memref<!tpu.dma_semaphore, #tpu.memory_space<semaphore_mem>>
      tpu.enqueue_dma source(%arg2 : memref<8x16xf32, #tpu.memory_space<hbm>>) target(%arg5 : memref<8x16xf32, #tpu.memory_space<vmem>>) target_semaphore(%run_scoped3A : memref<!tpu.dma_semaphore, #tpu.memory_space<semaphore_mem>>)
      tpu.wait_dma2 semaphore(%run_scoped3A : memref<!tpu.dma_semaphore, #tpu.memory_space<semaphore_mem>>) src(%arg2 : memref<8x16xf32, #tpu.memory_space<hbm>>) dst(%arg5 : memref<8x16xf32, #tpu.memory_space<vmem>>)
      tpu.yield
    }) : () -> ()
    "tpu.region"() ({
      %run_scoped3A = tpu.sem_alloc : memref<!tpu.dma_semaphore, #tpu.memory_space<semaphore_mem>>
      %dma_start3A = arith.constant 0 : i32
      %dma_start3A_917 = tpu.memref_slice %arg6[%dma_start3A] : memref<5248xi32, #tpu.memory_space<vmem>> -> memref<4992xi32, #tpu.memory_space<vmem>>
      %dma_start3A_918 = tpu.memref_slice %arg3[%mul3A_2] : memref<160000xi32, #tpu.memory_space<hbm>> -> memref<4992xi32, #tpu.memory_space<hbm>>
      %dma_start3A_919 = arith.constant 0 : i32
      %dma_start3A_920 = tpu.memref_slice %arg6[%dma_start3A_919] : memref<5248xi32, #tpu.memory_space<vmem>> -> memref<4992xi32, #tpu.memory_space<vmem>>
      %dma_start3A_921 = tpu.memref_slice %arg3[%mul3A_2] : memref<160000xi32, #tpu.memory_space<hbm>> -> memref<4992xi32, #tpu.memory_space<hbm>>
      tpu.enqueue_dma source(%dma_start3A_921 : memref<4992xi32, #tpu.memory_space<hbm>>) target(%dma_start3A_920 : memref<4992xi32, #tpu.memory_space<vmem>>) target_semaphore(%run_scoped3A : memref<!tpu.dma_semaphore, #tpu.memory_space<semaphore_mem>>)
      %dma_wait3A_922 = arith.constant 0 : i32
      %dma_wait3A_923 = tpu.memref_slice %arg6[%dma_wait3A_922] : memref<5248xi32, #tpu.memory_space<vmem>> -> memref<4992xi32, #tpu.memory_space<vmem>>
      %dma_wait3A_924 = tpu.memref_slice %arg3[%mul3A_2] : memref<160000xi32, #tpu.memory_space<hbm>> -> memref<4992xi32, #tpu.memory_space<hbm>>
      %dma_wait3A_925 = arith.constant 0 : i32
      %dma_wait3A_926 = tpu.memref_slice %arg6[%dma_wait3A_925] : memref<5248xi32, #tpu.memory_space<vmem>> -> memref<4992xi32, #tpu.memory_space<vmem>>
      %dma_wait3A_927 = tpu.memref_slice %arg3[%mul3A_2] : memref<160000xi32, #tpu.memory_space<hbm>> -> memref<4992xi32, #tpu.memory_space<hbm>>
      tpu.wait_dma2 semaphore(%run_scoped3A : memref<!tpu.dma_semaphore, #tpu.memory_space<semaphore_mem>>) src(%dma_wait3A_927 : memref<4992xi32, #tpu.memory_space<hbm>>) dst(%dma_wait3A_926 : memref<4992xi32, #tpu.memory_space<vmem>>)
      tpu.yield
    }) : () -> ()
    %convert_element_type3A = arith.extui %eq3A_3 : i1 to i32
    %cond3A = arith.constant 0 : i32
    %cond3A_4 = arith.cmpi ne, %convert_element_type3A, %cond3A : i32
    scf.if %cond3A_4 {
      %add3A_917 = arith.constant 4992 : i32
      %add3A_918 = arith.addi %mul3A_2, %add3A_917 : i32
      "tpu.region"() ({
        %run_scoped3A = tpu.sem_alloc : memref<!tpu.dma_semaphore, #tpu.memory_space<semaphore_mem>>
        %dma_start3A = arith.constant 4992 : i32
        %dma_start3A_919 = tpu.memref_slice %arg6[%dma_start3A] : memref<5248xi32, #tpu.memory_space<vmem>> -> memref<256xi32, #tpu.memory_space<vmem>>
        %dma_start3A_920 = tpu.memref_slice %arg3[%add3A_918] : memref<160000xi32, #tpu.memory_space<hbm>> -> memref<256xi32, #tpu.memory_space<hbm>>
        %dma_start3A_921 = arith.constant 4992 : i32
        %dma_start3A_922 = tpu.memref_slice %arg6[%dma_start3A_921] : memref<5248xi32, #tpu.memory_space<vmem>> -> memref<256xi32, #tpu.memory_space<vmem>>
        %dma_start3A_923 = tpu.memref_slice %arg3[%add3A_918] : memref<160000xi32, #tpu.memory_space<hbm>> -> memref<256xi32, #tpu.memory_space<hbm>>
        tpu.enqueue_dma source(%dma_start3A_923 : memref<256xi32, #tpu.memory_space<hbm>>) target(%dma_start3A_922 : memref<256xi32, #tpu.memory_space<vmem>>) target_semaphore(%run_scoped3A : memref<!tpu.dma_semaphore, #tpu.memory_space<semaphore_mem>>)
        %dma_wait3A_924 = arith.constant 4992 : i32
        %dma_wait3A_925 = tpu.memref_slice %arg6[%dma_wait3A_924] : memref<5248xi32, #tpu.memory_space<vmem>> -> memref<256xi32, #tpu.memory_space<vmem>>
        %dma_wait3A_926 = tpu.memref_slice %arg3[%add3A_918] : memref<160000xi32, #tpu.memory_space<hbm>> -> memref<256xi32, #tpu.memory_space<hbm>>
        %dma_wait3A_927 = arith.constant 4992 : i32
        %dma_wait3A_928 = tpu.memref_slice %arg6[%dma_wait3A_927] : memref<5248xi32, #tpu.memory_space<vmem>> -> memref<256xi32, #tpu.memory_space<vmem>>
        %dma_wait3A_929 = tpu.memref_slice %arg3[%add3A_918] : memref<160000xi32, #tpu.memory_space<hbm>> -> memref<256xi32, #tpu.memory_space<hbm>>
        tpu.wait_dma2 semaphore(%run_scoped3A : memref<!tpu.dma_semaphore, #tpu.memory_space<semaphore_mem>>) src(%dma_wait3A_929 : memref<256xi32, #tpu.memory_space<hbm>>) dst(%dma_wait3A_928 : memref<256xi32, #tpu.memory_space<vmem>>)
        tpu.yield
      }) : () -> ()
    } else {
    }
    %iota3A = tpu.iota {dimensions = array<i32: 0>} : vector<16xi32>
    %get3A = arith.constant 0 : i32
    %get3A_5 = arith.index_cast %get3A : i32 to index
    %get3A_6 = arith.constant 0 : index
    %get3A_7 = tpu.vector_load %arg5[%get3A_5, %get3A_6] {strides = array<i32>} : memref<8x16xf32, #tpu.memory_space<vmem>>, vector<16xf32>,
    %get3A_8 = arith.constant 1 : i32
    %get3A_9 = arith.index_cast %get3A_8 : i32 to index
    %get3A_10 = arith.constant 0 : index
    %get3A_11 = tpu.vector_load %arg5[%get3A_9, %get3A_10] {strides = array<i32>} : memref<8x16xf32, #tpu.memory_space<vmem>>, vector<16xf32>,
    %get3A_12 = arith.constant 2 : i32
    %get3A_13 = arith.index_cast %get3A_12 : i32 to index
    %get3A_14 = arith.constant 0 : index
    %get3A_15 = tpu.vector_load %arg5[%get3A_13, %get3A_14] {strides = array<i32>} : memref<8x16xf32, #tpu.memory_space<vmem>>, vector<16xf32>,
    %get3A_16 = arith.constant 3 : i32
    %get3A_17 = arith.index_cast %get3A_16 : i32 to index
    %get3A_18 = arith.constant 0 : index
    %get3A_19 = tpu.vector_load %arg5[%get3A_17, %get3A_18] {strides = array<i32>} : memref<8x16xf32, #tpu.memory_space<vmem>>, vector<16xf32>,
    %get3A_20 = arith.constant 4 : i32
    %get3A_21 = arith.index_cast %get3A_20 : i32 to index
    %get3A_22 = arith.constant 0 : index
    %get3A_23 = tpu.vector_load %arg5[%get3A_21, %get3A_22] {strides = array<i32>} : memref<8x16xf32, #tpu.memory_space<vmem>>, vector<16xf32>,
    %get3A_24 = arith.constant 5 : i32
    %get3A_25 = arith.index_cast %get3A_24 : i32 to index
    %get3A_26 = arith.constant 0 : index
    %get3A_27 = tpu.vector_load %arg5[%get3A_25, %get3A_26] {strides = array<i32>} : memref<8x16xf32, #tpu.memory_space<vmem>>, vector<16xf32>,
    %get3A_28 = arith.constant 6 : i32
    %get3A_29 = arith.index_cast %get3A_28 : i32 to index
    %get3A_30 = arith.constant 0 : index
    %get3A_31 = tpu.vector_load %arg5[%get3A_29, %get3A_30] {strides = array<i32>} : memref<8x16xf32, #tpu.memory_space<vmem>>, vector<16xf32>,
    %get3A_32 = arith.constant 7 : i32
    %get3A_33 = arith.index_cast %get3A_32 : i32 to index
    %get3A_34 = arith.constant 0 : index
    %get3A_35 = tpu.vector_load %arg5[%get3A_33, %get3A_34] {strides = array<i32>} : memref<8x16xf32, #tpu.memory_space<vmem>>, vector<16xf32>,
    %broadcast_in_dim3A = arith.constant 0 : i32
    %broadcast_in_dim3A_36 = vector.broadcast %broadcast_in_dim3A : i32 to vector<16xi32>
    %broadcast_in_dim3A_37 = vector.shape_cast %broadcast_in_dim3A_36 : vector<16xi32> to vector<16x1xi32>
    %gather3A = vector.shape_cast %broadcast_in_dim3A_37 : vector<16x1xi32> to vector<16xi32>
    %gather3A_38 = tpu.dynamic_gather %get3A_7[%gather3A] in [0] : vector<16xf32>, vector<16xi32> -> vector<16xf32>
    %eq3A_39 = arith.constant 1 : i32
    %eq3A_40 = vector.broadcast %eq3A_39 : i32 to vector<16xi32>
    %eq3A_41 = arith.cmpi eq, %iota3A, %eq3A_40 : vector<16xi32>
    %broadcast_in_dim3A_42 = vector.shape_cast %broadcast_in_dim3A_36 : vector<16xi32> to vector<16x1xi32>
    %gather3A_43 = vector.shape_cast %broadcast_in_dim3A_42 : vector<16x1xi32> to vector<16xi32>
    %gather3A_44 = tpu.dynamic_gather %get3A_11[%gather3A_43] in [0] : vector<16xf32>, vector<16xi32> -> vector<16xf32>
    %select_n3A = arith.select %eq3A_41, %gather3A_44, %gather3A_38 : vector<16xi1>, vector<16xf32>
    %eq3A_45 = arith.constant 2 : i32
    %eq3A_46 = vector.broadcast %eq3A_45 : i32 to vector<16xi32>
    %eq3A_47 = arith.cmpi eq, %iota3A, %eq3A_46 : vector<16xi32>
    %broadcast_in_dim3A_48 = vector.shape_cast %broadcast_in_dim3A_36 : vector<16xi32> to vector<16x1xi32>
    %gather3A_49 = vector.shape_cast %broadcast_in_dim3A_48 : vector<16x1xi32> to vector<16xi32>
    %gather3A_50 = tpu.dynamic_gather %get3A_15[%gather3A_49] in [0] : vector<16xf32>, vector<16xi32> -> vector<16xf32>
    %select_n3A_51 = arith.select %eq3A_47, %gather3A_50, %select_n3A : vector<16xi1>, vector<16xf32>
    %eq3A_52 = arith.constant 3 : i32
    %eq3A_53 = vector.broadcast %eq3A_52 : i32 to vector<16xi32>
    %eq3A_54 = arith.cmpi eq, %iota3A, %eq3A_53 : vector<16xi32>
    %broadcast_in_dim3A_55 = vector.shape_cast %broadcast_in_dim3A_36 : vector<16xi32> to vector<16x1xi32>
    %gather3A_56 = vector.shape_cast %broadcast_in_dim3A_55 : vector<16x1xi32> to vector<16xi32>
    %gather3A_57 = tpu.dynamic_gather %get3A_19[%gather3A_56] in [0] : vector<16xf32>, vector<16xi32> -> vector<16xf32>
    %select_n3A_58 = arith.select %eq3A_54, %gather3A_57, %select_n3A_51 : vector<16xi1>, vector<16xf32>
    %eq3A_59 = arith.constant 4 : i32
    %eq3A_60 = vector.broadcast %eq3A_59 : i32 to vector<16xi32>
    %eq3A_61 = arith.cmpi eq, %iota3A, %eq3A_60 : vector<16xi32>
    %broadcast_in_dim3A_62 = vector.shape_cast %broadcast_in_dim3A_36 : vector<16xi32> to vector<16x1xi32>
    %gather3A_63 = vector.shape_cast %broadcast_in_dim3A_62 : vector<16x1xi32> to vector<16xi32>
    %gather3A_64 = tpu.dynamic_gather %get3A_23[%gather3A_63] in [0] : vector<16xf32>, vector<16xi32> -> vector<16xf32>
    %select_n3A_65 = arith.select %eq3A_61, %gather3A_64, %select_n3A_58 : vector<16xi1>, vector<16xf32>
    %eq3A_66 = arith.constant 5 : i32
    %eq3A_67 = vector.broadcast %eq3A_66 : i32 to vector<16xi32>
    %eq3A_68 = arith.cmpi eq, %iota3A, %eq3A_67 : vector<16xi32>
    %broadcast_in_dim3A_69 = vector.shape_cast %broadcast_in_dim3A_36 : vector<16xi32> to vector<16x1xi32>
    %gather3A_70 = vector.shape_cast %broadcast_in_dim3A_69 : vector<16x1xi32> to vector<16xi32>
    %gather3A_71 = tpu.dynamic_gather %get3A_27[%gather3A_70] in [0] : vector<16xf32>, vector<16xi32> -> vector<16xf32>
    %select_n3A_72 = arith.select %eq3A_68, %gather3A_71, %select_n3A_65 : vector<16xi1>, vector<16xf32>
    %eq3A_73 = arith.constant 6 : i32
    %eq3A_74 = vector.broadcast %eq3A_73 : i32 to vector<16xi32>
    %eq3A_75 = arith.cmpi eq, %iota3A, %eq3A_74 : vector<16xi32>
    %broadcast_in_dim3A_76 = vector.shape_cast %broadcast_in_dim3A_36 : vector<16xi32> to vector<16x1xi32>
    %gather3A_77 = vector.shape_cast %broadcast_in_dim3A_76 : vector<16x1xi32> to vector<16xi32>
    %gather3A_78 = tpu.dynamic_gather %get3A_31[%gather3A_77] in [0] : vector<16xf32>, vector<16xi32> -> vector<16xf32>
    %select_n3A_79 = arith.select %eq3A_75, %gather3A_78, %select_n3A_72 : vector<16xi1>, vector<16xf32>
    %eq3A_80 = arith.constant 7 : i32
    %eq3A_81 = vector.broadcast %eq3A_80 : i32 to vector<16xi32>
    %eq3A_82 = arith.cmpi eq, %iota3A, %eq3A_81 : vector<16xi32>
    %broadcast_in_dim3A_83 = vector.shape_cast %broadcast_in_dim3A_36 : vector<16xi32> to vector<16x1xi32>
    %gather3A_84 = vector.shape_cast %broadcast_in_dim3A_83 : vector<16x1xi32> to vector<16xi32>
    %gather3A_85 = tpu.dynamic_gather %get3A_35[%gather3A_84] in [0] : vector<16xf32>, vector<16xi32> -> vector<16xf32>
    %select_n3A_86 = arith.select %eq3A_82, %gather3A_85, %select_n3A_79 : vector<16xi1>, vector<16xf32>
    %broadcast_in_dim3A_87 = arith.constant 1 : i32
    %broadcast_in_dim3A_88 = vector.broadcast %broadcast_in_dim3A_87 : i32 to vector<16xi32>
    %broadcast_in_dim3A_89 = vector.shape_cast %broadcast_in_dim3A_88 : vector<16xi32> to vector<16x1xi32>
    %gather3A_90 = vector.shape_cast %broadcast_in_dim3A_89 : vector<16x1xi32> to vector<16xi32>
    %gather3A_91 = tpu.dynamic_gather %get3A_7[%gather3A_90] in [0] : vector<16xf32>, vector<16xi32> -> vector<16xf32>
    %eq3A_92 = arith.constant 1 : i32
    %eq3A_93 = vector.broadcast %eq3A_92 : i32 to vector<16xi32>
    %eq3A_94 = arith.cmpi eq, %iota3A, %eq3A_93 : vector<16xi32>
    %broadcast_in_dim3A_95 = vector.shape_cast %broadcast_in_dim3A_88 : vector<16xi32> to vector<16x1xi32>
    %gather3A_96 = vector.shape_cast %broadcast_in_dim3A_95 : vector<16x1xi32> to vector<16xi32>
    %gather3A_97 = tpu.dynamic_gather %get3A_11[%gather3A_96] in [0] : vector<16xf32>, vector<16xi32> -> vector<16xf32>
    %select_n3A_98 = arith.select %eq3A_94, %gather3A_97, %gather3A_91 : vector<16xi1>, vector<16xf32>
    %eq3A_99 = arith.constant 2 : i32
    %eq3A_100 = vector.broadcast %eq3A_99 : i32 to vector<16xi32>
    %eq3A_101 = arith.cmpi eq, %iota3A, %eq3A_100 : vector<16xi32>
    %broadcast_in_dim3A_102 = vector.shape_cast %broadcast_in_dim3A_88 : vector<16xi32> to vector<16x1xi32>
    %gather3A_103 = vector.shape_cast %broadcast_in_dim3A_102 : vector<16x1xi32> to vector<16xi32>
    %gather3A_104 = tpu.dynamic_gather %get3A_15[%gather3A_103] in [0] : vector<16xf32>, vector<16xi32> -> vector<16xf32>
    %select_n3A_105 = arith.select %eq3A_101, %gather3A_104, %select_n3A_98 : vector<16xi1>, vector<16xf32>
    %eq3A_106 = arith.constant 3 : i32
    %eq3A_107 = vector.broadcast %eq3A_106 : i32 to vector<16xi32>
    %eq3A_108 = arith.cmpi eq, %iota3A, %eq3A_107 : vector<16xi32>
    %broadcast_in_dim3A_109 = vector.shape_cast %broadcast_in_dim3A_88 : vector<16xi32> to vector<16x1xi32>
    %gather3A_110 = vector.shape_cast %broadcast_in_dim3A_109 : vector<16x1xi32> to vector<16xi32>
    %gather3A_111 = tpu.dynamic_gather %get3A_19[%gather3A_110] in [0] : vector<16xf32>, vector<16xi32> -> vector<16xf32>
    %select_n3A_112 = arith.select %eq3A_108, %gather3A_111, %select_n3A_105 : vector<16xi1>, vector<16xf32>
    %eq3A_113 = arith.constant 4 : i32
    %eq3A_114 = vector.broadcast %eq3A_113 : i32 to vector<16xi32>
    %eq3A_115 = arith.cmpi eq, %iota3A, %eq3A_114 : vector<16xi32>
    %broadcast_in_dim3A_116 = vector.shape_cast %broadcast_in_dim3A_88 : vector<16xi32> to vector<16x1xi32>
    %gather3A_117 = vector.shape_cast %broadcast_in_dim3A_116 : vector<16x1xi32> to vector<16xi32>
    %gather3A_118 = tpu.dynamic_gather %get3A_23[%gather3A_117] in [0] : vector<16xf32>, vector<16xi32> -> vector<16xf32>
    %select_n3A_119 = arith.select %eq3A_115, %gather3A_118, %select_n3A_112 : vector<16xi1>, vector<16xf32>
    %eq3A_120 = arith.constant 5 : i32
    %eq3A_121 = vector.broadcast %eq3A_120 : i32 to vector<16xi32>
    %eq3A_122 = arith.cmpi eq, %iota3A, %eq3A_121 : vector<16xi32>
    %broadcast_in_dim3A_123 = vector.shape_cast %broadcast_in_dim3A_88 : vector<16xi32> to vector<16x1xi32>
    %gather3A_124 = vector.shape_cast %broadcast_in_dim3A_123 : vector<16x1xi32> to vector<16xi32>
    %gather3A_125 = tpu.dynamic_gather %get3A_27[%gather3A_124] in [0] : vector<16xf32>, vector<16xi32> -> vector<16xf32>
    %select_n3A_126 = arith.select %eq3A_122, %gather3A_125, %select_n3A_119 : vector<16xi1>, vector<16xf32>
    %eq3A_127 = arith.constant 6 : i32
    %eq3A_128 = vector.broadcast %eq3A_127 : i32 to vector<16xi32>
    %eq3A_129 = arith.cmpi eq, %iota3A, %eq3A_128 : vector<16xi32>
    %broadcast_in_dim3A_130 = vector.shape_cast %broadcast_in_dim3A_88 : vector<16xi32> to vector<16x1xi32>
    %gather3A_131 = vector.shape_cast %broadcast_in_dim3A_130 : vector<16x1xi32> to vector<16xi32>
    %gather3A_132 = tpu.dynamic_gather %get3A_31[%gather3A_131] in [0] : vector<16xf32>, vector<16xi32> -> vector<16xf32>
    %select_n3A_133 = arith.select %eq3A_129, %gather3A_132, %select_n3A_126 : vector<16xi1>, vector<16xf32>
    %eq3A_134 = arith.constant 7 : i32
    %eq3A_135 = vector.broadcast %eq3A_134 : i32 to vector<16xi32>
    %eq3A_136 = arith.cmpi eq, %iota3A, %eq3A_135 : vector<16xi32>
    %broadcast_in_dim3A_137 = vector.shape_cast %broadcast_in_dim3A_88 : vector<16xi32> to vector<16x1xi32>
    %gather3A_138 = vector.shape_cast %broadcast_in_dim3A_137 : vector<16x1xi32> to vector<16xi32>
    %gather3A_139 = tpu.dynamic_gather %get3A_35[%gather3A_138] in [0] : vector<16xf32>, vector<16xi32> -> vector<16xf32>
    %select_n3A_140 = arith.select %eq3A_136, %gather3A_139, %select_n3A_133 : vector<16xi1>, vector<16xf32>
    %broadcast_in_dim3A_141 = arith.constant 2 : i32
    %broadcast_in_dim3A_142 = vector.broadcast %broadcast_in_dim3A_141 : i32 to vector<16xi32>
    %broadcast_in_dim3A_143 = vector.shape_cast %broadcast_in_dim3A_142 : vector<16xi32> to vector<16x1xi32>
    %gather3A_144 = vector.shape_cast %broadcast_in_dim3A_143 : vector<16x1xi32> to vector<16xi32>
    %gather3A_145 = tpu.dynamic_gather %get3A_7[%gather3A_144] in [0] : vector<16xf32>, vector<16xi32> -> vector<16xf32>
    %eq3A_146 = arith.constant 1 : i32
    %eq3A_147 = vector.broadcast %eq3A_146 : i32 to vector<16xi32>
    %eq3A_148 = arith.cmpi eq, %iota3A, %eq3A_147 : vector<16xi32>
    %broadcast_in_dim3A_149 = vector.shape_cast %broadcast_in_dim3A_142 : vector<16xi32> to vector<16x1xi32>
    %gather3A_150 = vector.shape_cast %broadcast_in_dim3A_149 : vector<16x1xi32> to vector<16xi32>
    %gather3A_151 = tpu.dynamic_gather %get3A_11[%gather3A_150] in [0] : vector<16xf32>, vector<16xi32> -> vector<16xf32>
    %select_n3A_152 = arith.select %eq3A_148, %gather3A_151, %gather3A_145 : vector<16xi1>, vector<16xf32>
    %eq3A_153 = arith.constant 2 : i32
    %eq3A_154 = vector.broadcast %eq3A_153 : i32 to vector<16xi32>
    %eq3A_155 = arith.cmpi eq, %iota3A, %eq3A_154 : vector<16xi32>
    %broadcast_in_dim3A_156 = vector.shape_cast %broadcast_in_dim3A_142 : vector<16xi32> to vector<16x1xi32>
    %gather3A_157 = vector.shape_cast %broadcast_in_dim3A_156 : vector<16x1xi32> to vector<16xi32>
    %gather3A_158 = tpu.dynamic_gather %get3A_15[%gather3A_157] in [0] : vector<16xf32>, vector<16xi32> -> vector<16xf32>
    %select_n3A_159 = arith.select %eq3A_155, %gather3A_158, %select_n3A_152 : vector<16xi1>, vector<16xf32>
    %eq3A_160 = arith.constant 3 : i32
    %eq3A_161 = vector.broadcast %eq3A_160 : i32 to vector<16xi32>
    %eq3A_162 = arith.cmpi eq, %iota3A, %eq3A_161 : vector<16xi32>
    %broadcast_in_dim3A_163 = vector.shape_cast %broadcast_in_dim3A_142 : vector<16xi32> to vector<16x1xi32>
    %gather3A_164 = vector.shape_cast %broadcast_in_dim3A_163 : vector<16x1xi32> to vector<16xi32>
    %gather3A_165 = tpu.dynamic_gather %get3A_19[%gather3A_164] in [0] : vector<16xf32>, vector<16xi32> -> vector<16xf32>
    %select_n3A_166 = arith.select %eq3A_162, %gather3A_165, %select_n3A_159 : vector<16xi1>, vector<16xf32>
    %eq3A_167 = arith.constant 4 : i32
    %eq3A_168 = vector.broadcast %eq3A_167 : i32 to vector<16xi32>
    %eq3A_169 = arith.cmpi eq, %iota3A, %eq3A_168 : vector<16xi32>
    %broadcast_in_dim3A_170 = vector.shape_cast %broadcast_in_dim3A_142 : vector<16xi32> to vector<16x1xi32>
    %gather3A_171 = vector.shape_cast %broadcast_in_dim3A_170 : vector<16x1xi32> to vector<16xi32>
    %gather3A_172 = tpu.dynamic_gather %get3A_23[%gather3A_171] in [0] : vector<16xf32>, vector<16xi32> -> vector<16xf32>
    %select_n3A_173 = arith.select %eq3A_169, %gather3A_172, %select_n3A_166 : vector<16xi1>, vector<16xf32>
    %eq3A_174 = arith.constant 5 : i32
    %eq3A_175 = vector.broadcast %eq3A_174 : i32 to vector<16xi32>
    %eq3A_176 = arith.cmpi eq, %iota3A, %eq3A_175 : vector<16xi32>
    %broadcast_in_dim3A_177 = vector.shape_cast %broadcast_in_dim3A_142 : vector<16xi32> to vector<16x1xi32>
    %gather3A_178 = vector.shape_cast %broadcast_in_dim3A_177 : vector<16x1xi32> to vector<16xi32>
    %gather3A_179 = tpu.dynamic_gather %get3A_27[%gather3A_178] in [0] : vector<16xf32>, vector<16xi32> -> vector<16xf32>
    %select_n3A_180 = arith.select %eq3A_176, %gather3A_179, %select_n3A_173 : vector<16xi1>, vector<16xf32>
    %eq3A_181 = arith.constant 6 : i32
    %eq3A_182 = vector.broadcast %eq3A_181 : i32 to vector<16xi32>
    %eq3A_183 = arith.cmpi eq, %iota3A, %eq3A_182 : vector<16xi32>
    %broadcast_in_dim3A_184 = vector.shape_cast %broadcast_in_dim3A_142 : vector<16xi32> to vector<16x1xi32>
    %gather3A_185 = vector.shape_cast %broadcast_in_dim3A_184 : vector<16x1xi32> to vector<16xi32>
    %gather3A_186 = tpu.dynamic_gather %get3A_31[%gather3A_185] in [0] : vector<16xf32>, vector<16xi32> -> vector<16xf32>
    %select_n3A_187 = arith.select %eq3A_183, %gather3A_186, %select_n3A_180 : vector<16xi1>, vector<16xf32>
    %eq3A_188 = arith.constant 7 : i32
    %eq3A_189 = vector.broadcast %eq3A_188 : i32 to vector<16xi32>
    %eq3A_190 = arith.cmpi eq, %iota3A, %eq3A_189 : vector<16xi32>
    %broadcast_in_dim3A_191 = vector.shape_cast %broadcast_in_dim3A_142 : vector<16xi32> to vector<16x1xi32>
    %gather3A_192 = vector.shape_cast %broadcast_in_dim3A_191 : vector<16x1xi32> to vector<16xi32>
    %gather3A_193 = tpu.dynamic_gather %get3A_35[%gather3A_192] in [0] : vector<16xf32>, vector<16xi32> -> vector<16xf32>
    %select_n3A_194 = arith.select %eq3A_190, %gather3A_193, %select_n3A_187 : vector<16xi1>, vector<16xf32>
    %broadcast_in_dim3A_195 = arith.constant 3 : i32
    %broadcast_in_dim3A_196 = vector.broadcast %broadcast_in_dim3A_195 : i32 to vector<16xi32>
    %broadcast_in_dim3A_197 = vector.shape_cast %broadcast_in_dim3A_196 : vector<16xi32> to vector<16x1xi32>
    %gather3A_198 = vector.shape_cast %broadcast_in_dim3A_197 : vector<16x1xi32> to vector<16xi32>
    %gather3A_199 = tpu.dynamic_gather %get3A_7[%gather3A_198] in [0] : vector<16xf32>, vector<16xi32> -> vector<16xf32>
    %eq3A_200 = arith.constant 1 : i32
    %eq3A_201 = vector.broadcast %eq3A_200 : i32 to vector<16xi32>
    %eq3A_202 = arith.cmpi eq, %iota3A, %eq3A_201 : vector<16xi32>
    %broadcast_in_dim3A_203 = vector.shape_cast %broadcast_in_dim3A_196 : vector<16xi32> to vector<16x1xi32>
    %gather3A_204 = vector.shape_cast %broadcast_in_dim3A_203 : vector<16x1xi32> to vector<16xi32>
    %gather3A_205 = tpu.dynamic_gather %get3A_11[%gather3A_204] in [0] : vector<16xf32>, vector<16xi32> -> vector<16xf32>
    %select_n3A_206 = arith.select %eq3A_202, %gather3A_205, %gather3A_199 : vector<16xi1>, vector<16xf32>
    %eq3A_207 = arith.constant 2 : i32
    %eq3A_208 = vector.broadcast %eq3A_207 : i32 to vector<16xi32>
    %eq3A_209 = arith.cmpi eq, %iota3A, %eq3A_208 : vector<16xi32>
    %broadcast_in_dim3A_210 = vector.shape_cast %broadcast_in_dim3A_196 : vector<16xi32> to vector<16x1xi32>
    %gather3A_211 = vector.shape_cast %broadcast_in_dim3A_210 : vector<16x1xi32> to vector<16xi32>
    %gather3A_212 = tpu.dynamic_gather %get3A_15[%gather3A_211] in [0] : vector<16xf32>, vector<16xi32> -> vector<16xf32>
    %select_n3A_213 = arith.select %eq3A_209, %gather3A_212, %select_n3A_206 : vector<16xi1>, vector<16xf32>
    %eq3A_214 = arith.constant 3 : i32
    %eq3A_215 = vector.broadcast %eq3A_214 : i32 to vector<16xi32>
    %eq3A_216 = arith.cmpi eq, %iota3A, %eq3A_215 : vector<16xi32>
    %broadcast_in_dim3A_217 = vector.shape_cast %broadcast_in_dim3A_196 : vector<16xi32> to vector<16x1xi32>
    %gather3A_218 = vector.shape_cast %broadcast_in_dim3A_217 : vector<16x1xi32> to vector<16xi32>
    %gather3A_219 = tpu.dynamic_gather %get3A_19[%gather3A_218] in [0] : vector<16xf32>, vector<16xi32> -> vector<16xf32>
    %select_n3A_220 = arith.select %eq3A_216, %gather3A_219, %select_n3A_213 : vector<16xi1>, vector<16xf32>
    %eq3A_221 = arith.constant 4 : i32
    %eq3A_222 = vector.broadcast %eq3A_221 : i32 to vector<16xi32>
    %eq3A_223 = arith.cmpi eq, %iota3A, %eq3A_222 : vector<16xi32>
    %broadcast_in_dim3A_224 = vector.shape_cast %broadcast_in_dim3A_196 : vector<16xi32> to vector<16x1xi32>
    %gather3A_225 = vector.shape_cast %broadcast_in_dim3A_224 : vector<16x1xi32> to vector<16xi32>
    %gather3A_226 = tpu.dynamic_gather %get3A_23[%gather3A_225] in [0] : vector<16xf32>, vector<16xi32> -> vector<16xf32>
    %select_n3A_227 = arith.select %eq3A_223, %gather3A_226, %select_n3A_220 : vector<16xi1>, vector<16xf32>
    %eq3A_228 = arith.constant 5 : i32
    %eq3A_229 = vector.broadcast %eq3A_228 : i32 to vector<16xi32>
    %eq3A_230 = arith.cmpi eq, %iota3A, %eq3A_229 : vector<16xi32>
    %broadcast_in_dim3A_231 = vector.shape_cast %broadcast_in_dim3A_196 : vector<16xi32> to vector<16x1xi32>
    %gather3A_232 = vector.shape_cast %broadcast_in_dim3A_231 : vector<16x1xi32> to vector<16xi32>
    %gather3A_233 = tpu.dynamic_gather %get3A_27[%gather3A_232] in [0] : vector<16xf32>, vector<16xi32> -> vector<16xf32>
    %select_n3A_234 = arith.select %eq3A_230, %gather3A_233, %select_n3A_227 : vector<16xi1>, vector<16xf32>
    %eq3A_235 = arith.constant 6 : i32
    %eq3A_236 = vector.broadcast %eq3A_235 : i32 to vector<16xi32>
    %eq3A_237 = arith.cmpi eq, %iota3A, %eq3A_236 : vector<16xi32>
    %broadcast_in_dim3A_238 = vector.shape_cast %broadcast_in_dim3A_196 : vector<16xi32> to vector<16x1xi32>
    %gather3A_239 = vector.shape_cast %broadcast_in_dim3A_238 : vector<16x1xi32> to vector<16xi32>
    %gather3A_240 = tpu.dynamic_gather %get3A_31[%gather3A_239] in [0] : vector<16xf32>, vector<16xi32> -> vector<16xf32>
    %select_n3A_241 = arith.select %eq3A_237, %gather3A_240, %select_n3A_234 : vector<16xi1>, vector<16xf32>
    %eq3A_242 = arith.constant 7 : i32
    %eq3A_243 = vector.broadcast %eq3A_242 : i32 to vector<16xi32>
    %eq3A_244 = arith.cmpi eq, %iota3A, %eq3A_243 : vector<16xi32>
    %broadcast_in_dim3A_245 = vector.shape_cast %broadcast_in_dim3A_196 : vector<16xi32> to vector<16x1xi32>
    %gather3A_246 = vector.shape_cast %broadcast_in_dim3A_245 : vector<16x1xi32> to vector<16xi32>
    %gather3A_247 = tpu.dynamic_gather %get3A_35[%gather3A_246] in [0] : vector<16xf32>, vector<16xi32> -> vector<16xf32>
    %select_n3A_248 = arith.select %eq3A_244, %gather3A_247, %select_n3A_241 : vector<16xi1>, vector<16xf32>
    %broadcast_in_dim3A_249 = arith.constant 4 : i32
    %broadcast_in_dim3A_250 = vector.broadcast %broadcast_in_dim3A_249 : i32 to vector<16xi32>
    %broadcast_in_dim3A_251 = vector.shape_cast %broadcast_in_dim3A_250 : vector<16xi32> to vector<16x1xi32>
    %gather3A_252 = vector.shape_cast %broadcast_in_dim3A_251 : vector<16x1xi32> to vector<16xi32>
    %gather3A_253 = tpu.dynamic_gather %get3A_7[%gather3A_252] in [0] : vector<16xf32>, vector<16xi32> -> vector<16xf32>
    %eq3A_254 = arith.constant 1 : i32
    %eq3A_255 = vector.broadcast %eq3A_254 : i32 to vector<16xi32>
    %eq3A_256 = arith.cmpi eq, %iota3A, %eq3A_255 : vector<16xi32>
    %broadcast_in_dim3A_257 = vector.shape_cast %broadcast_in_dim3A_250 : vector<16xi32> to vector<16x1xi32>
    %gather3A_258 = vector.shape_cast %broadcast_in_dim3A_257 : vector<16x1xi32> to vector<16xi32>
    %gather3A_259 = tpu.dynamic_gather %get3A_11[%gather3A_258] in [0] : vector<16xf32>, vector<16xi32> -> vector<16xf32>
    %select_n3A_260 = arith.select %eq3A_256, %gather3A_259, %gather3A_253 : vector<16xi1>, vector<16xf32>
    %eq3A_261 = arith.constant 2 : i32
    %eq3A_262 = vector.broadcast %eq3A_261 : i32 to vector<16xi32>
    %eq3A_263 = arith.cmpi eq, %iota3A, %eq3A_262 : vector<16xi32>
    %broadcast_in_dim3A_264 = vector.shape_cast %broadcast_in_dim3A_250 : vector<16xi32> to vector<16x1xi32>
    %gather3A_265 = vector.shape_cast %broadcast_in_dim3A_264 : vector<16x1xi32> to vector<16xi32>
    %gather3A_266 = tpu.dynamic_gather %get3A_15[%gather3A_265] in [0] : vector<16xf32>, vector<16xi32> -> vector<16xf32>
    %select_n3A_267 = arith.select %eq3A_263, %gather3A_266, %select_n3A_260 : vector<16xi1>, vector<16xf32>
    %eq3A_268 = arith.constant 3 : i32
    %eq3A_269 = vector.broadcast %eq3A_268 : i32 to vector<16xi32>
    %eq3A_270 = arith.cmpi eq, %iota3A, %eq3A_269 : vector<16xi32>
    %broadcast_in_dim3A_271 = vector.shape_cast %broadcast_in_dim3A_250 : vector<16xi32> to vector<16x1xi32>
    %gather3A_272 = vector.shape_cast %broadcast_in_dim3A_271 : vector<16x1xi32> to vector<16xi32>
    %gather3A_273 = tpu.dynamic_gather %get3A_19[%gather3A_272] in [0] : vector<16xf32>, vector<16xi32> -> vector<16xf32>
    %select_n3A_274 = arith.select %eq3A_270, %gather3A_273, %select_n3A_267 : vector<16xi1>, vector<16xf32>
    %eq3A_275 = arith.constant 4 : i32
    %eq3A_276 = vector.broadcast %eq3A_275 : i32 to vector<16xi32>
    %eq3A_277 = arith.cmpi eq, %iota3A, %eq3A_276 : vector<16xi32>
    %broadcast_in_dim3A_278 = vector.shape_cast %broadcast_in_dim3A_250 : vector<16xi32> to vector<16x1xi32>
    %gather3A_279 = vector.shape_cast %broadcast_in_dim3A_278 : vector<16x1xi32> to vector<16xi32>
    %gather3A_280 = tpu.dynamic_gather %get3A_23[%gather3A_279] in [0] : vector<16xf32>, vector<16xi32> -> vector<16xf32>
    %select_n3A_281 = arith.select %eq3A_277, %gather3A_280, %select_n3A_274 : vector<16xi1>, vector<16xf32>
    %eq3A_282 = arith.constant 5 : i32
    %eq3A_283 = vector.broadcast %eq3A_282 : i32 to vector<16xi32>
    %eq3A_284 = arith.cmpi eq, %iota3A, %eq3A_283 : vector<16xi32>
    %broadcast_in_dim3A_285 = vector.shape_cast %broadcast_in_dim3A_250 : vector<16xi32> to vector<16x1xi32>
    %gather3A_286 = vector.shape_cast %broadcast_in_dim3A_285 : vector<16x1xi32> to vector<16xi32>
    %gather3A_287 = tpu.dynamic_gather %get3A_27[%gather3A_286] in [0] : vector<16xf32>, vector<16xi32> -> vector<16xf32>
    %select_n3A_288 = arith.select %eq3A_284, %gather3A_287, %select_n3A_281 : vector<16xi1>, vector<16xf32>
    %eq3A_289 = arith.constant 6 : i32
    %eq3A_290 = vector.broadcast %eq3A_289 : i32 to vector<16xi32>
    %eq3A_291 = arith.cmpi eq, %iota3A, %eq3A_290 : vector<16xi32>
    %broadcast_in_dim3A_292 = vector.shape_cast %broadcast_in_dim3A_250 : vector<16xi32> to vector<16x1xi32>
    %gather3A_293 = vector.shape_cast %broadcast_in_dim3A_292 : vector<16x1xi32> to vector<16xi32>
    %gather3A_294 = tpu.dynamic_gather %get3A_31[%gather3A_293] in [0] : vector<16xf32>, vector<16xi32> -> vector<16xf32>
    %select_n3A_295 = arith.select %eq3A_291, %gather3A_294, %select_n3A_288 : vector<16xi1>, vector<16xf32>
    %eq3A_296 = arith.constant 7 : i32
    %eq3A_297 = vector.broadcast %eq3A_296 : i32 to vector<16xi32>
    %eq3A_298 = arith.cmpi eq, %iota3A, %eq3A_297 : vector<16xi32>
    %broadcast_in_dim3A_299 = vector.shape_cast %broadcast_in_dim3A_250 : vector<16xi32> to vector<16x1xi32>
    %gather3A_300 = vector.shape_cast %broadcast_in_dim3A_299 : vector<16x1xi32> to vector<16xi32>
    %gather3A_301 = tpu.dynamic_gather %get3A_35[%gather3A_300] in [0] : vector<16xf32>, vector<16xi32> -> vector<16xf32>
    %select_n3A_302 = arith.select %eq3A_298, %gather3A_301, %select_n3A_295 : vector<16xi1>, vector<16xf32>
    %broadcast_in_dim3A_303 = arith.constant 5 : i32
    %broadcast_in_dim3A_304 = vector.broadcast %broadcast_in_dim3A_303 : i32 to vector<16xi32>
    %broadcast_in_dim3A_305 = vector.shape_cast %broadcast_in_dim3A_304 : vector<16xi32> to vector<16x1xi32>
    %gather3A_306 = vector.shape_cast %broadcast_in_dim3A_305 : vector<16x1xi32> to vector<16xi32>
    %gather3A_307 = tpu.dynamic_gather %get3A_7[%gather3A_306] in [0] : vector<16xf32>, vector<16xi32> -> vector<16xf32>
    %eq3A_308 = arith.constant 1 : i32
    %eq3A_309 = vector.broadcast %eq3A_308 : i32 to vector<16xi32>
    %eq3A_310 = arith.cmpi eq, %iota3A, %eq3A_309 : vector<16xi32>
    %broadcast_in_dim3A_311 = vector.shape_cast %broadcast_in_dim3A_304 : vector<16xi32> to vector<16x1xi32>
    %gather3A_312 = vector.shape_cast %broadcast_in_dim3A_311 : vector<16x1xi32> to vector<16xi32>
    %gather3A_313 = tpu.dynamic_gather %get3A_11[%gather3A_312] in [0] : vector<16xf32>, vector<16xi32> -> vector<16xf32>
    %select_n3A_314 = arith.select %eq3A_310, %gather3A_313, %gather3A_307 : vector<16xi1>, vector<16xf32>
    %eq3A_315 = arith.constant 2 : i32
    %eq3A_316 = vector.broadcast %eq3A_315 : i32 to vector<16xi32>
    %eq3A_317 = arith.cmpi eq, %iota3A, %eq3A_316 : vector<16xi32>
    %broadcast_in_dim3A_318 = vector.shape_cast %broadcast_in_dim3A_304 : vector<16xi32> to vector<16x1xi32>
    %gather3A_319 = vector.shape_cast %broadcast_in_dim3A_318 : vector<16x1xi32> to vector<16xi32>
    %gather3A_320 = tpu.dynamic_gather %get3A_15[%gather3A_319] in [0] : vector<16xf32>, vector<16xi32> -> vector<16xf32>
    %select_n3A_321 = arith.select %eq3A_317, %gather3A_320, %select_n3A_314 : vector<16xi1>, vector<16xf32>
    %eq3A_322 = arith.constant 3 : i32
    %eq3A_323 = vector.broadcast %eq3A_322 : i32 to vector<16xi32>
    %eq3A_324 = arith.cmpi eq, %iota3A, %eq3A_323 : vector<16xi32>
    %broadcast_in_dim3A_325 = vector.shape_cast %broadcast_in_dim3A_304 : vector<16xi32> to vector<16x1xi32>
    %gather3A_326 = vector.shape_cast %broadcast_in_dim3A_325 : vector<16x1xi32> to vector<16xi32>
    %gather3A_327 = tpu.dynamic_gather %get3A_19[%gather3A_326] in [0] : vector<16xf32>, vector<16xi32> -> vector<16xf32>
    %select_n3A_328 = arith.select %eq3A_324, %gather3A_327, %select_n3A_321 : vector<16xi1>, vector<16xf32>
    %eq3A_329 = arith.constant 4 : i32
    %eq3A_330 = vector.broadcast %eq3A_329 : i32 to vector<16xi32>
    %eq3A_331 = arith.cmpi eq, %iota3A, %eq3A_330 : vector<16xi32>
    %broadcast_in_dim3A_332 = vector.shape_cast %broadcast_in_dim3A_304 : vector<16xi32> to vector<16x1xi32>
    %gather3A_333 = vector.shape_cast %broadcast_in_dim3A_332 : vector<16x1xi32> to vector<16xi32>
    %gather3A_334 = tpu.dynamic_gather %get3A_23[%gather3A_333] in [0] : vector<16xf32>, vector<16xi32> -> vector<16xf32>
    %select_n3A_335 = arith.select %eq3A_331, %gather3A_334, %select_n3A_328 : vector<16xi1>, vector<16xf32>
    %eq3A_336 = arith.constant 5 : i32
    %eq3A_337 = vector.broadcast %eq3A_336 : i32 to vector<16xi32>
    %eq3A_338 = arith.cmpi eq, %iota3A, %eq3A_337 : vector<16xi32>
    %broadcast_in_dim3A_339 = vector.shape_cast %broadcast_in_dim3A_304 : vector<16xi32> to vector<16x1xi32>
    %gather3A_340 = vector.shape_cast %broadcast_in_dim3A_339 : vector<16x1xi32> to vector<16xi32>
    %gather3A_341 = tpu.dynamic_gather %get3A_27[%gather3A_340] in [0] : vector<16xf32>, vector<16xi32> -> vector<16xf32>
    %select_n3A_342 = arith.select %eq3A_338, %gather3A_341, %select_n3A_335 : vector<16xi1>, vector<16xf32>
    %eq3A_343 = arith.constant 6 : i32
    %eq3A_344 = vector.broadcast %eq3A_343 : i32 to vector<16xi32>
    %eq3A_345 = arith.cmpi eq, %iota3A, %eq3A_344 : vector<16xi32>
    %broadcast_in_dim3A_346 = vector.shape_cast %broadcast_in_dim3A_304 : vector<16xi32> to vector<16x1xi32>
    %gather3A_347 = vector.shape_cast %broadcast_in_dim3A_346 : vector<16x1xi32> to vector<16xi32>
    %gather3A_348 = tpu.dynamic_gather %get3A_31[%gather3A_347] in [0] : vector<16xf32>, vector<16xi32> -> vector<16xf32>
    %select_n3A_349 = arith.select %eq3A_345, %gather3A_348, %select_n3A_342 : vector<16xi1>, vector<16xf32>
    %eq3A_350 = arith.constant 7 : i32
    %eq3A_351 = vector.broadcast %eq3A_350 : i32 to vector<16xi32>
    %eq3A_352 = arith.cmpi eq, %iota3A, %eq3A_351 : vector<16xi32>
    %broadcast_in_dim3A_353 = vector.shape_cast %broadcast_in_dim3A_304 : vector<16xi32> to vector<16x1xi32>
    %gather3A_354 = vector.shape_cast %broadcast_in_dim3A_353 : vector<16x1xi32> to vector<16xi32>
    %gather3A_355 = tpu.dynamic_gather %get3A_35[%gather3A_354] in [0] : vector<16xf32>, vector<16xi32> -> vector<16xf32>
    %select_n3A_356 = arith.select %eq3A_352, %gather3A_355, %select_n3A_349 : vector<16xi1>, vector<16xf32>
    %broadcast_in_dim3A_357 = arith.constant 6 : i32
    %broadcast_in_dim3A_358 = vector.broadcast %broadcast_in_dim3A_357 : i32 to vector<16xi32>
    %broadcast_in_dim3A_359 = vector.shape_cast %broadcast_in_dim3A_358 : vector<16xi32> to vector<16x1xi32>
    %gather3A_360 = vector.shape_cast %broadcast_in_dim3A_359 : vector<16x1xi32> to vector<16xi32>
    %gather3A_361 = tpu.dynamic_gather %get3A_7[%gather3A_360] in [0] : vector<16xf32>, vector<16xi32> -> vector<16xf32>
    %eq3A_362 = arith.constant 1 : i32
    %eq3A_363 = vector.broadcast %eq3A_362 : i32 to vector<16xi32>
    %eq3A_364 = arith.cmpi eq, %iota3A, %eq3A_363 : vector<16xi32>
    %broadcast_in_dim3A_365 = vector.shape_cast %broadcast_in_dim3A_358 : vector<16xi32> to vector<16x1xi32>
    %gather3A_366 = vector.shape_cast %broadcast_in_dim3A_365 : vector<16x1xi32> to vector<16xi32>
    %gather3A_367 = tpu.dynamic_gather %get3A_11[%gather3A_366] in [0] : vector<16xf32>, vector<16xi32> -> vector<16xf32>
    %select_n3A_368 = arith.select %eq3A_364, %gather3A_367, %gather3A_361 : vector<16xi1>, vector<16xf32>
    %eq3A_369 = arith.constant 2 : i32
    %eq3A_370 = vector.broadcast %eq3A_369 : i32 to vector<16xi32>
    %eq3A_371 = arith.cmpi eq, %iota3A, %eq3A_370 : vector<16xi32>
    %broadcast_in_dim3A_372 = vector.shape_cast %broadcast_in_dim3A_358 : vector<16xi32> to vector<16x1xi32>
    %gather3A_373 = vector.shape_cast %broadcast_in_dim3A_372 : vector<16x1xi32> to vector<16xi32>
    %gather3A_374 = tpu.dynamic_gather %get3A_15[%gather3A_373] in [0] : vector<16xf32>, vector<16xi32> -> vector<16xf32>
    %select_n3A_375 = arith.select %eq3A_371, %gather3A_374, %select_n3A_368 : vector<16xi1>, vector<16xf32>
    %eq3A_376 = arith.constant 3 : i32
    %eq3A_377 = vector.broadcast %eq3A_376 : i32 to vector<16xi32>
    %eq3A_378 = arith.cmpi eq, %iota3A, %eq3A_377 : vector<16xi32>
    %broadcast_in_dim3A_379 = vector.shape_cast %broadcast_in_dim3A_358 : vector<16xi32> to vector<16x1xi32>
    %gather3A_380 = vector.shape_cast %broadcast_in_dim3A_379 : vector<16x1xi32> to vector<16xi32>
    %gather3A_381 = tpu.dynamic_gather %get3A_19[%gather3A_380] in [0] : vector<16xf32>, vector<16xi32> -> vector<16xf32>
    %select_n3A_382 = arith.select %eq3A_378, %gather3A_381, %select_n3A_375 : vector<16xi1>, vector<16xf32>
    %eq3A_383 = arith.constant 4 : i32
    %eq3A_384 = vector.broadcast %eq3A_383 : i32 to vector<16xi32>
    %eq3A_385 = arith.cmpi eq, %iota3A, %eq3A_384 : vector<16xi32>
    %broadcast_in_dim3A_386 = vector.shape_cast %broadcast_in_dim3A_358 : vector<16xi32> to vector<16x1xi32>
    %gather3A_387 = vector.shape_cast %broadcast_in_dim3A_386 : vector<16x1xi32> to vector<16xi32>
    %gather3A_388 = tpu.dynamic_gather %get3A_23[%gather3A_387] in [0] : vector<16xf32>, vector<16xi32> -> vector<16xf32>
    %select_n3A_389 = arith.select %eq3A_385, %gather3A_388, %select_n3A_382 : vector<16xi1>, vector<16xf32>
    %eq3A_390 = arith.constant 5 : i32
    %eq3A_391 = vector.broadcast %eq3A_390 : i32 to vector<16xi32>
    %eq3A_392 = arith.cmpi eq, %iota3A, %eq3A_391 : vector<16xi32>
    %broadcast_in_dim3A_393 = vector.shape_cast %broadcast_in_dim3A_358 : vector<16xi32> to vector<16x1xi32>
    %gather3A_394 = vector.shape_cast %broadcast_in_dim3A_393 : vector<16x1xi32> to vector<16xi32>
    %gather3A_395 = tpu.dynamic_gather %get3A_27[%gather3A_394] in [0] : vector<16xf32>, vector<16xi32> -> vector<16xf32>
    %select_n3A_396 = arith.select %eq3A_392, %gather3A_395, %select_n3A_389 : vector<16xi1>, vector<16xf32>
    %eq3A_397 = arith.constant 6 : i32
    %eq3A_398 = vector.broadcast %eq3A_397 : i32 to vector<16xi32>
    %eq3A_399 = arith.cmpi eq, %iota3A, %eq3A_398 : vector<16xi32>
    %broadcast_in_dim3A_400 = vector.shape_cast %broadcast_in_dim3A_358 : vector<16xi32> to vector<16x1xi32>
    %gather3A_401 = vector.shape_cast %broadcast_in_dim3A_400 : vector<16x1xi32> to vector<16xi32>
    %gather3A_402 = tpu.dynamic_gather %get3A_31[%gather3A_401] in [0] : vector<16xf32>, vector<16xi32> -> vector<16xf32>
    %select_n3A_403 = arith.select %eq3A_399, %gather3A_402, %select_n3A_396 : vector<16xi1>, vector<16xf32>
    %eq3A_404 = arith.constant 7 : i32
    %eq3A_405 = vector.broadcast %eq3A_404 : i32 to vector<16xi32>
    %eq3A_406 = arith.cmpi eq, %iota3A, %eq3A_405 : vector<16xi32>
    %broadcast_in_dim3A_407 = vector.shape_cast %broadcast_in_dim3A_358 : vector<16xi32> to vector<16x1xi32>
    %gather3A_408 = vector.shape_cast %broadcast_in_dim3A_407 : vector<16x1xi32> to vector<16xi32>
    %gather3A_409 = tpu.dynamic_gather %get3A_35[%gather3A_408] in [0] : vector<16xf32>, vector<16xi32> -> vector<16xf32>
    %select_n3A_410 = arith.select %eq3A_406, %gather3A_409, %select_n3A_403 : vector<16xi1>, vector<16xf32>
    %broadcast_in_dim3A_411 = arith.constant 7 : i32
    %broadcast_in_dim3A_412 = vector.broadcast %broadcast_in_dim3A_411 : i32 to vector<16xi32>
    %broadcast_in_dim3A_413 = vector.shape_cast %broadcast_in_dim3A_412 : vector<16xi32> to vector<16x1xi32>
    %gather3A_414 = vector.shape_cast %broadcast_in_dim3A_413 : vector<16x1xi32> to vector<16xi32>
    %gather3A_415 = tpu.dynamic_gather %get3A_7[%gather3A_414] in [0] : vector<16xf32>, vector<16xi32> -> vector<16xf32>
    %eq3A_416 = arith.constant 1 : i32
    %eq3A_417 = vector.broadcast %eq3A_416 : i32 to vector<16xi32>
    %eq3A_418 = arith.cmpi eq, %iota3A, %eq3A_417 : vector<16xi32>
    %broadcast_in_dim3A_419 = vector.shape_cast %broadcast_in_dim3A_412 : vector<16xi32> to vector<16x1xi32>
    %gather3A_420 = vector.shape_cast %broadcast_in_dim3A_419 : vector<16x1xi32> to vector<16xi32>
    %gather3A_421 = tpu.dynamic_gather %get3A_11[%gather3A_420] in [0] : vector<16xf32>, vector<16xi32> -> vector<16xf32>
    %select_n3A_422 = arith.select %eq3A_418, %gather3A_421, %gather3A_415 : vector<16xi1>, vector<16xf32>
    %eq3A_423 = arith.constant 2 : i32
    %eq3A_424 = vector.broadcast %eq3A_423 : i32 to vector<16xi32>
    %eq3A_425 = arith.cmpi eq, %iota3A, %eq3A_424 : vector<16xi32>
    %broadcast_in_dim3A_426 = vector.shape_cast %broadcast_in_dim3A_412 : vector<16xi32> to vector<16x1xi32>
    %gather3A_427 = vector.shape_cast %broadcast_in_dim3A_426 : vector<16x1xi32> to vector<16xi32>
    %gather3A_428 = tpu.dynamic_gather %get3A_15[%gather3A_427] in [0] : vector<16xf32>, vector<16xi32> -> vector<16xf32>
    %select_n3A_429 = arith.select %eq3A_425, %gather3A_428, %select_n3A_422 : vector<16xi1>, vector<16xf32>
    %eq3A_430 = arith.constant 3 : i32
    %eq3A_431 = vector.broadcast %eq3A_430 : i32 to vector<16xi32>
    %eq3A_432 = arith.cmpi eq, %iota3A, %eq3A_431 : vector<16xi32>
    %broadcast_in_dim3A_433 = vector.shape_cast %broadcast_in_dim3A_412 : vector<16xi32> to vector<16x1xi32>
    %gather3A_434 = vector.shape_cast %broadcast_in_dim3A_433 : vector<16x1xi32> to vector<16xi32>
    %gather3A_435 = tpu.dynamic_gather %get3A_19[%gather3A_434] in [0] : vector<16xf32>, vector<16xi32> -> vector<16xf32>
    %select_n3A_436 = arith.select %eq3A_432, %gather3A_435, %select_n3A_429 : vector<16xi1>, vector<16xf32>
    %eq3A_437 = arith.constant 4 : i32
    %eq3A_438 = vector.broadcast %eq3A_437 : i32 to vector<16xi32>
    %eq3A_439 = arith.cmpi eq, %iota3A, %eq3A_438 : vector<16xi32>
    %broadcast_in_dim3A_440 = vector.shape_cast %broadcast_in_dim3A_412 : vector<16xi32> to vector<16x1xi32>
    %gather3A_441 = vector.shape_cast %broadcast_in_dim3A_440 : vector<16x1xi32> to vector<16xi32>
    %gather3A_442 = tpu.dynamic_gather %get3A_23[%gather3A_441] in [0] : vector<16xf32>, vector<16xi32> -> vector<16xf32>
    %select_n3A_443 = arith.select %eq3A_439, %gather3A_442, %select_n3A_436 : vector<16xi1>, vector<16xf32>
    %eq3A_444 = arith.constant 5 : i32
    %eq3A_445 = vector.broadcast %eq3A_444 : i32 to vector<16xi32>
    %eq3A_446 = arith.cmpi eq, %iota3A, %eq3A_445 : vector<16xi32>
    %broadcast_in_dim3A_447 = vector.shape_cast %broadcast_in_dim3A_412 : vector<16xi32> to vector<16x1xi32>
    %gather3A_448 = vector.shape_cast %broadcast_in_dim3A_447 : vector<16x1xi32> to vector<16xi32>
    %gather3A_449 = tpu.dynamic_gather %get3A_27[%gather3A_448] in [0] : vector<16xf32>, vector<16xi32> -> vector<16xf32>
    %select_n3A_450 = arith.select %eq3A_446, %gather3A_449, %select_n3A_443 : vector<16xi1>, vector<16xf32>
    %eq3A_451 = arith.constant 6 : i32
    %eq3A_452 = vector.broadcast %eq3A_451 : i32 to vector<16xi32>
    %eq3A_453 = arith.cmpi eq, %iota3A, %eq3A_452 : vector<16xi32>
    %broadcast_in_dim3A_454 = vector.shape_cast %broadcast_in_dim3A_412 : vector<16xi32> to vector<16x1xi32>
    %gather3A_455 = vector.shape_cast %broadcast_in_dim3A_454 : vector<16x1xi32> to vector<16xi32>
    %gather3A_456 = tpu.dynamic_gather %get3A_31[%gather3A_455] in [0] : vector<16xf32>, vector<16xi32> -> vector<16xf32>
    %select_n3A_457 = arith.select %eq3A_453, %gather3A_456, %select_n3A_450 : vector<16xi1>, vector<16xf32>
    %eq3A_458 = arith.constant 7 : i32
    %eq3A_459 = vector.broadcast %eq3A_458 : i32 to vector<16xi32>
    %eq3A_460 = arith.cmpi eq, %iota3A, %eq3A_459 : vector<16xi32>
    %broadcast_in_dim3A_461 = vector.shape_cast %broadcast_in_dim3A_412 : vector<16xi32> to vector<16x1xi32>
    %gather3A_462 = vector.shape_cast %broadcast_in_dim3A_461 : vector<16x1xi32> to vector<16xi32>
    %gather3A_463 = tpu.dynamic_gather %get3A_35[%gather3A_462] in [0] : vector<16xf32>, vector<16xi32> -> vector<16xf32>
    %select_n3A_464 = arith.select %eq3A_460, %gather3A_463, %select_n3A_457 : vector<16xi1>, vector<16xf32>
    %broadcast_in_dim3A_465 = arith.constant 8 : i32
    %broadcast_in_dim3A_466 = vector.broadcast %broadcast_in_dim3A_465 : i32 to vector<16xi32>
    %broadcast_in_dim3A_467 = vector.shape_cast %broadcast_in_dim3A_466 : vector<16xi32> to vector<16x1xi32>
    %gather3A_468 = vector.shape_cast %broadcast_in_dim3A_467 : vector<16x1xi32> to vector<16xi32>
    %gather3A_469 = tpu.dynamic_gather %get3A_7[%gather3A_468] in [0] : vector<16xf32>, vector<16xi32> -> vector<16xf32>
    %eq3A_470 = arith.constant 1 : i32
    %eq3A_471 = vector.broadcast %eq3A_470 : i32 to vector<16xi32>
    %eq3A_472 = arith.cmpi eq, %iota3A, %eq3A_471 : vector<16xi32>
    %broadcast_in_dim3A_473 = vector.shape_cast %broadcast_in_dim3A_466 : vector<16xi32> to vector<16x1xi32>
    %gather3A_474 = vector.shape_cast %broadcast_in_dim3A_473 : vector<16x1xi32> to vector<16xi32>
    %gather3A_475 = tpu.dynamic_gather %get3A_11[%gather3A_474] in [0] : vector<16xf32>, vector<16xi32> -> vector<16xf32>
    %select_n3A_476 = arith.select %eq3A_472, %gather3A_475, %gather3A_469 : vector<16xi1>, vector<16xf32>
    %eq3A_477 = arith.constant 2 : i32
    %eq3A_478 = vector.broadcast %eq3A_477 : i32 to vector<16xi32>
    %eq3A_479 = arith.cmpi eq, %iota3A, %eq3A_478 : vector<16xi32>
    %broadcast_in_dim3A_480 = vector.shape_cast %broadcast_in_dim3A_466 : vector<16xi32> to vector<16x1xi32>
    %gather3A_481 = vector.shape_cast %broadcast_in_dim3A_480 : vector<16x1xi32> to vector<16xi32>
    %gather3A_482 = tpu.dynamic_gather %get3A_15[%gather3A_481] in [0] : vector<16xf32>, vector<16xi32> -> vector<16xf32>
    %select_n3A_483 = arith.select %eq3A_479, %gather3A_482, %select_n3A_476 : vector<16xi1>, vector<16xf32>
    %eq3A_484 = arith.constant 3 : i32
    %eq3A_485 = vector.broadcast %eq3A_484 : i32 to vector<16xi32>
    %eq3A_486 = arith.cmpi eq, %iota3A, %eq3A_485 : vector<16xi32>
    %broadcast_in_dim3A_487 = vector.shape_cast %broadcast_in_dim3A_466 : vector<16xi32> to vector<16x1xi32>
    %gather3A_488 = vector.shape_cast %broadcast_in_dim3A_487 : vector<16x1xi32> to vector<16xi32>
    %gather3A_489 = tpu.dynamic_gather %get3A_19[%gather3A_488] in [0] : vector<16xf32>, vector<16xi32> -> vector<16xf32>
    %select_n3A_490 = arith.select %eq3A_486, %gather3A_489, %select_n3A_483 : vector<16xi1>, vector<16xf32>
    %eq3A_491 = arith.constant 4 : i32
    %eq3A_492 = vector.broadcast %eq3A_491 : i32 to vector<16xi32>
    %eq3A_493 = arith.cmpi eq, %iota3A, %eq3A_492 : vector<16xi32>
    %broadcast_in_dim3A_494 = vector.shape_cast %broadcast_in_dim3A_466 : vector<16xi32> to vector<16x1xi32>
    %gather3A_495 = vector.shape_cast %broadcast_in_dim3A_494 : vector<16x1xi32> to vector<16xi32>
    %gather3A_496 = tpu.dynamic_gather %get3A_23[%gather3A_495] in [0] : vector<16xf32>, vector<16xi32> -> vector<16xf32>
    %select_n3A_497 = arith.select %eq3A_493, %gather3A_496, %select_n3A_490 : vector<16xi1>, vector<16xf32>
    %eq3A_498 = arith.constant 5 : i32
    %eq3A_499 = vector.broadcast %eq3A_498 : i32 to vector<16xi32>
    %eq3A_500 = arith.cmpi eq, %iota3A, %eq3A_499 : vector<16xi32>
    %broadcast_in_dim3A_501 = vector.shape_cast %broadcast_in_dim3A_466 : vector<16xi32> to vector<16x1xi32>
    %gather3A_502 = vector.shape_cast %broadcast_in_dim3A_501 : vector<16x1xi32> to vector<16xi32>
    %gather3A_503 = tpu.dynamic_gather %get3A_27[%gather3A_502] in [0] : vector<16xf32>, vector<16xi32> -> vector<16xf32>
    %select_n3A_504 = arith.select %eq3A_500, %gather3A_503, %select_n3A_497 : vector<16xi1>, vector<16xf32>
    %eq3A_505 = arith.constant 6 : i32
    %eq3A_506 = vector.broadcast %eq3A_505 : i32 to vector<16xi32>
    %eq3A_507 = arith.cmpi eq, %iota3A, %eq3A_506 : vector<16xi32>
    %broadcast_in_dim3A_508 = vector.shape_cast %broadcast_in_dim3A_466 : vector<16xi32> to vector<16x1xi32>
    %gather3A_509 = vector.shape_cast %broadcast_in_dim3A_508 : vector<16x1xi32> to vector<16xi32>
    %gather3A_510 = tpu.dynamic_gather %get3A_31[%gather3A_509] in [0] : vector<16xf32>, vector<16xi32> -> vector<16xf32>
    %select_n3A_511 = arith.select %eq3A_507, %gather3A_510, %select_n3A_504 : vector<16xi1>, vector<16xf32>
    %eq3A_512 = arith.constant 7 : i32
    %eq3A_513 = vector.broadcast %eq3A_512 : i32 to vector<16xi32>
    %eq3A_514 = arith.cmpi eq, %iota3A, %eq3A_513 : vector<16xi32>
    %broadcast_in_dim3A_515 = vector.shape_cast %broadcast_in_dim3A_466 : vector<16xi32> to vector<16x1xi32>
    %gather3A_516 = vector.shape_cast %broadcast_in_dim3A_515 : vector<16x1xi32> to vector<16xi32>
    %gather3A_517 = tpu.dynamic_gather %get3A_35[%gather3A_516] in [0] : vector<16xf32>, vector<16xi32> -> vector<16xf32>
    %select_n3A_518 = arith.select %eq3A_514, %gather3A_517, %select_n3A_511 : vector<16xi1>, vector<16xf32>
    %broadcast_in_dim3A_519 = arith.constant 9 : i32
    %broadcast_in_dim3A_520 = vector.broadcast %broadcast_in_dim3A_519 : i32 to vector<16xi32>
    %broadcast_in_dim3A_521 = vector.shape_cast %broadcast_in_dim3A_520 : vector<16xi32> to vector<16x1xi32>
    %gather3A_522 = vector.shape_cast %broadcast_in_dim3A_521 : vector<16x1xi32> to vector<16xi32>
    %gather3A_523 = tpu.dynamic_gather %get3A_7[%gather3A_522] in [0] : vector<16xf32>, vector<16xi32> -> vector<16xf32>
    %eq3A_524 = arith.constant 1 : i32
    %eq3A_525 = vector.broadcast %eq3A_524 : i32 to vector<16xi32>
    %eq3A_526 = arith.cmpi eq, %iota3A, %eq3A_525 : vector<16xi32>
    %broadcast_in_dim3A_527 = vector.shape_cast %broadcast_in_dim3A_520 : vector<16xi32> to vector<16x1xi32>
    %gather3A_528 = vector.shape_cast %broadcast_in_dim3A_527 : vector<16x1xi32> to vector<16xi32>
    %gather3A_529 = tpu.dynamic_gather %get3A_11[%gather3A_528] in [0] : vector<16xf32>, vector<16xi32> -> vector<16xf32>
    %select_n3A_530 = arith.select %eq3A_526, %gather3A_529, %gather3A_523 : vector<16xi1>, vector<16xf32>
    %eq3A_531 = arith.constant 2 : i32
    %eq3A_532 = vector.broadcast %eq3A_531 : i32 to vector<16xi32>
    %eq3A_533 = arith.cmpi eq, %iota3A, %eq3A_532 : vector<16xi32>
    %broadcast_in_dim3A_534 = vector.shape_cast %broadcast_in_dim3A_520 : vector<16xi32> to vector<16x1xi32>
    %gather3A_535 = vector.shape_cast %broadcast_in_dim3A_534 : vector<16x1xi32> to vector<16xi32>
    %gather3A_536 = tpu.dynamic_gather %get3A_15[%gather3A_535] in [0] : vector<16xf32>, vector<16xi32> -> vector<16xf32>
    %select_n3A_537 = arith.select %eq3A_533, %gather3A_536, %select_n3A_530 : vector<16xi1>, vector<16xf32>
    %eq3A_538 = arith.constant 3 : i32
    %eq3A_539 = vector.broadcast %eq3A_538 : i32 to vector<16xi32>
    %eq3A_540 = arith.cmpi eq, %iota3A, %eq3A_539 : vector<16xi32>
    %broadcast_in_dim3A_541 = vector.shape_cast %broadcast_in_dim3A_520 : vector<16xi32> to vector<16x1xi32>
    %gather3A_542 = vector.shape_cast %broadcast_in_dim3A_541 : vector<16x1xi32> to vector<16xi32>
    %gather3A_543 = tpu.dynamic_gather %get3A_19[%gather3A_542] in [0] : vector<16xf32>, vector<16xi32> -> vector<16xf32>
    %select_n3A_544 = arith.select %eq3A_540, %gather3A_543, %select_n3A_537 : vector<16xi1>, vector<16xf32>
    %eq3A_545 = arith.constant 4 : i32
    %eq3A_546 = vector.broadcast %eq3A_545 : i32 to vector<16xi32>
    %eq3A_547 = arith.cmpi eq, %iota3A, %eq3A_546 : vector<16xi32>
    %broadcast_in_dim3A_548 = vector.shape_cast %broadcast_in_dim3A_520 : vector<16xi32> to vector<16x1xi32>
    %gather3A_549 = vector.shape_cast %broadcast_in_dim3A_548 : vector<16x1xi32> to vector<16xi32>
    %gather3A_550 = tpu.dynamic_gather %get3A_23[%gather3A_549] in [0] : vector<16xf32>, vector<16xi32> -> vector<16xf32>
    %select_n3A_551 = arith.select %eq3A_547, %gather3A_550, %select_n3A_544 : vector<16xi1>, vector<16xf32>
    %eq3A_552 = arith.constant 5 : i32
    %eq3A_553 = vector.broadcast %eq3A_552 : i32 to vector<16xi32>
    %eq3A_554 = arith.cmpi eq, %iota3A, %eq3A_553 : vector<16xi32>
    %broadcast_in_dim3A_555 = vector.shape_cast %broadcast_in_dim3A_520 : vector<16xi32> to vector<16x1xi32>
    %gather3A_556 = vector.shape_cast %broadcast_in_dim3A_555 : vector<16x1xi32> to vector<16xi32>
    %gather3A_557 = tpu.dynamic_gather %get3A_27[%gather3A_556] in [0] : vector<16xf32>, vector<16xi32> -> vector<16xf32>
    %select_n3A_558 = arith.select %eq3A_554, %gather3A_557, %select_n3A_551 : vector<16xi1>, vector<16xf32>
    %eq3A_559 = arith.constant 6 : i32
    %eq3A_560 = vector.broadcast %eq3A_559 : i32 to vector<16xi32>
    %eq3A_561 = arith.cmpi eq, %iota3A, %eq3A_560 : vector<16xi32>
    %broadcast_in_dim3A_562 = vector.shape_cast %broadcast_in_dim3A_520 : vector<16xi32> to vector<16x1xi32>
    %gather3A_563 = vector.shape_cast %broadcast_in_dim3A_562 : vector<16x1xi32> to vector<16xi32>
    %gather3A_564 = tpu.dynamic_gather %get3A_31[%gather3A_563] in [0] : vector<16xf32>, vector<16xi32> -> vector<16xf32>
    %select_n3A_565 = arith.select %eq3A_561, %gather3A_564, %select_n3A_558 : vector<16xi1>, vector<16xf32>
    %eq3A_566 = arith.constant 7 : i32
    %eq3A_567 = vector.broadcast %eq3A_566 : i32 to vector<16xi32>
    %eq3A_568 = arith.cmpi eq, %iota3A, %eq3A_567 : vector<16xi32>
    %broadcast_in_dim3A_569 = vector.shape_cast %broadcast_in_dim3A_520 : vector<16xi32> to vector<16x1xi32>
    %gather3A_570 = vector.shape_cast %broadcast_in_dim3A_569 : vector<16x1xi32> to vector<16xi32>
    %gather3A_571 = tpu.dynamic_gather %get3A_35[%gather3A_570] in [0] : vector<16xf32>, vector<16xi32> -> vector<16xf32>
    %select_n3A_572 = arith.select %eq3A_568, %gather3A_571, %select_n3A_565 : vector<16xi1>, vector<16xf32>
    %broadcast_in_dim3A_573 = arith.constant 10 : i32
    %broadcast_in_dim3A_574 = vector.broadcast %broadcast_in_dim3A_573 : i32 to vector<16xi32>
    %broadcast_in_dim3A_575 = vector.shape_cast %broadcast_in_dim3A_574 : vector<16xi32> to vector<16x1xi32>
    %gather3A_576 = vector.shape_cast %broadcast_in_dim3A_575 : vector<16x1xi32> to vector<16xi32>
    %gather3A_577 = tpu.dynamic_gather %get3A_7[%gather3A_576] in [0] : vector<16xf32>, vector<16xi32> -> vector<16xf32>
    %eq3A_578 = arith.constant 1 : i32
    %eq3A_579 = vector.broadcast %eq3A_578 : i32 to vector<16xi32>
    %eq3A_580 = arith.cmpi eq, %iota3A, %eq3A_579 : vector<16xi32>
    %broadcast_in_dim3A_581 = vector.shape_cast %broadcast_in_dim3A_574 : vector<16xi32> to vector<16x1xi32>
    %gather3A_582 = vector.shape_cast %broadcast_in_dim3A_581 : vector<16x1xi32> to vector<16xi32>
    %gather3A_583 = tpu.dynamic_gather %get3A_11[%gather3A_582] in [0] : vector<16xf32>, vector<16xi32> -> vector<16xf32>
    %select_n3A_584 = arith.select %eq3A_580, %gather3A_583, %gather3A_577 : vector<16xi1>, vector<16xf32>
    %eq3A_585 = arith.constant 2 : i32
    %eq3A_586 = vector.broadcast %eq3A_585 : i32 to vector<16xi32>
    %eq3A_587 = arith.cmpi eq, %iota3A, %eq3A_586 : vector<16xi32>
    %broadcast_in_dim3A_588 = vector.shape_cast %broadcast_in_dim3A_574 : vector<16xi32> to vector<16x1xi32>
    %gather3A_589 = vector.shape_cast %broadcast_in_dim3A_588 : vector<16x1xi32> to vector<16xi32>
    %gather3A_590 = tpu.dynamic_gather %get3A_15[%gather3A_589] in [0] : vector<16xf32>, vector<16xi32> -> vector<16xf32>
    %select_n3A_591 = arith.select %eq3A_587, %gather3A_590, %select_n3A_584 : vector<16xi1>, vector<16xf32>
    %eq3A_592 = arith.constant 3 : i32
    %eq3A_593 = vector.broadcast %eq3A_592 : i32 to vector<16xi32>
    %eq3A_594 = arith.cmpi eq, %iota3A, %eq3A_593 : vector<16xi32>
    %broadcast_in_dim3A_595 = vector.shape_cast %broadcast_in_dim3A_574 : vector<16xi32> to vector<16x1xi32>
    %gather3A_596 = vector.shape_cast %broadcast_in_dim3A_595 : vector<16x1xi32> to vector<16xi32>
    %gather3A_597 = tpu.dynamic_gather %get3A_19[%gather3A_596] in [0] : vector<16xf32>, vector<16xi32> -> vector<16xf32>
    %select_n3A_598 = arith.select %eq3A_594, %gather3A_597, %select_n3A_591 : vector<16xi1>, vector<16xf32>
    %eq3A_599 = arith.constant 4 : i32
    %eq3A_600 = vector.broadcast %eq3A_599 : i32 to vector<16xi32>
    %eq3A_601 = arith.cmpi eq, %iota3A, %eq3A_600 : vector<16xi32>
    %broadcast_in_dim3A_602 = vector.shape_cast %broadcast_in_dim3A_574 : vector<16xi32> to vector<16x1xi32>
    %gather3A_603 = vector.shape_cast %broadcast_in_dim3A_602 : vector<16x1xi32> to vector<16xi32>
    %gather3A_604 = tpu.dynamic_gather %get3A_23[%gather3A_603] in [0] : vector<16xf32>, vector<16xi32> -> vector<16xf32>
    %select_n3A_605 = arith.select %eq3A_601, %gather3A_604, %select_n3A_598 : vector<16xi1>, vector<16xf32>
    %eq3A_606 = arith.constant 5 : i32
    %eq3A_607 = vector.broadcast %eq3A_606 : i32 to vector<16xi32>
    %eq3A_608 = arith.cmpi eq, %iota3A, %eq3A_607 : vector<16xi32>
    %broadcast_in_dim3A_609 = vector.shape_cast %broadcast_in_dim3A_574 : vector<16xi32> to vector<16x1xi32>
    %gather3A_610 = vector.shape_cast %broadcast_in_dim3A_609 : vector<16x1xi32> to vector<16xi32>
    %gather3A_611 = tpu.dynamic_gather %get3A_27[%gather3A_610] in [0] : vector<16xf32>, vector<16xi32> -> vector<16xf32>
    %select_n3A_612 = arith.select %eq3A_608, %gather3A_611, %select_n3A_605 : vector<16xi1>, vector<16xf32>
    %eq3A_613 = arith.constant 6 : i32
    %eq3A_614 = vector.broadcast %eq3A_613 : i32 to vector<16xi32>
    %eq3A_615 = arith.cmpi eq, %iota3A, %eq3A_614 : vector<16xi32>
    %broadcast_in_dim3A_616 = vector.shape_cast %broadcast_in_dim3A_574 : vector<16xi32> to vector<16x1xi32>
    %gather3A_617 = vector.shape_cast %broadcast_in_dim3A_616 : vector<16x1xi32> to vector<16xi32>
    %gather3A_618 = tpu.dynamic_gather %get3A_31[%gather3A_617] in [0] : vector<16xf32>, vector<16xi32> -> vector<16xf32>
    %select_n3A_619 = arith.select %eq3A_615, %gather3A_618, %select_n3A_612 : vector<16xi1>, vector<16xf32>
    %eq3A_620 = arith.constant 7 : i32
    %eq3A_621 = vector.broadcast %eq3A_620 : i32 to vector<16xi32>
    %eq3A_622 = arith.cmpi eq, %iota3A, %eq3A_621 : vector<16xi32>
    %broadcast_in_dim3A_623 = vector.shape_cast %broadcast_in_dim3A_574 : vector<16xi32> to vector<16x1xi32>
    %gather3A_624 = vector.shape_cast %broadcast_in_dim3A_623 : vector<16x1xi32> to vector<16xi32>
    %gather3A_625 = tpu.dynamic_gather %get3A_35[%gather3A_624] in [0] : vector<16xf32>, vector<16xi32> -> vector<16xf32>
    %select_n3A_626 = arith.select %eq3A_622, %gather3A_625, %select_n3A_619 : vector<16xi1>, vector<16xf32>
    %broadcast_in_dim3A_627 = arith.constant 11 : i32
    %broadcast_in_dim3A_628 = vector.broadcast %broadcast_in_dim3A_627 : i32 to vector<16xi32>
    %broadcast_in_dim3A_629 = vector.shape_cast %broadcast_in_dim3A_628 : vector<16xi32> to vector<16x1xi32>
    %gather3A_630 = vector.shape_cast %broadcast_in_dim3A_629 : vector<16x1xi32> to vector<16xi32>
    %gather3A_631 = tpu.dynamic_gather %get3A_7[%gather3A_630] in [0] : vector<16xf32>, vector<16xi32> -> vector<16xf32>
    %eq3A_632 = arith.constant 1 : i32
    %eq3A_633 = vector.broadcast %eq3A_632 : i32 to vector<16xi32>
    %eq3A_634 = arith.cmpi eq, %iota3A, %eq3A_633 : vector<16xi32>
    %broadcast_in_dim3A_635 = vector.shape_cast %broadcast_in_dim3A_628 : vector<16xi32> to vector<16x1xi32>
    %gather3A_636 = vector.shape_cast %broadcast_in_dim3A_635 : vector<16x1xi32> to vector<16xi32>
    %gather3A_637 = tpu.dynamic_gather %get3A_11[%gather3A_636] in [0] : vector<16xf32>, vector<16xi32> -> vector<16xf32>
    %select_n3A_638 = arith.select %eq3A_634, %gather3A_637, %gather3A_631 : vector<16xi1>, vector<16xf32>
    %eq3A_639 = arith.constant 2 : i32
    %eq3A_640 = vector.broadcast %eq3A_639 : i32 to vector<16xi32>
    %eq3A_641 = arith.cmpi eq, %iota3A, %eq3A_640 : vector<16xi32>
    %broadcast_in_dim3A_642 = vector.shape_cast %broadcast_in_dim3A_628 : vector<16xi32> to vector<16x1xi32>
    %gather3A_643 = vector.shape_cast %broadcast_in_dim3A_642 : vector<16x1xi32> to vector<16xi32>
    %gather3A_644 = tpu.dynamic_gather %get3A_15[%gather3A_643] in [0] : vector<16xf32>, vector<16xi32> -> vector<16xf32>
    %select_n3A_645 = arith.select %eq3A_641, %gather3A_644, %select_n3A_638 : vector<16xi1>, vector<16xf32>
    %eq3A_646 = arith.constant 3 : i32
    %eq3A_647 = vector.broadcast %eq3A_646 : i32 to vector<16xi32>
    %eq3A_648 = arith.cmpi eq, %iota3A, %eq3A_647 : vector<16xi32>
    %broadcast_in_dim3A_649 = vector.shape_cast %broadcast_in_dim3A_628 : vector<16xi32> to vector<16x1xi32>
    %gather3A_650 = vector.shape_cast %broadcast_in_dim3A_649 : vector<16x1xi32> to vector<16xi32>
    %gather3A_651 = tpu.dynamic_gather %get3A_19[%gather3A_650] in [0] : vector<16xf32>, vector<16xi32> -> vector<16xf32>
    %select_n3A_652 = arith.select %eq3A_648, %gather3A_651, %select_n3A_645 : vector<16xi1>, vector<16xf32>
    %eq3A_653 = arith.constant 4 : i32
    %eq3A_654 = vector.broadcast %eq3A_653 : i32 to vector<16xi32>
    %eq3A_655 = arith.cmpi eq, %iota3A, %eq3A_654 : vector<16xi32>
    %broadcast_in_dim3A_656 = vector.shape_cast %broadcast_in_dim3A_628 : vector<16xi32> to vector<16x1xi32>
    %gather3A_657 = vector.shape_cast %broadcast_in_dim3A_656 : vector<16x1xi32> to vector<16xi32>
    %gather3A_658 = tpu.dynamic_gather %get3A_23[%gather3A_657] in [0] : vector<16xf32>, vector<16xi32> -> vector<16xf32>
    %select_n3A_659 = arith.select %eq3A_655, %gather3A_658, %select_n3A_652 : vector<16xi1>, vector<16xf32>
    %eq3A_660 = arith.constant 5 : i32
    %eq3A_661 = vector.broadcast %eq3A_660 : i32 to vector<16xi32>
    %eq3A_662 = arith.cmpi eq, %iota3A, %eq3A_661 : vector<16xi32>
    %broadcast_in_dim3A_663 = vector.shape_cast %broadcast_in_dim3A_628 : vector<16xi32> to vector<16x1xi32>
    %gather3A_664 = vector.shape_cast %broadcast_in_dim3A_663 : vector<16x1xi32> to vector<16xi32>
    %gather3A_665 = tpu.dynamic_gather %get3A_27[%gather3A_664] in [0] : vector<16xf32>, vector<16xi32> -> vector<16xf32>
    %select_n3A_666 = arith.select %eq3A_662, %gather3A_665, %select_n3A_659 : vector<16xi1>, vector<16xf32>
    %eq3A_667 = arith.constant 6 : i32
    %eq3A_668 = vector.broadcast %eq3A_667 : i32 to vector<16xi32>
    %eq3A_669 = arith.cmpi eq, %iota3A, %eq3A_668 : vector<16xi32>
    %broadcast_in_dim3A_670 = vector.shape_cast %broadcast_in_dim3A_628 : vector<16xi32> to vector<16x1xi32>
    %gather3A_671 = vector.shape_cast %broadcast_in_dim3A_670 : vector<16x1xi32> to vector<16xi32>
    %gather3A_672 = tpu.dynamic_gather %get3A_31[%gather3A_671] in [0] : vector<16xf32>, vector<16xi32> -> vector<16xf32>
    %select_n3A_673 = arith.select %eq3A_669, %gather3A_672, %select_n3A_666 : vector<16xi1>, vector<16xf32>
    %eq3A_674 = arith.constant 7 : i32
    %eq3A_675 = vector.broadcast %eq3A_674 : i32 to vector<16xi32>
    %eq3A_676 = arith.cmpi eq, %iota3A, %eq3A_675 : vector<16xi32>
    %broadcast_in_dim3A_677 = vector.shape_cast %broadcast_in_dim3A_628 : vector<16xi32> to vector<16x1xi32>
    %gather3A_678 = vector.shape_cast %broadcast_in_dim3A_677 : vector<16x1xi32> to vector<16xi32>
    %gather3A_679 = tpu.dynamic_gather %get3A_35[%gather3A_678] in [0] : vector<16xf32>, vector<16xi32> -> vector<16xf32>
    %select_n3A_680 = arith.select %eq3A_676, %gather3A_679, %select_n3A_673 : vector<16xi1>, vector<16xf32>
    %broadcast_in_dim3A_681 = arith.constant 12 : i32
    %broadcast_in_dim3A_682 = vector.broadcast %broadcast_in_dim3A_681 : i32 to vector<16xi32>
    %broadcast_in_dim3A_683 = vector.shape_cast %broadcast_in_dim3A_682 : vector<16xi32> to vector<16x1xi32>
    %gather3A_684 = vector.shape_cast %broadcast_in_dim3A_683 : vector<16x1xi32> to vector<16xi32>
    %gather3A_685 = tpu.dynamic_gather %get3A_7[%gather3A_684] in [0] : vector<16xf32>, vector<16xi32> -> vector<16xf32>
    %eq3A_686 = arith.constant 1 : i32
    %eq3A_687 = vector.broadcast %eq3A_686 : i32 to vector<16xi32>
    %eq3A_688 = arith.cmpi eq, %iota3A, %eq3A_687 : vector<16xi32>
    %broadcast_in_dim3A_689 = vector.shape_cast %broadcast_in_dim3A_682 : vector<16xi32> to vector<16x1xi32>
    %gather3A_690 = vector.shape_cast %broadcast_in_dim3A_689 : vector<16x1xi32> to vector<16xi32>
    %gather3A_691 = tpu.dynamic_gather %get3A_11[%gather3A_690] in [0] : vector<16xf32>, vector<16xi32> -> vector<16xf32>
    %select_n3A_692 = arith.select %eq3A_688, %gather3A_691, %gather3A_685 : vector<16xi1>, vector<16xf32>
    %eq3A_693 = arith.constant 2 : i32
    %eq3A_694 = vector.broadcast %eq3A_693 : i32 to vector<16xi32>
    %eq3A_695 = arith.cmpi eq, %iota3A, %eq3A_694 : vector<16xi32>
    %broadcast_in_dim3A_696 = vector.shape_cast %broadcast_in_dim3A_682 : vector<16xi32> to vector<16x1xi32>
    %gather3A_697 = vector.shape_cast %broadcast_in_dim3A_696 : vector<16x1xi32> to vector<16xi32>
    %gather3A_698 = tpu.dynamic_gather %get3A_15[%gather3A_697] in [0] : vector<16xf32>, vector<16xi32> -> vector<16xf32>
    %select_n3A_699 = arith.select %eq3A_695, %gather3A_698, %select_n3A_692 : vector<16xi1>, vector<16xf32>
    %eq3A_700 = arith.constant 3 : i32
    %eq3A_701 = vector.broadcast %eq3A_700 : i32 to vector<16xi32>
    %eq3A_702 = arith.cmpi eq, %iota3A, %eq3A_701 : vector<16xi32>
    %broadcast_in_dim3A_703 = vector.shape_cast %broadcast_in_dim3A_682 : vector<16xi32> to vector<16x1xi32>
    %gather3A_704 = vector.shape_cast %broadcast_in_dim3A_703 : vector<16x1xi32> to vector<16xi32>
    %gather3A_705 = tpu.dynamic_gather %get3A_19[%gather3A_704] in [0] : vector<16xf32>, vector<16xi32> -> vector<16xf32>
    %select_n3A_706 = arith.select %eq3A_702, %gather3A_705, %select_n3A_699 : vector<16xi1>, vector<16xf32>
    %eq3A_707 = arith.constant 4 : i32
    %eq3A_708 = vector.broadcast %eq3A_707 : i32 to vector<16xi32>
    %eq3A_709 = arith.cmpi eq, %iota3A, %eq3A_708 : vector<16xi32>
    %broadcast_in_dim3A_710 = vector.shape_cast %broadcast_in_dim3A_682 : vector<16xi32> to vector<16x1xi32>
    %gather3A_711 = vector.shape_cast %broadcast_in_dim3A_710 : vector<16x1xi32> to vector<16xi32>
    %gather3A_712 = tpu.dynamic_gather %get3A_23[%gather3A_711] in [0] : vector<16xf32>, vector<16xi32> -> vector<16xf32>
    %select_n3A_713 = arith.select %eq3A_709, %gather3A_712, %select_n3A_706 : vector<16xi1>, vector<16xf32>
    %eq3A_714 = arith.constant 5 : i32
    %eq3A_715 = vector.broadcast %eq3A_714 : i32 to vector<16xi32>
    %eq3A_716 = arith.cmpi eq, %iota3A, %eq3A_715 : vector<16xi32>
    %broadcast_in_dim3A_717 = vector.shape_cast %broadcast_in_dim3A_682 : vector<16xi32> to vector<16x1xi32>
    %gather3A_718 = vector.shape_cast %broadcast_in_dim3A_717 : vector<16x1xi32> to vector<16xi32>
    %gather3A_719 = tpu.dynamic_gather %get3A_27[%gather3A_718] in [0] : vector<16xf32>, vector<16xi32> -> vector<16xf32>
    %select_n3A_720 = arith.select %eq3A_716, %gather3A_719, %select_n3A_713 : vector<16xi1>, vector<16xf32>
    %eq3A_721 = arith.constant 6 : i32
    %eq3A_722 = vector.broadcast %eq3A_721 : i32 to vector<16xi32>
    %eq3A_723 = arith.cmpi eq, %iota3A, %eq3A_722 : vector<16xi32>
    %broadcast_in_dim3A_724 = vector.shape_cast %broadcast_in_dim3A_682 : vector<16xi32> to vector<16x1xi32>
    %gather3A_725 = vector.shape_cast %broadcast_in_dim3A_724 : vector<16x1xi32> to vector<16xi32>
    %gather3A_726 = tpu.dynamic_gather %get3A_31[%gather3A_725] in [0] : vector<16xf32>, vector<16xi32> -> vector<16xf32>
    %select_n3A_727 = arith.select %eq3A_723, %gather3A_726, %select_n3A_720 : vector<16xi1>, vector<16xf32>
    %eq3A_728 = arith.constant 7 : i32
    %eq3A_729 = vector.broadcast %eq3A_728 : i32 to vector<16xi32>
    %eq3A_730 = arith.cmpi eq, %iota3A, %eq3A_729 : vector<16xi32>
    %broadcast_in_dim3A_731 = vector.shape_cast %broadcast_in_dim3A_682 : vector<16xi32> to vector<16x1xi32>
    %gather3A_732 = vector.shape_cast %broadcast_in_dim3A_731 : vector<16x1xi32> to vector<16xi32>
    %gather3A_733 = tpu.dynamic_gather %get3A_35[%gather3A_732] in [0] : vector<16xf32>, vector<16xi32> -> vector<16xf32>
    %select_n3A_734 = arith.select %eq3A_730, %gather3A_733, %select_n3A_727 : vector<16xi1>, vector<16xf32>
    %broadcast_in_dim3A_735 = arith.constant 13 : i32
    %broadcast_in_dim3A_736 = vector.broadcast %broadcast_in_dim3A_735 : i32 to vector<16xi32>
    %broadcast_in_dim3A_737 = vector.shape_cast %broadcast_in_dim3A_736 : vector<16xi32> to vector<16x1xi32>
    %gather3A_738 = vector.shape_cast %broadcast_in_dim3A_737 : vector<16x1xi32> to vector<16xi32>
    %gather3A_739 = tpu.dynamic_gather %get3A_7[%gather3A_738] in [0] : vector<16xf32>, vector<16xi32> -> vector<16xf32>
    %eq3A_740 = arith.constant 1 : i32
    %eq3A_741 = vector.broadcast %eq3A_740 : i32 to vector<16xi32>
    %eq3A_742 = arith.cmpi eq, %iota3A, %eq3A_741 : vector<16xi32>
    %broadcast_in_dim3A_743 = vector.shape_cast %broadcast_in_dim3A_736 : vector<16xi32> to vector<16x1xi32>
    %gather3A_744 = vector.shape_cast %broadcast_in_dim3A_743 : vector<16x1xi32> to vector<16xi32>
    %gather3A_745 = tpu.dynamic_gather %get3A_11[%gather3A_744] in [0] : vector<16xf32>, vector<16xi32> -> vector<16xf32>
    %select_n3A_746 = arith.select %eq3A_742, %gather3A_745, %gather3A_739 : vector<16xi1>, vector<16xf32>
    %eq3A_747 = arith.constant 2 : i32
    %eq3A_748 = vector.broadcast %eq3A_747 : i32 to vector<16xi32>
    %eq3A_749 = arith.cmpi eq, %iota3A, %eq3A_748 : vector<16xi32>
    %broadcast_in_dim3A_750 = vector.shape_cast %broadcast_in_dim3A_736 : vector<16xi32> to vector<16x1xi32>
    %gather3A_751 = vector.shape_cast %broadcast_in_dim3A_750 : vector<16x1xi32> to vector<16xi32>
    %gather3A_752 = tpu.dynamic_gather %get3A_15[%gather3A_751] in [0] : vector<16xf32>, vector<16xi32> -> vector<16xf32>
    %select_n3A_753 = arith.select %eq3A_749, %gather3A_752, %select_n3A_746 : vector<16xi1>, vector<16xf32>
    %eq3A_754 = arith.constant 3 : i32
    %eq3A_755 = vector.broadcast %eq3A_754 : i32 to vector<16xi32>
    %eq3A_756 = arith.cmpi eq, %iota3A, %eq3A_755 : vector<16xi32>
    %broadcast_in_dim3A_757 = vector.shape_cast %broadcast_in_dim3A_736 : vector<16xi32> to vector<16x1xi32>
    %gather3A_758 = vector.shape_cast %broadcast_in_dim3A_757 : vector<16x1xi32> to vector<16xi32>
    %gather3A_759 = tpu.dynamic_gather %get3A_19[%gather3A_758] in [0] : vector<16xf32>, vector<16xi32> -> vector<16xf32>
    %select_n3A_760 = arith.select %eq3A_756, %gather3A_759, %select_n3A_753 : vector<16xi1>, vector<16xf32>
    %eq3A_761 = arith.constant 4 : i32
    %eq3A_762 = vector.broadcast %eq3A_761 : i32 to vector<16xi32>
    %eq3A_763 = arith.cmpi eq, %iota3A, %eq3A_762 : vector<16xi32>
    %broadcast_in_dim3A_764 = vector.shape_cast %broadcast_in_dim3A_736 : vector<16xi32> to vector<16x1xi32>
    %gather3A_765 = vector.shape_cast %broadcast_in_dim3A_764 : vector<16x1xi32> to vector<16xi32>
    %gather3A_766 = tpu.dynamic_gather %get3A_23[%gather3A_765] in [0] : vector<16xf32>, vector<16xi32> -> vector<16xf32>
    %select_n3A_767 = arith.select %eq3A_763, %gather3A_766, %select_n3A_760 : vector<16xi1>, vector<16xf32>
    %eq3A_768 = arith.constant 5 : i32
    %eq3A_769 = vector.broadcast %eq3A_768 : i32 to vector<16xi32>
    %eq3A_770 = arith.cmpi eq, %iota3A, %eq3A_769 : vector<16xi32>
    %broadcast_in_dim3A_771 = vector.shape_cast %broadcast_in_dim3A_736 : vector<16xi32> to vector<16x1xi32>
    %gather3A_772 = vector.shape_cast %broadcast_in_dim3A_771 : vector<16x1xi32> to vector<16xi32>
    %gather3A_773 = tpu.dynamic_gather %get3A_27[%gather3A_772] in [0] : vector<16xf32>, vector<16xi32> -> vector<16xf32>
    %select_n3A_774 = arith.select %eq3A_770, %gather3A_773, %select_n3A_767 : vector<16xi1>, vector<16xf32>
    %eq3A_775 = arith.constant 6 : i32
    %eq3A_776 = vector.broadcast %eq3A_775 : i32 to vector<16xi32>
    %eq3A_777 = arith.cmpi eq, %iota3A, %eq3A_776 : vector<16xi32>
    %broadcast_in_dim3A_778 = vector.shape_cast %broadcast_in_dim3A_736 : vector<16xi32> to vector<16x1xi32>
    %gather3A_779 = vector.shape_cast %broadcast_in_dim3A_778 : vector<16x1xi32> to vector<16xi32>
    %gather3A_780 = tpu.dynamic_gather %get3A_31[%gather3A_779] in [0] : vector<16xf32>, vector<16xi32> -> vector<16xf32>
    %select_n3A_781 = arith.select %eq3A_777, %gather3A_780, %select_n3A_774 : vector<16xi1>, vector<16xf32>
    %eq3A_782 = arith.constant 7 : i32
    %eq3A_783 = vector.broadcast %eq3A_782 : i32 to vector<16xi32>
    %eq3A_784 = arith.cmpi eq, %iota3A, %eq3A_783 : vector<16xi32>
    %broadcast_in_dim3A_785 = vector.shape_cast %broadcast_in_dim3A_736 : vector<16xi32> to vector<16x1xi32>
    %gather3A_786 = vector.shape_cast %broadcast_in_dim3A_785 : vector<16x1xi32> to vector<16xi32>
    %gather3A_787 = tpu.dynamic_gather %get3A_35[%gather3A_786] in [0] : vector<16xf32>, vector<16xi32> -> vector<16xf32>
    %select_n3A_788 = arith.select %eq3A_784, %gather3A_787, %select_n3A_781 : vector<16xi1>, vector<16xf32>
    %broadcast_in_dim3A_789 = arith.constant 14 : i32
    %broadcast_in_dim3A_790 = vector.broadcast %broadcast_in_dim3A_789 : i32 to vector<16xi32>
    %broadcast_in_dim3A_791 = vector.shape_cast %broadcast_in_dim3A_790 : vector<16xi32> to vector<16x1xi32>
    %gather3A_792 = vector.shape_cast %broadcast_in_dim3A_791 : vector<16x1xi32> to vector<16xi32>
    %gather3A_793 = tpu.dynamic_gather %get3A_7[%gather3A_792] in [0] : vector<16xf32>, vector<16xi32> -> vector<16xf32>
    %eq3A_794 = arith.constant 1 : i32
    %eq3A_795 = vector.broadcast %eq3A_794 : i32 to vector<16xi32>
    %eq3A_796 = arith.cmpi eq, %iota3A, %eq3A_795 : vector<16xi32>
    %broadcast_in_dim3A_797 = vector.shape_cast %broadcast_in_dim3A_790 : vector<16xi32> to vector<16x1xi32>
    %gather3A_798 = vector.shape_cast %broadcast_in_dim3A_797 : vector<16x1xi32> to vector<16xi32>
    %gather3A_799 = tpu.dynamic_gather %get3A_11[%gather3A_798] in [0] : vector<16xf32>, vector<16xi32> -> vector<16xf32>
    %select_n3A_800 = arith.select %eq3A_796, %gather3A_799, %gather3A_793 : vector<16xi1>, vector<16xf32>
    %eq3A_801 = arith.constant 2 : i32
    %eq3A_802 = vector.broadcast %eq3A_801 : i32 to vector<16xi32>
    %eq3A_803 = arith.cmpi eq, %iota3A, %eq3A_802 : vector<16xi32>
    %broadcast_in_dim3A_804 = vector.shape_cast %broadcast_in_dim3A_790 : vector<16xi32> to vector<16x1xi32>
    %gather3A_805 = vector.shape_cast %broadcast_in_dim3A_804 : vector<16x1xi32> to vector<16xi32>
    %gather3A_806 = tpu.dynamic_gather %get3A_15[%gather3A_805] in [0] : vector<16xf32>, vector<16xi32> -> vector<16xf32>
    %select_n3A_807 = arith.select %eq3A_803, %gather3A_806, %select_n3A_800 : vector<16xi1>, vector<16xf32>
    %eq3A_808 = arith.constant 3 : i32
    %eq3A_809 = vector.broadcast %eq3A_808 : i32 to vector<16xi32>
    %eq3A_810 = arith.cmpi eq, %iota3A, %eq3A_809 : vector<16xi32>
    %broadcast_in_dim3A_811 = vector.shape_cast %broadcast_in_dim3A_790 : vector<16xi32> to vector<16x1xi32>
    %gather3A_812 = vector.shape_cast %broadcast_in_dim3A_811 : vector<16x1xi32> to vector<16xi32>
    %gather3A_813 = tpu.dynamic_gather %get3A_19[%gather3A_812] in [0] : vector<16xf32>, vector<16xi32> -> vector<16xf32>
    %select_n3A_814 = arith.select %eq3A_810, %gather3A_813, %select_n3A_807 : vector<16xi1>, vector<16xf32>
    %eq3A_815 = arith.constant 4 : i32
    %eq3A_816 = vector.broadcast %eq3A_815 : i32 to vector<16xi32>
    %eq3A_817 = arith.cmpi eq, %iota3A, %eq3A_816 : vector<16xi32>
    %broadcast_in_dim3A_818 = vector.shape_cast %broadcast_in_dim3A_790 : vector<16xi32> to vector<16x1xi32>
    %gather3A_819 = vector.shape_cast %broadcast_in_dim3A_818 : vector<16x1xi32> to vector<16xi32>
    %gather3A_820 = tpu.dynamic_gather %get3A_23[%gather3A_819] in [0] : vector<16xf32>, vector<16xi32> -> vector<16xf32>
    %select_n3A_821 = arith.select %eq3A_817, %gather3A_820, %select_n3A_814 : vector<16xi1>, vector<16xf32>
    %eq3A_822 = arith.constant 5 : i32
    %eq3A_823 = vector.broadcast %eq3A_822 : i32 to vector<16xi32>
    %eq3A_824 = arith.cmpi eq, %iota3A, %eq3A_823 : vector<16xi32>
    %broadcast_in_dim3A_825 = vector.shape_cast %broadcast_in_dim3A_790 : vector<16xi32> to vector<16x1xi32>
    %gather3A_826 = vector.shape_cast %broadcast_in_dim3A_825 : vector<16x1xi32> to vector<16xi32>
    %gather3A_827 = tpu.dynamic_gather %get3A_27[%gather3A_826] in [0] : vector<16xf32>, vector<16xi32> -> vector<16xf32>
    %select_n3A_828 = arith.select %eq3A_824, %gather3A_827, %select_n3A_821 : vector<16xi1>, vector<16xf32>
    %eq3A_829 = arith.constant 6 : i32
    %eq3A_830 = vector.broadcast %eq3A_829 : i32 to vector<16xi32>
    %eq3A_831 = arith.cmpi eq, %iota3A, %eq3A_830 : vector<16xi32>
    %broadcast_in_dim3A_832 = vector.shape_cast %broadcast_in_dim3A_790 : vector<16xi32> to vector<16x1xi32>
    %gather3A_833 = vector.shape_cast %broadcast_in_dim3A_832 : vector<16x1xi32> to vector<16xi32>
    %gather3A_834 = tpu.dynamic_gather %get3A_31[%gather3A_833] in [0] : vector<16xf32>, vector<16xi32> -> vector<16xf32>
    %select_n3A_835 = arith.select %eq3A_831, %gather3A_834, %select_n3A_828 : vector<16xi1>, vector<16xf32>
    %eq3A_836 = arith.constant 7 : i32
    %eq3A_837 = vector.broadcast %eq3A_836 : i32 to vector<16xi32>
    %eq3A_838 = arith.cmpi eq, %iota3A, %eq3A_837 : vector<16xi32>
    %broadcast_in_dim3A_839 = vector.shape_cast %broadcast_in_dim3A_790 : vector<16xi32> to vector<16x1xi32>
    %gather3A_840 = vector.shape_cast %broadcast_in_dim3A_839 : vector<16x1xi32> to vector<16xi32>
    %gather3A_841 = tpu.dynamic_gather %get3A_35[%gather3A_840] in [0] : vector<16xf32>, vector<16xi32> -> vector<16xf32>
    %select_n3A_842 = arith.select %eq3A_838, %gather3A_841, %select_n3A_835 : vector<16xi1>, vector<16xf32>
    %broadcast_in_dim3A_843 = arith.constant 15 : i32
    %broadcast_in_dim3A_844 = vector.broadcast %broadcast_in_dim3A_843 : i32 to vector<16xi32>
    %broadcast_in_dim3A_845 = vector.shape_cast %broadcast_in_dim3A_844 : vector<16xi32> to vector<16x1xi32>
    %gather3A_846 = vector.shape_cast %broadcast_in_dim3A_845 : vector<16x1xi32> to vector<16xi32>
    %gather3A_847 = tpu.dynamic_gather %get3A_7[%gather3A_846] in [0] : vector<16xf32>, vector<16xi32> -> vector<16xf32>
    %eq3A_848 = arith.constant 1 : i32
    %eq3A_849 = vector.broadcast %eq3A_848 : i32 to vector<16xi32>
    %eq3A_850 = arith.cmpi eq, %iota3A, %eq3A_849 : vector<16xi32>
    %broadcast_in_dim3A_851 = vector.shape_cast %broadcast_in_dim3A_844 : vector<16xi32> to vector<16x1xi32>
    %gather3A_852 = vector.shape_cast %broadcast_in_dim3A_851 : vector<16x1xi32> to vector<16xi32>
    %gather3A_853 = tpu.dynamic_gather %get3A_11[%gather3A_852] in [0] : vector<16xf32>, vector<16xi32> -> vector<16xf32>
    %select_n3A_854 = arith.select %eq3A_850, %gather3A_853, %gather3A_847 : vector<16xi1>, vector<16xf32>
    %eq3A_855 = arith.constant 2 : i32
    %eq3A_856 = vector.broadcast %eq3A_855 : i32 to vector<16xi32>
    %eq3A_857 = arith.cmpi eq, %iota3A, %eq3A_856 : vector<16xi32>
    %broadcast_in_dim3A_858 = vector.shape_cast %broadcast_in_dim3A_844 : vector<16xi32> to vector<16x1xi32>
    %gather3A_859 = vector.shape_cast %broadcast_in_dim3A_858 : vector<16x1xi32> to vector<16xi32>
    %gather3A_860 = tpu.dynamic_gather %get3A_15[%gather3A_859] in [0] : vector<16xf32>, vector<16xi32> -> vector<16xf32>
    %select_n3A_861 = arith.select %eq3A_857, %gather3A_860, %select_n3A_854 : vector<16xi1>, vector<16xf32>
    %eq3A_862 = arith.constant 3 : i32
    %eq3A_863 = vector.broadcast %eq3A_862 : i32 to vector<16xi32>
    %eq3A_864 = arith.cmpi eq, %iota3A, %eq3A_863 : vector<16xi32>
    %broadcast_in_dim3A_865 = vector.shape_cast %broadcast_in_dim3A_844 : vector<16xi32> to vector<16x1xi32>
    %gather3A_866 = vector.shape_cast %broadcast_in_dim3A_865 : vector<16x1xi32> to vector<16xi32>
    %gather3A_867 = tpu.dynamic_gather %get3A_19[%gather3A_866] in [0] : vector<16xf32>, vector<16xi32> -> vector<16xf32>
    %select_n3A_868 = arith.select %eq3A_864, %gather3A_867, %select_n3A_861 : vector<16xi1>, vector<16xf32>
    %eq3A_869 = arith.constant 4 : i32
    %eq3A_870 = vector.broadcast %eq3A_869 : i32 to vector<16xi32>
    %eq3A_871 = arith.cmpi eq, %iota3A, %eq3A_870 : vector<16xi32>
    %broadcast_in_dim3A_872 = vector.shape_cast %broadcast_in_dim3A_844 : vector<16xi32> to vector<16x1xi32>
    %gather3A_873 = vector.shape_cast %broadcast_in_dim3A_872 : vector<16x1xi32> to vector<16xi32>
    %gather3A_874 = tpu.dynamic_gather %get3A_23[%gather3A_873] in [0] : vector<16xf32>, vector<16xi32> -> vector<16xf32>
    %select_n3A_875 = arith.select %eq3A_871, %gather3A_874, %select_n3A_868 : vector<16xi1>, vector<16xf32>
    %eq3A_876 = arith.constant 5 : i32
    %eq3A_877 = vector.broadcast %eq3A_876 : i32 to vector<16xi32>
    %eq3A_878 = arith.cmpi eq, %iota3A, %eq3A_877 : vector<16xi32>
    %broadcast_in_dim3A_879 = vector.shape_cast %broadcast_in_dim3A_844 : vector<16xi32> to vector<16x1xi32>
    %gather3A_880 = vector.shape_cast %broadcast_in_dim3A_879 : vector<16x1xi32> to vector<16xi32>
    %gather3A_881 = tpu.dynamic_gather %get3A_27[%gather3A_880] in [0] : vector<16xf32>, vector<16xi32> -> vector<16xf32>
    %select_n3A_882 = arith.select %eq3A_878, %gather3A_881, %select_n3A_875 : vector<16xi1>, vector<16xf32>
    %eq3A_883 = arith.constant 6 : i32
    %eq3A_884 = vector.broadcast %eq3A_883 : i32 to vector<16xi32>
    %eq3A_885 = arith.cmpi eq, %iota3A, %eq3A_884 : vector<16xi32>
    %broadcast_in_dim3A_886 = vector.shape_cast %broadcast_in_dim3A_844 : vector<16xi32> to vector<16x1xi32>
    %gather3A_887 = vector.shape_cast %broadcast_in_dim3A_886 : vector<16x1xi32> to vector<16xi32>
    %gather3A_888 = tpu.dynamic_gather %get3A_31[%gather3A_887] in [0] : vector<16xf32>, vector<16xi32> -> vector<16xf32>
    %select_n3A_889 = arith.select %eq3A_885, %gather3A_888, %select_n3A_882 : vector<16xi1>, vector<16xf32>
    %eq3A_890 = arith.constant 7 : i32
    %eq3A_891 = vector.broadcast %eq3A_890 : i32 to vector<16xi32>
    %eq3A_892 = arith.cmpi eq, %iota3A, %eq3A_891 : vector<16xi32>
    %broadcast_in_dim3A_893 = vector.shape_cast %broadcast_in_dim3A_844 : vector<16xi32> to vector<16x1xi32>
    %gather3A_894 = vector.shape_cast %broadcast_in_dim3A_893 : vector<16x1xi32> to vector<16xi32>
    %gather3A_895 = tpu.dynamic_gather %get3A_35[%gather3A_894] in [0] : vector<16xf32>, vector<16xi32> -> vector<16xf32>
    %select_n3A_896 = arith.select %eq3A_892, %gather3A_895, %select_n3A_889 : vector<16xi1>, vector<16xf32>
    %jit3A = arith.constant 41 : i32
    %jit3A_897 = arith.constant 39 : i32
    %select_n3A_898 = arith.select %eq3A_3, %jit3A, %jit3A_897 : i32
    %while3A = arith.constant 0 : i32
    %while3A_899 = arith.constant 0 : i32
    %while3A_900 = arith.subi %select_n3A_898, %while3A_899 : i32
    %while3A_901 = arith.addi %while3A_899, %while3A_900 : i32
    %while3A_902 = arith.constant 1 : i32
    %while3A_903 = arith.divsi %while3A_900, %while3A_902 : i32
    %while3A_904 = arith.muli %while3A_903, %while3A_902 : i32
    %while3A_905 = arith.addi %while3A_899, %while3A_904 : i32
    %while3A_906 = arith.constant 1 : i32
    scf.for %while3A_917 = %while3A_899 to %while3A_905 step %while3A_906  : i32 {
      %mul3A_918 = arith.constant 128 : i32
      %mul3A_919 = arith.muli %while3A_917, %mul3A_918 : i32
      %add3A_920 = arith.constant 0 : i32
      %add3A_921 = arith.addi %mul3A_919, %add3A_920 : i32
      %get3A_922 = arith.index_cast %add3A_921 : i32 to index
      %get3A_923 = tpu.vector_load %arg6[%get3A_922] {strides = array<i32>} : memref<5248xi32, #tpu.memory_space<vmem>>, vector<16xi32>,
      %broadcast_in_dim3A_924 = vector.shape_cast %get3A_923 : vector<16xi32> to vector<16x1xi32>
      %gather3A_925 = vector.shape_cast %broadcast_in_dim3A_924 : vector<16x1xi32> to vector<16xi32>
      %gather3A_926 = tpu.dynamic_gather %select_n3A_86[%gather3A_925] in [0] : vector<16xf32>, vector<16xi32> -> vector<16xf32>
      %broadcast_in_dim3A_927 = vector.shape_cast %get3A_923 : vector<16xi32> to vector<16x1xi32>
      %gather3A_928 = vector.shape_cast %broadcast_in_dim3A_927 : vector<16x1xi32> to vector<16xi32>
      %gather3A_929 = tpu.dynamic_gather %select_n3A_140[%gather3A_928] in [0] : vector<16xf32>, vector<16xi32> -> vector<16xf32>
      %broadcast_in_dim3A_930 = vector.shape_cast %get3A_923 : vector<16xi32> to vector<16x1xi32>
      %gather3A_931 = vector.shape_cast %broadcast_in_dim3A_930 : vector<16x1xi32> to vector<16xi32>
      %gather3A_932 = tpu.dynamic_gather %select_n3A_194[%gather3A_931] in [0] : vector<16xf32>, vector<16xi32> -> vector<16xf32>
      %broadcast_in_dim3A_933 = vector.shape_cast %get3A_923 : vector<16xi32> to vector<16x1xi32>
      %gather3A_934 = vector.shape_cast %broadcast_in_dim3A_933 : vector<16x1xi32> to vector<16xi32>
      %gather3A_935 = tpu.dynamic_gather %select_n3A_248[%gather3A_934] in [0] : vector<16xf32>, vector<16xi32> -> vector<16xf32>
      %broadcast_in_dim3A_936 = vector.shape_cast %get3A_923 : vector<16xi32> to vector<16x1xi32>
      %gather3A_937 = vector.shape_cast %broadcast_in_dim3A_936 : vector<16x1xi32> to vector<16xi32>
      %gather3A_938 = tpu.dynamic_gather %select_n3A_302[%gather3A_937] in [0] : vector<16xf32>, vector<16xi32> -> vector<16xf32>
      %broadcast_in_dim3A_939 = vector.shape_cast %get3A_923 : vector<16xi32> to vector<16x1xi32>
      %gather3A_940 = vector.shape_cast %broadcast_in_dim3A_939 : vector<16x1xi32> to vector<16xi32>
      %gather3A_941 = tpu.dynamic_gather %select_n3A_356[%gather3A_940] in [0] : vector<16xf32>, vector<16xi32> -> vector<16xf32>
      %broadcast_in_dim3A_942 = vector.shape_cast %get3A_923 : vector<16xi32> to vector<16x1xi32>
      %gather3A_943 = vector.shape_cast %broadcast_in_dim3A_942 : vector<16x1xi32> to vector<16xi32>
      %gather3A_944 = tpu.dynamic_gather %select_n3A_410[%gather3A_943] in [0] : vector<16xf32>, vector<16xi32> -> vector<16xf32>
      %broadcast_in_dim3A_945 = vector.shape_cast %get3A_923 : vector<16xi32> to vector<16x1xi32>
      %gather3A_946 = vector.shape_cast %broadcast_in_dim3A_945 : vector<16x1xi32> to vector<16xi32>
      %gather3A_947 = tpu.dynamic_gather %select_n3A_464[%gather3A_946] in [0] : vector<16xf32>, vector<16xi32> -> vector<16xf32>
      %broadcast_in_dim3A_948 = vector.shape_cast %get3A_923 : vector<16xi32> to vector<16x1xi32>
      %gather3A_949 = vector.shape_cast %broadcast_in_dim3A_948 : vector<16x1xi32> to vector<16xi32>
      %gather3A_950 = tpu.dynamic_gather %select_n3A_518[%gather3A_949] in [0] : vector<16xf32>, vector<16xi32> -> vector<16xf32>
      %broadcast_in_dim3A_951 = vector.shape_cast %get3A_923 : vector<16xi32> to vector<16x1xi32>
      %gather3A_952 = vector.shape_cast %broadcast_in_dim3A_951 : vector<16x1xi32> to vector<16xi32>
      %gather3A_953 = tpu.dynamic_gather %select_n3A_572[%gather3A_952] in [0] : vector<16xf32>, vector<16xi32> -> vector<16xf32>
      %broadcast_in_dim3A_954 = vector.shape_cast %get3A_923 : vector<16xi32> to vector<16x1xi32>
      %gather3A_955 = vector.shape_cast %broadcast_in_dim3A_954 : vector<16x1xi32> to vector<16xi32>
      %gather3A_956 = tpu.dynamic_gather %select_n3A_626[%gather3A_955] in [0] : vector<16xf32>, vector<16xi32> -> vector<16xf32>
      %broadcast_in_dim3A_957 = vector.shape_cast %get3A_923 : vector<16xi32> to vector<16x1xi32>
      %gather3A_958 = vector.shape_cast %broadcast_in_dim3A_957 : vector<16x1xi32> to vector<16xi32>
      %gather3A_959 = tpu.dynamic_gather %select_n3A_680[%gather3A_958] in [0] : vector<16xf32>, vector<16xi32> -> vector<16xf32>
      %broadcast_in_dim3A_960 = vector.shape_cast %get3A_923 : vector<16xi32> to vector<16x1xi32>
      %gather3A_961 = vector.shape_cast %broadcast_in_dim3A_960 : vector<16x1xi32> to vector<16xi32>
      %gather3A_962 = tpu.dynamic_gather %select_n3A_734[%gather3A_961] in [0] : vector<16xf32>, vector<16xi32> -> vector<16xf32>
      %broadcast_in_dim3A_963 = vector.shape_cast %get3A_923 : vector<16xi32> to vector<16x1xi32>
      %gather3A_964 = vector.shape_cast %broadcast_in_dim3A_963 : vector<16x1xi32> to vector<16xi32>
      %gather3A_965 = tpu.dynamic_gather %select_n3A_788[%gather3A_964] in [0] : vector<16xf32>, vector<16xi32> -> vector<16xf32>
      %broadcast_in_dim3A_966 = vector.shape_cast %get3A_923 : vector<16xi32> to vector<16x1xi32>
      %gather3A_967 = vector.shape_cast %broadcast_in_dim3A_966 : vector<16x1xi32> to vector<16xi32>
      %gather3A_968 = tpu.dynamic_gather %select_n3A_842[%gather3A_967] in [0] : vector<16xf32>, vector<16xi32> -> vector<16xf32>
      %broadcast_in_dim3A_969 = vector.shape_cast %get3A_923 : vector<16xi32> to vector<16x1xi32>
      %gather3A_970 = vector.shape_cast %broadcast_in_dim3A_969 : vector<16x1xi32> to vector<16xi32>
      %gather3A_971 = tpu.dynamic_gather %select_n3A_896[%gather3A_970] in [0] : vector<16xf32>, vector<16xi32> -> vector<16xf32>
      %add3A_972 = arith.constant 0 : i32
      %add3A_973 = arith.addi %mul3A_919, %add3A_972 : i32
      %swap3A = arith.constant 0 : i32
      %swap3A_974 = arith.index_cast %swap3A : i32 to index
      %swap3A_975 = arith.index_cast %add3A_973 : i32 to index
      %swap3A_976 = tpu.vector_load %arg7[%swap3A_974, %swap3A_975] {strides = array<i32>} : memref<16x5248xf32, #tpu.memory_space<vmem>>, vector<16xf32>,
      tpu.vector_store %arg7[%swap3A_974, %swap3A_975], %gather3A_926 {strides = array<i32>} : memref<16x5248xf32, #tpu.memory_space<vmem>>, vector<16xf32>,
      %add3A_977 = arith.constant 0 : i32
      %add3A_978 = arith.addi %mul3A_919, %add3A_977 : i32
      %swap3A_979 = arith.constant 1 : i32
      %swap3A_980 = arith.index_cast %swap3A_979 : i32 to index
      %swap3A_981 = arith.index_cast %add3A_978 : i32 to index
      %swap3A_982 = tpu.vector_load %arg7[%swap3A_980, %swap3A_981] {strides = array<i32>} : memref<16x5248xf32, #tpu.memory_space<vmem>>, vector<16xf32>,
      tpu.vector_store %arg7[%swap3A_980, %swap3A_981], %gather3A_929 {strides = array<i32>} : memref<16x5248xf32, #tpu.memory_space<vmem>>, vector<16xf32>,
      %add3A_983 = arith.constant 0 : i32
      %add3A_984 = arith.addi %mul3A_919, %add3A_983 : i32
      %swap3A_985 = arith.constant 2 : i32
      %swap3A_986 = arith.index_cast %swap3A_985 : i32 to index
      %swap3A_987 = arith.index_cast %add3A_984 : i32 to index
      %swap3A_988 = tpu.vector_load %arg7[%swap3A_986, %swap3A_987] {strides = array<i32>} : memref<16x5248xf32, #tpu.memory_space<vmem>>, vector<16xf32>,
      tpu.vector_store %arg7[%swap3A_986, %swap3A_987], %gather3A_932 {strides = array<i32>} : memref<16x5248xf32, #tpu.memory_space<vmem>>, vector<16xf32>,
      %add3A_989 = arith.constant 0 : i32
      %add3A_990 = arith.addi %mul3A_919, %add3A_989 : i32
      %swap3A_991 = arith.constant 3 : i32
      %swap3A_992 = arith.index_cast %swap3A_991 : i32 to index
      %swap3A_993 = arith.index_cast %add3A_990 : i32 to index
      %swap3A_994 = tpu.vector_load %arg7[%swap3A_992, %swap3A_993] {strides = array<i32>} : memref<16x5248xf32, #tpu.memory_space<vmem>>, vector<16xf32>,
      tpu.vector_store %arg7[%swap3A_992, %swap3A_993], %gather3A_935 {strides = array<i32>} : memref<16x5248xf32, #tpu.memory_space<vmem>>, vector<16xf32>,
      %add3A_995 = arith.constant 0 : i32
      %add3A_996 = arith.addi %mul3A_919, %add3A_995 : i32
      %swap3A_997 = arith.constant 4 : i32
      %swap3A_998 = arith.index_cast %swap3A_997 : i32 to index
      %swap3A_999 = arith.index_cast %add3A_996 : i32 to index
      %swap3A_1000 = tpu.vector_load %arg7[%swap3A_998, %swap3A_999] {strides = array<i32>} : memref<16x5248xf32, #tpu.memory_space<vmem>>, vector<16xf32>,
      tpu.vector_store %arg7[%swap3A_998, %swap3A_999], %gather3A_938 {strides = array<i32>} : memref<16x5248xf32, #tpu.memory_space<vmem>>, vector<16xf32>,
      %add3A_1001 = arith.constant 0 : i32
      %add3A_1002 = arith.addi %mul3A_919, %add3A_1001 : i32
      %swap3A_1003 = arith.constant 5 : i32
      %swap3A_1004 = arith.index_cast %swap3A_1003 : i32 to index
      %swap3A_1005 = arith.index_cast %add3A_1002 : i32 to index
      %swap3A_1006 = tpu.vector_load %arg7[%swap3A_1004, %swap3A_1005] {strides = array<i32>} : memref<16x5248xf32, #tpu.memory_space<vmem>>, vector<16xf32>,
      tpu.vector_store %arg7[%swap3A_1004, %swap3A_1005], %gather3A_941 {strides = array<i32>} : memref<16x5248xf32, #tpu.memory_space<vmem>>, vector<16xf32>,
      %add3A_1007 = arith.constant 0 : i32
      %add3A_1008 = arith.addi %mul3A_919, %add3A_1007 : i32
      %swap3A_1009 = arith.constant 6 : i32
      %swap3A_1010 = arith.index_cast %swap3A_1009 : i32 to index
      %swap3A_1011 = arith.index_cast %add3A_1008 : i32 to index
      %swap3A_1012 = tpu.vector_load %arg7[%swap3A_1010, %swap3A_1011] {strides = array<i32>} : memref<16x5248xf32, #tpu.memory_space<vmem>>, vector<16xf32>,
      tpu.vector_store %arg7[%swap3A_1010, %swap3A_1011], %gather3A_944 {strides = array<i32>} : memref<16x5248xf32, #tpu.memory_space<vmem>>, vector<16xf32>,
      %add3A_1013 = arith.constant 0 : i32
      %add3A_1014 = arith.addi %mul3A_919, %add3A_1013 : i32
      %swap3A_1015 = arith.constant 7 : i32
      %swap3A_1016 = arith.index_cast %swap3A_1015 : i32 to index
      %swap3A_1017 = arith.index_cast %add3A_1014 : i32 to index
      %swap3A_1018 = tpu.vector_load %arg7[%swap3A_1016, %swap3A_1017] {strides = array<i32>} : memref<16x5248xf32, #tpu.memory_space<vmem>>, vector<16xf32>,
      tpu.vector_store %arg7[%swap3A_1016, %swap3A_1017], %gather3A_947 {strides = array<i32>} : memref<16x5248xf32, #tpu.memory_space<vmem>>, vector<16xf32>,
      %add3A_1019 = arith.constant 0 : i32
      %add3A_1020 = arith.addi %mul3A_919, %add3A_1019 : i32
      %swap3A_1021 = arith.constant 8 : i32
      %swap3A_1022 = arith.index_cast %swap3A_1021 : i32 to index
      %swap3A_1023 = arith.index_cast %add3A_1020 : i32 to index
      %swap3A_1024 = tpu.vector_load %arg7[%swap3A_1022, %swap3A_1023] {strides = array<i32>} : memref<16x5248xf32, #tpu.memory_space<vmem>>, vector<16xf32>,
      tpu.vector_store %arg7[%swap3A_1022, %swap3A_1023], %gather3A_950 {strides = array<i32>} : memref<16x5248xf32, #tpu.memory_space<vmem>>, vector<16xf32>,
      %add3A_1025 = arith.constant 0 : i32
      %add3A_1026 = arith.addi %mul3A_919, %add3A_1025 : i32
      %swap3A_1027 = arith.constant 9 : i32
      %swap3A_1028 = arith.index_cast %swap3A_1027 : i32 to index
      %swap3A_1029 = arith.index_cast %add3A_1026 : i32 to index
      %swap3A_1030 = tpu.vector_load %arg7[%swap3A_1028, %swap3A_1029] {strides = array<i32>} : memref<16x5248xf32, #tpu.memory_space<vmem>>, vector<16xf32>,
      tpu.vector_store %arg7[%swap3A_1028, %swap3A_1029], %gather3A_953 {strides = array<i32>} : memref<16x5248xf32, #tpu.memory_space<vmem>>, vector<16xf32>,
      %add3A_1031 = arith.constant 0 : i32
      %add3A_1032 = arith.addi %mul3A_919, %add3A_1031 : i32
      %swap3A_1033 = arith.constant 10 : i32
      %swap3A_1034 = arith.index_cast %swap3A_1033 : i32 to index
      %swap3A_1035 = arith.index_cast %add3A_1032 : i32 to index
      %swap3A_1036 = tpu.vector_load %arg7[%swap3A_1034, %swap3A_1035] {strides = array<i32>} : memref<16x5248xf32, #tpu.memory_space<vmem>>, vector<16xf32>,
      tpu.vector_store %arg7[%swap3A_1034, %swap3A_1035], %gather3A_956 {strides = array<i32>} : memref<16x5248xf32, #tpu.memory_space<vmem>>, vector<16xf32>,
      %add3A_1037 = arith.constant 0 : i32
      %add3A_1038 = arith.addi %mul3A_919, %add3A_1037 : i32
      %swap3A_1039 = arith.constant 11 : i32
      %swap3A_1040 = arith.index_cast %swap3A_1039 : i32 to index
      %swap3A_1041 = arith.index_cast %add3A_1038 : i32 to index
      %swap3A_1042 = tpu.vector_load %arg7[%swap3A_1040, %swap3A_1041] {strides = array<i32>} : memref<16x5248xf32, #tpu.memory_space<vmem>>, vector<16xf32>,
      tpu.vector_store %arg7[%swap3A_1040, %swap3A_1041], %gather3A_959 {strides = array<i32>} : memref<16x5248xf32, #tpu.memory_space<vmem>>, vector<16xf32>,
      %add3A_1043 = arith.constant 0 : i32
      %add3A_1044 = arith.addi %mul3A_919, %add3A_1043 : i32
      %swap3A_1045 = arith.constant 12 : i32
      %swap3A_1046 = arith.index_cast %swap3A_1045 : i32 to index
      %swap3A_1047 = arith.index_cast %add3A_1044 : i32 to index
      %swap3A_1048 = tpu.vector_load %arg7[%swap3A_1046, %swap3A_1047] {strides = array<i32>} : memref<16x5248xf32, #tpu.memory_space<vmem>>, vector<16xf32>,
      tpu.vector_store %arg7[%swap3A_1046, %swap3A_1047], %gather3A_962 {strides = array<i32>} : memref<16x5248xf32, #tpu.memory_space<vmem>>, vector<16xf32>,
      %add3A_1049 = arith.constant 0 : i32
      %add3A_1050 = arith.addi %mul3A_919, %add3A_1049 : i32
      %swap3A_1051 = arith.constant 13 : i32
      %swap3A_1052 = arith.index_cast %swap3A_1051 : i32 to index
      %swap3A_1053 = arith.index_cast %add3A_1050 : i32 to index
      %swap3A_1054 = tpu.vector_load %arg7[%swap3A_1052, %swap3A_1053] {strides = array<i32>} : memref<16x5248xf32, #tpu.memory_space<vmem>>, vector<16xf32>,
      tpu.vector_store %arg7[%swap3A_1052, %swap3A_1053], %gather3A_965 {strides = array<i32>} : memref<16x5248xf32, #tpu.memory_space<vmem>>, vector<16xf32>,
      %add3A_1055 = arith.constant 0 : i32
      %add3A_1056 = arith.addi %mul3A_919, %add3A_1055 : i32
      %swap3A_1057 = arith.constant 14 : i32
      %swap3A_1058 = arith.index_cast %swap3A_1057 : i32 to index
      %swap3A_1059 = arith.index_cast %add3A_1056 : i32 to index
      %swap3A_1060 = tpu.vector_load %arg7[%swap3A_1058, %swap3A_1059] {strides = array<i32>} : memref<16x5248xf32, #tpu.memory_space<vmem>>, vector<16xf32>,
      tpu.vector_store %arg7[%swap3A_1058, %swap3A_1059], %gather3A_968 {strides = array<i32>} : memref<16x5248xf32, #tpu.memory_space<vmem>>, vector<16xf32>,
      %add3A_1061 = arith.constant 0 : i32
      %add3A_1062 = arith.addi %mul3A_919, %add3A_1061 : i32
      %swap3A_1063 = arith.constant 15 : i32
      %swap3A_1064 = arith.index_cast %swap3A_1063 : i32 to index
      %swap3A_1065 = arith.index_cast %add3A_1062 : i32 to index
      %swap3A_1066 = tpu.vector_load %arg7[%swap3A_1064, %swap3A_1065] {strides = array<i32>} : memref<16x5248xf32, #tpu.memory_space<vmem>>, vector<16xf32>,
      tpu.vector_store %arg7[%swap3A_1064, %swap3A_1065], %gather3A_971 {strides = array<i32>} : memref<16x5248xf32, #tpu.memory_space<vmem>>, vector<16xf32>,
      %add3A_1067 = arith.constant 16 : i32
      %add3A_1068 = arith.addi %mul3A_919, %add3A_1067 : i32
      %get3A_1069 = arith.index_cast %add3A_1068 : i32 to index
      %get3A_1070 = tpu.vector_load %arg6[%get3A_1069] {strides = array<i32>} : memref<5248xi32, #tpu.memory_space<vmem>>, vector<16xi32>,
      %broadcast_in_dim3A_1071 = vector.shape_cast %get3A_1070 : vector<16xi32> to vector<16x1xi32>
      %gather3A_1072 = vector.shape_cast %broadcast_in_dim3A_1071 : vector<16x1xi32> to vector<16xi32>
      %gather3A_1073 = tpu.dynamic_gather %select_n3A_86[%gather3A_1072] in [0] : vector<16xf32>, vector<16xi32> -> vector<16xf32>
      %broadcast_in_dim3A_1074 = vector.shape_cast %get3A_1070 : vector<16xi32> to vector<16x1xi32>
      %gather3A_1075 = vector.shape_cast %broadcast_in_dim3A_1074 : vector<16x1xi32> to vector<16xi32>
      %gather3A_1076 = tpu.dynamic_gather %select_n3A_140[%gather3A_1075] in [0] : vector<16xf32>, vector<16xi32> -> vector<16xf32>
      %broadcast_in_dim3A_1077 = vector.shape_cast %get3A_1070 : vector<16xi32> to vector<16x1xi32>
      %gather3A_1078 = vector.shape_cast %broadcast_in_dim3A_1077 : vector<16x1xi32> to vector<16xi32>
      %gather3A_1079 = tpu.dynamic_gather %select_n3A_194[%gather3A_1078] in [0] : vector<16xf32>, vector<16xi32> -> vector<16xf32>
      %broadcast_in_dim3A_1080 = vector.shape_cast %get3A_1070 : vector<16xi32> to vector<16x1xi32>
      %gather3A_1081 = vector.shape_cast %broadcast_in_dim3A_1080 : vector<16x1xi32> to vector<16xi32>
      %gather3A_1082 = tpu.dynamic_gather %select_n3A_248[%gather3A_1081] in [0] : vector<16xf32>, vector<16xi32> -> vector<16xf32>
      %broadcast_in_dim3A_1083 = vector.shape_cast %get3A_1070 : vector<16xi32> to vector<16x1xi32>
      %gather3A_1084 = vector.shape_cast %broadcast_in_dim3A_1083 : vector<16x1xi32> to vector<16xi32>
      %gather3A_1085 = tpu.dynamic_gather %select_n3A_302[%gather3A_1084] in [0] : vector<16xf32>, vector<16xi32> -> vector<16xf32>
      %broadcast_in_dim3A_1086 = vector.shape_cast %get3A_1070 : vector<16xi32> to vector<16x1xi32>
      %gather3A_1087 = vector.shape_cast %broadcast_in_dim3A_1086 : vector<16x1xi32> to vector<16xi32>
      %gather3A_1088 = tpu.dynamic_gather %select_n3A_356[%gather3A_1087] in [0] : vector<16xf32>, vector<16xi32> -> vector<16xf32>
      %broadcast_in_dim3A_1089 = vector.shape_cast %get3A_1070 : vector<16xi32> to vector<16x1xi32>
      %gather3A_1090 = vector.shape_cast %broadcast_in_dim3A_1089 : vector<16x1xi32> to vector<16xi32>
      %gather3A_1091 = tpu.dynamic_gather %select_n3A_410[%gather3A_1090] in [0] : vector<16xf32>, vector<16xi32> -> vector<16xf32>
      %broadcast_in_dim3A_1092 = vector.shape_cast %get3A_1070 : vector<16xi32> to vector<16x1xi32>
      %gather3A_1093 = vector.shape_cast %broadcast_in_dim3A_1092 : vector<16x1xi32> to vector<16xi32>
      %gather3A_1094 = tpu.dynamic_gather %select_n3A_464[%gather3A_1093] in [0] : vector<16xf32>, vector<16xi32> -> vector<16xf32>
      %broadcast_in_dim3A_1095 = vector.shape_cast %get3A_1070 : vector<16xi32> to vector<16x1xi32>
      %gather3A_1096 = vector.shape_cast %broadcast_in_dim3A_1095 : vector<16x1xi32> to vector<16xi32>
      %gather3A_1097 = tpu.dynamic_gather %select_n3A_518[%gather3A_1096] in [0] : vector<16xf32>, vector<16xi32> -> vector<16xf32>
      %broadcast_in_dim3A_1098 = vector.shape_cast %get3A_1070 : vector<16xi32> to vector<16x1xi32>
      %gather3A_1099 = vector.shape_cast %broadcast_in_dim3A_1098 : vector<16x1xi32> to vector<16xi32>
      %gather3A_1100 = tpu.dynamic_gather %select_n3A_572[%gather3A_1099] in [0] : vector<16xf32>, vector<16xi32> -> vector<16xf32>
      %broadcast_in_dim3A_1101 = vector.shape_cast %get3A_1070 : vector<16xi32> to vector<16x1xi32>
      %gather3A_1102 = vector.shape_cast %broadcast_in_dim3A_1101 : vector<16x1xi32> to vector<16xi32>
      %gather3A_1103 = tpu.dynamic_gather %select_n3A_626[%gather3A_1102] in [0] : vector<16xf32>, vector<16xi32> -> vector<16xf32>
      %broadcast_in_dim3A_1104 = vector.shape_cast %get3A_1070 : vector<16xi32> to vector<16x1xi32>
      %gather3A_1105 = vector.shape_cast %broadcast_in_dim3A_1104 : vector<16x1xi32> to vector<16xi32>
      %gather3A_1106 = tpu.dynamic_gather %select_n3A_680[%gather3A_1105] in [0] : vector<16xf32>, vector<16xi32> -> vector<16xf32>
      %broadcast_in_dim3A_1107 = vector.shape_cast %get3A_1070 : vector<16xi32> to vector<16x1xi32>
      %gather3A_1108 = vector.shape_cast %broadcast_in_dim3A_1107 : vector<16x1xi32> to vector<16xi32>
      %gather3A_1109 = tpu.dynamic_gather %select_n3A_734[%gather3A_1108] in [0] : vector<16xf32>, vector<16xi32> -> vector<16xf32>
      %broadcast_in_dim3A_1110 = vector.shape_cast %get3A_1070 : vector<16xi32> to vector<16x1xi32>
      %gather3A_1111 = vector.shape_cast %broadcast_in_dim3A_1110 : vector<16x1xi32> to vector<16xi32>
      %gather3A_1112 = tpu.dynamic_gather %select_n3A_788[%gather3A_1111] in [0] : vector<16xf32>, vector<16xi32> -> vector<16xf32>
      %broadcast_in_dim3A_1113 = vector.shape_cast %get3A_1070 : vector<16xi32> to vector<16x1xi32>
      %gather3A_1114 = vector.shape_cast %broadcast_in_dim3A_1113 : vector<16x1xi32> to vector<16xi32>
      %gather3A_1115 = tpu.dynamic_gather %select_n3A_842[%gather3A_1114] in [0] : vector<16xf32>, vector<16xi32> -> vector<16xf32>
      %broadcast_in_dim3A_1116 = vector.shape_cast %get3A_1070 : vector<16xi32> to vector<16x1xi32>
      %gather3A_1117 = vector.shape_cast %broadcast_in_dim3A_1116 : vector<16x1xi32> to vector<16xi32>
      %gather3A_1118 = tpu.dynamic_gather %select_n3A_896[%gather3A_1117] in [0] : vector<16xf32>, vector<16xi32> -> vector<16xf32>
      %add3A_1119 = arith.constant 16 : i32
      %add3A_1120 = arith.addi %mul3A_919, %add3A_1119 : i32
      %swap3A_1121 = arith.constant 0 : i32
      %swap3A_1122 = arith.index_cast %swap3A_1121 : i32 to index
      %swap3A_1123 = arith.index_cast %add3A_1120 : i32 to index
      %swap3A_1124 = tpu.vector_load %arg7[%swap3A_1122, %swap3A_1123] {strides = array<i32>} : memref<16x5248xf32, #tpu.memory_space<vmem>>, vector<16xf32>,
      tpu.vector_store %arg7[%swap3A_1122, %swap3A_1123], %gather3A_1073 {strides = array<i32>} : memref<16x5248xf32, #tpu.memory_space<vmem>>, vector<16xf32>,
      %add3A_1125 = arith.constant 16 : i32
      %add3A_1126 = arith.addi %mul3A_919, %add3A_1125 : i32
      %swap3A_1127 = arith.constant 1 : i32
      %swap3A_1128 = arith.index_cast %swap3A_1127 : i32 to index
      %swap3A_1129 = arith.index_cast %add3A_1126 : i32 to index
      %swap3A_1130 = tpu.vector_load %arg7[%swap3A_1128, %swap3A_1129] {strides = array<i32>} : memref<16x5248xf32, #tpu.memory_space<vmem>>, vector<16xf32>,
      tpu.vector_store %arg7[%swap3A_1128, %swap3A_1129], %gather3A_1076 {strides = array<i32>} : memref<16x5248xf32, #tpu.memory_space<vmem>>, vector<16xf32>,
      %add3A_1131 = arith.constant 16 : i32
      %add3A_1132 = arith.addi %mul3A_919, %add3A_1131 : i32
      %swap3A_1133 = arith.constant 2 : i32
      %swap3A_1134 = arith.index_cast %swap3A_1133 : i32 to index
      %swap3A_1135 = arith.index_cast %add3A_1132 : i32 to index
      %swap3A_1136 = tpu.vector_load %arg7[%swap3A_1134, %swap3A_1135] {strides = array<i32>} : memref<16x5248xf32, #tpu.memory_space<vmem>>, vector<16xf32>,
      tpu.vector_store %arg7[%swap3A_1134, %swap3A_1135], %gather3A_1079 {strides = array<i32>} : memref<16x5248xf32, #tpu.memory_space<vmem>>, vector<16xf32>,
      %add3A_1137 = arith.constant 16 : i32
      %add3A_1138 = arith.addi %mul3A_919, %add3A_1137 : i32
      %swap3A_1139 = arith.constant 3 : i32
      %swap3A_1140 = arith.index_cast %swap3A_1139 : i32 to index
      %swap3A_1141 = arith.index_cast %add3A_1138 : i32 to index
      %swap3A_1142 = tpu.vector_load %arg7[%swap3A_1140, %swap3A_1141] {strides = array<i32>} : memref<16x5248xf32, #tpu.memory_space<vmem>>, vector<16xf32>,
      tpu.vector_store %arg7[%swap3A_1140, %swap3A_1141], %gather3A_1082 {strides = array<i32>} : memref<16x5248xf32, #tpu.memory_space<vmem>>, vector<16xf32>,
      %add3A_1143 = arith.constant 16 : i32
      %add3A_1144 = arith.addi %mul3A_919, %add3A_1143 : i32
      %swap3A_1145 = arith.constant 4 : i32
      %swap3A_1146 = arith.index_cast %swap3A_1145 : i32 to index
      %swap3A_1147 = arith.index_cast %add3A_1144 : i32 to index
      %swap3A_1148 = tpu.vector_load %arg7[%swap3A_1146, %swap3A_1147] {strides = array<i32>} : memref<16x5248xf32, #tpu.memory_space<vmem>>, vector<16xf32>,
      tpu.vector_store %arg7[%swap3A_1146, %swap3A_1147], %gather3A_1085 {strides = array<i32>} : memref<16x5248xf32, #tpu.memory_space<vmem>>, vector<16xf32>,
      %add3A_1149 = arith.constant 16 : i32
      %add3A_1150 = arith.addi %mul3A_919, %add3A_1149 : i32
      %swap3A_1151 = arith.constant 5 : i32
      %swap3A_1152 = arith.index_cast %swap3A_1151 : i32 to index
      %swap3A_1153 = arith.index_cast %add3A_1150 : i32 to index
      %swap3A_1154 = tpu.vector_load %arg7[%swap3A_1152, %swap3A_1153] {strides = array<i32>} : memref<16x5248xf32, #tpu.memory_space<vmem>>, vector<16xf32>,
      tpu.vector_store %arg7[%swap3A_1152, %swap3A_1153], %gather3A_1088 {strides = array<i32>} : memref<16x5248xf32, #tpu.memory_space<vmem>>, vector<16xf32>,
      %add3A_1155 = arith.constant 16 : i32
      %add3A_1156 = arith.addi %mul3A_919, %add3A_1155 : i32
      %swap3A_1157 = arith.constant 6 : i32
      %swap3A_1158 = arith.index_cast %swap3A_1157 : i32 to index
      %swap3A_1159 = arith.index_cast %add3A_1156 : i32 to index
      %swap3A_1160 = tpu.vector_load %arg7[%swap3A_1158, %swap3A_1159] {strides = array<i32>} : memref<16x5248xf32, #tpu.memory_space<vmem>>, vector<16xf32>,
      tpu.vector_store %arg7[%swap3A_1158, %swap3A_1159], %gather3A_1091 {strides = array<i32>} : memref<16x5248xf32, #tpu.memory_space<vmem>>, vector<16xf32>,
      %add3A_1161 = arith.constant 16 : i32
      %add3A_1162 = arith.addi %mul3A_919, %add3A_1161 : i32
      %swap3A_1163 = arith.constant 7 : i32
      %swap3A_1164 = arith.index_cast %swap3A_1163 : i32 to index
      %swap3A_1165 = arith.index_cast %add3A_1162 : i32 to index
      %swap3A_1166 = tpu.vector_load %arg7[%swap3A_1164, %swap3A_1165] {strides = array<i32>} : memref<16x5248xf32, #tpu.memory_space<vmem>>, vector<16xf32>,
      tpu.vector_store %arg7[%swap3A_1164, %swap3A_1165], %gather3A_1094 {strides = array<i32>} : memref<16x5248xf32, #tpu.memory_space<vmem>>, vector<16xf32>,
      %add3A_1167 = arith.constant 16 : i32
      %add3A_1168 = arith.addi %mul3A_919, %add3A_1167 : i32
      %swap3A_1169 = arith.constant 8 : i32
      %swap3A_1170 = arith.index_cast %swap3A_1169 : i32 to index
      %swap3A_1171 = arith.index_cast %add3A_1168 : i32 to index
      %swap3A_1172 = tpu.vector_load %arg7[%swap3A_1170, %swap3A_1171] {strides = array<i32>} : memref<16x5248xf32, #tpu.memory_space<vmem>>, vector<16xf32>,
      tpu.vector_store %arg7[%swap3A_1170, %swap3A_1171], %gather3A_1097 {strides = array<i32>} : memref<16x5248xf32, #tpu.memory_space<vmem>>, vector<16xf32>,
      %add3A_1173 = arith.constant 16 : i32
      %add3A_1174 = arith.addi %mul3A_919, %add3A_1173 : i32
      %swap3A_1175 = arith.constant 9 : i32
      %swap3A_1176 = arith.index_cast %swap3A_1175 : i32 to index
      %swap3A_1177 = arith.index_cast %add3A_1174 : i32 to index
      %swap3A_1178 = tpu.vector_load %arg7[%swap3A_1176, %swap3A_1177] {strides = array<i32>} : memref<16x5248xf32, #tpu.memory_space<vmem>>, vector<16xf32>,
      tpu.vector_store %arg7[%swap3A_1176, %swap3A_1177], %gather3A_1100 {strides = array<i32>} : memref<16x5248xf32, #tpu.memory_space<vmem>>, vector<16xf32>,
      %add3A_1179 = arith.constant 16 : i32
      %add3A_1180 = arith.addi %mul3A_919, %add3A_1179 : i32
      %swap3A_1181 = arith.constant 10 : i32
      %swap3A_1182 = arith.index_cast %swap3A_1181 : i32 to index
      %swap3A_1183 = arith.index_cast %add3A_1180 : i32 to index
      %swap3A_1184 = tpu.vector_load %arg7[%swap3A_1182, %swap3A_1183] {strides = array<i32>} : memref<16x5248xf32, #tpu.memory_space<vmem>>, vector<16xf32>,
      tpu.vector_store %arg7[%swap3A_1182, %swap3A_1183], %gather3A_1103 {strides = array<i32>} : memref<16x5248xf32, #tpu.memory_space<vmem>>, vector<16xf32>,
      %add3A_1185 = arith.constant 16 : i32
      %add3A_1186 = arith.addi %mul3A_919, %add3A_1185 : i32
      %swap3A_1187 = arith.constant 11 : i32
      %swap3A_1188 = arith.index_cast %swap3A_1187 : i32 to index
      %swap3A_1189 = arith.index_cast %add3A_1186 : i32 to index
      %swap3A_1190 = tpu.vector_load %arg7[%swap3A_1188, %swap3A_1189] {strides = array<i32>} : memref<16x5248xf32, #tpu.memory_space<vmem>>, vector<16xf32>,
      tpu.vector_store %arg7[%swap3A_1188, %swap3A_1189], %gather3A_1106 {strides = array<i32>} : memref<16x5248xf32, #tpu.memory_space<vmem>>, vector<16xf32>,
      %add3A_1191 = arith.constant 16 : i32
      %add3A_1192 = arith.addi %mul3A_919, %add3A_1191 : i32
      %swap3A_1193 = arith.constant 12 : i32
      %swap3A_1194 = arith.index_cast %swap3A_1193 : i32 to index
      %swap3A_1195 = arith.index_cast %add3A_1192 : i32 to index
      %swap3A_1196 = tpu.vector_load %arg7[%swap3A_1194, %swap3A_1195] {strides = array<i32>} : memref<16x5248xf32, #tpu.memory_space<vmem>>, vector<16xf32>,
      tpu.vector_store %arg7[%swap3A_1194, %swap3A_1195], %gather3A_1109 {strides = array<i32>} : memref<16x5248xf32, #tpu.memory_space<vmem>>, vector<16xf32>,
      %add3A_1197 = arith.constant 16 : i32
      %add3A_1198 = arith.addi %mul3A_919, %add3A_1197 : i32
      %swap3A_1199 = arith.constant 13 : i32
      %swap3A_1200 = arith.index_cast %swap3A_1199 : i32 to index
      %swap3A_1201 = arith.index_cast %add3A_1198 : i32 to index
      %swap3A_1202 = tpu.vector_load %arg7[%swap3A_1200, %swap3A_1201] {strides = array<i32>} : memref<16x5248xf32, #tpu.memory_space<vmem>>, vector<16xf32>,
      tpu.vector_store %arg7[%swap3A_1200, %swap3A_1201], %gather3A_1112 {strides = array<i32>} : memref<16x5248xf32, #tpu.memory_space<vmem>>, vector<16xf32>,
      %add3A_1203 = arith.constant 16 : i32
      %add3A_1204 = arith.addi %mul3A_919, %add3A_1203 : i32
      %swap3A_1205 = arith.constant 14 : i32
      %swap3A_1206 = arith.index_cast %swap3A_1205 : i32 to index
      %swap3A_1207 = arith.index_cast %add3A_1204 : i32 to index
      %swap3A_1208 = tpu.vector_load %arg7[%swap3A_1206, %swap3A_1207] {strides = array<i32>} : memref<16x5248xf32, #tpu.memory_space<vmem>>, vector<16xf32>,
      tpu.vector_store %arg7[%swap3A_1206, %swap3A_1207], %gather3A_1115 {strides = array<i32>} : memref<16x5248xf32, #tpu.memory_space<vmem>>, vector<16xf32>,
      %add3A_1209 = arith.constant 16 : i32
      %add3A_1210 = arith.addi %mul3A_919, %add3A_1209 : i32
      %swap3A_1211 = arith.constant 15 : i32
      %swap3A_1212 = arith.index_cast %swap3A_1211 : i32 to index
      %swap3A_1213 = arith.index_cast %add3A_1210 : i32 to index
      %swap3A_1214 = tpu.vector_load %arg7[%swap3A_1212, %swap3A_1213] {strides = array<i32>} : memref<16x5248xf32, #tpu.memory_space<vmem>>, vector<16xf32>,
      tpu.vector_store %arg7[%swap3A_1212, %swap3A_1213], %gather3A_1118 {strides = array<i32>} : memref<16x5248xf32, #tpu.memory_space<vmem>>, vector<16xf32>,
      %add3A_1215 = arith.constant 32 : i32
      %add3A_1216 = arith.addi %mul3A_919, %add3A_1215 : i32
      %get3A_1217 = arith.index_cast %add3A_1216 : i32 to index
      %get3A_1218 = tpu.vector_load %arg6[%get3A_1217] {strides = array<i32>} : memref<5248xi32, #tpu.memory_space<vmem>>, vector<16xi32>,
      %broadcast_in_dim3A_1219 = vector.shape_cast %get3A_1218 : vector<16xi32> to vector<16x1xi32>
      %gather3A_1220 = vector.shape_cast %broadcast_in_dim3A_1219 : vector<16x1xi32> to vector<16xi32>
      %gather3A_1221 = tpu.dynamic_gather %select_n3A_86[%gather3A_1220] in [0] : vector<16xf32>, vector<16xi32> -> vector<16xf32>
      %broadcast_in_dim3A_1222 = vector.shape_cast %get3A_1218 : vector<16xi32> to vector<16x1xi32>
      %gather3A_1223 = vector.shape_cast %broadcast_in_dim3A_1222 : vector<16x1xi32> to vector<16xi32>
      %gather3A_1224 = tpu.dynamic_gather %select_n3A_140[%gather3A_1223] in [0] : vector<16xf32>, vector<16xi32> -> vector<16xf32>
      %broadcast_in_dim3A_1225 = vector.shape_cast %get3A_1218 : vector<16xi32> to vector<16x1xi32>
      %gather3A_1226 = vector.shape_cast %broadcast_in_dim3A_1225 : vector<16x1xi32> to vector<16xi32>
      %gather3A_1227 = tpu.dynamic_gather %select_n3A_194[%gather3A_1226] in [0] : vector<16xf32>, vector<16xi32> -> vector<16xf32>
      %broadcast_in_dim3A_1228 = vector.shape_cast %get3A_1218 : vector<16xi32> to vector<16x1xi32>
      %gather3A_1229 = vector.shape_cast %broadcast_in_dim3A_1228 : vector<16x1xi32> to vector<16xi32>
      %gather3A_1230 = tpu.dynamic_gather %select_n3A_248[%gather3A_1229] in [0] : vector<16xf32>, vector<16xi32> -> vector<16xf32>
      %broadcast_in_dim3A_1231 = vector.shape_cast %get3A_1218 : vector<16xi32> to vector<16x1xi32>
      %gather3A_1232 = vector.shape_cast %broadcast_in_dim3A_1231 : vector<16x1xi32> to vector<16xi32>
      %gather3A_1233 = tpu.dynamic_gather %select_n3A_302[%gather3A_1232] in [0] : vector<16xf32>, vector<16xi32> -> vector<16xf32>
      %broadcast_in_dim3A_1234 = vector.shape_cast %get3A_1218 : vector<16xi32> to vector<16x1xi32>
      %gather3A_1235 = vector.shape_cast %broadcast_in_dim3A_1234 : vector<16x1xi32> to vector<16xi32>
      %gather3A_1236 = tpu.dynamic_gather %select_n3A_356[%gather3A_1235] in [0] : vector<16xf32>, vector<16xi32> -> vector<16xf32>
      %broadcast_in_dim3A_1237 = vector.shape_cast %get3A_1218 : vector<16xi32> to vector<16x1xi32>
      %gather3A_1238 = vector.shape_cast %broadcast_in_dim3A_1237 : vector<16x1xi32> to vector<16xi32>
      %gather3A_1239 = tpu.dynamic_gather %select_n3A_410[%gather3A_1238] in [0] : vector<16xf32>, vector<16xi32> -> vector<16xf32>
      %broadcast_in_dim3A_1240 = vector.shape_cast %get3A_1218 : vector<16xi32> to vector<16x1xi32>
      %gather3A_1241 = vector.shape_cast %broadcast_in_dim3A_1240 : vector<16x1xi32> to vector<16xi32>
      %gather3A_1242 = tpu.dynamic_gather %select_n3A_464[%gather3A_1241] in [0] : vector<16xf32>, vector<16xi32> -> vector<16xf32>
      %broadcast_in_dim3A_1243 = vector.shape_cast %get3A_1218 : vector<16xi32> to vector<16x1xi32>
      %gather3A_1244 = vector.shape_cast %broadcast_in_dim3A_1243 : vector<16x1xi32> to vector<16xi32>
      %gather3A_1245 = tpu.dynamic_gather %select_n3A_518[%gather3A_1244] in [0] : vector<16xf32>, vector<16xi32> -> vector<16xf32>
      %broadcast_in_dim3A_1246 = vector.shape_cast %get3A_1218 : vector<16xi32> to vector<16x1xi32>
      %gather3A_1247 = vector.shape_cast %broadcast_in_dim3A_1246 : vector<16x1xi32> to vector<16xi32>
      %gather3A_1248 = tpu.dynamic_gather %select_n3A_572[%gather3A_1247] in [0] : vector<16xf32>, vector<16xi32> -> vector<16xf32>
      %broadcast_in_dim3A_1249 = vector.shape_cast %get3A_1218 : vector<16xi32> to vector<16x1xi32>
      %gather3A_1250 = vector.shape_cast %broadcast_in_dim3A_1249 : vector<16x1xi32> to vector<16xi32>
      %gather3A_1251 = tpu.dynamic_gather %select_n3A_626[%gather3A_1250] in [0] : vector<16xf32>, vector<16xi32> -> vector<16xf32>
      %broadcast_in_dim3A_1252 = vector.shape_cast %get3A_1218 : vector<16xi32> to vector<16x1xi32>
      %gather3A_1253 = vector.shape_cast %broadcast_in_dim3A_1252 : vector<16x1xi32> to vector<16xi32>
      %gather3A_1254 = tpu.dynamic_gather %select_n3A_680[%gather3A_1253] in [0] : vector<16xf32>, vector<16xi32> -> vector<16xf32>
      %broadcast_in_dim3A_1255 = vector.shape_cast %get3A_1218 : vector<16xi32> to vector<16x1xi32>
      %gather3A_1256 = vector.shape_cast %broadcast_in_dim3A_1255 : vector<16x1xi32> to vector<16xi32>
      %gather3A_1257 = tpu.dynamic_gather %select_n3A_734[%gather3A_1256] in [0] : vector<16xf32>, vector<16xi32> -> vector<16xf32>
      %broadcast_in_dim3A_1258 = vector.shape_cast %get3A_1218 : vector<16xi32> to vector<16x1xi32>
      %gather3A_1259 = vector.shape_cast %broadcast_in_dim3A_1258 : vector<16x1xi32> to vector<16xi32>
      %gather3A_1260 = tpu.dynamic_gather %select_n3A_788[%gather3A_1259] in [0] : vector<16xf32>, vector<16xi32> -> vector<16xf32>
      %broadcast_in_dim3A_1261 = vector.shape_cast %get3A_1218 : vector<16xi32> to vector<16x1xi32>
      %gather3A_1262 = vector.shape_cast %broadcast_in_dim3A_1261 : vector<16x1xi32> to vector<16xi32>
      %gather3A_1263 = tpu.dynamic_gather %select_n3A_842[%gather3A_1262] in [0] : vector<16xf32>, vector<16xi32> -> vector<16xf32>
      %broadcast_in_dim3A_1264 = vector.shape_cast %get3A_1218 : vector<16xi32> to vector<16x1xi32>
      %gather3A_1265 = vector.shape_cast %broadcast_in_dim3A_1264 : vector<16x1xi32> to vector<16xi32>
      %gather3A_1266 = tpu.dynamic_gather %select_n3A_896[%gather3A_1265] in [0] : vector<16xf32>, vector<16xi32> -> vector<16xf32>
      %add3A_1267 = arith.constant 32 : i32
      %add3A_1268 = arith.addi %mul3A_919, %add3A_1267 : i32
      %swap3A_1269 = arith.constant 0 : i32
      %swap3A_1270 = arith.index_cast %swap3A_1269 : i32 to index
      %swap3A_1271 = arith.index_cast %add3A_1268 : i32 to index
      %swap3A_1272 = tpu.vector_load %arg7[%swap3A_1270, %swap3A_1271] {strides = array<i32>} : memref<16x5248xf32, #tpu.memory_space<vmem>>, vector<16xf32>,
      tpu.vector_store %arg7[%swap3A_1270, %swap3A_1271], %gather3A_1221 {strides = array<i32>} : memref<16x5248xf32, #tpu.memory_space<vmem>>, vector<16xf32>,
      %add3A_1273 = arith.constant 32 : i32
      %add3A_1274 = arith.addi %mul3A_919, %add3A_1273 : i32
      %swap3A_1275 = arith.constant 1 : i32
      %swap3A_1276 = arith.index_cast %swap3A_1275 : i32 to index
      %swap3A_1277 = arith.index_cast %add3A_1274 : i32 to index
      %swap3A_1278 = tpu.vector_load %arg7[%swap3A_1276, %swap3A_1277] {strides = array<i32>} : memref<16x5248xf32, #tpu.memory_space<vmem>>, vector<16xf32>,
      tpu.vector_store %arg7[%swap3A_1276, %swap3A_1277], %gather3A_1224 {strides = array<i32>} : memref<16x5248xf32, #tpu.memory_space<vmem>>, vector<16xf32>,
      %add3A_1279 = arith.constant 32 : i32
      %add3A_1280 = arith.addi %mul3A_919, %add3A_1279 : i32
      %swap3A_1281 = arith.constant 2 : i32
      %swap3A_1282 = arith.index_cast %swap3A_1281 : i32 to index
      %swap3A_1283 = arith.index_cast %add3A_1280 : i32 to index
      %swap3A_1284 = tpu.vector_load %arg7[%swap3A_1282, %swap3A_1283] {strides = array<i32>} : memref<16x5248xf32, #tpu.memory_space<vmem>>, vector<16xf32>,
      tpu.vector_store %arg7[%swap3A_1282, %swap3A_1283], %gather3A_1227 {strides = array<i32>} : memref<16x5248xf32, #tpu.memory_space<vmem>>, vector<16xf32>,
      %add3A_1285 = arith.constant 32 : i32
      %add3A_1286 = arith.addi %mul3A_919, %add3A_1285 : i32
      %swap3A_1287 = arith.constant 3 : i32
      %swap3A_1288 = arith.index_cast %swap3A_1287 : i32 to index
      %swap3A_1289 = arith.index_cast %add3A_1286 : i32 to index
      %swap3A_1290 = tpu.vector_load %arg7[%swap3A_1288, %swap3A_1289] {strides = array<i32>} : memref<16x5248xf32, #tpu.memory_space<vmem>>, vector<16xf32>,
      tpu.vector_store %arg7[%swap3A_1288, %swap3A_1289], %gather3A_1230 {strides = array<i32>} : memref<16x5248xf32, #tpu.memory_space<vmem>>, vector<16xf32>,
      %add3A_1291 = arith.constant 32 : i32
      %add3A_1292 = arith.addi %mul3A_919, %add3A_1291 : i32
      %swap3A_1293 = arith.constant 4 : i32
      %swap3A_1294 = arith.index_cast %swap3A_1293 : i32 to index
      %swap3A_1295 = arith.index_cast %add3A_1292 : i32 to index
      %swap3A_1296 = tpu.vector_load %arg7[%swap3A_1294, %swap3A_1295] {strides = array<i32>} : memref<16x5248xf32, #tpu.memory_space<vmem>>, vector<16xf32>,
      tpu.vector_store %arg7[%swap3A_1294, %swap3A_1295], %gather3A_1233 {strides = array<i32>} : memref<16x5248xf32, #tpu.memory_space<vmem>>, vector<16xf32>,
      %add3A_1297 = arith.constant 32 : i32
      %add3A_1298 = arith.addi %mul3A_919, %add3A_1297 : i32
      %swap3A_1299 = arith.constant 5 : i32
      %swap3A_1300 = arith.index_cast %swap3A_1299 : i32 to index
      %swap3A_1301 = arith.index_cast %add3A_1298 : i32 to index
      %swap3A_1302 = tpu.vector_load %arg7[%swap3A_1300, %swap3A_1301] {strides = array<i32>} : memref<16x5248xf32, #tpu.memory_space<vmem>>, vector<16xf32>,
      tpu.vector_store %arg7[%swap3A_1300, %swap3A_1301], %gather3A_1236 {strides = array<i32>} : memref<16x5248xf32, #tpu.memory_space<vmem>>, vector<16xf32>,
      %add3A_1303 = arith.constant 32 : i32
      %add3A_1304 = arith.addi %mul3A_919, %add3A_1303 : i32
      %swap3A_1305 = arith.constant 6 : i32
      %swap3A_1306 = arith.index_cast %swap3A_1305 : i32 to index
      %swap3A_1307 = arith.index_cast %add3A_1304 : i32 to index
      %swap3A_1308 = tpu.vector_load %arg7[%swap3A_1306, %swap3A_1307] {strides = array<i32>} : memref<16x5248xf32, #tpu.memory_space<vmem>>, vector<16xf32>,
      tpu.vector_store %arg7[%swap3A_1306, %swap3A_1307], %gather3A_1239 {strides = array<i32>} : memref<16x5248xf32, #tpu.memory_space<vmem>>, vector<16xf32>,
      %add3A_1309 = arith.constant 32 : i32
      %add3A_1310 = arith.addi %mul3A_919, %add3A_1309 : i32
      %swap3A_1311 = arith.constant 7 : i32
      %swap3A_1312 = arith.index_cast %swap3A_1311 : i32 to index
      %swap3A_1313 = arith.index_cast %add3A_1310 : i32 to index
      %swap3A_1314 = tpu.vector_load %arg7[%swap3A_1312, %swap3A_1313] {strides = array<i32>} : memref<16x5248xf32, #tpu.memory_space<vmem>>, vector<16xf32>,
      tpu.vector_store %arg7[%swap3A_1312, %swap3A_1313], %gather3A_1242 {strides = array<i32>} : memref<16x5248xf32, #tpu.memory_space<vmem>>, vector<16xf32>,
      %add3A_1315 = arith.constant 32 : i32
      %add3A_1316 = arith.addi %mul3A_919, %add3A_1315 : i32
      %swap3A_1317 = arith.constant 8 : i32
      %swap3A_1318 = arith.index_cast %swap3A_1317 : i32 to index
      %swap3A_1319 = arith.index_cast %add3A_1316 : i32 to index
      %swap3A_1320 = tpu.vector_load %arg7[%swap3A_1318, %swap3A_1319] {strides = array<i32>} : memref<16x5248xf32, #tpu.memory_space<vmem>>, vector<16xf32>,
      tpu.vector_store %arg7[%swap3A_1318, %swap3A_1319], %gather3A_1245 {strides = array<i32>} : memref<16x5248xf32, #tpu.memory_space<vmem>>, vector<16xf32>,
      %add3A_1321 = arith.constant 32 : i32
      %add3A_1322 = arith.addi %mul3A_919, %add3A_1321 : i32
      %swap3A_1323 = arith.constant 9 : i32
      %swap3A_1324 = arith.index_cast %swap3A_1323 : i32 to index
      %swap3A_1325 = arith.index_cast %add3A_1322 : i32 to index
      %swap3A_1326 = tpu.vector_load %arg7[%swap3A_1324, %swap3A_1325] {strides = array<i32>} : memref<16x5248xf32, #tpu.memory_space<vmem>>, vector<16xf32>,
      tpu.vector_store %arg7[%swap3A_1324, %swap3A_1325], %gather3A_1248 {strides = array<i32>} : memref<16x5248xf32, #tpu.memory_space<vmem>>, vector<16xf32>,
      %add3A_1327 = arith.constant 32 : i32
      %add3A_1328 = arith.addi %mul3A_919, %add3A_1327 : i32
      %swap3A_1329 = arith.constant 10 : i32
      %swap3A_1330 = arith.index_cast %swap3A_1329 : i32 to index
      %swap3A_1331 = arith.index_cast %add3A_1328 : i32 to index
      %swap3A_1332 = tpu.vector_load %arg7[%swap3A_1330, %swap3A_1331] {strides = array<i32>} : memref<16x5248xf32, #tpu.memory_space<vmem>>, vector<16xf32>,
      tpu.vector_store %arg7[%swap3A_1330, %swap3A_1331], %gather3A_1251 {strides = array<i32>} : memref<16x5248xf32, #tpu.memory_space<vmem>>, vector<16xf32>,
      %add3A_1333 = arith.constant 32 : i32
      %add3A_1334 = arith.addi %mul3A_919, %add3A_1333 : i32
      %swap3A_1335 = arith.constant 11 : i32
      %swap3A_1336 = arith.index_cast %swap3A_1335 : i32 to index
      %swap3A_1337 = arith.index_cast %add3A_1334 : i32 to index
      %swap3A_1338 = tpu.vector_load %arg7[%swap3A_1336, %swap3A_1337] {strides = array<i32>} : memref<16x5248xf32, #tpu.memory_space<vmem>>, vector<16xf32>,
      tpu.vector_store %arg7[%swap3A_1336, %swap3A_1337], %gather3A_1254 {strides = array<i32>} : memref<16x5248xf32, #tpu.memory_space<vmem>>, vector<16xf32>,
      %add3A_1339 = arith.constant 32 : i32
      %add3A_1340 = arith.addi %mul3A_919, %add3A_1339 : i32
      %swap3A_1341 = arith.constant 12 : i32
      %swap3A_1342 = arith.index_cast %swap3A_1341 : i32 to index
      %swap3A_1343 = arith.index_cast %add3A_1340 : i32 to index
      %swap3A_1344 = tpu.vector_load %arg7[%swap3A_1342, %swap3A_1343] {strides = array<i32>} : memref<16x5248xf32, #tpu.memory_space<vmem>>, vector<16xf32>,
      tpu.vector_store %arg7[%swap3A_1342, %swap3A_1343], %gather3A_1257 {strides = array<i32>} : memref<16x5248xf32, #tpu.memory_space<vmem>>, vector<16xf32>,
      %add3A_1345 = arith.constant 32 : i32
      %add3A_1346 = arith.addi %mul3A_919, %add3A_1345 : i32
      %swap3A_1347 = arith.constant 13 : i32
      %swap3A_1348 = arith.index_cast %swap3A_1347 : i32 to index
      %swap3A_1349 = arith.index_cast %add3A_1346 : i32 to index
      %swap3A_1350 = tpu.vector_load %arg7[%swap3A_1348, %swap3A_1349] {strides = array<i32>} : memref<16x5248xf32, #tpu.memory_space<vmem>>, vector<16xf32>,
      tpu.vector_store %arg7[%swap3A_1348, %swap3A_1349], %gather3A_1260 {strides = array<i32>} : memref<16x5248xf32, #tpu.memory_space<vmem>>, vector<16xf32>,
      %add3A_1351 = arith.constant 32 : i32
      %add3A_1352 = arith.addi %mul3A_919, %add3A_1351 : i32
      %swap3A_1353 = arith.constant 14 : i32
      %swap3A_1354 = arith.index_cast %swap3A_1353 : i32 to index
      %swap3A_1355 = arith.index_cast %add3A_1352 : i32 to index
      %swap3A_1356 = tpu.vector_load %arg7[%swap3A_1354, %swap3A_1355] {strides = array<i32>} : memref<16x5248xf32, #tpu.memory_space<vmem>>, vector<16xf32>,
      tpu.vector_store %arg7[%swap3A_1354, %swap3A_1355], %gather3A_1263 {strides = array<i32>} : memref<16x5248xf32, #tpu.memory_space<vmem>>, vector<16xf32>,
      %add3A_1357 = arith.constant 32 : i32
      %add3A_1358 = arith.addi %mul3A_919, %add3A_1357 : i32
      %swap3A_1359 = arith.constant 15 : i32
      %swap3A_1360 = arith.index_cast %swap3A_1359 : i32 to index
      %swap3A_1361 = arith.index_cast %add3A_1358 : i32 to index
      %swap3A_1362 = tpu.vector_load %arg7[%swap3A_1360, %swap3A_1361] {strides = array<i32>} : memref<16x5248xf32, #tpu.memory_space<vmem>>, vector<16xf32>,
      tpu.vector_store %arg7[%swap3A_1360, %swap3A_1361], %gather3A_1266 {strides = array<i32>} : memref<16x5248xf32, #tpu.memory_space<vmem>>, vector<16xf32>,
      %add3A_1363 = arith.constant 48 : i32
      %add3A_1364 = arith.addi %mul3A_919, %add3A_1363 : i32
      %get3A_1365 = arith.index_cast %add3A_1364 : i32 to index
      %get3A_1366 = tpu.vector_load %arg6[%get3A_1365] {strides = array<i32>} : memref<5248xi32, #tpu.memory_space<vmem>>, vector<16xi32>,
      %broadcast_in_dim3A_1367 = vector.shape_cast %get3A_1366 : vector<16xi32> to vector<16x1xi32>
      %gather3A_1368 = vector.shape_cast %broadcast_in_dim3A_1367 : vector<16x1xi32> to vector<16xi32>
      %gather3A_1369 = tpu.dynamic_gather %select_n3A_86[%gather3A_1368] in [0] : vector<16xf32>, vector<16xi32> -> vector<16xf32>
      %broadcast_in_dim3A_1370 = vector.shape_cast %get3A_1366 : vector<16xi32> to vector<16x1xi32>
      %gather3A_1371 = vector.shape_cast %broadcast_in_dim3A_1370 : vector<16x1xi32> to vector<16xi32>
      %gather3A_1372 = tpu.dynamic_gather %select_n3A_140[%gather3A_1371] in [0] : vector<16xf32>, vector<16xi32> -> vector<16xf32>
      %broadcast_in_dim3A_1373 = vector.shape_cast %get3A_1366 : vector<16xi32> to vector<16x1xi32>
      %gather3A_1374 = vector.shape_cast %broadcast_in_dim3A_1373 : vector<16x1xi32> to vector<16xi32>
      %gather3A_1375 = tpu.dynamic_gather %select_n3A_194[%gather3A_1374] in [0] : vector<16xf32>, vector<16xi32> -> vector<16xf32>
      %broadcast_in_dim3A_1376 = vector.shape_cast %get3A_1366 : vector<16xi32> to vector<16x1xi32>
      %gather3A_1377 = vector.shape_cast %broadcast_in_dim3A_1376 : vector<16x1xi32> to vector<16xi32>
      %gather3A_1378 = tpu.dynamic_gather %select_n3A_248[%gather3A_1377] in [0] : vector<16xf32>, vector<16xi32> -> vector<16xf32>
      %broadcast_in_dim3A_1379 = vector.shape_cast %get3A_1366 : vector<16xi32> to vector<16x1xi32>
      %gather3A_1380 = vector.shape_cast %broadcast_in_dim3A_1379 : vector<16x1xi32> to vector<16xi32>
      %gather3A_1381 = tpu.dynamic_gather %select_n3A_302[%gather3A_1380] in [0] : vector<16xf32>, vector<16xi32> -> vector<16xf32>
      %broadcast_in_dim3A_1382 = vector.shape_cast %get3A_1366 : vector<16xi32> to vector<16x1xi32>
      %gather3A_1383 = vector.shape_cast %broadcast_in_dim3A_1382 : vector<16x1xi32> to vector<16xi32>
      %gather3A_1384 = tpu.dynamic_gather %select_n3A_356[%gather3A_1383] in [0] : vector<16xf32>, vector<16xi32> -> vector<16xf32>
      %broadcast_in_dim3A_1385 = vector.shape_cast %get3A_1366 : vector<16xi32> to vector<16x1xi32>
      %gather3A_1386 = vector.shape_cast %broadcast_in_dim3A_1385 : vector<16x1xi32> to vector<16xi32>
      %gather3A_1387 = tpu.dynamic_gather %select_n3A_410[%gather3A_1386] in [0] : vector<16xf32>, vector<16xi32> -> vector<16xf32>
      %broadcast_in_dim3A_1388 = vector.shape_cast %get3A_1366 : vector<16xi32> to vector<16x1xi32>
      %gather3A_1389 = vector.shape_cast %broadcast_in_dim3A_1388 : vector<16x1xi32> to vector<16xi32>
      %gather3A_1390 = tpu.dynamic_gather %select_n3A_464[%gather3A_1389] in [0] : vector<16xf32>, vector<16xi32> -> vector<16xf32>
      %broadcast_in_dim3A_1391 = vector.shape_cast %get3A_1366 : vector<16xi32> to vector<16x1xi32>
      %gather3A_1392 = vector.shape_cast %broadcast_in_dim3A_1391 : vector<16x1xi32> to vector<16xi32>
      %gather3A_1393 = tpu.dynamic_gather %select_n3A_518[%gather3A_1392] in [0] : vector<16xf32>, vector<16xi32> -> vector<16xf32>
      %broadcast_in_dim3A_1394 = vector.shape_cast %get3A_1366 : vector<16xi32> to vector<16x1xi32>
      %gather3A_1395 = vector.shape_cast %broadcast_in_dim3A_1394 : vector<16x1xi32> to vector<16xi32>
      %gather3A_1396 = tpu.dynamic_gather %select_n3A_572[%gather3A_1395] in [0] : vector<16xf32>, vector<16xi32> -> vector<16xf32>
      %broadcast_in_dim3A_1397 = vector.shape_cast %get3A_1366 : vector<16xi32> to vector<16x1xi32>
      %gather3A_1398 = vector.shape_cast %broadcast_in_dim3A_1397 : vector<16x1xi32> to vector<16xi32>
      %gather3A_1399 = tpu.dynamic_gather %select_n3A_626[%gather3A_1398] in [0] : vector<16xf32>, vector<16xi32> -> vector<16xf32>
      %broadcast_in_dim3A_1400 = vector.shape_cast %get3A_1366 : vector<16xi32> to vector<16x1xi32>
      %gather3A_1401 = vector.shape_cast %broadcast_in_dim3A_1400 : vector<16x1xi32> to vector<16xi32>
      %gather3A_1402 = tpu.dynamic_gather %select_n3A_680[%gather3A_1401] in [0] : vector<16xf32>, vector<16xi32> -> vector<16xf32>
      %broadcast_in_dim3A_1403 = vector.shape_cast %get3A_1366 : vector<16xi32> to vector<16x1xi32>
      %gather3A_1404 = vector.shape_cast %broadcast_in_dim3A_1403 : vector<16x1xi32> to vector<16xi32>
      %gather3A_1405 = tpu.dynamic_gather %select_n3A_734[%gather3A_1404] in [0] : vector<16xf32>, vector<16xi32> -> vector<16xf32>
      %broadcast_in_dim3A_1406 = vector.shape_cast %get3A_1366 : vector<16xi32> to vector<16x1xi32>
      %gather3A_1407 = vector.shape_cast %broadcast_in_dim3A_1406 : vector<16x1xi32> to vector<16xi32>
      %gather3A_1408 = tpu.dynamic_gather %select_n3A_788[%gather3A_1407] in [0] : vector<16xf32>, vector<16xi32> -> vector<16xf32>
      %broadcast_in_dim3A_1409 = vector.shape_cast %get3A_1366 : vector<16xi32> to vector<16x1xi32>
      %gather3A_1410 = vector.shape_cast %broadcast_in_dim3A_1409 : vector<16x1xi32> to vector<16xi32>
      %gather3A_1411 = tpu.dynamic_gather %select_n3A_842[%gather3A_1410] in [0] : vector<16xf32>, vector<16xi32> -> vector<16xf32>
      %broadcast_in_dim3A_1412 = vector.shape_cast %get3A_1366 : vector<16xi32> to vector<16x1xi32>
      %gather3A_1413 = vector.shape_cast %broadcast_in_dim3A_1412 : vector<16x1xi32> to vector<16xi32>
      %gather3A_1414 = tpu.dynamic_gather %select_n3A_896[%gather3A_1413] in [0] : vector<16xf32>, vector<16xi32> -> vector<16xf32>
      %add3A_1415 = arith.constant 48 : i32
      %add3A_1416 = arith.addi %mul3A_919, %add3A_1415 : i32
      %swap3A_1417 = arith.constant 0 : i32
      %swap3A_1418 = arith.index_cast %swap3A_1417 : i32 to index
      %swap3A_1419 = arith.index_cast %add3A_1416 : i32 to index
      %swap3A_1420 = tpu.vector_load %arg7[%swap3A_1418, %swap3A_1419] {strides = array<i32>} : memref<16x5248xf32, #tpu.memory_space<vmem>>, vector<16xf32>,
      tpu.vector_store %arg7[%swap3A_1418, %swap3A_1419], %gather3A_1369 {strides = array<i32>} : memref<16x5248xf32, #tpu.memory_space<vmem>>, vector<16xf32>,
      %add3A_1421 = arith.constant 48 : i32
      %add3A_1422 = arith.addi %mul3A_919, %add3A_1421 : i32
      %swap3A_1423 = arith.constant 1 : i32
      %swap3A_1424 = arith.index_cast %swap3A_1423 : i32 to index
      %swap3A_1425 = arith.index_cast %add3A_1422 : i32 to index
      %swap3A_1426 = tpu.vector_load %arg7[%swap3A_1424, %swap3A_1425] {strides = array<i32>} : memref<16x5248xf32, #tpu.memory_space<vmem>>, vector<16xf32>,
      tpu.vector_store %arg7[%swap3A_1424, %swap3A_1425], %gather3A_1372 {strides = array<i32>} : memref<16x5248xf32, #tpu.memory_space<vmem>>, vector<16xf32>,
      %add3A_1427 = arith.constant 48 : i32
      %add3A_1428 = arith.addi %mul3A_919, %add3A_1427 : i32
      %swap3A_1429 = arith.constant 2 : i32
      %swap3A_1430 = arith.index_cast %swap3A_1429 : i32 to index
      %swap3A_1431 = arith.index_cast %add3A_1428 : i32 to index
      %swap3A_1432 = tpu.vector_load %arg7[%swap3A_1430, %swap3A_1431] {strides = array<i32>} : memref<16x5248xf32, #tpu.memory_space<vmem>>, vector<16xf32>,
      tpu.vector_store %arg7[%swap3A_1430, %swap3A_1431], %gather3A_1375 {strides = array<i32>} : memref<16x5248xf32, #tpu.memory_space<vmem>>, vector<16xf32>,
      %add3A_1433 = arith.constant 48 : i32
      %add3A_1434 = arith.addi %mul3A_919, %add3A_1433 : i32
      %swap3A_1435 = arith.constant 3 : i32
      %swap3A_1436 = arith.index_cast %swap3A_1435 : i32 to index
      %swap3A_1437 = arith.index_cast %add3A_1434 : i32 to index
      %swap3A_1438 = tpu.vector_load %arg7[%swap3A_1436, %swap3A_1437] {strides = array<i32>} : memref<16x5248xf32, #tpu.memory_space<vmem>>, vector<16xf32>,
      tpu.vector_store %arg7[%swap3A_1436, %swap3A_1437], %gather3A_1378 {strides = array<i32>} : memref<16x5248xf32, #tpu.memory_space<vmem>>, vector<16xf32>,
      %add3A_1439 = arith.constant 48 : i32
      %add3A_1440 = arith.addi %mul3A_919, %add3A_1439 : i32
      %swap3A_1441 = arith.constant 4 : i32
      %swap3A_1442 = arith.index_cast %swap3A_1441 : i32 to index
      %swap3A_1443 = arith.index_cast %add3A_1440 : i32 to index
      %swap3A_1444 = tpu.vector_load %arg7[%swap3A_1442, %swap3A_1443] {strides = array<i32>} : memref<16x5248xf32, #tpu.memory_space<vmem>>, vector<16xf32>,
      tpu.vector_store %arg7[%swap3A_1442, %swap3A_1443], %gather3A_1381 {strides = array<i32>} : memref<16x5248xf32, #tpu.memory_space<vmem>>, vector<16xf32>,
      %add3A_1445 = arith.constant 48 : i32
      %add3A_1446 = arith.addi %mul3A_919, %add3A_1445 : i32
      %swap3A_1447 = arith.constant 5 : i32
      %swap3A_1448 = arith.index_cast %swap3A_1447 : i32 to index
      %swap3A_1449 = arith.index_cast %add3A_1446 : i32 to index
      %swap3A_1450 = tpu.vector_load %arg7[%swap3A_1448, %swap3A_1449] {strides = array<i32>} : memref<16x5248xf32, #tpu.memory_space<vmem>>, vector<16xf32>,
      tpu.vector_store %arg7[%swap3A_1448, %swap3A_1449], %gather3A_1384 {strides = array<i32>} : memref<16x5248xf32, #tpu.memory_space<vmem>>, vector<16xf32>,
      %add3A_1451 = arith.constant 48 : i32
      %add3A_1452 = arith.addi %mul3A_919, %add3A_1451 : i32
      %swap3A_1453 = arith.constant 6 : i32
      %swap3A_1454 = arith.index_cast %swap3A_1453 : i32 to index
      %swap3A_1455 = arith.index_cast %add3A_1452 : i32 to index
      %swap3A_1456 = tpu.vector_load %arg7[%swap3A_1454, %swap3A_1455] {strides = array<i32>} : memref<16x5248xf32, #tpu.memory_space<vmem>>, vector<16xf32>,
      tpu.vector_store %arg7[%swap3A_1454, %swap3A_1455], %gather3A_1387 {strides = array<i32>} : memref<16x5248xf32, #tpu.memory_space<vmem>>, vector<16xf32>,
      %add3A_1457 = arith.constant 48 : i32
      %add3A_1458 = arith.addi %mul3A_919, %add3A_1457 : i32
      %swap3A_1459 = arith.constant 7 : i32
      %swap3A_1460 = arith.index_cast %swap3A_1459 : i32 to index
      %swap3A_1461 = arith.index_cast %add3A_1458 : i32 to index
      %swap3A_1462 = tpu.vector_load %arg7[%swap3A_1460, %swap3A_1461] {strides = array<i32>} : memref<16x5248xf32, #tpu.memory_space<vmem>>, vector<16xf32>,
      tpu.vector_store %arg7[%swap3A_1460, %swap3A_1461], %gather3A_1390 {strides = array<i32>} : memref<16x5248xf32, #tpu.memory_space<vmem>>, vector<16xf32>,
      %add3A_1463 = arith.constant 48 : i32
      %add3A_1464 = arith.addi %mul3A_919, %add3A_1463 : i32
      %swap3A_1465 = arith.constant 8 : i32
      %swap3A_1466 = arith.index_cast %swap3A_1465 : i32 to index
      %swap3A_1467 = arith.index_cast %add3A_1464 : i32 to index
      %swap3A_1468 = tpu.vector_load %arg7[%swap3A_1466, %swap3A_1467] {strides = array<i32>} : memref<16x5248xf32, #tpu.memory_space<vmem>>, vector<16xf32>,
      tpu.vector_store %arg7[%swap3A_1466, %swap3A_1467], %gather3A_1393 {strides = array<i32>} : memref<16x5248xf32, #tpu.memory_space<vmem>>, vector<16xf32>,
      %add3A_1469 = arith.constant 48 : i32
      %add3A_1470 = arith.addi %mul3A_919, %add3A_1469 : i32
      %swap3A_1471 = arith.constant 9 : i32
      %swap3A_1472 = arith.index_cast %swap3A_1471 : i32 to index
      %swap3A_1473 = arith.index_cast %add3A_1470 : i32 to index
      %swap3A_1474 = tpu.vector_load %arg7[%swap3A_1472, %swap3A_1473] {strides = array<i32>} : memref<16x5248xf32, #tpu.memory_space<vmem>>, vector<16xf32>,
      tpu.vector_store %arg7[%swap3A_1472, %swap3A_1473], %gather3A_1396 {strides = array<i32>} : memref<16x5248xf32, #tpu.memory_space<vmem>>, vector<16xf32>,
      %add3A_1475 = arith.constant 48 : i32
      %add3A_1476 = arith.addi %mul3A_919, %add3A_1475 : i32
      %swap3A_1477 = arith.constant 10 : i32
      %swap3A_1478 = arith.index_cast %swap3A_1477 : i32 to index
      %swap3A_1479 = arith.index_cast %add3A_1476 : i32 to index
      %swap3A_1480 = tpu.vector_load %arg7[%swap3A_1478, %swap3A_1479] {strides = array<i32>} : memref<16x5248xf32, #tpu.memory_space<vmem>>, vector<16xf32>,
      tpu.vector_store %arg7[%swap3A_1478, %swap3A_1479], %gather3A_1399 {strides = array<i32>} : memref<16x5248xf32, #tpu.memory_space<vmem>>, vector<16xf32>,
      %add3A_1481 = arith.constant 48 : i32
      %add3A_1482 = arith.addi %mul3A_919, %add3A_1481 : i32
      %swap3A_1483 = arith.constant 11 : i32
      %swap3A_1484 = arith.index_cast %swap3A_1483 : i32 to index
      %swap3A_1485 = arith.index_cast %add3A_1482 : i32 to index
      %swap3A_1486 = tpu.vector_load %arg7[%swap3A_1484, %swap3A_1485] {strides = array<i32>} : memref<16x5248xf32, #tpu.memory_space<vmem>>, vector<16xf32>,
      tpu.vector_store %arg7[%swap3A_1484, %swap3A_1485], %gather3A_1402 {strides = array<i32>} : memref<16x5248xf32, #tpu.memory_space<vmem>>, vector<16xf32>,
      %add3A_1487 = arith.constant 48 : i32
      %add3A_1488 = arith.addi %mul3A_919, %add3A_1487 : i32
      %swap3A_1489 = arith.constant 12 : i32
      %swap3A_1490 = arith.index_cast %swap3A_1489 : i32 to index
      %swap3A_1491 = arith.index_cast %add3A_1488 : i32 to index
      %swap3A_1492 = tpu.vector_load %arg7[%swap3A_1490, %swap3A_1491] {strides = array<i32>} : memref<16x5248xf32, #tpu.memory_space<vmem>>, vector<16xf32>,
      tpu.vector_store %arg7[%swap3A_1490, %swap3A_1491], %gather3A_1405 {strides = array<i32>} : memref<16x5248xf32, #tpu.memory_space<vmem>>, vector<16xf32>,
      %add3A_1493 = arith.constant 48 : i32
      %add3A_1494 = arith.addi %mul3A_919, %add3A_1493 : i32
      %swap3A_1495 = arith.constant 13 : i32
      %swap3A_1496 = arith.index_cast %swap3A_1495 : i32 to index
      %swap3A_1497 = arith.index_cast %add3A_1494 : i32 to index
      %swap3A_1498 = tpu.vector_load %arg7[%swap3A_1496, %swap3A_1497] {strides = array<i32>} : memref<16x5248xf32, #tpu.memory_space<vmem>>, vector<16xf32>,
      tpu.vector_store %arg7[%swap3A_1496, %swap3A_1497], %gather3A_1408 {strides = array<i32>} : memref<16x5248xf32, #tpu.memory_space<vmem>>, vector<16xf32>,
      %add3A_1499 = arith.constant 48 : i32
      %add3A_1500 = arith.addi %mul3A_919, %add3A_1499 : i32
      %swap3A_1501 = arith.constant 14 : i32
      %swap3A_1502 = arith.index_cast %swap3A_1501 : i32 to index
      %swap3A_1503 = arith.index_cast %add3A_1500 : i32 to index
      %swap3A_1504 = tpu.vector_load %arg7[%swap3A_1502, %swap3A_1503] {strides = array<i32>} : memref<16x5248xf32, #tpu.memory_space<vmem>>, vector<16xf32>,
      tpu.vector_store %arg7[%swap3A_1502, %swap3A_1503], %gather3A_1411 {strides = array<i32>} : memref<16x5248xf32, #tpu.memory_space<vmem>>, vector<16xf32>,
      %add3A_1505 = arith.constant 48 : i32
      %add3A_1506 = arith.addi %mul3A_919, %add3A_1505 : i32
      %swap3A_1507 = arith.constant 15 : i32
      %swap3A_1508 = arith.index_cast %swap3A_1507 : i32 to index
      %swap3A_1509 = arith.index_cast %add3A_1506 : i32 to index
      %swap3A_1510 = tpu.vector_load %arg7[%swap3A_1508, %swap3A_1509] {strides = array<i32>} : memref<16x5248xf32, #tpu.memory_space<vmem>>, vector<16xf32>,
      tpu.vector_store %arg7[%swap3A_1508, %swap3A_1509], %gather3A_1414 {strides = array<i32>} : memref<16x5248xf32, #tpu.memory_space<vmem>>, vector<16xf32>,
      %add3A_1511 = arith.constant 64 : i32
      %add3A_1512 = arith.addi %mul3A_919, %add3A_1511 : i32
      %get3A_1513 = arith.index_cast %add3A_1512 : i32 to index
      %get3A_1514 = tpu.vector_load %arg6[%get3A_1513] {strides = array<i32>} : memref<5248xi32, #tpu.memory_space<vmem>>, vector<16xi32>,
      %broadcast_in_dim3A_1515 = vector.shape_cast %get3A_1514 : vector<16xi32> to vector<16x1xi32>
      %gather3A_1516 = vector.shape_cast %broadcast_in_dim3A_1515 : vector<16x1xi32> to vector<16xi32>
      %gather3A_1517 = tpu.dynamic_gather %select_n3A_86[%gather3A_1516] in [0] : vector<16xf32>, vector<16xi32> -> vector<16xf32>
      %broadcast_in_dim3A_1518 = vector.shape_cast %get3A_1514 : vector<16xi32> to vector<16x1xi32>
      %gather3A_1519 = vector.shape_cast %broadcast_in_dim3A_1518 : vector<16x1xi32> to vector<16xi32>
      %gather3A_1520 = tpu.dynamic_gather %select_n3A_140[%gather3A_1519] in [0] : vector<16xf32>, vector<16xi32> -> vector<16xf32>
      %broadcast_in_dim3A_1521 = vector.shape_cast %get3A_1514 : vector<16xi32> to vector<16x1xi32>
      %gather3A_1522 = vector.shape_cast %broadcast_in_dim3A_1521 : vector<16x1xi32> to vector<16xi32>
      %gather3A_1523 = tpu.dynamic_gather %select_n3A_194[%gather3A_1522] in [0] : vector<16xf32>, vector<16xi32> -> vector<16xf32>
      %broadcast_in_dim3A_1524 = vector.shape_cast %get3A_1514 : vector<16xi32> to vector<16x1xi32>
      %gather3A_1525 = vector.shape_cast %broadcast_in_dim3A_1524 : vector<16x1xi32> to vector<16xi32>
      %gather3A_1526 = tpu.dynamic_gather %select_n3A_248[%gather3A_1525] in [0] : vector<16xf32>, vector<16xi32> -> vector<16xf32>
      %broadcast_in_dim3A_1527 = vector.shape_cast %get3A_1514 : vector<16xi32> to vector<16x1xi32>
      %gather3A_1528 = vector.shape_cast %broadcast_in_dim3A_1527 : vector<16x1xi32> to vector<16xi32>
      %gather3A_1529 = tpu.dynamic_gather %select_n3A_302[%gather3A_1528] in [0] : vector<16xf32>, vector<16xi32> -> vector<16xf32>
      %broadcast_in_dim3A_1530 = vector.shape_cast %get3A_1514 : vector<16xi32> to vector<16x1xi32>
      %gather3A_1531 = vector.shape_cast %broadcast_in_dim3A_1530 : vector<16x1xi32> to vector<16xi32>
      %gather3A_1532 = tpu.dynamic_gather %select_n3A_356[%gather3A_1531] in [0] : vector<16xf32>, vector<16xi32> -> vector<16xf32>
      %broadcast_in_dim3A_1533 = vector.shape_cast %get3A_1514 : vector<16xi32> to vector<16x1xi32>
      %gather3A_1534 = vector.shape_cast %broadcast_in_dim3A_1533 : vector<16x1xi32> to vector<16xi32>
      %gather3A_1535 = tpu.dynamic_gather %select_n3A_410[%gather3A_1534] in [0] : vector<16xf32>, vector<16xi32> -> vector<16xf32>
      %broadcast_in_dim3A_1536 = vector.shape_cast %get3A_1514 : vector<16xi32> to vector<16x1xi32>
      %gather3A_1537 = vector.shape_cast %broadcast_in_dim3A_1536 : vector<16x1xi32> to vector<16xi32>
      %gather3A_1538 = tpu.dynamic_gather %select_n3A_464[%gather3A_1537] in [0] : vector<16xf32>, vector<16xi32> -> vector<16xf32>
      %broadcast_in_dim3A_1539 = vector.shape_cast %get3A_1514 : vector<16xi32> to vector<16x1xi32>
      %gather3A_1540 = vector.shape_cast %broadcast_in_dim3A_1539 : vector<16x1xi32> to vector<16xi32>
      %gather3A_1541 = tpu.dynamic_gather %select_n3A_518[%gather3A_1540] in [0] : vector<16xf32>, vector<16xi32> -> vector<16xf32>
      %broadcast_in_dim3A_1542 = vector.shape_cast %get3A_1514 : vector<16xi32> to vector<16x1xi32>
      %gather3A_1543 = vector.shape_cast %broadcast_in_dim3A_1542 : vector<16x1xi32> to vector<16xi32>
      %gather3A_1544 = tpu.dynamic_gather %select_n3A_572[%gather3A_1543] in [0] : vector<16xf32>, vector<16xi32> -> vector<16xf32>
      %broadcast_in_dim3A_1545 = vector.shape_cast %get3A_1514 : vector<16xi32> to vector<16x1xi32>
      %gather3A_1546 = vector.shape_cast %broadcast_in_dim3A_1545 : vector<16x1xi32> to vector<16xi32>
      %gather3A_1547 = tpu.dynamic_gather %select_n3A_626[%gather3A_1546] in [0] : vector<16xf32>, vector<16xi32> -> vector<16xf32>
      %broadcast_in_dim3A_1548 = vector.shape_cast %get3A_1514 : vector<16xi32> to vector<16x1xi32>
      %gather3A_1549 = vector.shape_cast %broadcast_in_dim3A_1548 : vector<16x1xi32> to vector<16xi32>
      %gather3A_1550 = tpu.dynamic_gather %select_n3A_680[%gather3A_1549] in [0] : vector<16xf32>, vector<16xi32> -> vector<16xf32>
      %broadcast_in_dim3A_1551 = vector.shape_cast %get3A_1514 : vector<16xi32> to vector<16x1xi32>
      %gather3A_1552 = vector.shape_cast %broadcast_in_dim3A_1551 : vector<16x1xi32> to vector<16xi32>
      %gather3A_1553 = tpu.dynamic_gather %select_n3A_734[%gather3A_1552] in [0] : vector<16xf32>, vector<16xi32> -> vector<16xf32>
      %broadcast_in_dim3A_1554 = vector.shape_cast %get3A_1514 : vector<16xi32> to vector<16x1xi32>
      %gather3A_1555 = vector.shape_cast %broadcast_in_dim3A_1554 : vector<16x1xi32> to vector<16xi32>
      %gather3A_1556 = tpu.dynamic_gather %select_n3A_788[%gather3A_1555] in [0] : vector<16xf32>, vector<16xi32> -> vector<16xf32>
      %broadcast_in_dim3A_1557 = vector.shape_cast %get3A_1514 : vector<16xi32> to vector<16x1xi32>
      %gather3A_1558 = vector.shape_cast %broadcast_in_dim3A_1557 : vector<16x1xi32> to vector<16xi32>
      %gather3A_1559 = tpu.dynamic_gather %select_n3A_842[%gather3A_1558] in [0] : vector<16xf32>, vector<16xi32> -> vector<16xf32>
      %broadcast_in_dim3A_1560 = vector.shape_cast %get3A_1514 : vector<16xi32> to vector<16x1xi32>
      %gather3A_1561 = vector.shape_cast %broadcast_in_dim3A_1560 : vector<16x1xi32> to vector<16xi32>
      %gather3A_1562 = tpu.dynamic_gather %select_n3A_896[%gather3A_1561] in [0] : vector<16xf32>, vector<16xi32> -> vector<16xf32>
      %add3A_1563 = arith.constant 64 : i32
      %add3A_1564 = arith.addi %mul3A_919, %add3A_1563 : i32
      %swap3A_1565 = arith.constant 0 : i32
      %swap3A_1566 = arith.index_cast %swap3A_1565 : i32 to index
      %swap3A_1567 = arith.index_cast %add3A_1564 : i32 to index
      %swap3A_1568 = tpu.vector_load %arg7[%swap3A_1566, %swap3A_1567] {strides = array<i32>} : memref<16x5248xf32, #tpu.memory_space<vmem>>, vector<16xf32>,
      tpu.vector_store %arg7[%swap3A_1566, %swap3A_1567], %gather3A_1517 {strides = array<i32>} : memref<16x5248xf32, #tpu.memory_space<vmem>>, vector<16xf32>,
      %add3A_1569 = arith.constant 64 : i32
      %add3A_1570 = arith.addi %mul3A_919, %add3A_1569 : i32
      %swap3A_1571 = arith.constant 1 : i32
      %swap3A_1572 = arith.index_cast %swap3A_1571 : i32 to index
      %swap3A_1573 = arith.index_cast %add3A_1570 : i32 to index
      %swap3A_1574 = tpu.vector_load %arg7[%swap3A_1572, %swap3A_1573] {strides = array<i32>} : memref<16x5248xf32, #tpu.memory_space<vmem>>, vector<16xf32>,
      tpu.vector_store %arg7[%swap3A_1572, %swap3A_1573], %gather3A_1520 {strides = array<i32>} : memref<16x5248xf32, #tpu.memory_space<vmem>>, vector<16xf32>,
      %add3A_1575 = arith.constant 64 : i32
      %add3A_1576 = arith.addi %mul3A_919, %add3A_1575 : i32
      %swap3A_1577 = arith.constant 2 : i32
      %swap3A_1578 = arith.index_cast %swap3A_1577 : i32 to index
      %swap3A_1579 = arith.index_cast %add3A_1576 : i32 to index
      %swap3A_1580 = tpu.vector_load %arg7[%swap3A_1578, %swap3A_1579] {strides = array<i32>} : memref<16x5248xf32, #tpu.memory_space<vmem>>, vector<16xf32>,
      tpu.vector_store %arg7[%swap3A_1578, %swap3A_1579], %gather3A_1523 {strides = array<i32>} : memref<16x5248xf32, #tpu.memory_space<vmem>>, vector<16xf32>,
      %add3A_1581 = arith.constant 64 : i32
      %add3A_1582 = arith.addi %mul3A_919, %add3A_1581 : i32
      %swap3A_1583 = arith.constant 3 : i32
      %swap3A_1584 = arith.index_cast %swap3A_1583 : i32 to index
      %swap3A_1585 = arith.index_cast %add3A_1582 : i32 to index
      %swap3A_1586 = tpu.vector_load %arg7[%swap3A_1584, %swap3A_1585] {strides = array<i32>} : memref<16x5248xf32, #tpu.memory_space<vmem>>, vector<16xf32>,
      tpu.vector_store %arg7[%swap3A_1584, %swap3A_1585], %gather3A_1526 {strides = array<i32>} : memref<16x5248xf32, #tpu.memory_space<vmem>>, vector<16xf32>,
      %add3A_1587 = arith.constant 64 : i32
      %add3A_1588 = arith.addi %mul3A_919, %add3A_1587 : i32
      %swap3A_1589 = arith.constant 4 : i32
      %swap3A_1590 = arith.index_cast %swap3A_1589 : i32 to index
      %swap3A_1591 = arith.index_cast %add3A_1588 : i32 to index
      %swap3A_1592 = tpu.vector_load %arg7[%swap3A_1590, %swap3A_1591] {strides = array<i32>} : memref<16x5248xf32, #tpu.memory_space<vmem>>, vector<16xf32>,
      tpu.vector_store %arg7[%swap3A_1590, %swap3A_1591], %gather3A_1529 {strides = array<i32>} : memref<16x5248xf32, #tpu.memory_space<vmem>>, vector<16xf32>,
      %add3A_1593 = arith.constant 64 : i32
      %add3A_1594 = arith.addi %mul3A_919, %add3A_1593 : i32
      %swap3A_1595 = arith.constant 5 : i32
      %swap3A_1596 = arith.index_cast %swap3A_1595 : i32 to index
      %swap3A_1597 = arith.index_cast %add3A_1594 : i32 to index
      %swap3A_1598 = tpu.vector_load %arg7[%swap3A_1596, %swap3A_1597] {strides = array<i32>} : memref<16x5248xf32, #tpu.memory_space<vmem>>, vector<16xf32>,
      tpu.vector_store %arg7[%swap3A_1596, %swap3A_1597], %gather3A_1532 {strides = array<i32>} : memref<16x5248xf32, #tpu.memory_space<vmem>>, vector<16xf32>,
      %add3A_1599 = arith.constant 64 : i32
      %add3A_1600 = arith.addi %mul3A_919, %add3A_1599 : i32
      %swap3A_1601 = arith.constant 6 : i32
      %swap3A_1602 = arith.index_cast %swap3A_1601 : i32 to index
      %swap3A_1603 = arith.index_cast %add3A_1600 : i32 to index
      %swap3A_1604 = tpu.vector_load %arg7[%swap3A_1602, %swap3A_1603] {strides = array<i32>} : memref<16x5248xf32, #tpu.memory_space<vmem>>, vector<16xf32>,
      tpu.vector_store %arg7[%swap3A_1602, %swap3A_1603], %gather3A_1535 {strides = array<i32>} : memref<16x5248xf32, #tpu.memory_space<vmem>>, vector<16xf32>,
      %add3A_1605 = arith.constant 64 : i32
      %add3A_1606 = arith.addi %mul3A_919, %add3A_1605 : i32
      %swap3A_1607 = arith.constant 7 : i32
      %swap3A_1608 = arith.index_cast %swap3A_1607 : i32 to index
      %swap3A_1609 = arith.index_cast %add3A_1606 : i32 to index
      %swap3A_1610 = tpu.vector_load %arg7[%swap3A_1608, %swap3A_1609] {strides = array<i32>} : memref<16x5248xf32, #tpu.memory_space<vmem>>, vector<16xf32>,
      tpu.vector_store %arg7[%swap3A_1608, %swap3A_1609], %gather3A_1538 {strides = array<i32>} : memref<16x5248xf32, #tpu.memory_space<vmem>>, vector<16xf32>,
      %add3A_1611 = arith.constant 64 : i32
      %add3A_1612 = arith.addi %mul3A_919, %add3A_1611 : i32
      %swap3A_1613 = arith.constant 8 : i32
      %swap3A_1614 = arith.index_cast %swap3A_1613 : i32 to index
      %swap3A_1615 = arith.index_cast %add3A_1612 : i32 to index
      %swap3A_1616 = tpu.vector_load %arg7[%swap3A_1614, %swap3A_1615] {strides = array<i32>} : memref<16x5248xf32, #tpu.memory_space<vmem>>, vector<16xf32>,
      tpu.vector_store %arg7[%swap3A_1614, %swap3A_1615], %gather3A_1541 {strides = array<i32>} : memref<16x5248xf32, #tpu.memory_space<vmem>>, vector<16xf32>,
      %add3A_1617 = arith.constant 64 : i32
      %add3A_1618 = arith.addi %mul3A_919, %add3A_1617 : i32
      %swap3A_1619 = arith.constant 9 : i32
      %swap3A_1620 = arith.index_cast %swap3A_1619 : i32 to index
      %swap3A_1621 = arith.index_cast %add3A_1618 : i32 to index
      %swap3A_1622 = tpu.vector_load %arg7[%swap3A_1620, %swap3A_1621] {strides = array<i32>} : memref<16x5248xf32, #tpu.memory_space<vmem>>, vector<16xf32>,
      tpu.vector_store %arg7[%swap3A_1620, %swap3A_1621], %gather3A_1544 {strides = array<i32>} : memref<16x5248xf32, #tpu.memory_space<vmem>>, vector<16xf32>,
      %add3A_1623 = arith.constant 64 : i32
      %add3A_1624 = arith.addi %mul3A_919, %add3A_1623 : i32
      %swap3A_1625 = arith.constant 10 : i32
      %swap3A_1626 = arith.index_cast %swap3A_1625 : i32 to index
      %swap3A_1627 = arith.index_cast %add3A_1624 : i32 to index
      %swap3A_1628 = tpu.vector_load %arg7[%swap3A_1626, %swap3A_1627] {strides = array<i32>} : memref<16x5248xf32, #tpu.memory_space<vmem>>, vector<16xf32>,
      tpu.vector_store %arg7[%swap3A_1626, %swap3A_1627], %gather3A_1547 {strides = array<i32>} : memref<16x5248xf32, #tpu.memory_space<vmem>>, vector<16xf32>,
      %add3A_1629 = arith.constant 64 : i32
      %add3A_1630 = arith.addi %mul3A_919, %add3A_1629 : i32
      %swap3A_1631 = arith.constant 11 : i32
      %swap3A_1632 = arith.index_cast %swap3A_1631 : i32 to index
      %swap3A_1633 = arith.index_cast %add3A_1630 : i32 to index
      %swap3A_1634 = tpu.vector_load %arg7[%swap3A_1632, %swap3A_1633] {strides = array<i32>} : memref<16x5248xf32, #tpu.memory_space<vmem>>, vector<16xf32>,
      tpu.vector_store %arg7[%swap3A_1632, %swap3A_1633], %gather3A_1550 {strides = array<i32>} : memref<16x5248xf32, #tpu.memory_space<vmem>>, vector<16xf32>,
      %add3A_1635 = arith.constant 64 : i32
      %add3A_1636 = arith.addi %mul3A_919, %add3A_1635 : i32
      %swap3A_1637 = arith.constant 12 : i32
      %swap3A_1638 = arith.index_cast %swap3A_1637 : i32 to index
      %swap3A_1639 = arith.index_cast %add3A_1636 : i32 to index
      %swap3A_1640 = tpu.vector_load %arg7[%swap3A_1638, %swap3A_1639] {strides = array<i32>} : memref<16x5248xf32, #tpu.memory_space<vmem>>, vector<16xf32>,
      tpu.vector_store %arg7[%swap3A_1638, %swap3A_1639], %gather3A_1553 {strides = array<i32>} : memref<16x5248xf32, #tpu.memory_space<vmem>>, vector<16xf32>,
      %add3A_1641 = arith.constant 64 : i32
      %add3A_1642 = arith.addi %mul3A_919, %add3A_1641 : i32
      %swap3A_1643 = arith.constant 13 : i32
      %swap3A_1644 = arith.index_cast %swap3A_1643 : i32 to index
      %swap3A_1645 = arith.index_cast %add3A_1642 : i32 to index
      %swap3A_1646 = tpu.vector_load %arg7[%swap3A_1644, %swap3A_1645] {strides = array<i32>} : memref<16x5248xf32, #tpu.memory_space<vmem>>, vector<16xf32>,
      tpu.vector_store %arg7[%swap3A_1644, %swap3A_1645], %gather3A_1556 {strides = array<i32>} : memref<16x5248xf32, #tpu.memory_space<vmem>>, vector<16xf32>,
      %add3A_1647 = arith.constant 64 : i32
      %add3A_1648 = arith.addi %mul3A_919, %add3A_1647 : i32
      %swap3A_1649 = arith.constant 14 : i32
      %swap3A_1650 = arith.index_cast %swap3A_1649 : i32 to index
      %swap3A_1651 = arith.index_cast %add3A_1648 : i32 to index
      %swap3A_1652 = tpu.vector_load %arg7[%swap3A_1650, %swap3A_1651] {strides = array<i32>} : memref<16x5248xf32, #tpu.memory_space<vmem>>, vector<16xf32>,
      tpu.vector_store %arg7[%swap3A_1650, %swap3A_1651], %gather3A_1559 {strides = array<i32>} : memref<16x5248xf32, #tpu.memory_space<vmem>>, vector<16xf32>,
      %add3A_1653 = arith.constant 64 : i32
      %add3A_1654 = arith.addi %mul3A_919, %add3A_1653 : i32
      %swap3A_1655 = arith.constant 15 : i32
      %swap3A_1656 = arith.index_cast %swap3A_1655 : i32 to index
      %swap3A_1657 = arith.index_cast %add3A_1654 : i32 to index
      %swap3A_1658 = tpu.vector_load %arg7[%swap3A_1656, %swap3A_1657] {strides = array<i32>} : memref<16x5248xf32, #tpu.memory_space<vmem>>, vector<16xf32>,
      tpu.vector_store %arg7[%swap3A_1656, %swap3A_1657], %gather3A_1562 {strides = array<i32>} : memref<16x5248xf32, #tpu.memory_space<vmem>>, vector<16xf32>,
      %add3A_1659 = arith.constant 80 : i32
      %add3A_1660 = arith.addi %mul3A_919, %add3A_1659 : i32
      %get3A_1661 = arith.index_cast %add3A_1660 : i32 to index
      %get3A_1662 = tpu.vector_load %arg6[%get3A_1661] {strides = array<i32>} : memref<5248xi32, #tpu.memory_space<vmem>>, vector<16xi32>,
      %broadcast_in_dim3A_1663 = vector.shape_cast %get3A_1662 : vector<16xi32> to vector<16x1xi32>
      %gather3A_1664 = vector.shape_cast %broadcast_in_dim3A_1663 : vector<16x1xi32> to vector<16xi32>
      %gather3A_1665 = tpu.dynamic_gather %select_n3A_86[%gather3A_1664] in [0] : vector<16xf32>, vector<16xi32> -> vector<16xf32>
      %broadcast_in_dim3A_1666 = vector.shape_cast %get3A_1662 : vector<16xi32> to vector<16x1xi32>
      %gather3A_1667 = vector.shape_cast %broadcast_in_dim3A_1666 : vector<16x1xi32> to vector<16xi32>
      %gather3A_1668 = tpu.dynamic_gather %select_n3A_140[%gather3A_1667] in [0] : vector<16xf32>, vector<16xi32> -> vector<16xf32>
      %broadcast_in_dim3A_1669 = vector.shape_cast %get3A_1662 : vector<16xi32> to vector<16x1xi32>
      %gather3A_1670 = vector.shape_cast %broadcast_in_dim3A_1669 : vector<16x1xi32> to vector<16xi32>
      %gather3A_1671 = tpu.dynamic_gather %select_n3A_194[%gather3A_1670] in [0] : vector<16xf32>, vector<16xi32> -> vector<16xf32>
      %broadcast_in_dim3A_1672 = vector.shape_cast %get3A_1662 : vector<16xi32> to vector<16x1xi32>
      %gather3A_1673 = vector.shape_cast %broadcast_in_dim3A_1672 : vector<16x1xi32> to vector<16xi32>
      %gather3A_1674 = tpu.dynamic_gather %select_n3A_248[%gather3A_1673] in [0] : vector<16xf32>, vector<16xi32> -> vector<16xf32>
      %broadcast_in_dim3A_1675 = vector.shape_cast %get3A_1662 : vector<16xi32> to vector<16x1xi32>
      %gather3A_1676 = vector.shape_cast %broadcast_in_dim3A_1675 : vector<16x1xi32> to vector<16xi32>
      %gather3A_1677 = tpu.dynamic_gather %select_n3A_302[%gather3A_1676] in [0] : vector<16xf32>, vector<16xi32> -> vector<16xf32>
      %broadcast_in_dim3A_1678 = vector.shape_cast %get3A_1662 : vector<16xi32> to vector<16x1xi32>
      %gather3A_1679 = vector.shape_cast %broadcast_in_dim3A_1678 : vector<16x1xi32> to vector<16xi32>
      %gather3A_1680 = tpu.dynamic_gather %select_n3A_356[%gather3A_1679] in [0] : vector<16xf32>, vector<16xi32> -> vector<16xf32>
      %broadcast_in_dim3A_1681 = vector.shape_cast %get3A_1662 : vector<16xi32> to vector<16x1xi32>
      %gather3A_1682 = vector.shape_cast %broadcast_in_dim3A_1681 : vector<16x1xi32> to vector<16xi32>
      %gather3A_1683 = tpu.dynamic_gather %select_n3A_410[%gather3A_1682] in [0] : vector<16xf32>, vector<16xi32> -> vector<16xf32>
      %broadcast_in_dim3A_1684 = vector.shape_cast %get3A_1662 : vector<16xi32> to vector<16x1xi32>
      %gather3A_1685 = vector.shape_cast %broadcast_in_dim3A_1684 : vector<16x1xi32> to vector<16xi32>
      %gather3A_1686 = tpu.dynamic_gather %select_n3A_464[%gather3A_1685] in [0] : vector<16xf32>, vector<16xi32> -> vector<16xf32>
      %broadcast_in_dim3A_1687 = vector.shape_cast %get3A_1662 : vector<16xi32> to vector<16x1xi32>
      %gather3A_1688 = vector.shape_cast %broadcast_in_dim3A_1687 : vector<16x1xi32> to vector<16xi32>
      %gather3A_1689 = tpu.dynamic_gather %select_n3A_518[%gather3A_1688] in [0] : vector<16xf32>, vector<16xi32> -> vector<16xf32>
      %broadcast_in_dim3A_1690 = vector.shape_cast %get3A_1662 : vector<16xi32> to vector<16x1xi32>
      %gather3A_1691 = vector.shape_cast %broadcast_in_dim3A_1690 : vector<16x1xi32> to vector<16xi32>
      %gather3A_1692 = tpu.dynamic_gather %select_n3A_572[%gather3A_1691] in [0] : vector<16xf32>, vector<16xi32> -> vector<16xf32>
      %broadcast_in_dim3A_1693 = vector.shape_cast %get3A_1662 : vector<16xi32> to vector<16x1xi32>
      %gather3A_1694 = vector.shape_cast %broadcast_in_dim3A_1693 : vector<16x1xi32> to vector<16xi32>
      %gather3A_1695 = tpu.dynamic_gather %select_n3A_626[%gather3A_1694] in [0] : vector<16xf32>, vector<16xi32> -> vector<16xf32>
      %broadcast_in_dim3A_1696 = vector.shape_cast %get3A_1662 : vector<16xi32> to vector<16x1xi32>
      %gather3A_1697 = vector.shape_cast %broadcast_in_dim3A_1696 : vector<16x1xi32> to vector<16xi32>
      %gather3A_1698 = tpu.dynamic_gather %select_n3A_680[%gather3A_1697] in [0] : vector<16xf32>, vector<16xi32> -> vector<16xf32>
      %broadcast_in_dim3A_1699 = vector.shape_cast %get3A_1662 : vector<16xi32> to vector<16x1xi32>
      %gather3A_1700 = vector.shape_cast %broadcast_in_dim3A_1699 : vector<16x1xi32> to vector<16xi32>
      %gather3A_1701 = tpu.dynamic_gather %select_n3A_734[%gather3A_1700] in [0] : vector<16xf32>, vector<16xi32> -> vector<16xf32>
      %broadcast_in_dim3A_1702 = vector.shape_cast %get3A_1662 : vector<16xi32> to vector<16x1xi32>
      %gather3A_1703 = vector.shape_cast %broadcast_in_dim3A_1702 : vector<16x1xi32> to vector<16xi32>
      %gather3A_1704 = tpu.dynamic_gather %select_n3A_788[%gather3A_1703] in [0] : vector<16xf32>, vector<16xi32> -> vector<16xf32>
      %broadcast_in_dim3A_1705 = vector.shape_cast %get3A_1662 : vector<16xi32> to vector<16x1xi32>
      %gather3A_1706 = vector.shape_cast %broadcast_in_dim3A_1705 : vector<16x1xi32> to vector<16xi32>
      %gather3A_1707 = tpu.dynamic_gather %select_n3A_842[%gather3A_1706] in [0] : vector<16xf32>, vector<16xi32> -> vector<16xf32>
      %broadcast_in_dim3A_1708 = vector.shape_cast %get3A_1662 : vector<16xi32> to vector<16x1xi32>
      %gather3A_1709 = vector.shape_cast %broadcast_in_dim3A_1708 : vector<16x1xi32> to vector<16xi32>
      %gather3A_1710 = tpu.dynamic_gather %select_n3A_896[%gather3A_1709] in [0] : vector<16xf32>, vector<16xi32> -> vector<16xf32>
      %add3A_1711 = arith.constant 80 : i32
      %add3A_1712 = arith.addi %mul3A_919, %add3A_1711 : i32
      %swap3A_1713 = arith.constant 0 : i32
      %swap3A_1714 = arith.index_cast %swap3A_1713 : i32 to index
      %swap3A_1715 = arith.index_cast %add3A_1712 : i32 to index
      %swap3A_1716 = tpu.vector_load %arg7[%swap3A_1714, %swap3A_1715] {strides = array<i32>} : memref<16x5248xf32, #tpu.memory_space<vmem>>, vector<16xf32>,
      tpu.vector_store %arg7[%swap3A_1714, %swap3A_1715], %gather3A_1665 {strides = array<i32>} : memref<16x5248xf32, #tpu.memory_space<vmem>>, vector<16xf32>,
      %add3A_1717 = arith.constant 80 : i32
      %add3A_1718 = arith.addi %mul3A_919, %add3A_1717 : i32
      %swap3A_1719 = arith.constant 1 : i32
      %swap3A_1720 = arith.index_cast %swap3A_1719 : i32 to index
      %swap3A_1721 = arith.index_cast %add3A_1718 : i32 to index
      %swap3A_1722 = tpu.vector_load %arg7[%swap3A_1720, %swap3A_1721] {strides = array<i32>} : memref<16x5248xf32, #tpu.memory_space<vmem>>, vector<16xf32>,
      tpu.vector_store %arg7[%swap3A_1720, %swap3A_1721], %gather3A_1668 {strides = array<i32>} : memref<16x5248xf32, #tpu.memory_space<vmem>>, vector<16xf32>,
      %add3A_1723 = arith.constant 80 : i32
      %add3A_1724 = arith.addi %mul3A_919, %add3A_1723 : i32
      %swap3A_1725 = arith.constant 2 : i32
      %swap3A_1726 = arith.index_cast %swap3A_1725 : i32 to index
      %swap3A_1727 = arith.index_cast %add3A_1724 : i32 to index
      %swap3A_1728 = tpu.vector_load %arg7[%swap3A_1726, %swap3A_1727] {strides = array<i32>} : memref<16x5248xf32, #tpu.memory_space<vmem>>, vector<16xf32>,
      tpu.vector_store %arg7[%swap3A_1726, %swap3A_1727], %gather3A_1671 {strides = array<i32>} : memref<16x5248xf32, #tpu.memory_space<vmem>>, vector<16xf32>,
      %add3A_1729 = arith.constant 80 : i32
      %add3A_1730 = arith.addi %mul3A_919, %add3A_1729 : i32
      %swap3A_1731 = arith.constant 3 : i32
      %swap3A_1732 = arith.index_cast %swap3A_1731 : i32 to index
      %swap3A_1733 = arith.index_cast %add3A_1730 : i32 to index
      %swap3A_1734 = tpu.vector_load %arg7[%swap3A_1732, %swap3A_1733] {strides = array<i32>} : memref<16x5248xf32, #tpu.memory_space<vmem>>, vector<16xf32>,
      tpu.vector_store %arg7[%swap3A_1732, %swap3A_1733], %gather3A_1674 {strides = array<i32>} : memref<16x5248xf32, #tpu.memory_space<vmem>>, vector<16xf32>,
      %add3A_1735 = arith.constant 80 : i32
      %add3A_1736 = arith.addi %mul3A_919, %add3A_1735 : i32
      %swap3A_1737 = arith.constant 4 : i32
      %swap3A_1738 = arith.index_cast %swap3A_1737 : i32 to index
      %swap3A_1739 = arith.index_cast %add3A_1736 : i32 to index
      %swap3A_1740 = tpu.vector_load %arg7[%swap3A_1738, %swap3A_1739] {strides = array<i32>} : memref<16x5248xf32, #tpu.memory_space<vmem>>, vector<16xf32>,
      tpu.vector_store %arg7[%swap3A_1738, %swap3A_1739], %gather3A_1677 {strides = array<i32>} : memref<16x5248xf32, #tpu.memory_space<vmem>>, vector<16xf32>,
      %add3A_1741 = arith.constant 80 : i32
      %add3A_1742 = arith.addi %mul3A_919, %add3A_1741 : i32
      %swap3A_1743 = arith.constant 5 : i32
      %swap3A_1744 = arith.index_cast %swap3A_1743 : i32 to index
      %swap3A_1745 = arith.index_cast %add3A_1742 : i32 to index
      %swap3A_1746 = tpu.vector_load %arg7[%swap3A_1744, %swap3A_1745] {strides = array<i32>} : memref<16x5248xf32, #tpu.memory_space<vmem>>, vector<16xf32>,
      tpu.vector_store %arg7[%swap3A_1744, %swap3A_1745], %gather3A_1680 {strides = array<i32>} : memref<16x5248xf32, #tpu.memory_space<vmem>>, vector<16xf32>,
      %add3A_1747 = arith.constant 80 : i32
      %add3A_1748 = arith.addi %mul3A_919, %add3A_1747 : i32
      %swap3A_1749 = arith.constant 6 : i32
      %swap3A_1750 = arith.index_cast %swap3A_1749 : i32 to index
      %swap3A_1751 = arith.index_cast %add3A_1748 : i32 to index
      %swap3A_1752 = tpu.vector_load %arg7[%swap3A_1750, %swap3A_1751] {strides = array<i32>} : memref<16x5248xf32, #tpu.memory_space<vmem>>, vector<16xf32>,
      tpu.vector_store %arg7[%swap3A_1750, %swap3A_1751], %gather3A_1683 {strides = array<i32>} : memref<16x5248xf32, #tpu.memory_space<vmem>>, vector<16xf32>,
      %add3A_1753 = arith.constant 80 : i32
      %add3A_1754 = arith.addi %mul3A_919, %add3A_1753 : i32
      %swap3A_1755 = arith.constant 7 : i32
      %swap3A_1756 = arith.index_cast %swap3A_1755 : i32 to index
      %swap3A_1757 = arith.index_cast %add3A_1754 : i32 to index
      %swap3A_1758 = tpu.vector_load %arg7[%swap3A_1756, %swap3A_1757] {strides = array<i32>} : memref<16x5248xf32, #tpu.memory_space<vmem>>, vector<16xf32>,
      tpu.vector_store %arg7[%swap3A_1756, %swap3A_1757], %gather3A_1686 {strides = array<i32>} : memref<16x5248xf32, #tpu.memory_space<vmem>>, vector<16xf32>,
      %add3A_1759 = arith.constant 80 : i32
      %add3A_1760 = arith.addi %mul3A_919, %add3A_1759 : i32
      %swap3A_1761 = arith.constant 8 : i32
      %swap3A_1762 = arith.index_cast %swap3A_1761 : i32 to index
      %swap3A_1763 = arith.index_cast %add3A_1760 : i32 to index
      %swap3A_1764 = tpu.vector_load %arg7[%swap3A_1762, %swap3A_1763] {strides = array<i32>} : memref<16x5248xf32, #tpu.memory_space<vmem>>, vector<16xf32>,
      tpu.vector_store %arg7[%swap3A_1762, %swap3A_1763], %gather3A_1689 {strides = array<i32>} : memref<16x5248xf32, #tpu.memory_space<vmem>>, vector<16xf32>,
      %add3A_1765 = arith.constant 80 : i32
      %add3A_1766 = arith.addi %mul3A_919, %add3A_1765 : i32
      %swap3A_1767 = arith.constant 9 : i32
      %swap3A_1768 = arith.index_cast %swap3A_1767 : i32 to index
      %swap3A_1769 = arith.index_cast %add3A_1766 : i32 to index
      %swap3A_1770 = tpu.vector_load %arg7[%swap3A_1768, %swap3A_1769] {strides = array<i32>} : memref<16x5248xf32, #tpu.memory_space<vmem>>, vector<16xf32>,
      tpu.vector_store %arg7[%swap3A_1768, %swap3A_1769], %gather3A_1692 {strides = array<i32>} : memref<16x5248xf32, #tpu.memory_space<vmem>>, vector<16xf32>,
      %add3A_1771 = arith.constant 80 : i32
      %add3A_1772 = arith.addi %mul3A_919, %add3A_1771 : i32
      %swap3A_1773 = arith.constant 10 : i32
      %swap3A_1774 = arith.index_cast %swap3A_1773 : i32 to index
      %swap3A_1775 = arith.index_cast %add3A_1772 : i32 to index
      %swap3A_1776 = tpu.vector_load %arg7[%swap3A_1774, %swap3A_1775] {strides = array<i32>} : memref<16x5248xf32, #tpu.memory_space<vmem>>, vector<16xf32>,
      tpu.vector_store %arg7[%swap3A_1774, %swap3A_1775], %gather3A_1695 {strides = array<i32>} : memref<16x5248xf32, #tpu.memory_space<vmem>>, vector<16xf32>,
      %add3A_1777 = arith.constant 80 : i32
      %add3A_1778 = arith.addi %mul3A_919, %add3A_1777 : i32
      %swap3A_1779 = arith.constant 11 : i32
      %swap3A_1780 = arith.index_cast %swap3A_1779 : i32 to index
      %swap3A_1781 = arith.index_cast %add3A_1778 : i32 to index
      %swap3A_1782 = tpu.vector_load %arg7[%swap3A_1780, %swap3A_1781] {strides = array<i32>} : memref<16x5248xf32, #tpu.memory_space<vmem>>, vector<16xf32>,
      tpu.vector_store %arg7[%swap3A_1780, %swap3A_1781], %gather3A_1698 {strides = array<i32>} : memref<16x5248xf32, #tpu.memory_space<vmem>>, vector<16xf32>,
      %add3A_1783 = arith.constant 80 : i32
      %add3A_1784 = arith.addi %mul3A_919, %add3A_1783 : i32
      %swap3A_1785 = arith.constant 12 : i32
      %swap3A_1786 = arith.index_cast %swap3A_1785 : i32 to index
      %swap3A_1787 = arith.index_cast %add3A_1784 : i32 to index
      %swap3A_1788 = tpu.vector_load %arg7[%swap3A_1786, %swap3A_1787] {strides = array<i32>} : memref<16x5248xf32, #tpu.memory_space<vmem>>, vector<16xf32>,
      tpu.vector_store %arg7[%swap3A_1786, %swap3A_1787], %gather3A_1701 {strides = array<i32>} : memref<16x5248xf32, #tpu.memory_space<vmem>>, vector<16xf32>,
      %add3A_1789 = arith.constant 80 : i32
      %add3A_1790 = arith.addi %mul3A_919, %add3A_1789 : i32
      %swap3A_1791 = arith.constant 13 : i32
      %swap3A_1792 = arith.index_cast %swap3A_1791 : i32 to index
      %swap3A_1793 = arith.index_cast %add3A_1790 : i32 to index
      %swap3A_1794 = tpu.vector_load %arg7[%swap3A_1792, %swap3A_1793] {strides = array<i32>} : memref<16x5248xf32, #tpu.memory_space<vmem>>, vector<16xf32>,
      tpu.vector_store %arg7[%swap3A_1792, %swap3A_1793], %gather3A_1704 {strides = array<i32>} : memref<16x5248xf32, #tpu.memory_space<vmem>>, vector<16xf32>,
      %add3A_1795 = arith.constant 80 : i32
      %add3A_1796 = arith.addi %mul3A_919, %add3A_1795 : i32
      %swap3A_1797 = arith.constant 14 : i32
      %swap3A_1798 = arith.index_cast %swap3A_1797 : i32 to index
      %swap3A_1799 = arith.index_cast %add3A_1796 : i32 to index
      %swap3A_1800 = tpu.vector_load %arg7[%swap3A_1798, %swap3A_1799] {strides = array<i32>} : memref<16x5248xf32, #tpu.memory_space<vmem>>, vector<16xf32>,
      tpu.vector_store %arg7[%swap3A_1798, %swap3A_1799], %gather3A_1707 {strides = array<i32>} : memref<16x5248xf32, #tpu.memory_space<vmem>>, vector<16xf32>,
      %add3A_1801 = arith.constant 80 : i32
      %add3A_1802 = arith.addi %mul3A_919, %add3A_1801 : i32
      %swap3A_1803 = arith.constant 15 : i32
      %swap3A_1804 = arith.index_cast %swap3A_1803 : i32 to index
      %swap3A_1805 = arith.index_cast %add3A_1802 : i32 to index
      %swap3A_1806 = tpu.vector_load %arg7[%swap3A_1804, %swap3A_1805] {strides = array<i32>} : memref<16x5248xf32, #tpu.memory_space<vmem>>, vector<16xf32>,
      tpu.vector_store %arg7[%swap3A_1804, %swap3A_1805], %gather3A_1710 {strides = array<i32>} : memref<16x5248xf32, #tpu.memory_space<vmem>>, vector<16xf32>,
      %add3A_1807 = arith.constant 96 : i32
      %add3A_1808 = arith.addi %mul3A_919, %add3A_1807 : i32
      %get3A_1809 = arith.index_cast %add3A_1808 : i32 to index
      %get3A_1810 = tpu.vector_load %arg6[%get3A_1809] {strides = array<i32>} : memref<5248xi32, #tpu.memory_space<vmem>>, vector<16xi32>,
      %broadcast_in_dim3A_1811 = vector.shape_cast %get3A_1810 : vector<16xi32> to vector<16x1xi32>
      %gather3A_1812 = vector.shape_cast %broadcast_in_dim3A_1811 : vector<16x1xi32> to vector<16xi32>
      %gather3A_1813 = tpu.dynamic_gather %select_n3A_86[%gather3A_1812] in [0] : vector<16xf32>, vector<16xi32> -> vector<16xf32>
      %broadcast_in_dim3A_1814 = vector.shape_cast %get3A_1810 : vector<16xi32> to vector<16x1xi32>
      %gather3A_1815 = vector.shape_cast %broadcast_in_dim3A_1814 : vector<16x1xi32> to vector<16xi32>
      %gather3A_1816 = tpu.dynamic_gather %select_n3A_140[%gather3A_1815] in [0] : vector<16xf32>, vector<16xi32> -> vector<16xf32>
      %broadcast_in_dim3A_1817 = vector.shape_cast %get3A_1810 : vector<16xi32> to vector<16x1xi32>
      %gather3A_1818 = vector.shape_cast %broadcast_in_dim3A_1817 : vector<16x1xi32> to vector<16xi32>
      %gather3A_1819 = tpu.dynamic_gather %select_n3A_194[%gather3A_1818] in [0] : vector<16xf32>, vector<16xi32> -> vector<16xf32>
      %broadcast_in_dim3A_1820 = vector.shape_cast %get3A_1810 : vector<16xi32> to vector<16x1xi32>
      %gather3A_1821 = vector.shape_cast %broadcast_in_dim3A_1820 : vector<16x1xi32> to vector<16xi32>
      %gather3A_1822 = tpu.dynamic_gather %select_n3A_248[%gather3A_1821] in [0] : vector<16xf32>, vector<16xi32> -> vector<16xf32>
      %broadcast_in_dim3A_1823 = vector.shape_cast %get3A_1810 : vector<16xi32> to vector<16x1xi32>
      %gather3A_1824 = vector.shape_cast %broadcast_in_dim3A_1823 : vector<16x1xi32> to vector<16xi32>
      %gather3A_1825 = tpu.dynamic_gather %select_n3A_302[%gather3A_1824] in [0] : vector<16xf32>, vector<16xi32> -> vector<16xf32>
      %broadcast_in_dim3A_1826 = vector.shape_cast %get3A_1810 : vector<16xi32> to vector<16x1xi32>
      %gather3A_1827 = vector.shape_cast %broadcast_in_dim3A_1826 : vector<16x1xi32> to vector<16xi32>
      %gather3A_1828 = tpu.dynamic_gather %select_n3A_356[%gather3A_1827] in [0] : vector<16xf32>, vector<16xi32> -> vector<16xf32>
      %broadcast_in_dim3A_1829 = vector.shape_cast %get3A_1810 : vector<16xi32> to vector<16x1xi32>
      %gather3A_1830 = vector.shape_cast %broadcast_in_dim3A_1829 : vector<16x1xi32> to vector<16xi32>
      %gather3A_1831 = tpu.dynamic_gather %select_n3A_410[%gather3A_1830] in [0] : vector<16xf32>, vector<16xi32> -> vector<16xf32>
      %broadcast_in_dim3A_1832 = vector.shape_cast %get3A_1810 : vector<16xi32> to vector<16x1xi32>
      %gather3A_1833 = vector.shape_cast %broadcast_in_dim3A_1832 : vector<16x1xi32> to vector<16xi32>
      %gather3A_1834 = tpu.dynamic_gather %select_n3A_464[%gather3A_1833] in [0] : vector<16xf32>, vector<16xi32> -> vector<16xf32>
      %broadcast_in_dim3A_1835 = vector.shape_cast %get3A_1810 : vector<16xi32> to vector<16x1xi32>
      %gather3A_1836 = vector.shape_cast %broadcast_in_dim3A_1835 : vector<16x1xi32> to vector<16xi32>
      %gather3A_1837 = tpu.dynamic_gather %select_n3A_518[%gather3A_1836] in [0] : vector<16xf32>, vector<16xi32> -> vector<16xf32>
      %broadcast_in_dim3A_1838 = vector.shape_cast %get3A_1810 : vector<16xi32> to vector<16x1xi32>
      %gather3A_1839 = vector.shape_cast %broadcast_in_dim3A_1838 : vector<16x1xi32> to vector<16xi32>
      %gather3A_1840 = tpu.dynamic_gather %select_n3A_572[%gather3A_1839] in [0] : vector<16xf32>, vector<16xi32> -> vector<16xf32>
      %broadcast_in_dim3A_1841 = vector.shape_cast %get3A_1810 : vector<16xi32> to vector<16x1xi32>
      %gather3A_1842 = vector.shape_cast %broadcast_in_dim3A_1841 : vector<16x1xi32> to vector<16xi32>
      %gather3A_1843 = tpu.dynamic_gather %select_n3A_626[%gather3A_1842] in [0] : vector<16xf32>, vector<16xi32> -> vector<16xf32>
      %broadcast_in_dim3A_1844 = vector.shape_cast %get3A_1810 : vector<16xi32> to vector<16x1xi32>
      %gather3A_1845 = vector.shape_cast %broadcast_in_dim3A_1844 : vector<16x1xi32> to vector<16xi32>
      %gather3A_1846 = tpu.dynamic_gather %select_n3A_680[%gather3A_1845] in [0] : vector<16xf32>, vector<16xi32> -> vector<16xf32>
      %broadcast_in_dim3A_1847 = vector.shape_cast %get3A_1810 : vector<16xi32> to vector<16x1xi32>
      %gather3A_1848 = vector.shape_cast %broadcast_in_dim3A_1847 : vector<16x1xi32> to vector<16xi32>
      %gather3A_1849 = tpu.dynamic_gather %select_n3A_734[%gather3A_1848] in [0] : vector<16xf32>, vector<16xi32> -> vector<16xf32>
      %broadcast_in_dim3A_1850 = vector.shape_cast %get3A_1810 : vector<16xi32> to vector<16x1xi32>
      %gather3A_1851 = vector.shape_cast %broadcast_in_dim3A_1850 : vector<16x1xi32> to vector<16xi32>
      %gather3A_1852 = tpu.dynamic_gather %select_n3A_788[%gather3A_1851] in [0] : vector<16xf32>, vector<16xi32> -> vector<16xf32>
      %broadcast_in_dim3A_1853 = vector.shape_cast %get3A_1810 : vector<16xi32> to vector<16x1xi32>
      %gather3A_1854 = vector.shape_cast %broadcast_in_dim3A_1853 : vector<16x1xi32> to vector<16xi32>
      %gather3A_1855 = tpu.dynamic_gather %select_n3A_842[%gather3A_1854] in [0] : vector<16xf32>, vector<16xi32> -> vector<16xf32>
      %broadcast_in_dim3A_1856 = vector.shape_cast %get3A_1810 : vector<16xi32> to vector<16x1xi32>
      %gather3A_1857 = vector.shape_cast %broadcast_in_dim3A_1856 : vector<16x1xi32> to vector<16xi32>
      %gather3A_1858 = tpu.dynamic_gather %select_n3A_896[%gather3A_1857] in [0] : vector<16xf32>, vector<16xi32> -> vector<16xf32>
      %add3A_1859 = arith.constant 96 : i32
      %add3A_1860 = arith.addi %mul3A_919, %add3A_1859 : i32
      %swap3A_1861 = arith.constant 0 : i32
      %swap3A_1862 = arith.index_cast %swap3A_1861 : i32 to index
      %swap3A_1863 = arith.index_cast %add3A_1860 : i32 to index
      %swap3A_1864 = tpu.vector_load %arg7[%swap3A_1862, %swap3A_1863] {strides = array<i32>} : memref<16x5248xf32, #tpu.memory_space<vmem>>, vector<16xf32>,
      tpu.vector_store %arg7[%swap3A_1862, %swap3A_1863], %gather3A_1813 {strides = array<i32>} : memref<16x5248xf32, #tpu.memory_space<vmem>>, vector<16xf32>,
      %add3A_1865 = arith.constant 96 : i32
      %add3A_1866 = arith.addi %mul3A_919, %add3A_1865 : i32
      %swap3A_1867 = arith.constant 1 : i32
      %swap3A_1868 = arith.index_cast %swap3A_1867 : i32 to index
      %swap3A_1869 = arith.index_cast %add3A_1866 : i32 to index
      %swap3A_1870 = tpu.vector_load %arg7[%swap3A_1868, %swap3A_1869] {strides = array<i32>} : memref<16x5248xf32, #tpu.memory_space<vmem>>, vector<16xf32>,
      tpu.vector_store %arg7[%swap3A_1868, %swap3A_1869], %gather3A_1816 {strides = array<i32>} : memref<16x5248xf32, #tpu.memory_space<vmem>>, vector<16xf32>,
      %add3A_1871 = arith.constant 96 : i32
      %add3A_1872 = arith.addi %mul3A_919, %add3A_1871 : i32
      %swap3A_1873 = arith.constant 2 : i32
      %swap3A_1874 = arith.index_cast %swap3A_1873 : i32 to index
      %swap3A_1875 = arith.index_cast %add3A_1872 : i32 to index
      %swap3A_1876 = tpu.vector_load %arg7[%swap3A_1874, %swap3A_1875] {strides = array<i32>} : memref<16x5248xf32, #tpu.memory_space<vmem>>, vector<16xf32>,
      tpu.vector_store %arg7[%swap3A_1874, %swap3A_1875], %gather3A_1819 {strides = array<i32>} : memref<16x5248xf32, #tpu.memory_space<vmem>>, vector<16xf32>,
      %add3A_1877 = arith.constant 96 : i32
      %add3A_1878 = arith.addi %mul3A_919, %add3A_1877 : i32
      %swap3A_1879 = arith.constant 3 : i32
      %swap3A_1880 = arith.index_cast %swap3A_1879 : i32 to index
      %swap3A_1881 = arith.index_cast %add3A_1878 : i32 to index
      %swap3A_1882 = tpu.vector_load %arg7[%swap3A_1880, %swap3A_1881] {strides = array<i32>} : memref<16x5248xf32, #tpu.memory_space<vmem>>, vector<16xf32>,
      tpu.vector_store %arg7[%swap3A_1880, %swap3A_1881], %gather3A_1822 {strides = array<i32>} : memref<16x5248xf32, #tpu.memory_space<vmem>>, vector<16xf32>,
      %add3A_1883 = arith.constant 96 : i32
      %add3A_1884 = arith.addi %mul3A_919, %add3A_1883 : i32
      %swap3A_1885 = arith.constant 4 : i32
      %swap3A_1886 = arith.index_cast %swap3A_1885 : i32 to index
      %swap3A_1887 = arith.index_cast %add3A_1884 : i32 to index
      %swap3A_1888 = tpu.vector_load %arg7[%swap3A_1886, %swap3A_1887] {strides = array<i32>} : memref<16x5248xf32, #tpu.memory_space<vmem>>, vector<16xf32>,
      tpu.vector_store %arg7[%swap3A_1886, %swap3A_1887], %gather3A_1825 {strides = array<i32>} : memref<16x5248xf32, #tpu.memory_space<vmem>>, vector<16xf32>,
      %add3A_1889 = arith.constant 96 : i32
      %add3A_1890 = arith.addi %mul3A_919, %add3A_1889 : i32
      %swap3A_1891 = arith.constant 5 : i32
      %swap3A_1892 = arith.index_cast %swap3A_1891 : i32 to index
      %swap3A_1893 = arith.index_cast %add3A_1890 : i32 to index
      %swap3A_1894 = tpu.vector_load %arg7[%swap3A_1892, %swap3A_1893] {strides = array<i32>} : memref<16x5248xf32, #tpu.memory_space<vmem>>, vector<16xf32>,
      tpu.vector_store %arg7[%swap3A_1892, %swap3A_1893], %gather3A_1828 {strides = array<i32>} : memref<16x5248xf32, #tpu.memory_space<vmem>>, vector<16xf32>,
      %add3A_1895 = arith.constant 96 : i32
      %add3A_1896 = arith.addi %mul3A_919, %add3A_1895 : i32
      %swap3A_1897 = arith.constant 6 : i32
      %swap3A_1898 = arith.index_cast %swap3A_1897 : i32 to index
      %swap3A_1899 = arith.index_cast %add3A_1896 : i32 to index
      %swap3A_1900 = tpu.vector_load %arg7[%swap3A_1898, %swap3A_1899] {strides = array<i32>} : memref<16x5248xf32, #tpu.memory_space<vmem>>, vector<16xf32>,
      tpu.vector_store %arg7[%swap3A_1898, %swap3A_1899], %gather3A_1831 {strides = array<i32>} : memref<16x5248xf32, #tpu.memory_space<vmem>>, vector<16xf32>,
      %add3A_1901 = arith.constant 96 : i32
      %add3A_1902 = arith.addi %mul3A_919, %add3A_1901 : i32
      %swap3A_1903 = arith.constant 7 : i32
      %swap3A_1904 = arith.index_cast %swap3A_1903 : i32 to index
      %swap3A_1905 = arith.index_cast %add3A_1902 : i32 to index
      %swap3A_1906 = tpu.vector_load %arg7[%swap3A_1904, %swap3A_1905] {strides = array<i32>} : memref<16x5248xf32, #tpu.memory_space<vmem>>, vector<16xf32>,
      tpu.vector_store %arg7[%swap3A_1904, %swap3A_1905], %gather3A_1834 {strides = array<i32>} : memref<16x5248xf32, #tpu.memory_space<vmem>>, vector<16xf32>,
      %add3A_1907 = arith.constant 96 : i32
      %add3A_1908 = arith.addi %mul3A_919, %add3A_1907 : i32
      %swap3A_1909 = arith.constant 8 : i32
      %swap3A_1910 = arith.index_cast %swap3A_1909 : i32 to index
      %swap3A_1911 = arith.index_cast %add3A_1908 : i32 to index
      %swap3A_1912 = tpu.vector_load %arg7[%swap3A_1910, %swap3A_1911] {strides = array<i32>} : memref<16x5248xf32, #tpu.memory_space<vmem>>, vector<16xf32>,
      tpu.vector_store %arg7[%swap3A_1910, %swap3A_1911], %gather3A_1837 {strides = array<i32>} : memref<16x5248xf32, #tpu.memory_space<vmem>>, vector<16xf32>,
      %add3A_1913 = arith.constant 96 : i32
      %add3A_1914 = arith.addi %mul3A_919, %add3A_1913 : i32
      %swap3A_1915 = arith.constant 9 : i32
      %swap3A_1916 = arith.index_cast %swap3A_1915 : i32 to index
      %swap3A_1917 = arith.index_cast %add3A_1914 : i32 to index
      %swap3A_1918 = tpu.vector_load %arg7[%swap3A_1916, %swap3A_1917] {strides = array<i32>} : memref<16x5248xf32, #tpu.memory_space<vmem>>, vector<16xf32>,
      tpu.vector_store %arg7[%swap3A_1916, %swap3A_1917], %gather3A_1840 {strides = array<i32>} : memref<16x5248xf32, #tpu.memory_space<vmem>>, vector<16xf32>,
      %add3A_1919 = arith.constant 96 : i32
      %add3A_1920 = arith.addi %mul3A_919, %add3A_1919 : i32
      %swap3A_1921 = arith.constant 10 : i32
      %swap3A_1922 = arith.index_cast %swap3A_1921 : i32 to index
      %swap3A_1923 = arith.index_cast %add3A_1920 : i32 to index
      %swap3A_1924 = tpu.vector_load %arg7[%swap3A_1922, %swap3A_1923] {strides = array<i32>} : memref<16x5248xf32, #tpu.memory_space<vmem>>, vector<16xf32>,
      tpu.vector_store %arg7[%swap3A_1922, %swap3A_1923], %gather3A_1843 {strides = array<i32>} : memref<16x5248xf32, #tpu.memory_space<vmem>>, vector<16xf32>,
      %add3A_1925 = arith.constant 96 : i32
      %add3A_1926 = arith.addi %mul3A_919, %add3A_1925 : i32
      %swap3A_1927 = arith.constant 11 : i32
      %swap3A_1928 = arith.index_cast %swap3A_1927 : i32 to index
      %swap3A_1929 = arith.index_cast %add3A_1926 : i32 to index
      %swap3A_1930 = tpu.vector_load %arg7[%swap3A_1928, %swap3A_1929] {strides = array<i32>} : memref<16x5248xf32, #tpu.memory_space<vmem>>, vector<16xf32>,
      tpu.vector_store %arg7[%swap3A_1928, %swap3A_1929], %gather3A_1846 {strides = array<i32>} : memref<16x5248xf32, #tpu.memory_space<vmem>>, vector<16xf32>,
      %add3A_1931 = arith.constant 96 : i32
      %add3A_1932 = arith.addi %mul3A_919, %add3A_1931 : i32
      %swap3A_1933 = arith.constant 12 : i32
      %swap3A_1934 = arith.index_cast %swap3A_1933 : i32 to index
      %swap3A_1935 = arith.index_cast %add3A_1932 : i32 to index
      %swap3A_1936 = tpu.vector_load %arg7[%swap3A_1934, %swap3A_1935] {strides = array<i32>} : memref<16x5248xf32, #tpu.memory_space<vmem>>, vector<16xf32>,
      tpu.vector_store %arg7[%swap3A_1934, %swap3A_1935], %gather3A_1849 {strides = array<i32>} : memref<16x5248xf32, #tpu.memory_space<vmem>>, vector<16xf32>,
      %add3A_1937 = arith.constant 96 : i32
      %add3A_1938 = arith.addi %mul3A_919, %add3A_1937 : i32
      %swap3A_1939 = arith.constant 13 : i32
      %swap3A_1940 = arith.index_cast %swap3A_1939 : i32 to index
      %swap3A_1941 = arith.index_cast %add3A_1938 : i32 to index
      %swap3A_1942 = tpu.vector_load %arg7[%swap3A_1940, %swap3A_1941] {strides = array<i32>} : memref<16x5248xf32, #tpu.memory_space<vmem>>, vector<16xf32>,
      tpu.vector_store %arg7[%swap3A_1940, %swap3A_1941], %gather3A_1852 {strides = array<i32>} : memref<16x5248xf32, #tpu.memory_space<vmem>>, vector<16xf32>,
      %add3A_1943 = arith.constant 96 : i32
      %add3A_1944 = arith.addi %mul3A_919, %add3A_1943 : i32
      %swap3A_1945 = arith.constant 14 : i32
      %swap3A_1946 = arith.index_cast %swap3A_1945 : i32 to index
      %swap3A_1947 = arith.index_cast %add3A_1944 : i32 to index
      %swap3A_1948 = tpu.vector_load %arg7[%swap3A_1946, %swap3A_1947] {strides = array<i32>} : memref<16x5248xf32, #tpu.memory_space<vmem>>, vector<16xf32>,
      tpu.vector_store %arg7[%swap3A_1946, %swap3A_1947], %gather3A_1855 {strides = array<i32>} : memref<16x5248xf32, #tpu.memory_space<vmem>>, vector<16xf32>,
      %add3A_1949 = arith.constant 96 : i32
      %add3A_1950 = arith.addi %mul3A_919, %add3A_1949 : i32
      %swap3A_1951 = arith.constant 15 : i32
      %swap3A_1952 = arith.index_cast %swap3A_1951 : i32 to index
      %swap3A_1953 = arith.index_cast %add3A_1950 : i32 to index
      %swap3A_1954 = tpu.vector_load %arg7[%swap3A_1952, %swap3A_1953] {strides = array<i32>} : memref<16x5248xf32, #tpu.memory_space<vmem>>, vector<16xf32>,
      tpu.vector_store %arg7[%swap3A_1952, %swap3A_1953], %gather3A_1858 {strides = array<i32>} : memref<16x5248xf32, #tpu.memory_space<vmem>>, vector<16xf32>,
      %add3A_1955 = arith.constant 112 : i32
      %add3A_1956 = arith.addi %mul3A_919, %add3A_1955 : i32
      %get3A_1957 = arith.index_cast %add3A_1956 : i32 to index
      %get3A_1958 = tpu.vector_load %arg6[%get3A_1957] {strides = array<i32>} : memref<5248xi32, #tpu.memory_space<vmem>>, vector<16xi32>,
      %broadcast_in_dim3A_1959 = vector.shape_cast %get3A_1958 : vector<16xi32> to vector<16x1xi32>
      %gather3A_1960 = vector.shape_cast %broadcast_in_dim3A_1959 : vector<16x1xi32> to vector<16xi32>
      %gather3A_1961 = tpu.dynamic_gather %select_n3A_86[%gather3A_1960] in [0] : vector<16xf32>, vector<16xi32> -> vector<16xf32>
      %broadcast_in_dim3A_1962 = vector.shape_cast %get3A_1958 : vector<16xi32> to vector<16x1xi32>
      %gather3A_1963 = vector.shape_cast %broadcast_in_dim3A_1962 : vector<16x1xi32> to vector<16xi32>
      %gather3A_1964 = tpu.dynamic_gather %select_n3A_140[%gather3A_1963] in [0] : vector<16xf32>, vector<16xi32> -> vector<16xf32>
      %broadcast_in_dim3A_1965 = vector.shape_cast %get3A_1958 : vector<16xi32> to vector<16x1xi32>
      %gather3A_1966 = vector.shape_cast %broadcast_in_dim3A_1965 : vector<16x1xi32> to vector<16xi32>
      %gather3A_1967 = tpu.dynamic_gather %select_n3A_194[%gather3A_1966] in [0] : vector<16xf32>, vector<16xi32> -> vector<16xf32>
      %broadcast_in_dim3A_1968 = vector.shape_cast %get3A_1958 : vector<16xi32> to vector<16x1xi32>
      %gather3A_1969 = vector.shape_cast %broadcast_in_dim3A_1968 : vector<16x1xi32> to vector<16xi32>
      %gather3A_1970 = tpu.dynamic_gather %select_n3A_248[%gather3A_1969] in [0] : vector<16xf32>, vector<16xi32> -> vector<16xf32>
      %broadcast_in_dim3A_1971 = vector.shape_cast %get3A_1958 : vector<16xi32> to vector<16x1xi32>
      %gather3A_1972 = vector.shape_cast %broadcast_in_dim3A_1971 : vector<16x1xi32> to vector<16xi32>
      %gather3A_1973 = tpu.dynamic_gather %select_n3A_302[%gather3A_1972] in [0] : vector<16xf32>, vector<16xi32> -> vector<16xf32>
      %broadcast_in_dim3A_1974 = vector.shape_cast %get3A_1958 : vector<16xi32> to vector<16x1xi32>
      %gather3A_1975 = vector.shape_cast %broadcast_in_dim3A_1974 : vector<16x1xi32> to vector<16xi32>
      %gather3A_1976 = tpu.dynamic_gather %select_n3A_356[%gather3A_1975] in [0] : vector<16xf32>, vector<16xi32> -> vector<16xf32>
      %broadcast_in_dim3A_1977 = vector.shape_cast %get3A_1958 : vector<16xi32> to vector<16x1xi32>
      %gather3A_1978 = vector.shape_cast %broadcast_in_dim3A_1977 : vector<16x1xi32> to vector<16xi32>
      %gather3A_1979 = tpu.dynamic_gather %select_n3A_410[%gather3A_1978] in [0] : vector<16xf32>, vector<16xi32> -> vector<16xf32>
      %broadcast_in_dim3A_1980 = vector.shape_cast %get3A_1958 : vector<16xi32> to vector<16x1xi32>
      %gather3A_1981 = vector.shape_cast %broadcast_in_dim3A_1980 : vector<16x1xi32> to vector<16xi32>
      %gather3A_1982 = tpu.dynamic_gather %select_n3A_464[%gather3A_1981] in [0] : vector<16xf32>, vector<16xi32> -> vector<16xf32>
      %broadcast_in_dim3A_1983 = vector.shape_cast %get3A_1958 : vector<16xi32> to vector<16x1xi32>
      %gather3A_1984 = vector.shape_cast %broadcast_in_dim3A_1983 : vector<16x1xi32> to vector<16xi32>
      %gather3A_1985 = tpu.dynamic_gather %select_n3A_518[%gather3A_1984] in [0] : vector<16xf32>, vector<16xi32> -> vector<16xf32>
      %broadcast_in_dim3A_1986 = vector.shape_cast %get3A_1958 : vector<16xi32> to vector<16x1xi32>
      %gather3A_1987 = vector.shape_cast %broadcast_in_dim3A_1986 : vector<16x1xi32> to vector<16xi32>
      %gather3A_1988 = tpu.dynamic_gather %select_n3A_572[%gather3A_1987] in [0] : vector<16xf32>, vector<16xi32> -> vector<16xf32>
      %broadcast_in_dim3A_1989 = vector.shape_cast %get3A_1958 : vector<16xi32> to vector<16x1xi32>
      %gather3A_1990 = vector.shape_cast %broadcast_in_dim3A_1989 : vector<16x1xi32> to vector<16xi32>
      %gather3A_1991 = tpu.dynamic_gather %select_n3A_626[%gather3A_1990] in [0] : vector<16xf32>, vector<16xi32> -> vector<16xf32>
      %broadcast_in_dim3A_1992 = vector.shape_cast %get3A_1958 : vector<16xi32> to vector<16x1xi32>
      %gather3A_1993 = vector.shape_cast %broadcast_in_dim3A_1992 : vector<16x1xi32> to vector<16xi32>
      %gather3A_1994 = tpu.dynamic_gather %select_n3A_680[%gather3A_1993] in [0] : vector<16xf32>, vector<16xi32> -> vector<16xf32>
      %broadcast_in_dim3A_1995 = vector.shape_cast %get3A_1958 : vector<16xi32> to vector<16x1xi32>
      %gather3A_1996 = vector.shape_cast %broadcast_in_dim3A_1995 : vector<16x1xi32> to vector<16xi32>
      %gather3A_1997 = tpu.dynamic_gather %select_n3A_734[%gather3A_1996] in [0] : vector<16xf32>, vector<16xi32> -> vector<16xf32>
      %broadcast_in_dim3A_1998 = vector.shape_cast %get3A_1958 : vector<16xi32> to vector<16x1xi32>
      %gather3A_1999 = vector.shape_cast %broadcast_in_dim3A_1998 : vector<16x1xi32> to vector<16xi32>
      %gather3A_2000 = tpu.dynamic_gather %select_n3A_788[%gather3A_1999] in [0] : vector<16xf32>, vector<16xi32> -> vector<16xf32>
      %broadcast_in_dim3A_2001 = vector.shape_cast %get3A_1958 : vector<16xi32> to vector<16x1xi32>
      %gather3A_2002 = vector.shape_cast %broadcast_in_dim3A_2001 : vector<16x1xi32> to vector<16xi32>
      %gather3A_2003 = tpu.dynamic_gather %select_n3A_842[%gather3A_2002] in [0] : vector<16xf32>, vector<16xi32> -> vector<16xf32>
      %broadcast_in_dim3A_2004 = vector.shape_cast %get3A_1958 : vector<16xi32> to vector<16x1xi32>
      %gather3A_2005 = vector.shape_cast %broadcast_in_dim3A_2004 : vector<16x1xi32> to vector<16xi32>
      %gather3A_2006 = tpu.dynamic_gather %select_n3A_896[%gather3A_2005] in [0] : vector<16xf32>, vector<16xi32> -> vector<16xf32>
      %add3A_2007 = arith.constant 112 : i32
      %add3A_2008 = arith.addi %mul3A_919, %add3A_2007 : i32
      %swap3A_2009 = arith.constant 0 : i32
      %swap3A_2010 = arith.index_cast %swap3A_2009 : i32 to index
      %swap3A_2011 = arith.index_cast %add3A_2008 : i32 to index
      %swap3A_2012 = tpu.vector_load %arg7[%swap3A_2010, %swap3A_2011] {strides = array<i32>} : memref<16x5248xf32, #tpu.memory_space<vmem>>, vector<16xf32>,
      tpu.vector_store %arg7[%swap3A_2010, %swap3A_2011], %gather3A_1961 {strides = array<i32>} : memref<16x5248xf32, #tpu.memory_space<vmem>>, vector<16xf32>,
      %add3A_2013 = arith.constant 112 : i32
      %add3A_2014 = arith.addi %mul3A_919, %add3A_2013 : i32
      %swap3A_2015 = arith.constant 1 : i32
      %swap3A_2016 = arith.index_cast %swap3A_2015 : i32 to index
      %swap3A_2017 = arith.index_cast %add3A_2014 : i32 to index
      %swap3A_2018 = tpu.vector_load %arg7[%swap3A_2016, %swap3A_2017] {strides = array<i32>} : memref<16x5248xf32, #tpu.memory_space<vmem>>, vector<16xf32>,
      tpu.vector_store %arg7[%swap3A_2016, %swap3A_2017], %gather3A_1964 {strides = array<i32>} : memref<16x5248xf32, #tpu.memory_space<vmem>>, vector<16xf32>,
      %add3A_2019 = arith.constant 112 : i32
      %add3A_2020 = arith.addi %mul3A_919, %add3A_2019 : i32
      %swap3A_2021 = arith.constant 2 : i32
      %swap3A_2022 = arith.index_cast %swap3A_2021 : i32 to index
      %swap3A_2023 = arith.index_cast %add3A_2020 : i32 to index
      %swap3A_2024 = tpu.vector_load %arg7[%swap3A_2022, %swap3A_2023] {strides = array<i32>} : memref<16x5248xf32, #tpu.memory_space<vmem>>, vector<16xf32>,
      tpu.vector_store %arg7[%swap3A_2022, %swap3A_2023], %gather3A_1967 {strides = array<i32>} : memref<16x5248xf32, #tpu.memory_space<vmem>>, vector<16xf32>,
      %add3A_2025 = arith.constant 112 : i32
      %add3A_2026 = arith.addi %mul3A_919, %add3A_2025 : i32
      %swap3A_2027 = arith.constant 3 : i32
      %swap3A_2028 = arith.index_cast %swap3A_2027 : i32 to index
      %swap3A_2029 = arith.index_cast %add3A_2026 : i32 to index
      %swap3A_2030 = tpu.vector_load %arg7[%swap3A_2028, %swap3A_2029] {strides = array<i32>} : memref<16x5248xf32, #tpu.memory_space<vmem>>, vector<16xf32>,
      tpu.vector_store %arg7[%swap3A_2028, %swap3A_2029], %gather3A_1970 {strides = array<i32>} : memref<16x5248xf32, #tpu.memory_space<vmem>>, vector<16xf32>,
      %add3A_2031 = arith.constant 112 : i32
      %add3A_2032 = arith.addi %mul3A_919, %add3A_2031 : i32
      %swap3A_2033 = arith.constant 4 : i32
      %swap3A_2034 = arith.index_cast %swap3A_2033 : i32 to index
      %swap3A_2035 = arith.index_cast %add3A_2032 : i32 to index
      %swap3A_2036 = tpu.vector_load %arg7[%swap3A_2034, %swap3A_2035] {strides = array<i32>} : memref<16x5248xf32, #tpu.memory_space<vmem>>, vector<16xf32>,
      tpu.vector_store %arg7[%swap3A_2034, %swap3A_2035], %gather3A_1973 {strides = array<i32>} : memref<16x5248xf32, #tpu.memory_space<vmem>>, vector<16xf32>,
      %add3A_2037 = arith.constant 112 : i32
      %add3A_2038 = arith.addi %mul3A_919, %add3A_2037 : i32
      %swap3A_2039 = arith.constant 5 : i32
      %swap3A_2040 = arith.index_cast %swap3A_2039 : i32 to index
      %swap3A_2041 = arith.index_cast %add3A_2038 : i32 to index
      %swap3A_2042 = tpu.vector_load %arg7[%swap3A_2040, %swap3A_2041] {strides = array<i32>} : memref<16x5248xf32, #tpu.memory_space<vmem>>, vector<16xf32>,
      tpu.vector_store %arg7[%swap3A_2040, %swap3A_2041], %gather3A_1976 {strides = array<i32>} : memref<16x5248xf32, #tpu.memory_space<vmem>>, vector<16xf32>,
      %add3A_2043 = arith.constant 112 : i32
      %add3A_2044 = arith.addi %mul3A_919, %add3A_2043 : i32
      %swap3A_2045 = arith.constant 6 : i32
      %swap3A_2046 = arith.index_cast %swap3A_2045 : i32 to index
      %swap3A_2047 = arith.index_cast %add3A_2044 : i32 to index
      %swap3A_2048 = tpu.vector_load %arg7[%swap3A_2046, %swap3A_2047] {strides = array<i32>} : memref<16x5248xf32, #tpu.memory_space<vmem>>, vector<16xf32>,
      tpu.vector_store %arg7[%swap3A_2046, %swap3A_2047], %gather3A_1979 {strides = array<i32>} : memref<16x5248xf32, #tpu.memory_space<vmem>>, vector<16xf32>,
      %add3A_2049 = arith.constant 112 : i32
      %add3A_2050 = arith.addi %mul3A_919, %add3A_2049 : i32
      %swap3A_2051 = arith.constant 7 : i32
      %swap3A_2052 = arith.index_cast %swap3A_2051 : i32 to index
      %swap3A_2053 = arith.index_cast %add3A_2050 : i32 to index
      %swap3A_2054 = tpu.vector_load %arg7[%swap3A_2052, %swap3A_2053] {strides = array<i32>} : memref<16x5248xf32, #tpu.memory_space<vmem>>, vector<16xf32>,
      tpu.vector_store %arg7[%swap3A_2052, %swap3A_2053], %gather3A_1982 {strides = array<i32>} : memref<16x5248xf32, #tpu.memory_space<vmem>>, vector<16xf32>,
      %add3A_2055 = arith.constant 112 : i32
      %add3A_2056 = arith.addi %mul3A_919, %add3A_2055 : i32
      %swap3A_2057 = arith.constant 8 : i32
      %swap3A_2058 = arith.index_cast %swap3A_2057 : i32 to index
      %swap3A_2059 = arith.index_cast %add3A_2056 : i32 to index
      %swap3A_2060 = tpu.vector_load %arg7[%swap3A_2058, %swap3A_2059] {strides = array<i32>} : memref<16x5248xf32, #tpu.memory_space<vmem>>, vector<16xf32>,
      tpu.vector_store %arg7[%swap3A_2058, %swap3A_2059], %gather3A_1985 {strides = array<i32>} : memref<16x5248xf32, #tpu.memory_space<vmem>>, vector<16xf32>,
      %add3A_2061 = arith.constant 112 : i32
      %add3A_2062 = arith.addi %mul3A_919, %add3A_2061 : i32
      %swap3A_2063 = arith.constant 9 : i32
      %swap3A_2064 = arith.index_cast %swap3A_2063 : i32 to index
      %swap3A_2065 = arith.index_cast %add3A_2062 : i32 to index
      %swap3A_2066 = tpu.vector_load %arg7[%swap3A_2064, %swap3A_2065] {strides = array<i32>} : memref<16x5248xf32, #tpu.memory_space<vmem>>, vector<16xf32>,
      tpu.vector_store %arg7[%swap3A_2064, %swap3A_2065], %gather3A_1988 {strides = array<i32>} : memref<16x5248xf32, #tpu.memory_space<vmem>>, vector<16xf32>,
      %add3A_2067 = arith.constant 112 : i32
      %add3A_2068 = arith.addi %mul3A_919, %add3A_2067 : i32
      %swap3A_2069 = arith.constant 10 : i32
      %swap3A_2070 = arith.index_cast %swap3A_2069 : i32 to index
      %swap3A_2071 = arith.index_cast %add3A_2068 : i32 to index
      %swap3A_2072 = tpu.vector_load %arg7[%swap3A_2070, %swap3A_2071] {strides = array<i32>} : memref<16x5248xf32, #tpu.memory_space<vmem>>, vector<16xf32>,
      tpu.vector_store %arg7[%swap3A_2070, %swap3A_2071], %gather3A_1991 {strides = array<i32>} : memref<16x5248xf32, #tpu.memory_space<vmem>>, vector<16xf32>,
      %add3A_2073 = arith.constant 112 : i32
      %add3A_2074 = arith.addi %mul3A_919, %add3A_2073 : i32
      %swap3A_2075 = arith.constant 11 : i32
      %swap3A_2076 = arith.index_cast %swap3A_2075 : i32 to index
      %swap3A_2077 = arith.index_cast %add3A_2074 : i32 to index
      %swap3A_2078 = tpu.vector_load %arg7[%swap3A_2076, %swap3A_2077] {strides = array<i32>} : memref<16x5248xf32, #tpu.memory_space<vmem>>, vector<16xf32>,
      tpu.vector_store %arg7[%swap3A_2076, %swap3A_2077], %gather3A_1994 {strides = array<i32>} : memref<16x5248xf32, #tpu.memory_space<vmem>>, vector<16xf32>,
      %add3A_2079 = arith.constant 112 : i32
      %add3A_2080 = arith.addi %mul3A_919, %add3A_2079 : i32
      %swap3A_2081 = arith.constant 12 : i32
      %swap3A_2082 = arith.index_cast %swap3A_2081 : i32 to index
      %swap3A_2083 = arith.index_cast %add3A_2080 : i32 to index
      %swap3A_2084 = tpu.vector_load %arg7[%swap3A_2082, %swap3A_2083] {strides = array<i32>} : memref<16x5248xf32, #tpu.memory_space<vmem>>, vector<16xf32>,
      tpu.vector_store %arg7[%swap3A_2082, %swap3A_2083], %gather3A_1997 {strides = array<i32>} : memref<16x5248xf32, #tpu.memory_space<vmem>>, vector<16xf32>,
      %add3A_2085 = arith.constant 112 : i32
      %add3A_2086 = arith.addi %mul3A_919, %add3A_2085 : i32
      %swap3A_2087 = arith.constant 13 : i32
      %swap3A_2088 = arith.index_cast %swap3A_2087 : i32 to index
      %swap3A_2089 = arith.index_cast %add3A_2086 : i32 to index
      %swap3A_2090 = tpu.vector_load %arg7[%swap3A_2088, %swap3A_2089] {strides = array<i32>} : memref<16x5248xf32, #tpu.memory_space<vmem>>, vector<16xf32>,
      tpu.vector_store %arg7[%swap3A_2088, %swap3A_2089], %gather3A_2000 {strides = array<i32>} : memref<16x5248xf32, #tpu.memory_space<vmem>>, vector<16xf32>,
      %add3A_2091 = arith.constant 112 : i32
      %add3A_2092 = arith.addi %mul3A_919, %add3A_2091 : i32
      %swap3A_2093 = arith.constant 14 : i32
      %swap3A_2094 = arith.index_cast %swap3A_2093 : i32 to index
      %swap3A_2095 = arith.index_cast %add3A_2092 : i32 to index
      %swap3A_2096 = tpu.vector_load %arg7[%swap3A_2094, %swap3A_2095] {strides = array<i32>} : memref<16x5248xf32, #tpu.memory_space<vmem>>, vector<16xf32>,
      tpu.vector_store %arg7[%swap3A_2094, %swap3A_2095], %gather3A_2003 {strides = array<i32>} : memref<16x5248xf32, #tpu.memory_space<vmem>>, vector<16xf32>,
      %add3A_2097 = arith.constant 112 : i32
      %add3A_2098 = arith.addi %mul3A_919, %add3A_2097 : i32
      %swap3A_2099 = arith.constant 15 : i32
      %swap3A_2100 = arith.index_cast %swap3A_2099 : i32 to index
      %swap3A_2101 = arith.index_cast %add3A_2098 : i32 to index
      %swap3A_2102 = tpu.vector_load %arg7[%swap3A_2100, %swap3A_2101] {strides = array<i32>} : memref<16x5248xf32, #tpu.memory_space<vmem>>, vector<16xf32>,
      tpu.vector_store %arg7[%swap3A_2100, %swap3A_2101], %gather3A_2006 {strides = array<i32>} : memref<16x5248xf32, #tpu.memory_space<vmem>>, vector<16xf32>,
      %add3A_2103 = arith.addi %mul3A_2, %mul3A_919 : i32
      %dma_start3A = arith.constant 0 : i32
      %dma_start3A_2104 = tpu.memref_slice %arg7[%dma_start3A, %mul3A_919] : memref<16x5248xf32, #tpu.memory_space<vmem>> -> memref<16x128xf32, #tpu.memory_space<vmem>>
      %dma_start3A_2105 = arith.constant 0 : i32
      %dma_start3A_2106 = tpu.memref_slice %arg4[%dma_start3A_2105, %add3A_2103] : memref<16x160000xf32, #tpu.memory_space<hbm>> -> memref<16x128xf32, #tpu.memory_space<hbm>>
      %dma_start3A_2107 = arith.constant 0 : i32
      %dma_start3A_2108 = tpu.memref_slice %arg4[%dma_start3A_2107, %add3A_2103] : memref<16x160000xf32, #tpu.memory_space<hbm>> -> memref<16x128xf32, #tpu.memory_space<hbm>>
      %dma_start3A_2109 = arith.constant 0 : i32
      %dma_start3A_2110 = tpu.memref_slice %arg7[%dma_start3A_2109, %mul3A_919] : memref<16x5248xf32, #tpu.memory_space<vmem>> -> memref<16x128xf32, #tpu.memory_space<vmem>>
      tpu.enqueue_dma source(%dma_start3A_2110 : memref<16x128xf32, #tpu.memory_space<vmem>>) target(%dma_start3A_2108 : memref<16x128xf32, #tpu.memory_space<hbm>>) target_semaphore(%arg8 : memref<!tpu.dma_semaphore, #tpu.memory_space<semaphore_mem>>)
      %gt3A = arith.constant 0 : i32
      %gt3A_2111 = arith.cmpi sgt, %while3A_917, %gt3A : i32
      %convert_element_type3A_2112 = arith.extui %gt3A_2111 : i1 to i32
      %cond3A_2113 = arith.constant 0 : i32
      %cond3A_2114 = arith.cmpi ne, %convert_element_type3A_2112, %cond3A_2113 : i32
      scf.if %cond3A_2114 {
        %dma_wait3A_2115 = arith.constant 0 : i32
        %dma_wait3A_2116 = arith.constant 0 : i32
        %dma_wait3A_2117 = tpu.memref_slice %arg7[%dma_wait3A_2115, %dma_wait3A_2116] : memref<16x5248xf32, #tpu.memory_space<vmem>> -> memref<16x128xf32, #tpu.memory_space<vmem>>
        %dma_wait3A_2118 = arith.constant 0 : i32
        %dma_wait3A_2119 = tpu.memref_slice %arg4[%dma_wait3A_2118, %mul3A_2] : memref<16x160000xf32, #tpu.memory_space<hbm>> -> memref<16x128xf32, #tpu.memory_space<hbm>>
        %dma_wait3A_2120 = arith.constant 0 : i32
        %dma_wait3A_2121 = tpu.memref_slice %arg4[%dma_wait3A_2120, %mul3A_2] : memref<16x160000xf32, #tpu.memory_space<hbm>> -> memref<16x128xf32, #tpu.memory_space<hbm>>
        %dma_wait3A_2122 = arith.constant 0 : i32
        %dma_wait3A_2123 = arith.constant 0 : i32
        %dma_wait3A_2124 = tpu.memref_slice %arg7[%dma_wait3A_2122, %dma_wait3A_2123] : memref<16x5248xf32, #tpu.memory_space<vmem>> -> memref<16x128xf32, #tpu.memory_space<vmem>>
        tpu.wait_dma2 semaphore(%arg8 : memref<!tpu.dma_semaphore, #tpu.memory_space<semaphore_mem>>) src(%dma_wait3A_2124 : memref<16x128xf32, #tpu.memory_space<vmem>>) dst(%dma_wait3A_2121 : memref<16x128xf32, #tpu.memory_space<hbm>>)
      } else {
      }
    }
    %while3A_907 = arith.constant 1 : i32
    scf.for %while3A_917 = %while3A_905 to %while3A_901 step %while3A_907  : i32 {
      %mul3A_918 = arith.constant 128 : i32
      %mul3A_919 = arith.muli %while3A_917, %mul3A_918 : i32
      %add3A_920 = arith.constant 0 : i32
      %add3A_921 = arith.addi %mul3A_919, %add3A_920 : i32
      %get3A_922 = arith.index_cast %add3A_921 : i32 to index
      %get3A_923 = tpu.vector_load %arg6[%get3A_922] {strides = array<i32>} : memref<5248xi32, #tpu.memory_space<vmem>>, vector<16xi32>,
      %broadcast_in_dim3A_924 = vector.shape_cast %get3A_923 : vector<16xi32> to vector<16x1xi32>
      %gather3A_925 = vector.shape_cast %broadcast_in_dim3A_924 : vector<16x1xi32> to vector<16xi32>
      %gather3A_926 = tpu.dynamic_gather %select_n3A_86[%gather3A_925] in [0] : vector<16xf32>, vector<16xi32> -> vector<16xf32>
      %broadcast_in_dim3A_927 = vector.shape_cast %get3A_923 : vector<16xi32> to vector<16x1xi32>
      %gather3A_928 = vector.shape_cast %broadcast_in_dim3A_927 : vector<16x1xi32> to vector<16xi32>
      %gather3A_929 = tpu.dynamic_gather %select_n3A_140[%gather3A_928] in [0] : vector<16xf32>, vector<16xi32> -> vector<16xf32>
      %broadcast_in_dim3A_930 = vector.shape_cast %get3A_923 : vector<16xi32> to vector<16x1xi32>
      %gather3A_931 = vector.shape_cast %broadcast_in_dim3A_930 : vector<16x1xi32> to vector<16xi32>
      %gather3A_932 = tpu.dynamic_gather %select_n3A_194[%gather3A_931] in [0] : vector<16xf32>, vector<16xi32> -> vector<16xf32>
      %broadcast_in_dim3A_933 = vector.shape_cast %get3A_923 : vector<16xi32> to vector<16x1xi32>
      %gather3A_934 = vector.shape_cast %broadcast_in_dim3A_933 : vector<16x1xi32> to vector<16xi32>
      %gather3A_935 = tpu.dynamic_gather %select_n3A_248[%gather3A_934] in [0] : vector<16xf32>, vector<16xi32> -> vector<16xf32>
      %broadcast_in_dim3A_936 = vector.shape_cast %get3A_923 : vector<16xi32> to vector<16x1xi32>
      %gather3A_937 = vector.shape_cast %broadcast_in_dim3A_936 : vector<16x1xi32> to vector<16xi32>
      %gather3A_938 = tpu.dynamic_gather %select_n3A_302[%gather3A_937] in [0] : vector<16xf32>, vector<16xi32> -> vector<16xf32>
      %broadcast_in_dim3A_939 = vector.shape_cast %get3A_923 : vector<16xi32> to vector<16x1xi32>
      %gather3A_940 = vector.shape_cast %broadcast_in_dim3A_939 : vector<16x1xi32> to vector<16xi32>
      %gather3A_941 = tpu.dynamic_gather %select_n3A_356[%gather3A_940] in [0] : vector<16xf32>, vector<16xi32> -> vector<16xf32>
      %broadcast_in_dim3A_942 = vector.shape_cast %get3A_923 : vector<16xi32> to vector<16x1xi32>
      %gather3A_943 = vector.shape_cast %broadcast_in_dim3A_942 : vector<16x1xi32> to vector<16xi32>
      %gather3A_944 = tpu.dynamic_gather %select_n3A_410[%gather3A_943] in [0] : vector<16xf32>, vector<16xi32> -> vector<16xf32>
      %broadcast_in_dim3A_945 = vector.shape_cast %get3A_923 : vector<16xi32> to vector<16x1xi32>
      %gather3A_946 = vector.shape_cast %broadcast_in_dim3A_945 : vector<16x1xi32> to vector<16xi32>
      %gather3A_947 = tpu.dynamic_gather %select_n3A_464[%gather3A_946] in [0] : vector<16xf32>, vector<16xi32> -> vector<16xf32>
      %broadcast_in_dim3A_948 = vector.shape_cast %get3A_923 : vector<16xi32> to vector<16x1xi32>
      %gather3A_949 = vector.shape_cast %broadcast_in_dim3A_948 : vector<16x1xi32> to vector<16xi32>
      %gather3A_950 = tpu.dynamic_gather %select_n3A_518[%gather3A_949] in [0] : vector<16xf32>, vector<16xi32> -> vector<16xf32>
      %broadcast_in_dim3A_951 = vector.shape_cast %get3A_923 : vector<16xi32> to vector<16x1xi32>
      %gather3A_952 = vector.shape_cast %broadcast_in_dim3A_951 : vector<16x1xi32> to vector<16xi32>
      %gather3A_953 = tpu.dynamic_gather %select_n3A_572[%gather3A_952] in [0] : vector<16xf32>, vector<16xi32> -> vector<16xf32>
      %broadcast_in_dim3A_954 = vector.shape_cast %get3A_923 : vector<16xi32> to vector<16x1xi32>
      %gather3A_955 = vector.shape_cast %broadcast_in_dim3A_954 : vector<16x1xi32> to vector<16xi32>
      %gather3A_956 = tpu.dynamic_gather %select_n3A_626[%gather3A_955] in [0] : vector<16xf32>, vector<16xi32> -> vector<16xf32>
      %broadcast_in_dim3A_957 = vector.shape_cast %get3A_923 : vector<16xi32> to vector<16x1xi32>
      %gather3A_958 = vector.shape_cast %broadcast_in_dim3A_957 : vector<16x1xi32> to vector<16xi32>
      %gather3A_959 = tpu.dynamic_gather %select_n3A_680[%gather3A_958] in [0] : vector<16xf32>, vector<16xi32> -> vector<16xf32>
      %broadcast_in_dim3A_960 = vector.shape_cast %get3A_923 : vector<16xi32> to vector<16x1xi32>
      %gather3A_961 = vector.shape_cast %broadcast_in_dim3A_960 : vector<16x1xi32> to vector<16xi32>
      %gather3A_962 = tpu.dynamic_gather %select_n3A_734[%gather3A_961] in [0] : vector<16xf32>, vector<16xi32> -> vector<16xf32>
      %broadcast_in_dim3A_963 = vector.shape_cast %get3A_923 : vector<16xi32> to vector<16x1xi32>
      %gather3A_964 = vector.shape_cast %broadcast_in_dim3A_963 : vector<16x1xi32> to vector<16xi32>
      %gather3A_965 = tpu.dynamic_gather %select_n3A_788[%gather3A_964] in [0] : vector<16xf32>, vector<16xi32> -> vector<16xf32>
      %broadcast_in_dim3A_966 = vector.shape_cast %get3A_923 : vector<16xi32> to vector<16x1xi32>
      %gather3A_967 = vector.shape_cast %broadcast_in_dim3A_966 : vector<16x1xi32> to vector<16xi32>
      %gather3A_968 = tpu.dynamic_gather %select_n3A_842[%gather3A_967] in [0] : vector<16xf32>, vector<16xi32> -> vector<16xf32>
      %broadcast_in_dim3A_969 = vector.shape_cast %get3A_923 : vector<16xi32> to vector<16x1xi32>
      %gather3A_970 = vector.shape_cast %broadcast_in_dim3A_969 : vector<16x1xi32> to vector<16xi32>
      %gather3A_971 = tpu.dynamic_gather %select_n3A_896[%gather3A_970] in [0] : vector<16xf32>, vector<16xi32> -> vector<16xf32>
      %add3A_972 = arith.constant 0 : i32
      %add3A_973 = arith.addi %mul3A_919, %add3A_972 : i32
      %swap3A = arith.constant 0 : i32
      %swap3A_974 = arith.index_cast %swap3A : i32 to index
      %swap3A_975 = arith.index_cast %add3A_973 : i32 to index
      %swap3A_976 = tpu.vector_load %arg7[%swap3A_974, %swap3A_975] {strides = array<i32>} : memref<16x5248xf32, #tpu.memory_space<vmem>>, vector<16xf32>,
      tpu.vector_store %arg7[%swap3A_974, %swap3A_975], %gather3A_926 {strides = array<i32>} : memref<16x5248xf32, #tpu.memory_space<vmem>>, vector<16xf32>,
      %add3A_977 = arith.constant 0 : i32
      %add3A_978 = arith.addi %mul3A_919, %add3A_977 : i32
      %swap3A_979 = arith.constant 1 : i32
      %swap3A_980 = arith.index_cast %swap3A_979 : i32 to index
      %swap3A_981 = arith.index_cast %add3A_978 : i32 to index
      %swap3A_982 = tpu.vector_load %arg7[%swap3A_980, %swap3A_981] {strides = array<i32>} : memref<16x5248xf32, #tpu.memory_space<vmem>>, vector<16xf32>,
      tpu.vector_store %arg7[%swap3A_980, %swap3A_981], %gather3A_929 {strides = array<i32>} : memref<16x5248xf32, #tpu.memory_space<vmem>>, vector<16xf32>,
      %add3A_983 = arith.constant 0 : i32
      %add3A_984 = arith.addi %mul3A_919, %add3A_983 : i32
      %swap3A_985 = arith.constant 2 : i32
      %swap3A_986 = arith.index_cast %swap3A_985 : i32 to index
      %swap3A_987 = arith.index_cast %add3A_984 : i32 to index
      %swap3A_988 = tpu.vector_load %arg7[%swap3A_986, %swap3A_987] {strides = array<i32>} : memref<16x5248xf32, #tpu.memory_space<vmem>>, vector<16xf32>,
      tpu.vector_store %arg7[%swap3A_986, %swap3A_987], %gather3A_932 {strides = array<i32>} : memref<16x5248xf32, #tpu.memory_space<vmem>>, vector<16xf32>,
      %add3A_989 = arith.constant 0 : i32
      %add3A_990 = arith.addi %mul3A_919, %add3A_989 : i32
      %swap3A_991 = arith.constant 3 : i32
      %swap3A_992 = arith.index_cast %swap3A_991 : i32 to index
      %swap3A_993 = arith.index_cast %add3A_990 : i32 to index
      %swap3A_994 = tpu.vector_load %arg7[%swap3A_992, %swap3A_993] {strides = array<i32>} : memref<16x5248xf32, #tpu.memory_space<vmem>>, vector<16xf32>,
      tpu.vector_store %arg7[%swap3A_992, %swap3A_993], %gather3A_935 {strides = array<i32>} : memref<16x5248xf32, #tpu.memory_space<vmem>>, vector<16xf32>,
      %add3A_995 = arith.constant 0 : i32
      %add3A_996 = arith.addi %mul3A_919, %add3A_995 : i32
      %swap3A_997 = arith.constant 4 : i32
      %swap3A_998 = arith.index_cast %swap3A_997 : i32 to index
      %swap3A_999 = arith.index_cast %add3A_996 : i32 to index
      %swap3A_1000 = tpu.vector_load %arg7[%swap3A_998, %swap3A_999] {strides = array<i32>} : memref<16x5248xf32, #tpu.memory_space<vmem>>, vector<16xf32>,
      tpu.vector_store %arg7[%swap3A_998, %swap3A_999], %gather3A_938 {strides = array<i32>} : memref<16x5248xf32, #tpu.memory_space<vmem>>, vector<16xf32>,
      %add3A_1001 = arith.constant 0 : i32
      %add3A_1002 = arith.addi %mul3A_919, %add3A_1001 : i32
      %swap3A_1003 = arith.constant 5 : i32
      %swap3A_1004 = arith.index_cast %swap3A_1003 : i32 to index
      %swap3A_1005 = arith.index_cast %add3A_1002 : i32 to index
      %swap3A_1006 = tpu.vector_load %arg7[%swap3A_1004, %swap3A_1005] {strides = array<i32>} : memref<16x5248xf32, #tpu.memory_space<vmem>>, vector<16xf32>,
      tpu.vector_store %arg7[%swap3A_1004, %swap3A_1005], %gather3A_941 {strides = array<i32>} : memref<16x5248xf32, #tpu.memory_space<vmem>>, vector<16xf32>,
      %add3A_1007 = arith.constant 0 : i32
      %add3A_1008 = arith.addi %mul3A_919, %add3A_1007 : i32
      %swap3A_1009 = arith.constant 6 : i32
      %swap3A_1010 = arith.index_cast %swap3A_1009 : i32 to index
      %swap3A_1011 = arith.index_cast %add3A_1008 : i32 to index
      %swap3A_1012 = tpu.vector_load %arg7[%swap3A_1010, %swap3A_1011] {strides = array<i32>} : memref<16x5248xf32, #tpu.memory_space<vmem>>, vector<16xf32>,
      tpu.vector_store %arg7[%swap3A_1010, %swap3A_1011], %gather3A_944 {strides = array<i32>} : memref<16x5248xf32, #tpu.memory_space<vmem>>, vector<16xf32>,
      %add3A_1013 = arith.constant 0 : i32
      %add3A_1014 = arith.addi %mul3A_919, %add3A_1013 : i32
      %swap3A_1015 = arith.constant 7 : i32
      %swap3A_1016 = arith.index_cast %swap3A_1015 : i32 to index
      %swap3A_1017 = arith.index_cast %add3A_1014 : i32 to index
      %swap3A_1018 = tpu.vector_load %arg7[%swap3A_1016, %swap3A_1017] {strides = array<i32>} : memref<16x5248xf32, #tpu.memory_space<vmem>>, vector<16xf32>,
      tpu.vector_store %arg7[%swap3A_1016, %swap3A_1017], %gather3A_947 {strides = array<i32>} : memref<16x5248xf32, #tpu.memory_space<vmem>>, vector<16xf32>,
      %add3A_1019 = arith.constant 0 : i32
      %add3A_1020 = arith.addi %mul3A_919, %add3A_1019 : i32
      %swap3A_1021 = arith.constant 8 : i32
      %swap3A_1022 = arith.index_cast %swap3A_1021 : i32 to index
      %swap3A_1023 = arith.index_cast %add3A_1020 : i32 to index
      %swap3A_1024 = tpu.vector_load %arg7[%swap3A_1022, %swap3A_1023] {strides = array<i32>} : memref<16x5248xf32, #tpu.memory_space<vmem>>, vector<16xf32>,
      tpu.vector_store %arg7[%swap3A_1022, %swap3A_1023], %gather3A_950 {strides = array<i32>} : memref<16x5248xf32, #tpu.memory_space<vmem>>, vector<16xf32>,
      %add3A_1025 = arith.constant 0 : i32
      %add3A_1026 = arith.addi %mul3A_919, %add3A_1025 : i32
      %swap3A_1027 = arith.constant 9 : i32
      %swap3A_1028 = arith.index_cast %swap3A_1027 : i32 to index
      %swap3A_1029 = arith.index_cast %add3A_1026 : i32 to index
      %swap3A_1030 = tpu.vector_load %arg7[%swap3A_1028, %swap3A_1029] {strides = array<i32>} : memref<16x5248xf32, #tpu.memory_space<vmem>>, vector<16xf32>,
      tpu.vector_store %arg7[%swap3A_1028, %swap3A_1029], %gather3A_953 {strides = array<i32>} : memref<16x5248xf32, #tpu.memory_space<vmem>>, vector<16xf32>,
      %add3A_1031 = arith.constant 0 : i32
      %add3A_1032 = arith.addi %mul3A_919, %add3A_1031 : i32
      %swap3A_1033 = arith.constant 10 : i32
      %swap3A_1034 = arith.index_cast %swap3A_1033 : i32 to index
      %swap3A_1035 = arith.index_cast %add3A_1032 : i32 to index
      %swap3A_1036 = tpu.vector_load %arg7[%swap3A_1034, %swap3A_1035] {strides = array<i32>} : memref<16x5248xf32, #tpu.memory_space<vmem>>, vector<16xf32>,
      tpu.vector_store %arg7[%swap3A_1034, %swap3A_1035], %gather3A_956 {strides = array<i32>} : memref<16x5248xf32, #tpu.memory_space<vmem>>, vector<16xf32>,
      %add3A_1037 = arith.constant 0 : i32
      %add3A_1038 = arith.addi %mul3A_919, %add3A_1037 : i32
      %swap3A_1039 = arith.constant 11 : i32
      %swap3A_1040 = arith.index_cast %swap3A_1039 : i32 to index
      %swap3A_1041 = arith.index_cast %add3A_1038 : i32 to index
      %swap3A_1042 = tpu.vector_load %arg7[%swap3A_1040, %swap3A_1041] {strides = array<i32>} : memref<16x5248xf32, #tpu.memory_space<vmem>>, vector<16xf32>,
      tpu.vector_store %arg7[%swap3A_1040, %swap3A_1041], %gather3A_959 {strides = array<i32>} : memref<16x5248xf32, #tpu.memory_space<vmem>>, vector<16xf32>,
      %add3A_1043 = arith.constant 0 : i32
      %add3A_1044 = arith.addi %mul3A_919, %add3A_1043 : i32
      %swap3A_1045 = arith.constant 12 : i32
      %swap3A_1046 = arith.index_cast %swap3A_1045 : i32 to index
      %swap3A_1047 = arith.index_cast %add3A_1044 : i32 to index
      %swap3A_1048 = tpu.vector_load %arg7[%swap3A_1046, %swap3A_1047] {strides = array<i32>} : memref<16x5248xf32, #tpu.memory_space<vmem>>, vector<16xf32>,
      tpu.vector_store %arg7[%swap3A_1046, %swap3A_1047], %gather3A_962 {strides = array<i32>} : memref<16x5248xf32, #tpu.memory_space<vmem>>, vector<16xf32>,
      %add3A_1049 = arith.constant 0 : i32
      %add3A_1050 = arith.addi %mul3A_919, %add3A_1049 : i32
      %swap3A_1051 = arith.constant 13 : i32
      %swap3A_1052 = arith.index_cast %swap3A_1051 : i32 to index
      %swap3A_1053 = arith.index_cast %add3A_1050 : i32 to index
      %swap3A_1054 = tpu.vector_load %arg7[%swap3A_1052, %swap3A_1053] {strides = array<i32>} : memref<16x5248xf32, #tpu.memory_space<vmem>>, vector<16xf32>,
      tpu.vector_store %arg7[%swap3A_1052, %swap3A_1053], %gather3A_965 {strides = array<i32>} : memref<16x5248xf32, #tpu.memory_space<vmem>>, vector<16xf32>,
      %add3A_1055 = arith.constant 0 : i32
      %add3A_1056 = arith.addi %mul3A_919, %add3A_1055 : i32
      %swap3A_1057 = arith.constant 14 : i32
      %swap3A_1058 = arith.index_cast %swap3A_1057 : i32 to index
      %swap3A_1059 = arith.index_cast %add3A_1056 : i32 to index
      %swap3A_1060 = tpu.vector_load %arg7[%swap3A_1058, %swap3A_1059] {strides = array<i32>} : memref<16x5248xf32, #tpu.memory_space<vmem>>, vector<16xf32>,
      tpu.vector_store %arg7[%swap3A_1058, %swap3A_1059], %gather3A_968 {strides = array<i32>} : memref<16x5248xf32, #tpu.memory_space<vmem>>, vector<16xf32>,
      %add3A_1061 = arith.constant 0 : i32
      %add3A_1062 = arith.addi %mul3A_919, %add3A_1061 : i32
      %swap3A_1063 = arith.constant 15 : i32
      %swap3A_1064 = arith.index_cast %swap3A_1063 : i32 to index
      %swap3A_1065 = arith.index_cast %add3A_1062 : i32 to index
      %swap3A_1066 = tpu.vector_load %arg7[%swap3A_1064, %swap3A_1065] {strides = array<i32>} : memref<16x5248xf32, #tpu.memory_space<vmem>>, vector<16xf32>,
      tpu.vector_store %arg7[%swap3A_1064, %swap3A_1065], %gather3A_971 {strides = array<i32>} : memref<16x5248xf32, #tpu.memory_space<vmem>>, vector<16xf32>,
      %add3A_1067 = arith.constant 16 : i32
      %add3A_1068 = arith.addi %mul3A_919, %add3A_1067 : i32
      %get3A_1069 = arith.index_cast %add3A_1068 : i32 to index
      %get3A_1070 = tpu.vector_load %arg6[%get3A_1069] {strides = array<i32>} : memref<5248xi32, #tpu.memory_space<vmem>>, vector<16xi32>,
      %broadcast_in_dim3A_1071 = vector.shape_cast %get3A_1070 : vector<16xi32> to vector<16x1xi32>
      %gather3A_1072 = vector.shape_cast %broadcast_in_dim3A_1071 : vector<16x1xi32> to vector<16xi32>
      %gather3A_1073 = tpu.dynamic_gather %select_n3A_86[%gather3A_1072] in [0] : vector<16xf32>, vector<16xi32> -> vector<16xf32>
      %broadcast_in_dim3A_1074 = vector.shape_cast %get3A_1070 : vector<16xi32> to vector<16x1xi32>
      %gather3A_1075 = vector.shape_cast %broadcast_in_dim3A_1074 : vector<16x1xi32> to vector<16xi32>
      %gather3A_1076 = tpu.dynamic_gather %select_n3A_140[%gather3A_1075] in [0] : vector<16xf32>, vector<16xi32> -> vector<16xf32>
      %broadcast_in_dim3A_1077 = vector.shape_cast %get3A_1070 : vector<16xi32> to vector<16x1xi32>
      %gather3A_1078 = vector.shape_cast %broadcast_in_dim3A_1077 : vector<16x1xi32> to vector<16xi32>
      %gather3A_1079 = tpu.dynamic_gather %select_n3A_194[%gather3A_1078] in [0] : vector<16xf32>, vector<16xi32> -> vector<16xf32>
      %broadcast_in_dim3A_1080 = vector.shape_cast %get3A_1070 : vector<16xi32> to vector<16x1xi32>
      %gather3A_1081 = vector.shape_cast %broadcast_in_dim3A_1080 : vector<16x1xi32> to vector<16xi32>
      %gather3A_1082 = tpu.dynamic_gather %select_n3A_248[%gather3A_1081] in [0] : vector<16xf32>, vector<16xi32> -> vector<16xf32>
      %broadcast_in_dim3A_1083 = vector.shape_cast %get3A_1070 : vector<16xi32> to vector<16x1xi32>
      %gather3A_1084 = vector.shape_cast %broadcast_in_dim3A_1083 : vector<16x1xi32> to vector<16xi32>
      %gather3A_1085 = tpu.dynamic_gather %select_n3A_302[%gather3A_1084] in [0] : vector<16xf32>, vector<16xi32> -> vector<16xf32>
      %broadcast_in_dim3A_1086 = vector.shape_cast %get3A_1070 : vector<16xi32> to vector<16x1xi32>
      %gather3A_1087 = vector.shape_cast %broadcast_in_dim3A_1086 : vector<16x1xi32> to vector<16xi32>
      %gather3A_1088 = tpu.dynamic_gather %select_n3A_356[%gather3A_1087] in [0] : vector<16xf32>, vector<16xi32> -> vector<16xf32>
      %broadcast_in_dim3A_1089 = vector.shape_cast %get3A_1070 : vector<16xi32> to vector<16x1xi32>
      %gather3A_1090 = vector.shape_cast %broadcast_in_dim3A_1089 : vector<16x1xi32> to vector<16xi32>
      %gather3A_1091 = tpu.dynamic_gather %select_n3A_410[%gather3A_1090] in [0] : vector<16xf32>, vector<16xi32> -> vector<16xf32>
      %broadcast_in_dim3A_1092 = vector.shape_cast %get3A_1070 : vector<16xi32> to vector<16x1xi32>
      %gather3A_1093 = vector.shape_cast %broadcast_in_dim3A_1092 : vector<16x1xi32> to vector<16xi32>
      %gather3A_1094 = tpu.dynamic_gather %select_n3A_464[%gather3A_1093] in [0] : vector<16xf32>, vector<16xi32> -> vector<16xf32>
      %broadcast_in_dim3A_1095 = vector.shape_cast %get3A_1070 : vector<16xi32> to vector<16x1xi32>
      %gather3A_1096 = vector.shape_cast %broadcast_in_dim3A_1095 : vector<16x1xi32> to vector<16xi32>
      %gather3A_1097 = tpu.dynamic_gather %select_n3A_518[%gather3A_1096] in [0] : vector<16xf32>, vector<16xi32> -> vector<16xf32>
      %broadcast_in_dim3A_1098 = vector.shape_cast %get3A_1070 : vector<16xi32> to vector<16x1xi32>
      %gather3A_1099 = vector.shape_cast %broadcast_in_dim3A_1098 : vector<16x1xi32> to vector<16xi32>
      %gather3A_1100 = tpu.dynamic_gather %select_n3A_572[%gather3A_1099] in [0] : vector<16xf32>, vector<16xi32> -> vector<16xf32>
      %broadcast_in_dim3A_1101 = vector.shape_cast %get3A_1070 : vector<16xi32> to vector<16x1xi32>
      %gather3A_1102 = vector.shape_cast %broadcast_in_dim3A_1101 : vector<16x1xi32> to vector<16xi32>
      %gather3A_1103 = tpu.dynamic_gather %select_n3A_626[%gather3A_1102] in [0] : vector<16xf32>, vector<16xi32> -> vector<16xf32>
      %broadcast_in_dim3A_1104 = vector.shape_cast %get3A_1070 : vector<16xi32> to vector<16x1xi32>
      %gather3A_1105 = vector.shape_cast %broadcast_in_dim3A_1104 : vector<16x1xi32> to vector<16xi32>
      %gather3A_1106 = tpu.dynamic_gather %select_n3A_680[%gather3A_1105] in [0] : vector<16xf32>, vector<16xi32> -> vector<16xf32>
      %broadcast_in_dim3A_1107 = vector.shape_cast %get3A_1070 : vector<16xi32> to vector<16x1xi32>
      %gather3A_1108 = vector.shape_cast %broadcast_in_dim3A_1107 : vector<16x1xi32> to vector<16xi32>
      %gather3A_1109 = tpu.dynamic_gather %select_n3A_734[%gather3A_1108] in [0] : vector<16xf32>, vector<16xi32> -> vector<16xf32>
      %broadcast_in_dim3A_1110 = vector.shape_cast %get3A_1070 : vector<16xi32> to vector<16x1xi32>
      %gather3A_1111 = vector.shape_cast %broadcast_in_dim3A_1110 : vector<16x1xi32> to vector<16xi32>
      %gather3A_1112 = tpu.dynamic_gather %select_n3A_788[%gather3A_1111] in [0] : vector<16xf32>, vector<16xi32> -> vector<16xf32>
      %broadcast_in_dim3A_1113 = vector.shape_cast %get3A_1070 : vector<16xi32> to vector<16x1xi32>
      %gather3A_1114 = vector.shape_cast %broadcast_in_dim3A_1113 : vector<16x1xi32> to vector<16xi32>
      %gather3A_1115 = tpu.dynamic_gather %select_n3A_842[%gather3A_1114] in [0] : vector<16xf32>, vector<16xi32> -> vector<16xf32>
      %broadcast_in_dim3A_1116 = vector.shape_cast %get3A_1070 : vector<16xi32> to vector<16x1xi32>
      %gather3A_1117 = vector.shape_cast %broadcast_in_dim3A_1116 : vector<16x1xi32> to vector<16xi32>
      %gather3A_1118 = tpu.dynamic_gather %select_n3A_896[%gather3A_1117] in [0] : vector<16xf32>, vector<16xi32> -> vector<16xf32>
      %add3A_1119 = arith.constant 16 : i32
      %add3A_1120 = arith.addi %mul3A_919, %add3A_1119 : i32
      %swap3A_1121 = arith.constant 0 : i32
      %swap3A_1122 = arith.index_cast %swap3A_1121 : i32 to index
      %swap3A_1123 = arith.index_cast %add3A_1120 : i32 to index
      %swap3A_1124 = tpu.vector_load %arg7[%swap3A_1122, %swap3A_1123] {strides = array<i32>} : memref<16x5248xf32, #tpu.memory_space<vmem>>, vector<16xf32>,
      tpu.vector_store %arg7[%swap3A_1122, %swap3A_1123], %gather3A_1073 {strides = array<i32>} : memref<16x5248xf32, #tpu.memory_space<vmem>>, vector<16xf32>,
      %add3A_1125 = arith.constant 16 : i32
      %add3A_1126 = arith.addi %mul3A_919, %add3A_1125 : i32
      %swap3A_1127 = arith.constant 1 : i32
      %swap3A_1128 = arith.index_cast %swap3A_1127 : i32 to index
      %swap3A_1129 = arith.index_cast %add3A_1126 : i32 to index
      %swap3A_1130 = tpu.vector_load %arg7[%swap3A_1128, %swap3A_1129] {strides = array<i32>} : memref<16x5248xf32, #tpu.memory_space<vmem>>, vector<16xf32>,
      tpu.vector_store %arg7[%swap3A_1128, %swap3A_1129], %gather3A_1076 {strides = array<i32>} : memref<16x5248xf32, #tpu.memory_space<vmem>>, vector<16xf32>,
      %add3A_1131 = arith.constant 16 : i32
      %add3A_1132 = arith.addi %mul3A_919, %add3A_1131 : i32
      %swap3A_1133 = arith.constant 2 : i32
      %swap3A_1134 = arith.index_cast %swap3A_1133 : i32 to index
      %swap3A_1135 = arith.index_cast %add3A_1132 : i32 to index
      %swap3A_1136 = tpu.vector_load %arg7[%swap3A_1134, %swap3A_1135] {strides = array<i32>} : memref<16x5248xf32, #tpu.memory_space<vmem>>, vector<16xf32>,
      tpu.vector_store %arg7[%swap3A_1134, %swap3A_1135], %gather3A_1079 {strides = array<i32>} : memref<16x5248xf32, #tpu.memory_space<vmem>>, vector<16xf32>,
      %add3A_1137 = arith.constant 16 : i32
      %add3A_1138 = arith.addi %mul3A_919, %add3A_1137 : i32
      %swap3A_1139 = arith.constant 3 : i32
      %swap3A_1140 = arith.index_cast %swap3A_1139 : i32 to index
      %swap3A_1141 = arith.index_cast %add3A_1138 : i32 to index
      %swap3A_1142 = tpu.vector_load %arg7[%swap3A_1140, %swap3A_1141] {strides = array<i32>} : memref<16x5248xf32, #tpu.memory_space<vmem>>, vector<16xf32>,
      tpu.vector_store %arg7[%swap3A_1140, %swap3A_1141], %gather3A_1082 {strides = array<i32>} : memref<16x5248xf32, #tpu.memory_space<vmem>>, vector<16xf32>,
      %add3A_1143 = arith.constant 16 : i32
      %add3A_1144 = arith.addi %mul3A_919, %add3A_1143 : i32
      %swap3A_1145 = arith.constant 4 : i32
      %swap3A_1146 = arith.index_cast %swap3A_1145 : i32 to index
      %swap3A_1147 = arith.index_cast %add3A_1144 : i32 to index
      %swap3A_1148 = tpu.vector_load %arg7[%swap3A_1146, %swap3A_1147] {strides = array<i32>} : memref<16x5248xf32, #tpu.memory_space<vmem>>, vector<16xf32>,
      tpu.vector_store %arg7[%swap3A_1146, %swap3A_1147], %gather3A_1085 {strides = array<i32>} : memref<16x5248xf32, #tpu.memory_space<vmem>>, vector<16xf32>,
      %add3A_1149 = arith.constant 16 : i32
      %add3A_1150 = arith.addi %mul3A_919, %add3A_1149 : i32
      %swap3A_1151 = arith.constant 5 : i32
      %swap3A_1152 = arith.index_cast %swap3A_1151 : i32 to index
      %swap3A_1153 = arith.index_cast %add3A_1150 : i32 to index
      %swap3A_1154 = tpu.vector_load %arg7[%swap3A_1152, %swap3A_1153] {strides = array<i32>} : memref<16x5248xf32, #tpu.memory_space<vmem>>, vector<16xf32>,
      tpu.vector_store %arg7[%swap3A_1152, %swap3A_1153], %gather3A_1088 {strides = array<i32>} : memref<16x5248xf32, #tpu.memory_space<vmem>>, vector<16xf32>,
      %add3A_1155 = arith.constant 16 : i32
      %add3A_1156 = arith.addi %mul3A_919, %add3A_1155 : i32
      %swap3A_1157 = arith.constant 6 : i32
      %swap3A_1158 = arith.index_cast %swap3A_1157 : i32 to index
      %swap3A_1159 = arith.index_cast %add3A_1156 : i32 to index
      %swap3A_1160 = tpu.vector_load %arg7[%swap3A_1158, %swap3A_1159] {strides = array<i32>} : memref<16x5248xf32, #tpu.memory_space<vmem>>, vector<16xf32>,
      tpu.vector_store %arg7[%swap3A_1158, %swap3A_1159], %gather3A_1091 {strides = array<i32>} : memref<16x5248xf32, #tpu.memory_space<vmem>>, vector<16xf32>,
      %add3A_1161 = arith.constant 16 : i32
      %add3A_1162 = arith.addi %mul3A_919, %add3A_1161 : i32
      %swap3A_1163 = arith.constant 7 : i32
      %swap3A_1164 = arith.index_cast %swap3A_1163 : i32 to index
      %swap3A_1165 = arith.index_cast %add3A_1162 : i32 to index
      %swap3A_1166 = tpu.vector_load %arg7[%swap3A_1164, %swap3A_1165] {strides = array<i32>} : memref<16x5248xf32, #tpu.memory_space<vmem>>, vector<16xf32>,
      tpu.vector_store %arg7[%swap3A_1164, %swap3A_1165], %gather3A_1094 {strides = array<i32>} : memref<16x5248xf32, #tpu.memory_space<vmem>>, vector<16xf32>,
      %add3A_1167 = arith.constant 16 : i32
      %add3A_1168 = arith.addi %mul3A_919, %add3A_1167 : i32
      %swap3A_1169 = arith.constant 8 : i32
      %swap3A_1170 = arith.index_cast %swap3A_1169 : i32 to index
      %swap3A_1171 = arith.index_cast %add3A_1168 : i32 to index
      %swap3A_1172 = tpu.vector_load %arg7[%swap3A_1170, %swap3A_1171] {strides = array<i32>} : memref<16x5248xf32, #tpu.memory_space<vmem>>, vector<16xf32>,
      tpu.vector_store %arg7[%swap3A_1170, %swap3A_1171], %gather3A_1097 {strides = array<i32>} : memref<16x5248xf32, #tpu.memory_space<vmem>>, vector<16xf32>,
      %add3A_1173 = arith.constant 16 : i32
      %add3A_1174 = arith.addi %mul3A_919, %add3A_1173 : i32
      %swap3A_1175 = arith.constant 9 : i32
      %swap3A_1176 = arith.index_cast %swap3A_1175 : i32 to index
      %swap3A_1177 = arith.index_cast %add3A_1174 : i32 to index
      %swap3A_1178 = tpu.vector_load %arg7[%swap3A_1176, %swap3A_1177] {strides = array<i32>} : memref<16x5248xf32, #tpu.memory_space<vmem>>, vector<16xf32>,
      tpu.vector_store %arg7[%swap3A_1176, %swap3A_1177], %gather3A_1100 {strides = array<i32>} : memref<16x5248xf32, #tpu.memory_space<vmem>>, vector<16xf32>,
      %add3A_1179 = arith.constant 16 : i32
      %add3A_1180 = arith.addi %mul3A_919, %add3A_1179 : i32
      %swap3A_1181 = arith.constant 10 : i32
      %swap3A_1182 = arith.index_cast %swap3A_1181 : i32 to index
      %swap3A_1183 = arith.index_cast %add3A_1180 : i32 to index
      %swap3A_1184 = tpu.vector_load %arg7[%swap3A_1182, %swap3A_1183] {strides = array<i32>} : memref<16x5248xf32, #tpu.memory_space<vmem>>, vector<16xf32>,
      tpu.vector_store %arg7[%swap3A_1182, %swap3A_1183], %gather3A_1103 {strides = array<i32>} : memref<16x5248xf32, #tpu.memory_space<vmem>>, vector<16xf32>,
      %add3A_1185 = arith.constant 16 : i32
      %add3A_1186 = arith.addi %mul3A_919, %add3A_1185 : i32
      %swap3A_1187 = arith.constant 11 : i32
      %swap3A_1188 = arith.index_cast %swap3A_1187 : i32 to index
      %swap3A_1189 = arith.index_cast %add3A_1186 : i32 to index
      %swap3A_1190 = tpu.vector_load %arg7[%swap3A_1188, %swap3A_1189] {strides = array<i32>} : memref<16x5248xf32, #tpu.memory_space<vmem>>, vector<16xf32>,
      tpu.vector_store %arg7[%swap3A_1188, %swap3A_1189], %gather3A_1106 {strides = array<i32>} : memref<16x5248xf32, #tpu.memory_space<vmem>>, vector<16xf32>,
      %add3A_1191 = arith.constant 16 : i32
      %add3A_1192 = arith.addi %mul3A_919, %add3A_1191 : i32
      %swap3A_1193 = arith.constant 12 : i32
      %swap3A_1194 = arith.index_cast %swap3A_1193 : i32 to index
      %swap3A_1195 = arith.index_cast %add3A_1192 : i32 to index
      %swap3A_1196 = tpu.vector_load %arg7[%swap3A_1194, %swap3A_1195] {strides = array<i32>} : memref<16x5248xf32, #tpu.memory_space<vmem>>, vector<16xf32>,
      tpu.vector_store %arg7[%swap3A_1194, %swap3A_1195], %gather3A_1109 {strides = array<i32>} : memref<16x5248xf32, #tpu.memory_space<vmem>>, vector<16xf32>,
      %add3A_1197 = arith.constant 16 : i32
      %add3A_1198 = arith.addi %mul3A_919, %add3A_1197 : i32
      %swap3A_1199 = arith.constant 13 : i32
      %swap3A_1200 = arith.index_cast %swap3A_1199 : i32 to index
      %swap3A_1201 = arith.index_cast %add3A_1198 : i32 to index
      %swap3A_1202 = tpu.vector_load %arg7[%swap3A_1200, %swap3A_1201] {strides = array<i32>} : memref<16x5248xf32, #tpu.memory_space<vmem>>, vector<16xf32>,
      tpu.vector_store %arg7[%swap3A_1200, %swap3A_1201], %gather3A_1112 {strides = array<i32>} : memref<16x5248xf32, #tpu.memory_space<vmem>>, vector<16xf32>,
      %add3A_1203 = arith.constant 16 : i32
      %add3A_1204 = arith.addi %mul3A_919, %add3A_1203 : i32
      %swap3A_1205 = arith.constant 14 : i32
      %swap3A_1206 = arith.index_cast %swap3A_1205 : i32 to index
      %swap3A_1207 = arith.index_cast %add3A_1204 : i32 to index
      %swap3A_1208 = tpu.vector_load %arg7[%swap3A_1206, %swap3A_1207] {strides = array<i32>} : memref<16x5248xf32, #tpu.memory_space<vmem>>, vector<16xf32>,
      tpu.vector_store %arg7[%swap3A_1206, %swap3A_1207], %gather3A_1115 {strides = array<i32>} : memref<16x5248xf32, #tpu.memory_space<vmem>>, vector<16xf32>,
      %add3A_1209 = arith.constant 16 : i32
      %add3A_1210 = arith.addi %mul3A_919, %add3A_1209 : i32
      %swap3A_1211 = arith.constant 15 : i32
      %swap3A_1212 = arith.index_cast %swap3A_1211 : i32 to index
      %swap3A_1213 = arith.index_cast %add3A_1210 : i32 to index
      %swap3A_1214 = tpu.vector_load %arg7[%swap3A_1212, %swap3A_1213] {strides = array<i32>} : memref<16x5248xf32, #tpu.memory_space<vmem>>, vector<16xf32>,
      tpu.vector_store %arg7[%swap3A_1212, %swap3A_1213], %gather3A_1118 {strides = array<i32>} : memref<16x5248xf32, #tpu.memory_space<vmem>>, vector<16xf32>,
      %add3A_1215 = arith.constant 32 : i32
      %add3A_1216 = arith.addi %mul3A_919, %add3A_1215 : i32
      %get3A_1217 = arith.index_cast %add3A_1216 : i32 to index
      %get3A_1218 = tpu.vector_load %arg6[%get3A_1217] {strides = array<i32>} : memref<5248xi32, #tpu.memory_space<vmem>>, vector<16xi32>,
      %broadcast_in_dim3A_1219 = vector.shape_cast %get3A_1218 : vector<16xi32> to vector<16x1xi32>
      %gather3A_1220 = vector.shape_cast %broadcast_in_dim3A_1219 : vector<16x1xi32> to vector<16xi32>
      %gather3A_1221 = tpu.dynamic_gather %select_n3A_86[%gather3A_1220] in [0] : vector<16xf32>, vector<16xi32> -> vector<16xf32>
      %broadcast_in_dim3A_1222 = vector.shape_cast %get3A_1218 : vector<16xi32> to vector<16x1xi32>
      %gather3A_1223 = vector.shape_cast %broadcast_in_dim3A_1222 : vector<16x1xi32> to vector<16xi32>
      %gather3A_1224 = tpu.dynamic_gather %select_n3A_140[%gather3A_1223] in [0] : vector<16xf32>, vector<16xi32> -> vector<16xf32>
      %broadcast_in_dim3A_1225 = vector.shape_cast %get3A_1218 : vector<16xi32> to vector<16x1xi32>
      %gather3A_1226 = vector.shape_cast %broadcast_in_dim3A_1225 : vector<16x1xi32> to vector<16xi32>
      %gather3A_1227 = tpu.dynamic_gather %select_n3A_194[%gather3A_1226] in [0] : vector<16xf32>, vector<16xi32> -> vector<16xf32>
      %broadcast_in_dim3A_1228 = vector.shape_cast %get3A_1218 : vector<16xi32> to vector<16x1xi32>
      %gather3A_1229 = vector.shape_cast %broadcast_in_dim3A_1228 : vector<16x1xi32> to vector<16xi32>
      %gather3A_1230 = tpu.dynamic_gather %select_n3A_248[%gather3A_1229] in [0] : vector<16xf32>, vector<16xi32> -> vector<16xf32>
      %broadcast_in_dim3A_1231 = vector.shape_cast %get3A_1218 : vector<16xi32> to vector<16x1xi32>
      %gather3A_1232 = vector.shape_cast %broadcast_in_dim3A_1231 : vector<16x1xi32> to vector<16xi32>
      %gather3A_1233 = tpu.dynamic_gather %select_n3A_302[%gather3A_1232] in [0] : vector<16xf32>, vector<16xi32> -> vector<16xf32>
      %broadcast_in_dim3A_1234 = vector.shape_cast %get3A_1218 : vector<16xi32> to vector<16x1xi32>
      %gather3A_1235 = vector.shape_cast %broadcast_in_dim3A_1234 : vector<16x1xi32> to vector<16xi32>
      %gather3A_1236 = tpu.dynamic_gather %select_n3A_356[%gather3A_1235] in [0] : vector<16xf32>, vector<16xi32> -> vector<16xf32>
      %broadcast_in_dim3A_1237 = vector.shape_cast %get3A_1218 : vector<16xi32> to vector<16x1xi32>
      %gather3A_1238 = vector.shape_cast %broadcast_in_dim3A_1237 : vector<16x1xi32> to vector<16xi32>
      %gather3A_1239 = tpu.dynamic_gather %select_n3A_410[%gather3A_1238] in [0] : vector<16xf32>, vector<16xi32> -> vector<16xf32>
      %broadcast_in_dim3A_1240 = vector.shape_cast %get3A_1218 : vector<16xi32> to vector<16x1xi32>
      %gather3A_1241 = vector.shape_cast %broadcast_in_dim3A_1240 : vector<16x1xi32> to vector<16xi32>
      %gather3A_1242 = tpu.dynamic_gather %select_n3A_464[%gather3A_1241] in [0] : vector<16xf32>, vector<16xi32> -> vector<16xf32>
      %broadcast_in_dim3A_1243 = vector.shape_cast %get3A_1218 : vector<16xi32> to vector<16x1xi32>
      %gather3A_1244 = vector.shape_cast %broadcast_in_dim3A_1243 : vector<16x1xi32> to vector<16xi32>
      %gather3A_1245 = tpu.dynamic_gather %select_n3A_518[%gather3A_1244] in [0] : vector<16xf32>, vector<16xi32> -> vector<16xf32>
      %broadcast_in_dim3A_1246 = vector.shape_cast %get3A_1218 : vector<16xi32> to vector<16x1xi32>
      %gather3A_1247 = vector.shape_cast %broadcast_in_dim3A_1246 : vector<16x1xi32> to vector<16xi32>
      %gather3A_1248 = tpu.dynamic_gather %select_n3A_572[%gather3A_1247] in [0] : vector<16xf32>, vector<16xi32> -> vector<16xf32>
      %broadcast_in_dim3A_1249 = vector.shape_cast %get3A_1218 : vector<16xi32> to vector<16x1xi32>
      %gather3A_1250 = vector.shape_cast %broadcast_in_dim3A_1249 : vector<16x1xi32> to vector<16xi32>
      %gather3A_1251 = tpu.dynamic_gather %select_n3A_626[%gather3A_1250] in [0] : vector<16xf32>, vector<16xi32> -> vector<16xf32>
      %broadcast_in_dim3A_1252 = vector.shape_cast %get3A_1218 : vector<16xi32> to vector<16x1xi32>
      %gather3A_1253 = vector.shape_cast %broadcast_in_dim3A_1252 : vector<16x1xi32> to vector<16xi32>
      %gather3A_1254 = tpu.dynamic_gather %select_n3A_680[%gather3A_1253] in [0] : vector<16xf32>, vector<16xi32> -> vector<16xf32>
      %broadcast_in_dim3A_1255 = vector.shape_cast %get3A_1218 : vector<16xi32> to vector<16x1xi32>
      %gather3A_1256 = vector.shape_cast %broadcast_in_dim3A_1255 : vector<16x1xi32> to vector<16xi32>
      %gather3A_1257 = tpu.dynamic_gather %select_n3A_734[%gather3A_1256] in [0] : vector<16xf32>, vector<16xi32> -> vector<16xf32>
      %broadcast_in_dim3A_1258 = vector.shape_cast %get3A_1218 : vector<16xi32> to vector<16x1xi32>
      %gather3A_1259 = vector.shape_cast %broadcast_in_dim3A_1258 : vector<16x1xi32> to vector<16xi32>
      %gather3A_1260 = tpu.dynamic_gather %select_n3A_788[%gather3A_1259] in [0] : vector<16xf32>, vector<16xi32> -> vector<16xf32>
      %broadcast_in_dim3A_1261 = vector.shape_cast %get3A_1218 : vector<16xi32> to vector<16x1xi32>
      %gather3A_1262 = vector.shape_cast %broadcast_in_dim3A_1261 : vector<16x1xi32> to vector<16xi32>
      %gather3A_1263 = tpu.dynamic_gather %select_n3A_842[%gather3A_1262] in [0] : vector<16xf32>, vector<16xi32> -> vector<16xf32>
      %broadcast_in_dim3A_1264 = vector.shape_cast %get3A_1218 : vector<16xi32> to vector<16x1xi32>
      %gather3A_1265 = vector.shape_cast %broadcast_in_dim3A_1264 : vector<16x1xi32> to vector<16xi32>
      %gather3A_1266 = tpu.dynamic_gather %select_n3A_896[%gather3A_1265] in [0] : vector<16xf32>, vector<16xi32> -> vector<16xf32>
      %add3A_1267 = arith.constant 32 : i32
      %add3A_1268 = arith.addi %mul3A_919, %add3A_1267 : i32
      %swap3A_1269 = arith.constant 0 : i32
      %swap3A_1270 = arith.index_cast %swap3A_1269 : i32 to index
      %swap3A_1271 = arith.index_cast %add3A_1268 : i32 to index
      %swap3A_1272 = tpu.vector_load %arg7[%swap3A_1270, %swap3A_1271] {strides = array<i32>} : memref<16x5248xf32, #tpu.memory_space<vmem>>, vector<16xf32>,
      tpu.vector_store %arg7[%swap3A_1270, %swap3A_1271], %gather3A_1221 {strides = array<i32>} : memref<16x5248xf32, #tpu.memory_space<vmem>>, vector<16xf32>,
      %add3A_1273 = arith.constant 32 : i32
      %add3A_1274 = arith.addi %mul3A_919, %add3A_1273 : i32
      %swap3A_1275 = arith.constant 1 : i32
      %swap3A_1276 = arith.index_cast %swap3A_1275 : i32 to index
      %swap3A_1277 = arith.index_cast %add3A_1274 : i32 to index
      %swap3A_1278 = tpu.vector_load %arg7[%swap3A_1276, %swap3A_1277] {strides = array<i32>} : memref<16x5248xf32, #tpu.memory_space<vmem>>, vector<16xf32>,
      tpu.vector_store %arg7[%swap3A_1276, %swap3A_1277], %gather3A_1224 {strides = array<i32>} : memref<16x5248xf32, #tpu.memory_space<vmem>>, vector<16xf32>,
      %add3A_1279 = arith.constant 32 : i32
      %add3A_1280 = arith.addi %mul3A_919, %add3A_1279 : i32
      %swap3A_1281 = arith.constant 2 : i32
      %swap3A_1282 = arith.index_cast %swap3A_1281 : i32 to index
      %swap3A_1283 = arith.index_cast %add3A_1280 : i32 to index
      %swap3A_1284 = tpu.vector_load %arg7[%swap3A_1282, %swap3A_1283] {strides = array<i32>} : memref<16x5248xf32, #tpu.memory_space<vmem>>, vector<16xf32>,
      tpu.vector_store %arg7[%swap3A_1282, %swap3A_1283], %gather3A_1227 {strides = array<i32>} : memref<16x5248xf32, #tpu.memory_space<vmem>>, vector<16xf32>,
      %add3A_1285 = arith.constant 32 : i32
      %add3A_1286 = arith.addi %mul3A_919, %add3A_1285 : i32
      %swap3A_1287 = arith.constant 3 : i32
      %swap3A_1288 = arith.index_cast %swap3A_1287 : i32 to index
      %swap3A_1289 = arith.index_cast %add3A_1286 : i32 to index
      %swap3A_1290 = tpu.vector_load %arg7[%swap3A_1288, %swap3A_1289] {strides = array<i32>} : memref<16x5248xf32, #tpu.memory_space<vmem>>, vector<16xf32>,
      tpu.vector_store %arg7[%swap3A_1288, %swap3A_1289], %gather3A_1230 {strides = array<i32>} : memref<16x5248xf32, #tpu.memory_space<vmem>>, vector<16xf32>,
      %add3A_1291 = arith.constant 32 : i32
      %add3A_1292 = arith.addi %mul3A_919, %add3A_1291 : i32
      %swap3A_1293 = arith.constant 4 : i32
      %swap3A_1294 = arith.index_cast %swap3A_1293 : i32 to index
      %swap3A_1295 = arith.index_cast %add3A_1292 : i32 to index
      %swap3A_1296 = tpu.vector_load %arg7[%swap3A_1294, %swap3A_1295] {strides = array<i32>} : memref<16x5248xf32, #tpu.memory_space<vmem>>, vector<16xf32>,
      tpu.vector_store %arg7[%swap3A_1294, %swap3A_1295], %gather3A_1233 {strides = array<i32>} : memref<16x5248xf32, #tpu.memory_space<vmem>>, vector<16xf32>,
      %add3A_1297 = arith.constant 32 : i32
      %add3A_1298 = arith.addi %mul3A_919, %add3A_1297 : i32
      %swap3A_1299 = arith.constant 5 : i32
      %swap3A_1300 = arith.index_cast %swap3A_1299 : i32 to index
      %swap3A_1301 = arith.index_cast %add3A_1298 : i32 to index
      %swap3A_1302 = tpu.vector_load %arg7[%swap3A_1300, %swap3A_1301] {strides = array<i32>} : memref<16x5248xf32, #tpu.memory_space<vmem>>, vector<16xf32>,
      tpu.vector_store %arg7[%swap3A_1300, %swap3A_1301], %gather3A_1236 {strides = array<i32>} : memref<16x5248xf32, #tpu.memory_space<vmem>>, vector<16xf32>,
      %add3A_1303 = arith.constant 32 : i32
      %add3A_1304 = arith.addi %mul3A_919, %add3A_1303 : i32
      %swap3A_1305 = arith.constant 6 : i32
      %swap3A_1306 = arith.index_cast %swap3A_1305 : i32 to index
      %swap3A_1307 = arith.index_cast %add3A_1304 : i32 to index
      %swap3A_1308 = tpu.vector_load %arg7[%swap3A_1306, %swap3A_1307] {strides = array<i32>} : memref<16x5248xf32, #tpu.memory_space<vmem>>, vector<16xf32>,
      tpu.vector_store %arg7[%swap3A_1306, %swap3A_1307], %gather3A_1239 {strides = array<i32>} : memref<16x5248xf32, #tpu.memory_space<vmem>>, vector<16xf32>,
      %add3A_1309 = arith.constant 32 : i32
      %add3A_1310 = arith.addi %mul3A_919, %add3A_1309 : i32
      %swap3A_1311 = arith.constant 7 : i32
      %swap3A_1312 = arith.index_cast %swap3A_1311 : i32 to index
      %swap3A_1313 = arith.index_cast %add3A_1310 : i32 to index
      %swap3A_1314 = tpu.vector_load %arg7[%swap3A_1312, %swap3A_1313] {strides = array<i32>} : memref<16x5248xf32, #tpu.memory_space<vmem>>, vector<16xf32>,
      tpu.vector_store %arg7[%swap3A_1312, %swap3A_1313], %gather3A_1242 {strides = array<i32>} : memref<16x5248xf32, #tpu.memory_space<vmem>>, vector<16xf32>,
      %add3A_1315 = arith.constant 32 : i32
      %add3A_1316 = arith.addi %mul3A_919, %add3A_1315 : i32
      %swap3A_1317 = arith.constant 8 : i32
      %swap3A_1318 = arith.index_cast %swap3A_1317 : i32 to index
      %swap3A_1319 = arith.index_cast %add3A_1316 : i32 to index
      %swap3A_1320 = tpu.vector_load %arg7[%swap3A_1318, %swap3A_1319] {strides = array<i32>} : memref<16x5248xf32, #tpu.memory_space<vmem>>, vector<16xf32>,
      tpu.vector_store %arg7[%swap3A_1318, %swap3A_1319], %gather3A_1245 {strides = array<i32>} : memref<16x5248xf32, #tpu.memory_space<vmem>>, vector<16xf32>,
      %add3A_1321 = arith.constant 32 : i32
      %add3A_1322 = arith.addi %mul3A_919, %add3A_1321 : i32
      %swap3A_1323 = arith.constant 9 : i32
      %swap3A_1324 = arith.index_cast %swap3A_1323 : i32 to index
      %swap3A_1325 = arith.index_cast %add3A_1322 : i32 to index
      %swap3A_1326 = tpu.vector_load %arg7[%swap3A_1324, %swap3A_1325] {strides = array<i32>} : memref<16x5248xf32, #tpu.memory_space<vmem>>, vector<16xf32>,
      tpu.vector_store %arg7[%swap3A_1324, %swap3A_1325], %gather3A_1248 {strides = array<i32>} : memref<16x5248xf32, #tpu.memory_space<vmem>>, vector<16xf32>,
      %add3A_1327 = arith.constant 32 : i32
      %add3A_1328 = arith.addi %mul3A_919, %add3A_1327 : i32
      %swap3A_1329 = arith.constant 10 : i32
      %swap3A_1330 = arith.index_cast %swap3A_1329 : i32 to index
      %swap3A_1331 = arith.index_cast %add3A_1328 : i32 to index
      %swap3A_1332 = tpu.vector_load %arg7[%swap3A_1330, %swap3A_1331] {strides = array<i32>} : memref<16x5248xf32, #tpu.memory_space<vmem>>, vector<16xf32>,
      tpu.vector_store %arg7[%swap3A_1330, %swap3A_1331], %gather3A_1251 {strides = array<i32>} : memref<16x5248xf32, #tpu.memory_space<vmem>>, vector<16xf32>,
      %add3A_1333 = arith.constant 32 : i32
      %add3A_1334 = arith.addi %mul3A_919, %add3A_1333 : i32
      %swap3A_1335 = arith.constant 11 : i32
      %swap3A_1336 = arith.index_cast %swap3A_1335 : i32 to index
      %swap3A_1337 = arith.index_cast %add3A_1334 : i32 to index
      %swap3A_1338 = tpu.vector_load %arg7[%swap3A_1336, %swap3A_1337] {strides = array<i32>} : memref<16x5248xf32, #tpu.memory_space<vmem>>, vector<16xf32>,
      tpu.vector_store %arg7[%swap3A_1336, %swap3A_1337], %gather3A_1254 {strides = array<i32>} : memref<16x5248xf32, #tpu.memory_space<vmem>>, vector<16xf32>,
      %add3A_1339 = arith.constant 32 : i32
      %add3A_1340 = arith.addi %mul3A_919, %add3A_1339 : i32
      %swap3A_1341 = arith.constant 12 : i32
      %swap3A_1342 = arith.index_cast %swap3A_1341 : i32 to index
      %swap3A_1343 = arith.index_cast %add3A_1340 : i32 to index
      %swap3A_1344 = tpu.vector_load %arg7[%swap3A_1342, %swap3A_1343] {strides = array<i32>} : memref<16x5248xf32, #tpu.memory_space<vmem>>, vector<16xf32>,
      tpu.vector_store %arg7[%swap3A_1342, %swap3A_1343], %gather3A_1257 {strides = array<i32>} : memref<16x5248xf32, #tpu.memory_space<vmem>>, vector<16xf32>,
      %add3A_1345 = arith.constant 32 : i32
      %add3A_1346 = arith.addi %mul3A_919, %add3A_1345 : i32
      %swap3A_1347 = arith.constant 13 : i32
      %swap3A_1348 = arith.index_cast %swap3A_1347 : i32 to index
      %swap3A_1349 = arith.index_cast %add3A_1346 : i32 to index
      %swap3A_1350 = tpu.vector_load %arg7[%swap3A_1348, %swap3A_1349] {strides = array<i32>} : memref<16x5248xf32, #tpu.memory_space<vmem>>, vector<16xf32>,
      tpu.vector_store %arg7[%swap3A_1348, %swap3A_1349], %gather3A_1260 {strides = array<i32>} : memref<16x5248xf32, #tpu.memory_space<vmem>>, vector<16xf32>,
      %add3A_1351 = arith.constant 32 : i32
      %add3A_1352 = arith.addi %mul3A_919, %add3A_1351 : i32
      %swap3A_1353 = arith.constant 14 : i32
      %swap3A_1354 = arith.index_cast %swap3A_1353 : i32 to index
      %swap3A_1355 = arith.index_cast %add3A_1352 : i32 to index
      %swap3A_1356 = tpu.vector_load %arg7[%swap3A_1354, %swap3A_1355] {strides = array<i32>} : memref<16x5248xf32, #tpu.memory_space<vmem>>, vector<16xf32>,
      tpu.vector_store %arg7[%swap3A_1354, %swap3A_1355], %gather3A_1263 {strides = array<i32>} : memref<16x5248xf32, #tpu.memory_space<vmem>>, vector<16xf32>,
      %add3A_1357 = arith.constant 32 : i32
      %add3A_1358 = arith.addi %mul3A_919, %add3A_1357 : i32
      %swap3A_1359 = arith.constant 15 : i32
      %swap3A_1360 = arith.index_cast %swap3A_1359 : i32 to index
      %swap3A_1361 = arith.index_cast %add3A_1358 : i32 to index
      %swap3A_1362 = tpu.vector_load %arg7[%swap3A_1360, %swap3A_1361] {strides = array<i32>} : memref<16x5248xf32, #tpu.memory_space<vmem>>, vector<16xf32>,
      tpu.vector_store %arg7[%swap3A_1360, %swap3A_1361], %gather3A_1266 {strides = array<i32>} : memref<16x5248xf32, #tpu.memory_space<vmem>>, vector<16xf32>,
      %add3A_1363 = arith.constant 48 : i32
      %add3A_1364 = arith.addi %mul3A_919, %add3A_1363 : i32
      %get3A_1365 = arith.index_cast %add3A_1364 : i32 to index
      %get3A_1366 = tpu.vector_load %arg6[%get3A_1365] {strides = array<i32>} : memref<5248xi32, #tpu.memory_space<vmem>>, vector<16xi32>,
      %broadcast_in_dim3A_1367 = vector.shape_cast %get3A_1366 : vector<16xi32> to vector<16x1xi32>
      %gather3A_1368 = vector.shape_cast %broadcast_in_dim3A_1367 : vector<16x1xi32> to vector<16xi32>
      %gather3A_1369 = tpu.dynamic_gather %select_n3A_86[%gather3A_1368] in [0] : vector<16xf32>, vector<16xi32> -> vector<16xf32>
      %broadcast_in_dim3A_1370 = vector.shape_cast %get3A_1366 : vector<16xi32> to vector<16x1xi32>
      %gather3A_1371 = vector.shape_cast %broadcast_in_dim3A_1370 : vector<16x1xi32> to vector<16xi32>
      %gather3A_1372 = tpu.dynamic_gather %select_n3A_140[%gather3A_1371] in [0] : vector<16xf32>, vector<16xi32> -> vector<16xf32>
      %broadcast_in_dim3A_1373 = vector.shape_cast %get3A_1366 : vector<16xi32> to vector<16x1xi32>
      %gather3A_1374 = vector.shape_cast %broadcast_in_dim3A_1373 : vector<16x1xi32> to vector<16xi32>
      %gather3A_1375 = tpu.dynamic_gather %select_n3A_194[%gather3A_1374] in [0] : vector<16xf32>, vector<16xi32> -> vector<16xf32>
      %broadcast_in_dim3A_1376 = vector.shape_cast %get3A_1366 : vector<16xi32> to vector<16x1xi32>
      %gather3A_1377 = vector.shape_cast %broadcast_in_dim3A_1376 : vector<16x1xi32> to vector<16xi32>
      %gather3A_1378 = tpu.dynamic_gather %select_n3A_248[%gather3A_1377] in [0] : vector<16xf32>, vector<16xi32> -> vector<16xf32>
      %broadcast_in_dim3A_1379 = vector.shape_cast %get3A_1366 : vector<16xi32> to vector<16x1xi32>
      %gather3A_1380 = vector.shape_cast %broadcast_in_dim3A_1379 : vector<16x1xi32> to vector<16xi32>
      %gather3A_1381 = tpu.dynamic_gather %select_n3A_302[%gather3A_1380] in [0] : vector<16xf32>, vector<16xi32> -> vector<16xf32>
      %broadcast_in_dim3A_1382 = vector.shape_cast %get3A_1366 : vector<16xi32> to vector<16x1xi32>
      %gather3A_1383 = vector.shape_cast %broadcast_in_dim3A_1382 : vector<16x1xi32> to vector<16xi32>
      %gather3A_1384 = tpu.dynamic_gather %select_n3A_356[%gather3A_1383] in [0] : vector<16xf32>, vector<16xi32> -> vector<16xf32>
      %broadcast_in_dim3A_1385 = vector.shape_cast %get3A_1366 : vector<16xi32> to vector<16x1xi32>
      %gather3A_1386 = vector.shape_cast %broadcast_in_dim3A_1385 : vector<16x1xi32> to vector<16xi32>
      %gather3A_1387 = tpu.dynamic_gather %select_n3A_410[%gather3A_1386] in [0] : vector<16xf32>, vector<16xi32> -> vector<16xf32>
      %broadcast_in_dim3A_1388 = vector.shape_cast %get3A_1366 : vector<16xi32> to vector<16x1xi32>
      %gather3A_1389 = vector.shape_cast %broadcast_in_dim3A_1388 : vector<16x1xi32> to vector<16xi32>
      %gather3A_1390 = tpu.dynamic_gather %select_n3A_464[%gather3A_1389] in [0] : vector<16xf32>, vector<16xi32> -> vector<16xf32>
      %broadcast_in_dim3A_1391 = vector.shape_cast %get3A_1366 : vector<16xi32> to vector<16x1xi32>
      %gather3A_1392 = vector.shape_cast %broadcast_in_dim3A_1391 : vector<16x1xi32> to vector<16xi32>
      %gather3A_1393 = tpu.dynamic_gather %select_n3A_518[%gather3A_1392] in [0] : vector<16xf32>, vector<16xi32> -> vector<16xf32>
      %broadcast_in_dim3A_1394 = vector.shape_cast %get3A_1366 : vector<16xi32> to vector<16x1xi32>
      %gather3A_1395 = vector.shape_cast %broadcast_in_dim3A_1394 : vector<16x1xi32> to vector<16xi32>
      %gather3A_1396 = tpu.dynamic_gather %select_n3A_572[%gather3A_1395] in [0] : vector<16xf32>, vector<16xi32> -> vector<16xf32>
      %broadcast_in_dim3A_1397 = vector.shape_cast %get3A_1366 : vector<16xi32> to vector<16x1xi32>
      %gather3A_1398 = vector.shape_cast %broadcast_in_dim3A_1397 : vector<16x1xi32> to vector<16xi32>
      %gather3A_1399 = tpu.dynamic_gather %select_n3A_626[%gather3A_1398] in [0] : vector<16xf32>, vector<16xi32> -> vector<16xf32>
      %broadcast_in_dim3A_1400 = vector.shape_cast %get3A_1366 : vector<16xi32> to vector<16x1xi32>
      %gather3A_1401 = vector.shape_cast %broadcast_in_dim3A_1400 : vector<16x1xi32> to vector<16xi32>
      %gather3A_1402 = tpu.dynamic_gather %select_n3A_680[%gather3A_1401] in [0] : vector<16xf32>, vector<16xi32> -> vector<16xf32>
      %broadcast_in_dim3A_1403 = vector.shape_cast %get3A_1366 : vector<16xi32> to vector<16x1xi32>
      %gather3A_1404 = vector.shape_cast %broadcast_in_dim3A_1403 : vector<16x1xi32> to vector<16xi32>
      %gather3A_1405 = tpu.dynamic_gather %select_n3A_734[%gather3A_1404] in [0] : vector<16xf32>, vector<16xi32> -> vector<16xf32>
      %broadcast_in_dim3A_1406 = vector.shape_cast %get3A_1366 : vector<16xi32> to vector<16x1xi32>
      %gather3A_1407 = vector.shape_cast %broadcast_in_dim3A_1406 : vector<16x1xi32> to vector<16xi32>
      %gather3A_1408 = tpu.dynamic_gather %select_n3A_788[%gather3A_1407] in [0] : vector<16xf32>, vector<16xi32> -> vector<16xf32>
      %broadcast_in_dim3A_1409 = vector.shape_cast %get3A_1366 : vector<16xi32> to vector<16x1xi32>
      %gather3A_1410 = vector.shape_cast %broadcast_in_dim3A_1409 : vector<16x1xi32> to vector<16xi32>
      %gather3A_1411 = tpu.dynamic_gather %select_n3A_842[%gather3A_1410] in [0] : vector<16xf32>, vector<16xi32> -> vector<16xf32>
      %broadcast_in_dim3A_1412 = vector.shape_cast %get3A_1366 : vector<16xi32> to vector<16x1xi32>
      %gather3A_1413 = vector.shape_cast %broadcast_in_dim3A_1412 : vector<16x1xi32> to vector<16xi32>
      %gather3A_1414 = tpu.dynamic_gather %select_n3A_896[%gather3A_1413] in [0] : vector<16xf32>, vector<16xi32> -> vector<16xf32>
      %add3A_1415 = arith.constant 48 : i32
      %add3A_1416 = arith.addi %mul3A_919, %add3A_1415 : i32
      %swap3A_1417 = arith.constant 0 : i32
      %swap3A_1418 = arith.index_cast %swap3A_1417 : i32 to index
      %swap3A_1419 = arith.index_cast %add3A_1416 : i32 to index
      %swap3A_1420 = tpu.vector_load %arg7[%swap3A_1418, %swap3A_1419] {strides = array<i32>} : memref<16x5248xf32, #tpu.memory_space<vmem>>, vector<16xf32>,
      tpu.vector_store %arg7[%swap3A_1418, %swap3A_1419], %gather3A_1369 {strides = array<i32>} : memref<16x5248xf32, #tpu.memory_space<vmem>>, vector<16xf32>,
      %add3A_1421 = arith.constant 48 : i32
      %add3A_1422 = arith.addi %mul3A_919, %add3A_1421 : i32
      %swap3A_1423 = arith.constant 1 : i32
      %swap3A_1424 = arith.index_cast %swap3A_1423 : i32 to index
      %swap3A_1425 = arith.index_cast %add3A_1422 : i32 to index
      %swap3A_1426 = tpu.vector_load %arg7[%swap3A_1424, %swap3A_1425] {strides = array<i32>} : memref<16x5248xf32, #tpu.memory_space<vmem>>, vector<16xf32>,
      tpu.vector_store %arg7[%swap3A_1424, %swap3A_1425], %gather3A_1372 {strides = array<i32>} : memref<16x5248xf32, #tpu.memory_space<vmem>>, vector<16xf32>,
      %add3A_1427 = arith.constant 48 : i32
      %add3A_1428 = arith.addi %mul3A_919, %add3A_1427 : i32
      %swap3A_1429 = arith.constant 2 : i32
      %swap3A_1430 = arith.index_cast %swap3A_1429 : i32 to index
      %swap3A_1431 = arith.index_cast %add3A_1428 : i32 to index
      %swap3A_1432 = tpu.vector_load %arg7[%swap3A_1430, %swap3A_1431] {strides = array<i32>} : memref<16x5248xf32, #tpu.memory_space<vmem>>, vector<16xf32>,
      tpu.vector_store %arg7[%swap3A_1430, %swap3A_1431], %gather3A_1375 {strides = array<i32>} : memref<16x5248xf32, #tpu.memory_space<vmem>>, vector<16xf32>,
      %add3A_1433 = arith.constant 48 : i32
      %add3A_1434 = arith.addi %mul3A_919, %add3A_1433 : i32
      %swap3A_1435 = arith.constant 3 : i32
      %swap3A_1436 = arith.index_cast %swap3A_1435 : i32 to index
      %swap3A_1437 = arith.index_cast %add3A_1434 : i32 to index
      %swap3A_1438 = tpu.vector_load %arg7[%swap3A_1436, %swap3A_1437] {strides = array<i32>} : memref<16x5248xf32, #tpu.memory_space<vmem>>, vector<16xf32>,
      tpu.vector_store %arg7[%swap3A_1436, %swap3A_1437], %gather3A_1378 {strides = array<i32>} : memref<16x5248xf32, #tpu.memory_space<vmem>>, vector<16xf32>,
      %add3A_1439 = arith.constant 48 : i32
      %add3A_1440 = arith.addi %mul3A_919, %add3A_1439 : i32
      %swap3A_1441 = arith.constant 4 : i32
      %swap3A_1442 = arith.index_cast %swap3A_1441 : i32 to index
      %swap3A_1443 = arith.index_cast %add3A_1440 : i32 to index
      %swap3A_1444 = tpu.vector_load %arg7[%swap3A_1442, %swap3A_1443] {strides = array<i32>} : memref<16x5248xf32, #tpu.memory_space<vmem>>, vector<16xf32>,
      tpu.vector_store %arg7[%swap3A_1442, %swap3A_1443], %gather3A_1381 {strides = array<i32>} : memref<16x5248xf32, #tpu.memory_space<vmem>>, vector<16xf32>,
      %add3A_1445 = arith.constant 48 : i32
      %add3A_1446 = arith.addi %mul3A_919, %add3A_1445 : i32
      %swap3A_1447 = arith.constant 5 : i32
      %swap3A_1448 = arith.index_cast %swap3A_1447 : i32 to index
      %swap3A_1449 = arith.index_cast %add3A_1446 : i32 to index
      %swap3A_1450 = tpu.vector_load %arg7[%swap3A_1448, %swap3A_1449] {strides = array<i32>} : memref<16x5248xf32, #tpu.memory_space<vmem>>, vector<16xf32>,
      tpu.vector_store %arg7[%swap3A_1448, %swap3A_1449], %gather3A_1384 {strides = array<i32>} : memref<16x5248xf32, #tpu.memory_space<vmem>>, vector<16xf32>,
      %add3A_1451 = arith.constant 48 : i32
      %add3A_1452 = arith.addi %mul3A_919, %add3A_1451 : i32
      %swap3A_1453 = arith.constant 6 : i32
      %swap3A_1454 = arith.index_cast %swap3A_1453 : i32 to index
      %swap3A_1455 = arith.index_cast %add3A_1452 : i32 to index
      %swap3A_1456 = tpu.vector_load %arg7[%swap3A_1454, %swap3A_1455] {strides = array<i32>} : memref<16x5248xf32, #tpu.memory_space<vmem>>, vector<16xf32>,
      tpu.vector_store %arg7[%swap3A_1454, %swap3A_1455], %gather3A_1387 {strides = array<i32>} : memref<16x5248xf32, #tpu.memory_space<vmem>>, vector<16xf32>,
      %add3A_1457 = arith.constant 48 : i32
      %add3A_1458 = arith.addi %mul3A_919, %add3A_1457 : i32
      %swap3A_1459 = arith.constant 7 : i32
      %swap3A_1460 = arith.index_cast %swap3A_1459 : i32 to index
      %swap3A_1461 = arith.index_cast %add3A_1458 : i32 to index
      %swap3A_1462 = tpu.vector_load %arg7[%swap3A_1460, %swap3A_1461] {strides = array<i32>} : memref<16x5248xf32, #tpu.memory_space<vmem>>, vector<16xf32>,
      tpu.vector_store %arg7[%swap3A_1460, %swap3A_1461], %gather3A_1390 {strides = array<i32>} : memref<16x5248xf32, #tpu.memory_space<vmem>>, vector<16xf32>,
      %add3A_1463 = arith.constant 48 : i32
      %add3A_1464 = arith.addi %mul3A_919, %add3A_1463 : i32
      %swap3A_1465 = arith.constant 8 : i32
      %swap3A_1466 = arith.index_cast %swap3A_1465 : i32 to index
      %swap3A_1467 = arith.index_cast %add3A_1464 : i32 to index
      %swap3A_1468 = tpu.vector_load %arg7[%swap3A_1466, %swap3A_1467] {strides = array<i32>} : memref<16x5248xf32, #tpu.memory_space<vmem>>, vector<16xf32>,
      tpu.vector_store %arg7[%swap3A_1466, %swap3A_1467], %gather3A_1393 {strides = array<i32>} : memref<16x5248xf32, #tpu.memory_space<vmem>>, vector<16xf32>,
      %add3A_1469 = arith.constant 48 : i32
      %add3A_1470 = arith.addi %mul3A_919, %add3A_1469 : i32
      %swap3A_1471 = arith.constant 9 : i32
      %swap3A_1472 = arith.index_cast %swap3A_1471 : i32 to index
      %swap3A_1473 = arith.index_cast %add3A_1470 : i32 to index
      %swap3A_1474 = tpu.vector_load %arg7[%swap3A_1472, %swap3A_1473] {strides = array<i32>} : memref<16x5248xf32, #tpu.memory_space<vmem>>, vector<16xf32>,
      tpu.vector_store %arg7[%swap3A_1472, %swap3A_1473], %gather3A_1396 {strides = array<i32>} : memref<16x5248xf32, #tpu.memory_space<vmem>>, vector<16xf32>,
      %add3A_1475 = arith.constant 48 : i32
      %add3A_1476 = arith.addi %mul3A_919, %add3A_1475 : i32
      %swap3A_1477 = arith.constant 10 : i32
      %swap3A_1478 = arith.index_cast %swap3A_1477 : i32 to index
      %swap3A_1479 = arith.index_cast %add3A_1476 : i32 to index
      %swap3A_1480 = tpu.vector_load %arg7[%swap3A_1478, %swap3A_1479] {strides = array<i32>} : memref<16x5248xf32, #tpu.memory_space<vmem>>, vector<16xf32>,
      tpu.vector_store %arg7[%swap3A_1478, %swap3A_1479], %gather3A_1399 {strides = array<i32>} : memref<16x5248xf32, #tpu.memory_space<vmem>>, vector<16xf32>,
      %add3A_1481 = arith.constant 48 : i32
      %add3A_1482 = arith.addi %mul3A_919, %add3A_1481 : i32
      %swap3A_1483 = arith.constant 11 : i32
      %swap3A_1484 = arith.index_cast %swap3A_1483 : i32 to index
      %swap3A_1485 = arith.index_cast %add3A_1482 : i32 to index
      %swap3A_1486 = tpu.vector_load %arg7[%swap3A_1484, %swap3A_1485] {strides = array<i32>} : memref<16x5248xf32, #tpu.memory_space<vmem>>, vector<16xf32>,
      tpu.vector_store %arg7[%swap3A_1484, %swap3A_1485], %gather3A_1402 {strides = array<i32>} : memref<16x5248xf32, #tpu.memory_space<vmem>>, vector<16xf32>,
      %add3A_1487 = arith.constant 48 : i32
      %add3A_1488 = arith.addi %mul3A_919, %add3A_1487 : i32
      %swap3A_1489 = arith.constant 12 : i32
      %swap3A_1490 = arith.index_cast %swap3A_1489 : i32 to index
      %swap3A_1491 = arith.index_cast %add3A_1488 : i32 to index
      %swap3A_1492 = tpu.vector_load %arg7[%swap3A_1490, %swap3A_1491] {strides = array<i32>} : memref<16x5248xf32, #tpu.memory_space<vmem>>, vector<16xf32>,
      tpu.vector_store %arg7[%swap3A_1490, %swap3A_1491], %gather3A_1405 {strides = array<i32>} : memref<16x5248xf32, #tpu.memory_space<vmem>>, vector<16xf32>,
      %add3A_1493 = arith.constant 48 : i32
      %add3A_1494 = arith.addi %mul3A_919, %add3A_1493 : i32
      %swap3A_1495 = arith.constant 13 : i32
      %swap3A_1496 = arith.index_cast %swap3A_1495 : i32 to index
      %swap3A_1497 = arith.index_cast %add3A_1494 : i32 to index
      %swap3A_1498 = tpu.vector_load %arg7[%swap3A_1496, %swap3A_1497] {strides = array<i32>} : memref<16x5248xf32, #tpu.memory_space<vmem>>, vector<16xf32>,
      tpu.vector_store %arg7[%swap3A_1496, %swap3A_1497], %gather3A_1408 {strides = array<i32>} : memref<16x5248xf32, #tpu.memory_space<vmem>>, vector<16xf32>,
      %add3A_1499 = arith.constant 48 : i32
      %add3A_1500 = arith.addi %mul3A_919, %add3A_1499 : i32
      %swap3A_1501 = arith.constant 14 : i32
      %swap3A_1502 = arith.index_cast %swap3A_1501 : i32 to index
      %swap3A_1503 = arith.index_cast %add3A_1500 : i32 to index
      %swap3A_1504 = tpu.vector_load %arg7[%swap3A_1502, %swap3A_1503] {strides = array<i32>} : memref<16x5248xf32, #tpu.memory_space<vmem>>, vector<16xf32>,
      tpu.vector_store %arg7[%swap3A_1502, %swap3A_1503], %gather3A_1411 {strides = array<i32>} : memref<16x5248xf32, #tpu.memory_space<vmem>>, vector<16xf32>,
      %add3A_1505 = arith.constant 48 : i32
      %add3A_1506 = arith.addi %mul3A_919, %add3A_1505 : i32
      %swap3A_1507 = arith.constant 15 : i32
      %swap3A_1508 = arith.index_cast %swap3A_1507 : i32 to index
      %swap3A_1509 = arith.index_cast %add3A_1506 : i32 to index
      %swap3A_1510 = tpu.vector_load %arg7[%swap3A_1508, %swap3A_1509] {strides = array<i32>} : memref<16x5248xf32, #tpu.memory_space<vmem>>, vector<16xf32>,
      tpu.vector_store %arg7[%swap3A_1508, %swap3A_1509], %gather3A_1414 {strides = array<i32>} : memref<16x5248xf32, #tpu.memory_space<vmem>>, vector<16xf32>,
      %add3A_1511 = arith.constant 64 : i32
      %add3A_1512 = arith.addi %mul3A_919, %add3A_1511 : i32
      %get3A_1513 = arith.index_cast %add3A_1512 : i32 to index
      %get3A_1514 = tpu.vector_load %arg6[%get3A_1513] {strides = array<i32>} : memref<5248xi32, #tpu.memory_space<vmem>>, vector<16xi32>,
      %broadcast_in_dim3A_1515 = vector.shape_cast %get3A_1514 : vector<16xi32> to vector<16x1xi32>
      %gather3A_1516 = vector.shape_cast %broadcast_in_dim3A_1515 : vector<16x1xi32> to vector<16xi32>
      %gather3A_1517 = tpu.dynamic_gather %select_n3A_86[%gather3A_1516] in [0] : vector<16xf32>, vector<16xi32> -> vector<16xf32>
      %broadcast_in_dim3A_1518 = vector.shape_cast %get3A_1514 : vector<16xi32> to vector<16x1xi32>
      %gather3A_1519 = vector.shape_cast %broadcast_in_dim3A_1518 : vector<16x1xi32> to vector<16xi32>
      %gather3A_1520 = tpu.dynamic_gather %select_n3A_140[%gather3A_1519] in [0] : vector<16xf32>, vector<16xi32> -> vector<16xf32>
      %broadcast_in_dim3A_1521 = vector.shape_cast %get3A_1514 : vector<16xi32> to vector<16x1xi32>
      %gather3A_1522 = vector.shape_cast %broadcast_in_dim3A_1521 : vector<16x1xi32> to vector<16xi32>
      %gather3A_1523 = tpu.dynamic_gather %select_n3A_194[%gather3A_1522] in [0] : vector<16xf32>, vector<16xi32> -> vector<16xf32>
      %broadcast_in_dim3A_1524 = vector.shape_cast %get3A_1514 : vector<16xi32> to vector<16x1xi32>
      %gather3A_1525 = vector.shape_cast %broadcast_in_dim3A_1524 : vector<16x1xi32> to vector<16xi32>
      %gather3A_1526 = tpu.dynamic_gather %select_n3A_248[%gather3A_1525] in [0] : vector<16xf32>, vector<16xi32> -> vector<16xf32>
      %broadcast_in_dim3A_1527 = vector.shape_cast %get3A_1514 : vector<16xi32> to vector<16x1xi32>
      %gather3A_1528 = vector.shape_cast %broadcast_in_dim3A_1527 : vector<16x1xi32> to vector<16xi32>
      %gather3A_1529 = tpu.dynamic_gather %select_n3A_302[%gather3A_1528] in [0] : vector<16xf32>, vector<16xi32> -> vector<16xf32>
      %broadcast_in_dim3A_1530 = vector.shape_cast %get3A_1514 : vector<16xi32> to vector<16x1xi32>
      %gather3A_1531 = vector.shape_cast %broadcast_in_dim3A_1530 : vector<16x1xi32> to vector<16xi32>
      %gather3A_1532 = tpu.dynamic_gather %select_n3A_356[%gather3A_1531] in [0] : vector<16xf32>, vector<16xi32> -> vector<16xf32>
      %broadcast_in_dim3A_1533 = vector.shape_cast %get3A_1514 : vector<16xi32> to vector<16x1xi32>
      %gather3A_1534 = vector.shape_cast %broadcast_in_dim3A_1533 : vector<16x1xi32> to vector<16xi32>
      %gather3A_1535 = tpu.dynamic_gather %select_n3A_410[%gather3A_1534] in [0] : vector<16xf32>, vector<16xi32> -> vector<16xf32>
      %broadcast_in_dim3A_1536 = vector.shape_cast %get3A_1514 : vector<16xi32> to vector<16x1xi32>
      %gather3A_1537 = vector.shape_cast %broadcast_in_dim3A_1536 : vector<16x1xi32> to vector<16xi32>
      %gather3A_1538 = tpu.dynamic_gather %select_n3A_464[%gather3A_1537] in [0] : vector<16xf32>, vector<16xi32> -> vector<16xf32>
      %broadcast_in_dim3A_1539 = vector.shape_cast %get3A_1514 : vector<16xi32> to vector<16x1xi32>
      %gather3A_1540 = vector.shape_cast %broadcast_in_dim3A_1539 : vector<16x1xi32> to vector<16xi32>
      %gather3A_1541 = tpu.dynamic_gather %select_n3A_518[%gather3A_1540] in [0] : vector<16xf32>, vector<16xi32> -> vector<16xf32>
      %broadcast_in_dim3A_1542 = vector.shape_cast %get3A_1514 : vector<16xi32> to vector<16x1xi32>
      %gather3A_1543 = vector.shape_cast %broadcast_in_dim3A_1542 : vector<16x1xi32> to vector<16xi32>
      %gather3A_1544 = tpu.dynamic_gather %select_n3A_572[%gather3A_1543] in [0] : vector<16xf32>, vector<16xi32> -> vector<16xf32>
      %broadcast_in_dim3A_1545 = vector.shape_cast %get3A_1514 : vector<16xi32> to vector<16x1xi32>
      %gather3A_1546 = vector.shape_cast %broadcast_in_dim3A_1545 : vector<16x1xi32> to vector<16xi32>
      %gather3A_1547 = tpu.dynamic_gather %select_n3A_626[%gather3A_1546] in [0] : vector<16xf32>, vector<16xi32> -> vector<16xf32>
      %broadcast_in_dim3A_1548 = vector.shape_cast %get3A_1514 : vector<16xi32> to vector<16x1xi32>
      %gather3A_1549 = vector.shape_cast %broadcast_in_dim3A_1548 : vector<16x1xi32> to vector<16xi32>
      %gather3A_1550 = tpu.dynamic_gather %select_n3A_680[%gather3A_1549] in [0] : vector<16xf32>, vector<16xi32> -> vector<16xf32>
      %broadcast_in_dim3A_1551 = vector.shape_cast %get3A_1514 : vector<16xi32> to vector<16x1xi32>
      %gather3A_1552 = vector.shape_cast %broadcast_in_dim3A_1551 : vector<16x1xi32> to vector<16xi32>
      %gather3A_1553 = tpu.dynamic_gather %select_n3A_734[%gather3A_1552] in [0] : vector<16xf32>, vector<16xi32> -> vector<16xf32>
      %broadcast_in_dim3A_1554 = vector.shape_cast %get3A_1514 : vector<16xi32> to vector<16x1xi32>
      %gather3A_1555 = vector.shape_cast %broadcast_in_dim3A_1554 : vector<16x1xi32> to vector<16xi32>
      %gather3A_1556 = tpu.dynamic_gather %select_n3A_788[%gather3A_1555] in [0] : vector<16xf32>, vector<16xi32> -> vector<16xf32>
      %broadcast_in_dim3A_1557 = vector.shape_cast %get3A_1514 : vector<16xi32> to vector<16x1xi32>
      %gather3A_1558 = vector.shape_cast %broadcast_in_dim3A_1557 : vector<16x1xi32> to vector<16xi32>
      %gather3A_1559 = tpu.dynamic_gather %select_n3A_842[%gather3A_1558] in [0] : vector<16xf32>, vector<16xi32> -> vector<16xf32>
      %broadcast_in_dim3A_1560 = vector.shape_cast %get3A_1514 : vector<16xi32> to vector<16x1xi32>
      %gather3A_1561 = vector.shape_cast %broadcast_in_dim3A_1560 : vector<16x1xi32> to vector<16xi32>
      %gather3A_1562 = tpu.dynamic_gather %select_n3A_896[%gather3A_1561] in [0] : vector<16xf32>, vector<16xi32> -> vector<16xf32>
      %add3A_1563 = arith.constant 64 : i32
      %add3A_1564 = arith.addi %mul3A_919, %add3A_1563 : i32
      %swap3A_1565 = arith.constant 0 : i32
      %swap3A_1566 = arith.index_cast %swap3A_1565 : i32 to index
      %swap3A_1567 = arith.index_cast %add3A_1564 : i32 to index
      %swap3A_1568 = tpu.vector_load %arg7[%swap3A_1566, %swap3A_1567] {strides = array<i32>} : memref<16x5248xf32, #tpu.memory_space<vmem>>, vector<16xf32>,
      tpu.vector_store %arg7[%swap3A_1566, %swap3A_1567], %gather3A_1517 {strides = array<i32>} : memref<16x5248xf32, #tpu.memory_space<vmem>>, vector<16xf32>,
      %add3A_1569 = arith.constant 64 : i32
      %add3A_1570 = arith.addi %mul3A_919, %add3A_1569 : i32
      %swap3A_1571 = arith.constant 1 : i32
      %swap3A_1572 = arith.index_cast %swap3A_1571 : i32 to index
      %swap3A_1573 = arith.index_cast %add3A_1570 : i32 to index
      %swap3A_1574 = tpu.vector_load %arg7[%swap3A_1572, %swap3A_1573] {strides = array<i32>} : memref<16x5248xf32, #tpu.memory_space<vmem>>, vector<16xf32>,
      tpu.vector_store %arg7[%swap3A_1572, %swap3A_1573], %gather3A_1520 {strides = array<i32>} : memref<16x5248xf32, #tpu.memory_space<vmem>>, vector<16xf32>,
      %add3A_1575 = arith.constant 64 : i32
      %add3A_1576 = arith.addi %mul3A_919, %add3A_1575 : i32
      %swap3A_1577 = arith.constant 2 : i32
      %swap3A_1578 = arith.index_cast %swap3A_1577 : i32 to index
      %swap3A_1579 = arith.index_cast %add3A_1576 : i32 to index
      %swap3A_1580 = tpu.vector_load %arg7[%swap3A_1578, %swap3A_1579] {strides = array<i32>} : memref<16x5248xf32, #tpu.memory_space<vmem>>, vector<16xf32>,
      tpu.vector_store %arg7[%swap3A_1578, %swap3A_1579], %gather3A_1523 {strides = array<i32>} : memref<16x5248xf32, #tpu.memory_space<vmem>>, vector<16xf32>,
      %add3A_1581 = arith.constant 64 : i32
      %add3A_1582 = arith.addi %mul3A_919, %add3A_1581 : i32
      %swap3A_1583 = arith.constant 3 : i32
      %swap3A_1584 = arith.index_cast %swap3A_1583 : i32 to index
      %swap3A_1585 = arith.index_cast %add3A_1582 : i32 to index
      %swap3A_1586 = tpu.vector_load %arg7[%swap3A_1584, %swap3A_1585] {strides = array<i32>} : memref<16x5248xf32, #tpu.memory_space<vmem>>, vector<16xf32>,
      tpu.vector_store %arg7[%swap3A_1584, %swap3A_1585], %gather3A_1526 {strides = array<i32>} : memref<16x5248xf32, #tpu.memory_space<vmem>>, vector<16xf32>,
      %add3A_1587 = arith.constant 64 : i32
      %add3A_1588 = arith.addi %mul3A_919, %add3A_1587 : i32
      %swap3A_1589 = arith.constant 4 : i32
      %swap3A_1590 = arith.index_cast %swap3A_1589 : i32 to index
      %swap3A_1591 = arith.index_cast %add3A_1588 : i32 to index
      %swap3A_1592 = tpu.vector_load %arg7[%swap3A_1590, %swap3A_1591] {strides = array<i32>} : memref<16x5248xf32, #tpu.memory_space<vmem>>, vector<16xf32>,
      tpu.vector_store %arg7[%swap3A_1590, %swap3A_1591], %gather3A_1529 {strides = array<i32>} : memref<16x5248xf32, #tpu.memory_space<vmem>>, vector<16xf32>,
      %add3A_1593 = arith.constant 64 : i32
      %add3A_1594 = arith.addi %mul3A_919, %add3A_1593 : i32
      %swap3A_1595 = arith.constant 5 : i32
      %swap3A_1596 = arith.index_cast %swap3A_1595 : i32 to index
      %swap3A_1597 = arith.index_cast %add3A_1594 : i32 to index
      %swap3A_1598 = tpu.vector_load %arg7[%swap3A_1596, %swap3A_1597] {strides = array<i32>} : memref<16x5248xf32, #tpu.memory_space<vmem>>, vector<16xf32>,
      tpu.vector_store %arg7[%swap3A_1596, %swap3A_1597], %gather3A_1532 {strides = array<i32>} : memref<16x5248xf32, #tpu.memory_space<vmem>>, vector<16xf32>,
      %add3A_1599 = arith.constant 64 : i32
      %add3A_1600 = arith.addi %mul3A_919, %add3A_1599 : i32
      %swap3A_1601 = arith.constant 6 : i32
      %swap3A_1602 = arith.index_cast %swap3A_1601 : i32 to index
      %swap3A_1603 = arith.index_cast %add3A_1600 : i32 to index
      %swap3A_1604 = tpu.vector_load %arg7[%swap3A_1602, %swap3A_1603] {strides = array<i32>} : memref<16x5248xf32, #tpu.memory_space<vmem>>, vector<16xf32>,
      tpu.vector_store %arg7[%swap3A_1602, %swap3A_1603], %gather3A_1535 {strides = array<i32>} : memref<16x5248xf32, #tpu.memory_space<vmem>>, vector<16xf32>,
      %add3A_1605 = arith.constant 64 : i32
      %add3A_1606 = arith.addi %mul3A_919, %add3A_1605 : i32
      %swap3A_1607 = arith.constant 7 : i32
      %swap3A_1608 = arith.index_cast %swap3A_1607 : i32 to index
      %swap3A_1609 = arith.index_cast %add3A_1606 : i32 to index
      %swap3A_1610 = tpu.vector_load %arg7[%swap3A_1608, %swap3A_1609] {strides = array<i32>} : memref<16x5248xf32, #tpu.memory_space<vmem>>, vector<16xf32>,
      tpu.vector_store %arg7[%swap3A_1608, %swap3A_1609], %gather3A_1538 {strides = array<i32>} : memref<16x5248xf32, #tpu.memory_space<vmem>>, vector<16xf32>,
      %add3A_1611 = arith.constant 64 : i32
      %add3A_1612 = arith.addi %mul3A_919, %add3A_1611 : i32
      %swap3A_1613 = arith.constant 8 : i32
      %swap3A_1614 = arith.index_cast %swap3A_1613 : i32 to index
      %swap3A_1615 = arith.index_cast %add3A_1612 : i32 to index
      %swap3A_1616 = tpu.vector_load %arg7[%swap3A_1614, %swap3A_1615] {strides = array<i32>} : memref<16x5248xf32, #tpu.memory_space<vmem>>, vector<16xf32>,
      tpu.vector_store %arg7[%swap3A_1614, %swap3A_1615], %gather3A_1541 {strides = array<i32>} : memref<16x5248xf32, #tpu.memory_space<vmem>>, vector<16xf32>,
      %add3A_1617 = arith.constant 64 : i32
      %add3A_1618 = arith.addi %mul3A_919, %add3A_1617 : i32
      %swap3A_1619 = arith.constant 9 : i32
      %swap3A_1620 = arith.index_cast %swap3A_1619 : i32 to index
      %swap3A_1621 = arith.index_cast %add3A_1618 : i32 to index
      %swap3A_1622 = tpu.vector_load %arg7[%swap3A_1620, %swap3A_1621] {strides = array<i32>} : memref<16x5248xf32, #tpu.memory_space<vmem>>, vector<16xf32>,
      tpu.vector_store %arg7[%swap3A_1620, %swap3A_1621], %gather3A_1544 {strides = array<i32>} : memref<16x5248xf32, #tpu.memory_space<vmem>>, vector<16xf32>,
      %add3A_1623 = arith.constant 64 : i32
      %add3A_1624 = arith.addi %mul3A_919, %add3A_1623 : i32
      %swap3A_1625 = arith.constant 10 : i32
      %swap3A_1626 = arith.index_cast %swap3A_1625 : i32 to index
      %swap3A_1627 = arith.index_cast %add3A_1624 : i32 to index
      %swap3A_1628 = tpu.vector_load %arg7[%swap3A_1626, %swap3A_1627] {strides = array<i32>} : memref<16x5248xf32, #tpu.memory_space<vmem>>, vector<16xf32>,
      tpu.vector_store %arg7[%swap3A_1626, %swap3A_1627], %gather3A_1547 {strides = array<i32>} : memref<16x5248xf32, #tpu.memory_space<vmem>>, vector<16xf32>,
      %add3A_1629 = arith.constant 64 : i32
      %add3A_1630 = arith.addi %mul3A_919, %add3A_1629 : i32
      %swap3A_1631 = arith.constant 11 : i32
      %swap3A_1632 = arith.index_cast %swap3A_1631 : i32 to index
      %swap3A_1633 = arith.index_cast %add3A_1630 : i32 to index
      %swap3A_1634 = tpu.vector_load %arg7[%swap3A_1632, %swap3A_1633] {strides = array<i32>} : memref<16x5248xf32, #tpu.memory_space<vmem>>, vector<16xf32>,
      tpu.vector_store %arg7[%swap3A_1632, %swap3A_1633], %gather3A_1550 {strides = array<i32>} : memref<16x5248xf32, #tpu.memory_space<vmem>>, vector<16xf32>,
      %add3A_1635 = arith.constant 64 : i32
      %add3A_1636 = arith.addi %mul3A_919, %add3A_1635 : i32
      %swap3A_1637 = arith.constant 12 : i32
      %swap3A_1638 = arith.index_cast %swap3A_1637 : i32 to index
      %swap3A_1639 = arith.index_cast %add3A_1636 : i32 to index
      %swap3A_1640 = tpu.vector_load %arg7[%swap3A_1638, %swap3A_1639] {strides = array<i32>} : memref<16x5248xf32, #tpu.memory_space<vmem>>, vector<16xf32>,
      tpu.vector_store %arg7[%swap3A_1638, %swap3A_1639], %gather3A_1553 {strides = array<i32>} : memref<16x5248xf32, #tpu.memory_space<vmem>>, vector<16xf32>,
      %add3A_1641 = arith.constant 64 : i32
      %add3A_1642 = arith.addi %mul3A_919, %add3A_1641 : i32
      %swap3A_1643 = arith.constant 13 : i32
      %swap3A_1644 = arith.index_cast %swap3A_1643 : i32 to index
      %swap3A_1645 = arith.index_cast %add3A_1642 : i32 to index
      %swap3A_1646 = tpu.vector_load %arg7[%swap3A_1644, %swap3A_1645] {strides = array<i32>} : memref<16x5248xf32, #tpu.memory_space<vmem>>, vector<16xf32>,
      tpu.vector_store %arg7[%swap3A_1644, %swap3A_1645], %gather3A_1556 {strides = array<i32>} : memref<16x5248xf32, #tpu.memory_space<vmem>>, vector<16xf32>,
      %add3A_1647 = arith.constant 64 : i32
      %add3A_1648 = arith.addi %mul3A_919, %add3A_1647 : i32
      %swap3A_1649 = arith.constant 14 : i32
      %swap3A_1650 = arith.index_cast %swap3A_1649 : i32 to index
      %swap3A_1651 = arith.index_cast %add3A_1648 : i32 to index
      %swap3A_1652 = tpu.vector_load %arg7[%swap3A_1650, %swap3A_1651] {strides = array<i32>} : memref<16x5248xf32, #tpu.memory_space<vmem>>, vector<16xf32>,
      tpu.vector_store %arg7[%swap3A_1650, %swap3A_1651], %gather3A_1559 {strides = array<i32>} : memref<16x5248xf32, #tpu.memory_space<vmem>>, vector<16xf32>,
      %add3A_1653 = arith.constant 64 : i32
      %add3A_1654 = arith.addi %mul3A_919, %add3A_1653 : i32
      %swap3A_1655 = arith.constant 15 : i32
      %swap3A_1656 = arith.index_cast %swap3A_1655 : i32 to index
      %swap3A_1657 = arith.index_cast %add3A_1654 : i32 to index
      %swap3A_1658 = tpu.vector_load %arg7[%swap3A_1656, %swap3A_1657] {strides = array<i32>} : memref<16x5248xf32, #tpu.memory_space<vmem>>, vector<16xf32>,
      tpu.vector_store %arg7[%swap3A_1656, %swap3A_1657], %gather3A_1562 {strides = array<i32>} : memref<16x5248xf32, #tpu.memory_space<vmem>>, vector<16xf32>,
      %add3A_1659 = arith.constant 80 : i32
      %add3A_1660 = arith.addi %mul3A_919, %add3A_1659 : i32
      %get3A_1661 = arith.index_cast %add3A_1660 : i32 to index
      %get3A_1662 = tpu.vector_load %arg6[%get3A_1661] {strides = array<i32>} : memref<5248xi32, #tpu.memory_space<vmem>>, vector<16xi32>,
      %broadcast_in_dim3A_1663 = vector.shape_cast %get3A_1662 : vector<16xi32> to vector<16x1xi32>
      %gather3A_1664 = vector.shape_cast %broadcast_in_dim3A_1663 : vector<16x1xi32> to vector<16xi32>
      %gather3A_1665 = tpu.dynamic_gather %select_n3A_86[%gather3A_1664] in [0] : vector<16xf32>, vector<16xi32> -> vector<16xf32>
      %broadcast_in_dim3A_1666 = vector.shape_cast %get3A_1662 : vector<16xi32> to vector<16x1xi32>
      %gather3A_1667 = vector.shape_cast %broadcast_in_dim3A_1666 : vector<16x1xi32> to vector<16xi32>
      %gather3A_1668 = tpu.dynamic_gather %select_n3A_140[%gather3A_1667] in [0] : vector<16xf32>, vector<16xi32> -> vector<16xf32>
      %broadcast_in_dim3A_1669 = vector.shape_cast %get3A_1662 : vector<16xi32> to vector<16x1xi32>
      %gather3A_1670 = vector.shape_cast %broadcast_in_dim3A_1669 : vector<16x1xi32> to vector<16xi32>
      %gather3A_1671 = tpu.dynamic_gather %select_n3A_194[%gather3A_1670] in [0] : vector<16xf32>, vector<16xi32> -> vector<16xf32>
      %broadcast_in_dim3A_1672 = vector.shape_cast %get3A_1662 : vector<16xi32> to vector<16x1xi32>
      %gather3A_1673 = vector.shape_cast %broadcast_in_dim3A_1672 : vector<16x1xi32> to vector<16xi32>
      %gather3A_1674 = tpu.dynamic_gather %select_n3A_248[%gather3A_1673] in [0] : vector<16xf32>, vector<16xi32> -> vector<16xf32>
      %broadcast_in_dim3A_1675 = vector.shape_cast %get3A_1662 : vector<16xi32> to vector<16x1xi32>
      %gather3A_1676 = vector.shape_cast %broadcast_in_dim3A_1675 : vector<16x1xi32> to vector<16xi32>
      %gather3A_1677 = tpu.dynamic_gather %select_n3A_302[%gather3A_1676] in [0] : vector<16xf32>, vector<16xi32> -> vector<16xf32>
      %broadcast_in_dim3A_1678 = vector.shape_cast %get3A_1662 : vector<16xi32> to vector<16x1xi32>
      %gather3A_1679 = vector.shape_cast %broadcast_in_dim3A_1678 : vector<16x1xi32> to vector<16xi32>
      %gather3A_1680 = tpu.dynamic_gather %select_n3A_356[%gather3A_1679] in [0] : vector<16xf32>, vector<16xi32> -> vector<16xf32>
      %broadcast_in_dim3A_1681 = vector.shape_cast %get3A_1662 : vector<16xi32> to vector<16x1xi32>
      %gather3A_1682 = vector.shape_cast %broadcast_in_dim3A_1681 : vector<16x1xi32> to vector<16xi32>
      %gather3A_1683 = tpu.dynamic_gather %select_n3A_410[%gather3A_1682] in [0] : vector<16xf32>, vector<16xi32> -> vector<16xf32>
      %broadcast_in_dim3A_1684 = vector.shape_cast %get3A_1662 : vector<16xi32> to vector<16x1xi32>
      %gather3A_1685 = vector.shape_cast %broadcast_in_dim3A_1684 : vector<16x1xi32> to vector<16xi32>
      %gather3A_1686 = tpu.dynamic_gather %select_n3A_464[%gather3A_1685] in [0] : vector<16xf32>, vector<16xi32> -> vector<16xf32>
      %broadcast_in_dim3A_1687 = vector.shape_cast %get3A_1662 : vector<16xi32> to vector<16x1xi32>
      %gather3A_1688 = vector.shape_cast %broadcast_in_dim3A_1687 : vector<16x1xi32> to vector<16xi32>
      %gather3A_1689 = tpu.dynamic_gather %select_n3A_518[%gather3A_1688] in [0] : vector<16xf32>, vector<16xi32> -> vector<16xf32>
      %broadcast_in_dim3A_1690 = vector.shape_cast %get3A_1662 : vector<16xi32> to vector<16x1xi32>
      %gather3A_1691 = vector.shape_cast %broadcast_in_dim3A_1690 : vector<16x1xi32> to vector<16xi32>
      %gather3A_1692 = tpu.dynamic_gather %select_n3A_572[%gather3A_1691] in [0] : vector<16xf32>, vector<16xi32> -> vector<16xf32>
      %broadcast_in_dim3A_1693 = vector.shape_cast %get3A_1662 : vector<16xi32> to vector<16x1xi32>
      %gather3A_1694 = vector.shape_cast %broadcast_in_dim3A_1693 : vector<16x1xi32> to vector<16xi32>
      %gather3A_1695 = tpu.dynamic_gather %select_n3A_626[%gather3A_1694] in [0] : vector<16xf32>, vector<16xi32> -> vector<16xf32>
      %broadcast_in_dim3A_1696 = vector.shape_cast %get3A_1662 : vector<16xi32> to vector<16x1xi32>
      %gather3A_1697 = vector.shape_cast %broadcast_in_dim3A_1696 : vector<16x1xi32> to vector<16xi32>
      %gather3A_1698 = tpu.dynamic_gather %select_n3A_680[%gather3A_1697] in [0] : vector<16xf32>, vector<16xi32> -> vector<16xf32>
      %broadcast_in_dim3A_1699 = vector.shape_cast %get3A_1662 : vector<16xi32> to vector<16x1xi32>
      %gather3A_1700 = vector.shape_cast %broadcast_in_dim3A_1699 : vector<16x1xi32> to vector<16xi32>
      %gather3A_1701 = tpu.dynamic_gather %select_n3A_734[%gather3A_1700] in [0] : vector<16xf32>, vector<16xi32> -> vector<16xf32>
      %broadcast_in_dim3A_1702 = vector.shape_cast %get3A_1662 : vector<16xi32> to vector<16x1xi32>
      %gather3A_1703 = vector.shape_cast %broadcast_in_dim3A_1702 : vector<16x1xi32> to vector<16xi32>
      %gather3A_1704 = tpu.dynamic_gather %select_n3A_788[%gather3A_1703] in [0] : vector<16xf32>, vector<16xi32> -> vector<16xf32>
      %broadcast_in_dim3A_1705 = vector.shape_cast %get3A_1662 : vector<16xi32> to vector<16x1xi32>
      %gather3A_1706 = vector.shape_cast %broadcast_in_dim3A_1705 : vector<16x1xi32> to vector<16xi32>
      %gather3A_1707 = tpu.dynamic_gather %select_n3A_842[%gather3A_1706] in [0] : vector<16xf32>, vector<16xi32> -> vector<16xf32>
      %broadcast_in_dim3A_1708 = vector.shape_cast %get3A_1662 : vector<16xi32> to vector<16x1xi32>
      %gather3A_1709 = vector.shape_cast %broadcast_in_dim3A_1708 : vector<16x1xi32> to vector<16xi32>
      %gather3A_1710 = tpu.dynamic_gather %select_n3A_896[%gather3A_1709] in [0] : vector<16xf32>, vector<16xi32> -> vector<16xf32>
      %add3A_1711 = arith.constant 80 : i32
      %add3A_1712 = arith.addi %mul3A_919, %add3A_1711 : i32
      %swap3A_1713 = arith.constant 0 : i32
      %swap3A_1714 = arith.index_cast %swap3A_1713 : i32 to index
      %swap3A_1715 = arith.index_cast %add3A_1712 : i32 to index
      %swap3A_1716 = tpu.vector_load %arg7[%swap3A_1714, %swap3A_1715] {strides = array<i32>} : memref<16x5248xf32, #tpu.memory_space<vmem>>, vector<16xf32>,
      tpu.vector_store %arg7[%swap3A_1714, %swap3A_1715], %gather3A_1665 {strides = array<i32>} : memref<16x5248xf32, #tpu.memory_space<vmem>>, vector<16xf32>,
      %add3A_1717 = arith.constant 80 : i32
      %add3A_1718 = arith.addi %mul3A_919, %add3A_1717 : i32
      %swap3A_1719 = arith.constant 1 : i32
      %swap3A_1720 = arith.index_cast %swap3A_1719 : i32 to index
      %swap3A_1721 = arith.index_cast %add3A_1718 : i32 to index
      %swap3A_1722 = tpu.vector_load %arg7[%swap3A_1720, %swap3A_1721] {strides = array<i32>} : memref<16x5248xf32, #tpu.memory_space<vmem>>, vector<16xf32>,
      tpu.vector_store %arg7[%swap3A_1720, %swap3A_1721], %gather3A_1668 {strides = array<i32>} : memref<16x5248xf32, #tpu.memory_space<vmem>>, vector<16xf32>,
      %add3A_1723 = arith.constant 80 : i32
      %add3A_1724 = arith.addi %mul3A_919, %add3A_1723 : i32
      %swap3A_1725 = arith.constant 2 : i32
      %swap3A_1726 = arith.index_cast %swap3A_1725 : i32 to index
      %swap3A_1727 = arith.index_cast %add3A_1724 : i32 to index
      %swap3A_1728 = tpu.vector_load %arg7[%swap3A_1726, %swap3A_1727] {strides = array<i32>} : memref<16x5248xf32, #tpu.memory_space<vmem>>, vector<16xf32>,
      tpu.vector_store %arg7[%swap3A_1726, %swap3A_1727], %gather3A_1671 {strides = array<i32>} : memref<16x5248xf32, #tpu.memory_space<vmem>>, vector<16xf32>,
      %add3A_1729 = arith.constant 80 : i32
      %add3A_1730 = arith.addi %mul3A_919, %add3A_1729 : i32
      %swap3A_1731 = arith.constant 3 : i32
      %swap3A_1732 = arith.index_cast %swap3A_1731 : i32 to index
      %swap3A_1733 = arith.index_cast %add3A_1730 : i32 to index
      %swap3A_1734 = tpu.vector_load %arg7[%swap3A_1732, %swap3A_1733] {strides = array<i32>} : memref<16x5248xf32, #tpu.memory_space<vmem>>, vector<16xf32>,
      tpu.vector_store %arg7[%swap3A_1732, %swap3A_1733], %gather3A_1674 {strides = array<i32>} : memref<16x5248xf32, #tpu.memory_space<vmem>>, vector<16xf32>,
      %add3A_1735 = arith.constant 80 : i32
      %add3A_1736 = arith.addi %mul3A_919, %add3A_1735 : i32
      %swap3A_1737 = arith.constant 4 : i32
      %swap3A_1738 = arith.index_cast %swap3A_1737 : i32 to index
      %swap3A_1739 = arith.index_cast %add3A_1736 : i32 to index
      %swap3A_1740 = tpu.vector_load %arg7[%swap3A_1738, %swap3A_1739] {strides = array<i32>} : memref<16x5248xf32, #tpu.memory_space<vmem>>, vector<16xf32>,
      tpu.vector_store %arg7[%swap3A_1738, %swap3A_1739], %gather3A_1677 {strides = array<i32>} : memref<16x5248xf32, #tpu.memory_space<vmem>>, vector<16xf32>,
      %add3A_1741 = arith.constant 80 : i32
      %add3A_1742 = arith.addi %mul3A_919, %add3A_1741 : i32
      %swap3A_1743 = arith.constant 5 : i32
      %swap3A_1744 = arith.index_cast %swap3A_1743 : i32 to index
      %swap3A_1745 = arith.index_cast %add3A_1742 : i32 to index
      %swap3A_1746 = tpu.vector_load %arg7[%swap3A_1744, %swap3A_1745] {strides = array<i32>} : memref<16x5248xf32, #tpu.memory_space<vmem>>, vector<16xf32>,
      tpu.vector_store %arg7[%swap3A_1744, %swap3A_1745], %gather3A_1680 {strides = array<i32>} : memref<16x5248xf32, #tpu.memory_space<vmem>>, vector<16xf32>,
      %add3A_1747 = arith.constant 80 : i32
      %add3A_1748 = arith.addi %mul3A_919, %add3A_1747 : i32
      %swap3A_1749 = arith.constant 6 : i32
      %swap3A_1750 = arith.index_cast %swap3A_1749 : i32 to index
      %swap3A_1751 = arith.index_cast %add3A_1748 : i32 to index
      %swap3A_1752 = tpu.vector_load %arg7[%swap3A_1750, %swap3A_1751] {strides = array<i32>} : memref<16x5248xf32, #tpu.memory_space<vmem>>, vector<16xf32>,
      tpu.vector_store %arg7[%swap3A_1750, %swap3A_1751], %gather3A_1683 {strides = array<i32>} : memref<16x5248xf32, #tpu.memory_space<vmem>>, vector<16xf32>,
      %add3A_1753 = arith.constant 80 : i32
      %add3A_1754 = arith.addi %mul3A_919, %add3A_1753 : i32
      %swap3A_1755 = arith.constant 7 : i32
      %swap3A_1756 = arith.index_cast %swap3A_1755 : i32 to index
      %swap3A_1757 = arith.index_cast %add3A_1754 : i32 to index
      %swap3A_1758 = tpu.vector_load %arg7[%swap3A_1756, %swap3A_1757] {strides = array<i32>} : memref<16x5248xf32, #tpu.memory_space<vmem>>, vector<16xf32>,
      tpu.vector_store %arg7[%swap3A_1756, %swap3A_1757], %gather3A_1686 {strides = array<i32>} : memref<16x5248xf32, #tpu.memory_space<vmem>>, vector<16xf32>,
      %add3A_1759 = arith.constant 80 : i32
      %add3A_1760 = arith.addi %mul3A_919, %add3A_1759 : i32
      %swap3A_1761 = arith.constant 8 : i32
      %swap3A_1762 = arith.index_cast %swap3A_1761 : i32 to index
      %swap3A_1763 = arith.index_cast %add3A_1760 : i32 to index
      %swap3A_1764 = tpu.vector_load %arg7[%swap3A_1762, %swap3A_1763] {strides = array<i32>} : memref<16x5248xf32, #tpu.memory_space<vmem>>, vector<16xf32>,
      tpu.vector_store %arg7[%swap3A_1762, %swap3A_1763], %gather3A_1689 {strides = array<i32>} : memref<16x5248xf32, #tpu.memory_space<vmem>>, vector<16xf32>,
      %add3A_1765 = arith.constant 80 : i32
      %add3A_1766 = arith.addi %mul3A_919, %add3A_1765 : i32
      %swap3A_1767 = arith.constant 9 : i32
      %swap3A_1768 = arith.index_cast %swap3A_1767 : i32 to index
      %swap3A_1769 = arith.index_cast %add3A_1766 : i32 to index
      %swap3A_1770 = tpu.vector_load %arg7[%swap3A_1768, %swap3A_1769] {strides = array<i32>} : memref<16x5248xf32, #tpu.memory_space<vmem>>, vector<16xf32>,
      tpu.vector_store %arg7[%swap3A_1768, %swap3A_1769], %gather3A_1692 {strides = array<i32>} : memref<16x5248xf32, #tpu.memory_space<vmem>>, vector<16xf32>,
      %add3A_1771 = arith.constant 80 : i32
      %add3A_1772 = arith.addi %mul3A_919, %add3A_1771 : i32
      %swap3A_1773 = arith.constant 10 : i32
      %swap3A_1774 = arith.index_cast %swap3A_1773 : i32 to index
      %swap3A_1775 = arith.index_cast %add3A_1772 : i32 to index
      %swap3A_1776 = tpu.vector_load %arg7[%swap3A_1774, %swap3A_1775] {strides = array<i32>} : memref<16x5248xf32, #tpu.memory_space<vmem>>, vector<16xf32>,
      tpu.vector_store %arg7[%swap3A_1774, %swap3A_1775], %gather3A_1695 {strides = array<i32>} : memref<16x5248xf32, #tpu.memory_space<vmem>>, vector<16xf32>,
      %add3A_1777 = arith.constant 80 : i32
      %add3A_1778 = arith.addi %mul3A_919, %add3A_1777 : i32
      %swap3A_1779 = arith.constant 11 : i32
      %swap3A_1780 = arith.index_cast %swap3A_1779 : i32 to index
      %swap3A_1781 = arith.index_cast %add3A_1778 : i32 to index
      %swap3A_1782 = tpu.vector_load %arg7[%swap3A_1780, %swap3A_1781] {strides = array<i32>} : memref<16x5248xf32, #tpu.memory_space<vmem>>, vector<16xf32>,
      tpu.vector_store %arg7[%swap3A_1780, %swap3A_1781], %gather3A_1698 {strides = array<i32>} : memref<16x5248xf32, #tpu.memory_space<vmem>>, vector<16xf32>,
      %add3A_1783 = arith.constant 80 : i32
      %add3A_1784 = arith.addi %mul3A_919, %add3A_1783 : i32
      %swap3A_1785 = arith.constant 12 : i32
      %swap3A_1786 = arith.index_cast %swap3A_1785 : i32 to index
      %swap3A_1787 = arith.index_cast %add3A_1784 : i32 to index
      %swap3A_1788 = tpu.vector_load %arg7[%swap3A_1786, %swap3A_1787] {strides = array<i32>} : memref<16x5248xf32, #tpu.memory_space<vmem>>, vector<16xf32>,
      tpu.vector_store %arg7[%swap3A_1786, %swap3A_1787], %gather3A_1701 {strides = array<i32>} : memref<16x5248xf32, #tpu.memory_space<vmem>>, vector<16xf32>,
      %add3A_1789 = arith.constant 80 : i32
      %add3A_1790 = arith.addi %mul3A_919, %add3A_1789 : i32
      %swap3A_1791 = arith.constant 13 : i32
      %swap3A_1792 = arith.index_cast %swap3A_1791 : i32 to index
      %swap3A_1793 = arith.index_cast %add3A_1790 : i32 to index
      %swap3A_1794 = tpu.vector_load %arg7[%swap3A_1792, %swap3A_1793] {strides = array<i32>} : memref<16x5248xf32, #tpu.memory_space<vmem>>, vector<16xf32>,
      tpu.vector_store %arg7[%swap3A_1792, %swap3A_1793], %gather3A_1704 {strides = array<i32>} : memref<16x5248xf32, #tpu.memory_space<vmem>>, vector<16xf32>,
      %add3A_1795 = arith.constant 80 : i32
      %add3A_1796 = arith.addi %mul3A_919, %add3A_1795 : i32
      %swap3A_1797 = arith.constant 14 : i32
      %swap3A_1798 = arith.index_cast %swap3A_1797 : i32 to index
      %swap3A_1799 = arith.index_cast %add3A_1796 : i32 to index
      %swap3A_1800 = tpu.vector_load %arg7[%swap3A_1798, %swap3A_1799] {strides = array<i32>} : memref<16x5248xf32, #tpu.memory_space<vmem>>, vector<16xf32>,
      tpu.vector_store %arg7[%swap3A_1798, %swap3A_1799], %gather3A_1707 {strides = array<i32>} : memref<16x5248xf32, #tpu.memory_space<vmem>>, vector<16xf32>,
      %add3A_1801 = arith.constant 80 : i32
      %add3A_1802 = arith.addi %mul3A_919, %add3A_1801 : i32
      %swap3A_1803 = arith.constant 15 : i32
      %swap3A_1804 = arith.index_cast %swap3A_1803 : i32 to index
      %swap3A_1805 = arith.index_cast %add3A_1802 : i32 to index
      %swap3A_1806 = tpu.vector_load %arg7[%swap3A_1804, %swap3A_1805] {strides = array<i32>} : memref<16x5248xf32, #tpu.memory_space<vmem>>, vector<16xf32>,
      tpu.vector_store %arg7[%swap3A_1804, %swap3A_1805], %gather3A_1710 {strides = array<i32>} : memref<16x5248xf32, #tpu.memory_space<vmem>>, vector<16xf32>,
      %add3A_1807 = arith.constant 96 : i32
      %add3A_1808 = arith.addi %mul3A_919, %add3A_1807 : i32
      %get3A_1809 = arith.index_cast %add3A_1808 : i32 to index
      %get3A_1810 = tpu.vector_load %arg6[%get3A_1809] {strides = array<i32>} : memref<5248xi32, #tpu.memory_space<vmem>>, vector<16xi32>,
      %broadcast_in_dim3A_1811 = vector.shape_cast %get3A_1810 : vector<16xi32> to vector<16x1xi32>
      %gather3A_1812 = vector.shape_cast %broadcast_in_dim3A_1811 : vector<16x1xi32> to vector<16xi32>
      %gather3A_1813 = tpu.dynamic_gather %select_n3A_86[%gather3A_1812] in [0] : vector<16xf32>, vector<16xi32> -> vector<16xf32>
      %broadcast_in_dim3A_1814 = vector.shape_cast %get3A_1810 : vector<16xi32> to vector<16x1xi32>
      %gather3A_1815 = vector.shape_cast %broadcast_in_dim3A_1814 : vector<16x1xi32> to vector<16xi32>
      %gather3A_1816 = tpu.dynamic_gather %select_n3A_140[%gather3A_1815] in [0] : vector<16xf32>, vector<16xi32> -> vector<16xf32>
      %broadcast_in_dim3A_1817 = vector.shape_cast %get3A_1810 : vector<16xi32> to vector<16x1xi32>
      %gather3A_1818 = vector.shape_cast %broadcast_in_dim3A_1817 : vector<16x1xi32> to vector<16xi32>
      %gather3A_1819 = tpu.dynamic_gather %select_n3A_194[%gather3A_1818] in [0] : vector<16xf32>, vector<16xi32> -> vector<16xf32>
      %broadcast_in_dim3A_1820 = vector.shape_cast %get3A_1810 : vector<16xi32> to vector<16x1xi32>
      %gather3A_1821 = vector.shape_cast %broadcast_in_dim3A_1820 : vector<16x1xi32> to vector<16xi32>
      %gather3A_1822 = tpu.dynamic_gather %select_n3A_248[%gather3A_1821] in [0] : vector<16xf32>, vector<16xi32> -> vector<16xf32>
      %broadcast_in_dim3A_1823 = vector.shape_cast %get3A_1810 : vector<16xi32> to vector<16x1xi32>
      %gather3A_1824 = vector.shape_cast %broadcast_in_dim3A_1823 : vector<16x1xi32> to vector<16xi32>
      %gather3A_1825 = tpu.dynamic_gather %select_n3A_302[%gather3A_1824] in [0] : vector<16xf32>, vector<16xi32> -> vector<16xf32>
      %broadcast_in_dim3A_1826 = vector.shape_cast %get3A_1810 : vector<16xi32> to vector<16x1xi32>
      %gather3A_1827 = vector.shape_cast %broadcast_in_dim3A_1826 : vector<16x1xi32> to vector<16xi32>
      %gather3A_1828 = tpu.dynamic_gather %select_n3A_356[%gather3A_1827] in [0] : vector<16xf32>, vector<16xi32> -> vector<16xf32>
      %broadcast_in_dim3A_1829 = vector.shape_cast %get3A_1810 : vector<16xi32> to vector<16x1xi32>
      %gather3A_1830 = vector.shape_cast %broadcast_in_dim3A_1829 : vector<16x1xi32> to vector<16xi32>
      %gather3A_1831 = tpu.dynamic_gather %select_n3A_410[%gather3A_1830] in [0] : vector<16xf32>, vector<16xi32> -> vector<16xf32>
      %broadcast_in_dim3A_1832 = vector.shape_cast %get3A_1810 : vector<16xi32> to vector<16x1xi32>
      %gather3A_1833 = vector.shape_cast %broadcast_in_dim3A_1832 : vector<16x1xi32> to vector<16xi32>
      %gather3A_1834 = tpu.dynamic_gather %select_n3A_464[%gather3A_1833] in [0] : vector<16xf32>, vector<16xi32> -> vector<16xf32>
      %broadcast_in_dim3A_1835 = vector.shape_cast %get3A_1810 : vector<16xi32> to vector<16x1xi32>
      %gather3A_1836 = vector.shape_cast %broadcast_in_dim3A_1835 : vector<16x1xi32> to vector<16xi32>
      %gather3A_1837 = tpu.dynamic_gather %select_n3A_518[%gather3A_1836] in [0] : vector<16xf32>, vector<16xi32> -> vector<16xf32>
      %broadcast_in_dim3A_1838 = vector.shape_cast %get3A_1810 : vector<16xi32> to vector<16x1xi32>
      %gather3A_1839 = vector.shape_cast %broadcast_in_dim3A_1838 : vector<16x1xi32> to vector<16xi32>
      %gather3A_1840 = tpu.dynamic_gather %select_n3A_572[%gather3A_1839] in [0] : vector<16xf32>, vector<16xi32> -> vector<16xf32>
      %broadcast_in_dim3A_1841 = vector.shape_cast %get3A_1810 : vector<16xi32> to vector<16x1xi32>
      %gather3A_1842 = vector.shape_cast %broadcast_in_dim3A_1841 : vector<16x1xi32> to vector<16xi32>
      %gather3A_1843 = tpu.dynamic_gather %select_n3A_626[%gather3A_1842] in [0] : vector<16xf32>, vector<16xi32> -> vector<16xf32>
      %broadcast_in_dim3A_1844 = vector.shape_cast %get3A_1810 : vector<16xi32> to vector<16x1xi32>
      %gather3A_1845 = vector.shape_cast %broadcast_in_dim3A_1844 : vector<16x1xi32> to vector<16xi32>
      %gather3A_1846 = tpu.dynamic_gather %select_n3A_680[%gather3A_1845] in [0] : vector<16xf32>, vector<16xi32> -> vector<16xf32>
      %broadcast_in_dim3A_1847 = vector.shape_cast %get3A_1810 : vector<16xi32> to vector<16x1xi32>
      %gather3A_1848 = vector.shape_cast %broadcast_in_dim3A_1847 : vector<16x1xi32> to vector<16xi32>
      %gather3A_1849 = tpu.dynamic_gather %select_n3A_734[%gather3A_1848] in [0] : vector<16xf32>, vector<16xi32> -> vector<16xf32>
      %broadcast_in_dim3A_1850 = vector.shape_cast %get3A_1810 : vector<16xi32> to vector<16x1xi32>
      %gather3A_1851 = vector.shape_cast %broadcast_in_dim3A_1850 : vector<16x1xi32> to vector<16xi32>
      %gather3A_1852 = tpu.dynamic_gather %select_n3A_788[%gather3A_1851] in [0] : vector<16xf32>, vector<16xi32> -> vector<16xf32>
      %broadcast_in_dim3A_1853 = vector.shape_cast %get3A_1810 : vector<16xi32> to vector<16x1xi32>
      %gather3A_1854 = vector.shape_cast %broadcast_in_dim3A_1853 : vector<16x1xi32> to vector<16xi32>
      %gather3A_1855 = tpu.dynamic_gather %select_n3A_842[%gather3A_1854] in [0] : vector<16xf32>, vector<16xi32> -> vector<16xf32>
      %broadcast_in_dim3A_1856 = vector.shape_cast %get3A_1810 : vector<16xi32> to vector<16x1xi32>
      %gather3A_1857 = vector.shape_cast %broadcast_in_dim3A_1856 : vector<16x1xi32> to vector<16xi32>
      %gather3A_1858 = tpu.dynamic_gather %select_n3A_896[%gather3A_1857] in [0] : vector<16xf32>, vector<16xi32> -> vector<16xf32>
      %add3A_1859 = arith.constant 96 : i32
      %add3A_1860 = arith.addi %mul3A_919, %add3A_1859 : i32
      %swap3A_1861 = arith.constant 0 : i32
      %swap3A_1862 = arith.index_cast %swap3A_1861 : i32 to index
      %swap3A_1863 = arith.index_cast %add3A_1860 : i32 to index
      %swap3A_1864 = tpu.vector_load %arg7[%swap3A_1862, %swap3A_1863] {strides = array<i32>} : memref<16x5248xf32, #tpu.memory_space<vmem>>, vector<16xf32>,
      tpu.vector_store %arg7[%swap3A_1862, %swap3A_1863], %gather3A_1813 {strides = array<i32>} : memref<16x5248xf32, #tpu.memory_space<vmem>>, vector<16xf32>,
      %add3A_1865 = arith.constant 96 : i32
      %add3A_1866 = arith.addi %mul3A_919, %add3A_1865 : i32
      %swap3A_1867 = arith.constant 1 : i32
      %swap3A_1868 = arith.index_cast %swap3A_1867 : i32 to index
      %swap3A_1869 = arith.index_cast %add3A_1866 : i32 to index
      %swap3A_1870 = tpu.vector_load %arg7[%swap3A_1868, %swap3A_1869] {strides = array<i32>} : memref<16x5248xf32, #tpu.memory_space<vmem>>, vector<16xf32>,
      tpu.vector_store %arg7[%swap3A_1868, %swap3A_1869], %gather3A_1816 {strides = array<i32>} : memref<16x5248xf32, #tpu.memory_space<vmem>>, vector<16xf32>,
      %add3A_1871 = arith.constant 96 : i32
      %add3A_1872 = arith.addi %mul3A_919, %add3A_1871 : i32
      %swap3A_1873 = arith.constant 2 : i32
      %swap3A_1874 = arith.index_cast %swap3A_1873 : i32 to index
      %swap3A_1875 = arith.index_cast %add3A_1872 : i32 to index
      %swap3A_1876 = tpu.vector_load %arg7[%swap3A_1874, %swap3A_1875] {strides = array<i32>} : memref<16x5248xf32, #tpu.memory_space<vmem>>, vector<16xf32>,
      tpu.vector_store %arg7[%swap3A_1874, %swap3A_1875], %gather3A_1819 {strides = array<i32>} : memref<16x5248xf32, #tpu.memory_space<vmem>>, vector<16xf32>,
      %add3A_1877 = arith.constant 96 : i32
      %add3A_1878 = arith.addi %mul3A_919, %add3A_1877 : i32
      %swap3A_1879 = arith.constant 3 : i32
      %swap3A_1880 = arith.index_cast %swap3A_1879 : i32 to index
      %swap3A_1881 = arith.index_cast %add3A_1878 : i32 to index
      %swap3A_1882 = tpu.vector_load %arg7[%swap3A_1880, %swap3A_1881] {strides = array<i32>} : memref<16x5248xf32, #tpu.memory_space<vmem>>, vector<16xf32>,
      tpu.vector_store %arg7[%swap3A_1880, %swap3A_1881], %gather3A_1822 {strides = array<i32>} : memref<16x5248xf32, #tpu.memory_space<vmem>>, vector<16xf32>,
      %add3A_1883 = arith.constant 96 : i32
      %add3A_1884 = arith.addi %mul3A_919, %add3A_1883 : i32
      %swap3A_1885 = arith.constant 4 : i32
      %swap3A_1886 = arith.index_cast %swap3A_1885 : i32 to index
      %swap3A_1887 = arith.index_cast %add3A_1884 : i32 to index
      %swap3A_1888 = tpu.vector_load %arg7[%swap3A_1886, %swap3A_1887] {strides = array<i32>} : memref<16x5248xf32, #tpu.memory_space<vmem>>, vector<16xf32>,
      tpu.vector_store %arg7[%swap3A_1886, %swap3A_1887], %gather3A_1825 {strides = array<i32>} : memref<16x5248xf32, #tpu.memory_space<vmem>>, vector<16xf32>,
      %add3A_1889 = arith.constant 96 : i32
      %add3A_1890 = arith.addi %mul3A_919, %add3A_1889 : i32
      %swap3A_1891 = arith.constant 5 : i32
      %swap3A_1892 = arith.index_cast %swap3A_1891 : i32 to index
      %swap3A_1893 = arith.index_cast %add3A_1890 : i32 to index
      %swap3A_1894 = tpu.vector_load %arg7[%swap3A_1892, %swap3A_1893] {strides = array<i32>} : memref<16x5248xf32, #tpu.memory_space<vmem>>, vector<16xf32>,
      tpu.vector_store %arg7[%swap3A_1892, %swap3A_1893], %gather3A_1828 {strides = array<i32>} : memref<16x5248xf32, #tpu.memory_space<vmem>>, vector<16xf32>,
      %add3A_1895 = arith.constant 96 : i32
      %add3A_1896 = arith.addi %mul3A_919, %add3A_1895 : i32
      %swap3A_1897 = arith.constant 6 : i32
      %swap3A_1898 = arith.index_cast %swap3A_1897 : i32 to index
      %swap3A_1899 = arith.index_cast %add3A_1896 : i32 to index
      %swap3A_1900 = tpu.vector_load %arg7[%swap3A_1898, %swap3A_1899] {strides = array<i32>} : memref<16x5248xf32, #tpu.memory_space<vmem>>, vector<16xf32>,
      tpu.vector_store %arg7[%swap3A_1898, %swap3A_1899], %gather3A_1831 {strides = array<i32>} : memref<16x5248xf32, #tpu.memory_space<vmem>>, vector<16xf32>,
      %add3A_1901 = arith.constant 96 : i32
      %add3A_1902 = arith.addi %mul3A_919, %add3A_1901 : i32
      %swap3A_1903 = arith.constant 7 : i32
      %swap3A_1904 = arith.index_cast %swap3A_1903 : i32 to index
      %swap3A_1905 = arith.index_cast %add3A_1902 : i32 to index
      %swap3A_1906 = tpu.vector_load %arg7[%swap3A_1904, %swap3A_1905] {strides = array<i32>} : memref<16x5248xf32, #tpu.memory_space<vmem>>, vector<16xf32>,
      tpu.vector_store %arg7[%swap3A_1904, %swap3A_1905], %gather3A_1834 {strides = array<i32>} : memref<16x5248xf32, #tpu.memory_space<vmem>>, vector<16xf32>,
      %add3A_1907 = arith.constant 96 : i32
      %add3A_1908 = arith.addi %mul3A_919, %add3A_1907 : i32
      %swap3A_1909 = arith.constant 8 : i32
      %swap3A_1910 = arith.index_cast %swap3A_1909 : i32 to index
      %swap3A_1911 = arith.index_cast %add3A_1908 : i32 to index
      %swap3A_1912 = tpu.vector_load %arg7[%swap3A_1910, %swap3A_1911] {strides = array<i32>} : memref<16x5248xf32, #tpu.memory_space<vmem>>, vector<16xf32>,
      tpu.vector_store %arg7[%swap3A_1910, %swap3A_1911], %gather3A_1837 {strides = array<i32>} : memref<16x5248xf32, #tpu.memory_space<vmem>>, vector<16xf32>,
      %add3A_1913 = arith.constant 96 : i32
      %add3A_1914 = arith.addi %mul3A_919, %add3A_1913 : i32
      %swap3A_1915 = arith.constant 9 : i32
      %swap3A_1916 = arith.index_cast %swap3A_1915 : i32 to index
      %swap3A_1917 = arith.index_cast %add3A_1914 : i32 to index
      %swap3A_1918 = tpu.vector_load %arg7[%swap3A_1916, %swap3A_1917] {strides = array<i32>} : memref<16x5248xf32, #tpu.memory_space<vmem>>, vector<16xf32>,
      tpu.vector_store %arg7[%swap3A_1916, %swap3A_1917], %gather3A_1840 {strides = array<i32>} : memref<16x5248xf32, #tpu.memory_space<vmem>>, vector<16xf32>,
      %add3A_1919 = arith.constant 96 : i32
      %add3A_1920 = arith.addi %mul3A_919, %add3A_1919 : i32
      %swap3A_1921 = arith.constant 10 : i32
      %swap3A_1922 = arith.index_cast %swap3A_1921 : i32 to index
      %swap3A_1923 = arith.index_cast %add3A_1920 : i32 to index
      %swap3A_1924 = tpu.vector_load %arg7[%swap3A_1922, %swap3A_1923] {strides = array<i32>} : memref<16x5248xf32, #tpu.memory_space<vmem>>, vector<16xf32>,
      tpu.vector_store %arg7[%swap3A_1922, %swap3A_1923], %gather3A_1843 {strides = array<i32>} : memref<16x5248xf32, #tpu.memory_space<vmem>>, vector<16xf32>,
      %add3A_1925 = arith.constant 96 : i32
      %add3A_1926 = arith.addi %mul3A_919, %add3A_1925 : i32
      %swap3A_1927 = arith.constant 11 : i32
      %swap3A_1928 = arith.index_cast %swap3A_1927 : i32 to index
      %swap3A_1929 = arith.index_cast %add3A_1926 : i32 to index
      %swap3A_1930 = tpu.vector_load %arg7[%swap3A_1928, %swap3A_1929] {strides = array<i32>} : memref<16x5248xf32, #tpu.memory_space<vmem>>, vector<16xf32>,
      tpu.vector_store %arg7[%swap3A_1928, %swap3A_1929], %gather3A_1846 {strides = array<i32>} : memref<16x5248xf32, #tpu.memory_space<vmem>>, vector<16xf32>,
      %add3A_1931 = arith.constant 96 : i32
      %add3A_1932 = arith.addi %mul3A_919, %add3A_1931 : i32
      %swap3A_1933 = arith.constant 12 : i32
      %swap3A_1934 = arith.index_cast %swap3A_1933 : i32 to index
      %swap3A_1935 = arith.index_cast %add3A_1932 : i32 to index
      %swap3A_1936 = tpu.vector_load %arg7[%swap3A_1934, %swap3A_1935] {strides = array<i32>} : memref<16x5248xf32, #tpu.memory_space<vmem>>, vector<16xf32>,
      tpu.vector_store %arg7[%swap3A_1934, %swap3A_1935], %gather3A_1849 {strides = array<i32>} : memref<16x5248xf32, #tpu.memory_space<vmem>>, vector<16xf32>,
      %add3A_1937 = arith.constant 96 : i32
      %add3A_1938 = arith.addi %mul3A_919, %add3A_1937 : i32
      %swap3A_1939 = arith.constant 13 : i32
      %swap3A_1940 = arith.index_cast %swap3A_1939 : i32 to index
      %swap3A_1941 = arith.index_cast %add3A_1938 : i32 to index
      %swap3A_1942 = tpu.vector_load %arg7[%swap3A_1940, %swap3A_1941] {strides = array<i32>} : memref<16x5248xf32, #tpu.memory_space<vmem>>, vector<16xf32>,
      tpu.vector_store %arg7[%swap3A_1940, %swap3A_1941], %gather3A_1852 {strides = array<i32>} : memref<16x5248xf32, #tpu.memory_space<vmem>>, vector<16xf32>,
      %add3A_1943 = arith.constant 96 : i32
      %add3A_1944 = arith.addi %mul3A_919, %add3A_1943 : i32
      %swap3A_1945 = arith.constant 14 : i32
      %swap3A_1946 = arith.index_cast %swap3A_1945 : i32 to index
      %swap3A_1947 = arith.index_cast %add3A_1944 : i32 to index
      %swap3A_1948 = tpu.vector_load %arg7[%swap3A_1946, %swap3A_1947] {strides = array<i32>} : memref<16x5248xf32, #tpu.memory_space<vmem>>, vector<16xf32>,
      tpu.vector_store %arg7[%swap3A_1946, %swap3A_1947], %gather3A_1855 {strides = array<i32>} : memref<16x5248xf32, #tpu.memory_space<vmem>>, vector<16xf32>,
      %add3A_1949 = arith.constant 96 : i32
      %add3A_1950 = arith.addi %mul3A_919, %add3A_1949 : i32
      %swap3A_1951 = arith.constant 15 : i32
      %swap3A_1952 = arith.index_cast %swap3A_1951 : i32 to index
      %swap3A_1953 = arith.index_cast %add3A_1950 : i32 to index
      %swap3A_1954 = tpu.vector_load %arg7[%swap3A_1952, %swap3A_1953] {strides = array<i32>} : memref<16x5248xf32, #tpu.memory_space<vmem>>, vector<16xf32>,
      tpu.vector_store %arg7[%swap3A_1952, %swap3A_1953], %gather3A_1858 {strides = array<i32>} : memref<16x5248xf32, #tpu.memory_space<vmem>>, vector<16xf32>,
      %add3A_1955 = arith.constant 112 : i32
      %add3A_1956 = arith.addi %mul3A_919, %add3A_1955 : i32
      %get3A_1957 = arith.index_cast %add3A_1956 : i32 to index
      %get3A_1958 = tpu.vector_load %arg6[%get3A_1957] {strides = array<i32>} : memref<5248xi32, #tpu.memory_space<vmem>>, vector<16xi32>,
      %broadcast_in_dim3A_1959 = vector.shape_cast %get3A_1958 : vector<16xi32> to vector<16x1xi32>
      %gather3A_1960 = vector.shape_cast %broadcast_in_dim3A_1959 : vector<16x1xi32> to vector<16xi32>
      %gather3A_1961 = tpu.dynamic_gather %select_n3A_86[%gather3A_1960] in [0] : vector<16xf32>, vector<16xi32> -> vector<16xf32>
      %broadcast_in_dim3A_1962 = vector.shape_cast %get3A_1958 : vector<16xi32> to vector<16x1xi32>
      %gather3A_1963 = vector.shape_cast %broadcast_in_dim3A_1962 : vector<16x1xi32> to vector<16xi32>
      %gather3A_1964 = tpu.dynamic_gather %select_n3A_140[%gather3A_1963] in [0] : vector<16xf32>, vector<16xi32> -> vector<16xf32>
      %broadcast_in_dim3A_1965 = vector.shape_cast %get3A_1958 : vector<16xi32> to vector<16x1xi32>
      %gather3A_1966 = vector.shape_cast %broadcast_in_dim3A_1965 : vector<16x1xi32> to vector<16xi32>
      %gather3A_1967 = tpu.dynamic_gather %select_n3A_194[%gather3A_1966] in [0] : vector<16xf32>, vector<16xi32> -> vector<16xf32>
      %broadcast_in_dim3A_1968 = vector.shape_cast %get3A_1958 : vector<16xi32> to vector<16x1xi32>
      %gather3A_1969 = vector.shape_cast %broadcast_in_dim3A_1968 : vector<16x1xi32> to vector<16xi32>
      %gather3A_1970 = tpu.dynamic_gather %select_n3A_248[%gather3A_1969] in [0] : vector<16xf32>, vector<16xi32> -> vector<16xf32>
      %broadcast_in_dim3A_1971 = vector.shape_cast %get3A_1958 : vector<16xi32> to vector<16x1xi32>
      %gather3A_1972 = vector.shape_cast %broadcast_in_dim3A_1971 : vector<16x1xi32> to vector<16xi32>
      %gather3A_1973 = tpu.dynamic_gather %select_n3A_302[%gather3A_1972] in [0] : vector<16xf32>, vector<16xi32> -> vector<16xf32>
      %broadcast_in_dim3A_1974 = vector.shape_cast %get3A_1958 : vector<16xi32> to vector<16x1xi32>
      %gather3A_1975 = vector.shape_cast %broadcast_in_dim3A_1974 : vector<16x1xi32> to vector<16xi32>
      %gather3A_1976 = tpu.dynamic_gather %select_n3A_356[%gather3A_1975] in [0] : vector<16xf32>, vector<16xi32> -> vector<16xf32>
      %broadcast_in_dim3A_1977 = vector.shape_cast %get3A_1958 : vector<16xi32> to vector<16x1xi32>
      %gather3A_1978 = vector.shape_cast %broadcast_in_dim3A_1977 : vector<16x1xi32> to vector<16xi32>
      %gather3A_1979 = tpu.dynamic_gather %select_n3A_410[%gather3A_1978] in [0] : vector<16xf32>, vector<16xi32> -> vector<16xf32>
      %broadcast_in_dim3A_1980 = vector.shape_cast %get3A_1958 : vector<16xi32> to vector<16x1xi32>
      %gather3A_1981 = vector.shape_cast %broadcast_in_dim3A_1980 : vector<16x1xi32> to vector<16xi32>
      %gather3A_1982 = tpu.dynamic_gather %select_n3A_464[%gather3A_1981] in [0] : vector<16xf32>, vector<16xi32> -> vector<16xf32>
      %broadcast_in_dim3A_1983 = vector.shape_cast %get3A_1958 : vector<16xi32> to vector<16x1xi32>
      %gather3A_1984 = vector.shape_cast %broadcast_in_dim3A_1983 : vector<16x1xi32> to vector<16xi32>
      %gather3A_1985 = tpu.dynamic_gather %select_n3A_518[%gather3A_1984] in [0] : vector<16xf32>, vector<16xi32> -> vector<16xf32>
      %broadcast_in_dim3A_1986 = vector.shape_cast %get3A_1958 : vector<16xi32> to vector<16x1xi32>
      %gather3A_1987 = vector.shape_cast %broadcast_in_dim3A_1986 : vector<16x1xi32> to vector<16xi32>
      %gather3A_1988 = tpu.dynamic_gather %select_n3A_572[%gather3A_1987] in [0] : vector<16xf32>, vector<16xi32> -> vector<16xf32>
      %broadcast_in_dim3A_1989 = vector.shape_cast %get3A_1958 : vector<16xi32> to vector<16x1xi32>
      %gather3A_1990 = vector.shape_cast %broadcast_in_dim3A_1989 : vector<16x1xi32> to vector<16xi32>
      %gather3A_1991 = tpu.dynamic_gather %select_n3A_626[%gather3A_1990] in [0] : vector<16xf32>, vector<16xi32> -> vector<16xf32>
      %broadcast_in_dim3A_1992 = vector.shape_cast %get3A_1958 : vector<16xi32> to vector<16x1xi32>
      %gather3A_1993 = vector.shape_cast %broadcast_in_dim3A_1992 : vector<16x1xi32> to vector<16xi32>
      %gather3A_1994 = tpu.dynamic_gather %select_n3A_680[%gather3A_1993] in [0] : vector<16xf32>, vector<16xi32> -> vector<16xf32>
      %broadcast_in_dim3A_1995 = vector.shape_cast %get3A_1958 : vector<16xi32> to vector<16x1xi32>
      %gather3A_1996 = vector.shape_cast %broadcast_in_dim3A_1995 : vector<16x1xi32> to vector<16xi32>
      %gather3A_1997 = tpu.dynamic_gather %select_n3A_734[%gather3A_1996] in [0] : vector<16xf32>, vector<16xi32> -> vector<16xf32>
      %broadcast_in_dim3A_1998 = vector.shape_cast %get3A_1958 : vector<16xi32> to vector<16x1xi32>
      %gather3A_1999 = vector.shape_cast %broadcast_in_dim3A_1998 : vector<16x1xi32> to vector<16xi32>
      %gather3A_2000 = tpu.dynamic_gather %select_n3A_788[%gather3A_1999] in [0] : vector<16xf32>, vector<16xi32> -> vector<16xf32>
      %broadcast_in_dim3A_2001 = vector.shape_cast %get3A_1958 : vector<16xi32> to vector<16x1xi32>
      %gather3A_2002 = vector.shape_cast %broadcast_in_dim3A_2001 : vector<16x1xi32> to vector<16xi32>
      %gather3A_2003 = tpu.dynamic_gather %select_n3A_842[%gather3A_2002] in [0] : vector<16xf32>, vector<16xi32> -> vector<16xf32>
      %broadcast_in_dim3A_2004 = vector.shape_cast %get3A_1958 : vector<16xi32> to vector<16x1xi32>
      %gather3A_2005 = vector.shape_cast %broadcast_in_dim3A_2004 : vector<16x1xi32> to vector<16xi32>
      %gather3A_2006 = tpu.dynamic_gather %select_n3A_896[%gather3A_2005] in [0] : vector<16xf32>, vector<16xi32> -> vector<16xf32>
      %add3A_2007 = arith.constant 112 : i32
      %add3A_2008 = arith.addi %mul3A_919, %add3A_2007 : i32
      %swap3A_2009 = arith.constant 0 : i32
      %swap3A_2010 = arith.index_cast %swap3A_2009 : i32 to index
      %swap3A_2011 = arith.index_cast %add3A_2008 : i32 to index
      %swap3A_2012 = tpu.vector_load %arg7[%swap3A_2010, %swap3A_2011] {strides = array<i32>} : memref<16x5248xf32, #tpu.memory_space<vmem>>, vector<16xf32>,
      tpu.vector_store %arg7[%swap3A_2010, %swap3A_2011], %gather3A_1961 {strides = array<i32>} : memref<16x5248xf32, #tpu.memory_space<vmem>>, vector<16xf32>,
      %add3A_2013 = arith.constant 112 : i32
      %add3A_2014 = arith.addi %mul3A_919, %add3A_2013 : i32
      %swap3A_2015 = arith.constant 1 : i32
      %swap3A_2016 = arith.index_cast %swap3A_2015 : i32 to index
      %swap3A_2017 = arith.index_cast %add3A_2014 : i32 to index
      %swap3A_2018 = tpu.vector_load %arg7[%swap3A_2016, %swap3A_2017] {strides = array<i32>} : memref<16x5248xf32, #tpu.memory_space<vmem>>, vector<16xf32>,
      tpu.vector_store %arg7[%swap3A_2016, %swap3A_2017], %gather3A_1964 {strides = array<i32>} : memref<16x5248xf32, #tpu.memory_space<vmem>>, vector<16xf32>,
      %add3A_2019 = arith.constant 112 : i32
      %add3A_2020 = arith.addi %mul3A_919, %add3A_2019 : i32
      %swap3A_2021 = arith.constant 2 : i32
      %swap3A_2022 = arith.index_cast %swap3A_2021 : i32 to index
      %swap3A_2023 = arith.index_cast %add3A_2020 : i32 to index
      %swap3A_2024 = tpu.vector_load %arg7[%swap3A_2022, %swap3A_2023] {strides = array<i32>} : memref<16x5248xf32, #tpu.memory_space<vmem>>, vector<16xf32>,
      tpu.vector_store %arg7[%swap3A_2022, %swap3A_2023], %gather3A_1967 {strides = array<i32>} : memref<16x5248xf32, #tpu.memory_space<vmem>>, vector<16xf32>,
      %add3A_2025 = arith.constant 112 : i32
      %add3A_2026 = arith.addi %mul3A_919, %add3A_2025 : i32
      %swap3A_2027 = arith.constant 3 : i32
      %swap3A_2028 = arith.index_cast %swap3A_2027 : i32 to index
      %swap3A_2029 = arith.index_cast %add3A_2026 : i32 to index
      %swap3A_2030 = tpu.vector_load %arg7[%swap3A_2028, %swap3A_2029] {strides = array<i32>} : memref<16x5248xf32, #tpu.memory_space<vmem>>, vector<16xf32>,
      tpu.vector_store %arg7[%swap3A_2028, %swap3A_2029], %gather3A_1970 {strides = array<i32>} : memref<16x5248xf32, #tpu.memory_space<vmem>>, vector<16xf32>,
      %add3A_2031 = arith.constant 112 : i32
      %add3A_2032 = arith.addi %mul3A_919, %add3A_2031 : i32
      %swap3A_2033 = arith.constant 4 : i32
      %swap3A_2034 = arith.index_cast %swap3A_2033 : i32 to index
      %swap3A_2035 = arith.index_cast %add3A_2032 : i32 to index
      %swap3A_2036 = tpu.vector_load %arg7[%swap3A_2034, %swap3A_2035] {strides = array<i32>} : memref<16x5248xf32, #tpu.memory_space<vmem>>, vector<16xf32>,
      tpu.vector_store %arg7[%swap3A_2034, %swap3A_2035], %gather3A_1973 {strides = array<i32>} : memref<16x5248xf32, #tpu.memory_space<vmem>>, vector<16xf32>,
      %add3A_2037 = arith.constant 112 : i32
      %add3A_2038 = arith.addi %mul3A_919, %add3A_2037 : i32
      %swap3A_2039 = arith.constant 5 : i32
      %swap3A_2040 = arith.index_cast %swap3A_2039 : i32 to index
      %swap3A_2041 = arith.index_cast %add3A_2038 : i32 to index
      %swap3A_2042 = tpu.vector_load %arg7[%swap3A_2040, %swap3A_2041] {strides = array<i32>} : memref<16x5248xf32, #tpu.memory_space<vmem>>, vector<16xf32>,
      tpu.vector_store %arg7[%swap3A_2040, %swap3A_2041], %gather3A_1976 {strides = array<i32>} : memref<16x5248xf32, #tpu.memory_space<vmem>>, vector<16xf32>,
      %add3A_2043 = arith.constant 112 : i32
      %add3A_2044 = arith.addi %mul3A_919, %add3A_2043 : i32
      %swap3A_2045 = arith.constant 6 : i32
      %swap3A_2046 = arith.index_cast %swap3A_2045 : i32 to index
      %swap3A_2047 = arith.index_cast %add3A_2044 : i32 to index
      %swap3A_2048 = tpu.vector_load %arg7[%swap3A_2046, %swap3A_2047] {strides = array<i32>} : memref<16x5248xf32, #tpu.memory_space<vmem>>, vector<16xf32>,
      tpu.vector_store %arg7[%swap3A_2046, %swap3A_2047], %gather3A_1979 {strides = array<i32>} : memref<16x5248xf32, #tpu.memory_space<vmem>>, vector<16xf32>,
      %add3A_2049 = arith.constant 112 : i32
      %add3A_2050 = arith.addi %mul3A_919, %add3A_2049 : i32
      %swap3A_2051 = arith.constant 7 : i32
      %swap3A_2052 = arith.index_cast %swap3A_2051 : i32 to index
      %swap3A_2053 = arith.index_cast %add3A_2050 : i32 to index
      %swap3A_2054 = tpu.vector_load %arg7[%swap3A_2052, %swap3A_2053] {strides = array<i32>} : memref<16x5248xf32, #tpu.memory_space<vmem>>, vector<16xf32>,
      tpu.vector_store %arg7[%swap3A_2052, %swap3A_2053], %gather3A_1982 {strides = array<i32>} : memref<16x5248xf32, #tpu.memory_space<vmem>>, vector<16xf32>,
      %add3A_2055 = arith.constant 112 : i32
      %add3A_2056 = arith.addi %mul3A_919, %add3A_2055 : i32
      %swap3A_2057 = arith.constant 8 : i32
      %swap3A_2058 = arith.index_cast %swap3A_2057 : i32 to index
      %swap3A_2059 = arith.index_cast %add3A_2056 : i32 to index
      %swap3A_2060 = tpu.vector_load %arg7[%swap3A_2058, %swap3A_2059] {strides = array<i32>} : memref<16x5248xf32, #tpu.memory_space<vmem>>, vector<16xf32>,
      tpu.vector_store %arg7[%swap3A_2058, %swap3A_2059], %gather3A_1985 {strides = array<i32>} : memref<16x5248xf32, #tpu.memory_space<vmem>>, vector<16xf32>,
      %add3A_2061 = arith.constant 112 : i32
      %add3A_2062 = arith.addi %mul3A_919, %add3A_2061 : i32
      %swap3A_2063 = arith.constant 9 : i32
      %swap3A_2064 = arith.index_cast %swap3A_2063 : i32 to index
      %swap3A_2065 = arith.index_cast %add3A_2062 : i32 to index
      %swap3A_2066 = tpu.vector_load %arg7[%swap3A_2064, %swap3A_2065] {strides = array<i32>} : memref<16x5248xf32, #tpu.memory_space<vmem>>, vector<16xf32>,
      tpu.vector_store %arg7[%swap3A_2064, %swap3A_2065], %gather3A_1988 {strides = array<i32>} : memref<16x5248xf32, #tpu.memory_space<vmem>>, vector<16xf32>,
      %add3A_2067 = arith.constant 112 : i32
      %add3A_2068 = arith.addi %mul3A_919, %add3A_2067 : i32
      %swap3A_2069 = arith.constant 10 : i32
      %swap3A_2070 = arith.index_cast %swap3A_2069 : i32 to index
      %swap3A_2071 = arith.index_cast %add3A_2068 : i32 to index
      %swap3A_2072 = tpu.vector_load %arg7[%swap3A_2070, %swap3A_2071] {strides = array<i32>} : memref<16x5248xf32, #tpu.memory_space<vmem>>, vector<16xf32>,
      tpu.vector_store %arg7[%swap3A_2070, %swap3A_2071], %gather3A_1991 {strides = array<i32>} : memref<16x5248xf32, #tpu.memory_space<vmem>>, vector<16xf32>,
      %add3A_2073 = arith.constant 112 : i32
      %add3A_2074 = arith.addi %mul3A_919, %add3A_2073 : i32
      %swap3A_2075 = arith.constant 11 : i32
      %swap3A_2076 = arith.index_cast %swap3A_2075 : i32 to index
      %swap3A_2077 = arith.index_cast %add3A_2074 : i32 to index
      %swap3A_2078 = tpu.vector_load %arg7[%swap3A_2076, %swap3A_2077] {strides = array<i32>} : memref<16x5248xf32, #tpu.memory_space<vmem>>, vector<16xf32>,
      tpu.vector_store %arg7[%swap3A_2076, %swap3A_2077], %gather3A_1994 {strides = array<i32>} : memref<16x5248xf32, #tpu.memory_space<vmem>>, vector<16xf32>,
      %add3A_2079 = arith.constant 112 : i32
      %add3A_2080 = arith.addi %mul3A_919, %add3A_2079 : i32
      %swap3A_2081 = arith.constant 12 : i32
      %swap3A_2082 = arith.index_cast %swap3A_2081 : i32 to index
      %swap3A_2083 = arith.index_cast %add3A_2080 : i32 to index
      %swap3A_2084 = tpu.vector_load %arg7[%swap3A_2082, %swap3A_2083] {strides = array<i32>} : memref<16x5248xf32, #tpu.memory_space<vmem>>, vector<16xf32>,
      tpu.vector_store %arg7[%swap3A_2082, %swap3A_2083], %gather3A_1997 {strides = array<i32>} : memref<16x5248xf32, #tpu.memory_space<vmem>>, vector<16xf32>,
      %add3A_2085 = arith.constant 112 : i32
      %add3A_2086 = arith.addi %mul3A_919, %add3A_2085 : i32
      %swap3A_2087 = arith.constant 13 : i32
      %swap3A_2088 = arith.index_cast %swap3A_2087 : i32 to index
      %swap3A_2089 = arith.index_cast %add3A_2086 : i32 to index
      %swap3A_2090 = tpu.vector_load %arg7[%swap3A_2088, %swap3A_2089] {strides = array<i32>} : memref<16x5248xf32, #tpu.memory_space<vmem>>, vector<16xf32>,
      tpu.vector_store %arg7[%swap3A_2088, %swap3A_2089], %gather3A_2000 {strides = array<i32>} : memref<16x5248xf32, #tpu.memory_space<vmem>>, vector<16xf32>,
      %add3A_2091 = arith.constant 112 : i32
      %add3A_2092 = arith.addi %mul3A_919, %add3A_2091 : i32
      %swap3A_2093 = arith.constant 14 : i32
      %swap3A_2094 = arith.index_cast %swap3A_2093 : i32 to index
      %swap3A_2095 = arith.index_cast %add3A_2092 : i32 to index
      %swap3A_2096 = tpu.vector_load %arg7[%swap3A_2094, %swap3A_2095] {strides = array<i32>} : memref<16x5248xf32, #tpu.memory_space<vmem>>, vector<16xf32>,
      tpu.vector_store %arg7[%swap3A_2094, %swap3A_2095], %gather3A_2003 {strides = array<i32>} : memref<16x5248xf32, #tpu.memory_space<vmem>>, vector<16xf32>,
      %add3A_2097 = arith.constant 112 : i32
      %add3A_2098 = arith.addi %mul3A_919, %add3A_2097 : i32
      %swap3A_2099 = arith.constant 15 : i32
      %swap3A_2100 = arith.index_cast %swap3A_2099 : i32 to index
      %swap3A_2101 = arith.index_cast %add3A_2098 : i32 to index
      %swap3A_2102 = tpu.vector_load %arg7[%swap3A_2100, %swap3A_2101] {strides = array<i32>} : memref<16x5248xf32, #tpu.memory_space<vmem>>, vector<16xf32>,
      tpu.vector_store %arg7[%swap3A_2100, %swap3A_2101], %gather3A_2006 {strides = array<i32>} : memref<16x5248xf32, #tpu.memory_space<vmem>>, vector<16xf32>,
      %add3A_2103 = arith.addi %mul3A_2, %mul3A_919 : i32
      %dma_start3A = arith.constant 0 : i32
      %dma_start3A_2104 = tpu.memref_slice %arg7[%dma_start3A, %mul3A_919] : memref<16x5248xf32, #tpu.memory_space<vmem>> -> memref<16x128xf32, #tpu.memory_space<vmem>>
      %dma_start3A_2105 = arith.constant 0 : i32
      %dma_start3A_2106 = tpu.memref_slice %arg4[%dma_start3A_2105, %add3A_2103] : memref<16x160000xf32, #tpu.memory_space<hbm>> -> memref<16x128xf32, #tpu.memory_space<hbm>>
      %dma_start3A_2107 = arith.constant 0 : i32
      %dma_start3A_2108 = tpu.memref_slice %arg4[%dma_start3A_2107, %add3A_2103] : memref<16x160000xf32, #tpu.memory_space<hbm>> -> memref<16x128xf32, #tpu.memory_space<hbm>>
      %dma_start3A_2109 = arith.constant 0 : i32
      %dma_start3A_2110 = tpu.memref_slice %arg7[%dma_start3A_2109, %mul3A_919] : memref<16x5248xf32, #tpu.memory_space<vmem>> -> memref<16x128xf32, #tpu.memory_space<vmem>>
      tpu.enqueue_dma source(%dma_start3A_2110 : memref<16x128xf32, #tpu.memory_space<vmem>>) target(%dma_start3A_2108 : memref<16x128xf32, #tpu.memory_space<hbm>>) target_semaphore(%arg8 : memref<!tpu.dma_semaphore, #tpu.memory_space<semaphore_mem>>)
      %gt3A = arith.constant 0 : i32
      %gt3A_2111 = arith.cmpi sgt, %while3A_917, %gt3A : i32
      %convert_element_type3A_2112 = arith.extui %gt3A_2111 : i1 to i32
      %cond3A_2113 = arith.constant 0 : i32
      %cond3A_2114 = arith.cmpi ne, %convert_element_type3A_2112, %cond3A_2113 : i32
      scf.if %cond3A_2114 {
        %dma_wait3A_2115 = arith.constant 0 : i32
        %dma_wait3A_2116 = arith.constant 0 : i32
        %dma_wait3A_2117 = tpu.memref_slice %arg7[%dma_wait3A_2115, %dma_wait3A_2116] : memref<16x5248xf32, #tpu.memory_space<vmem>> -> memref<16x128xf32, #tpu.memory_space<vmem>>
        %dma_wait3A_2118 = arith.constant 0 : i32
        %dma_wait3A_2119 = tpu.memref_slice %arg4[%dma_wait3A_2118, %mul3A_2] : memref<16x160000xf32, #tpu.memory_space<hbm>> -> memref<16x128xf32, #tpu.memory_space<hbm>>
        %dma_wait3A_2120 = arith.constant 0 : i32
        %dma_wait3A_2121 = tpu.memref_slice %arg4[%dma_wait3A_2120, %mul3A_2] : memref<16x160000xf32, #tpu.memory_space<hbm>> -> memref<16x128xf32, #tpu.memory_space<hbm>>
        %dma_wait3A_2122 = arith.constant 0 : i32
        %dma_wait3A_2123 = arith.constant 0 : i32
        %dma_wait3A_2124 = tpu.memref_slice %arg7[%dma_wait3A_2122, %dma_wait3A_2123] : memref<16x5248xf32, #tpu.memory_space<vmem>> -> memref<16x128xf32, #tpu.memory_space<vmem>>
        tpu.wait_dma2 semaphore(%arg8 : memref<!tpu.dma_semaphore, #tpu.memory_space<semaphore_mem>>) src(%dma_wait3A_2124 : memref<16x128xf32, #tpu.memory_space<vmem>>) dst(%dma_wait3A_2121 : memref<16x128xf32, #tpu.memory_space<hbm>>)
      } else {
      }
    }
    %dma_wait3A = arith.constant 0 : i32
    %dma_wait3A_908 = arith.constant 0 : i32
    %dma_wait3A_909 = tpu.memref_slice %arg7[%dma_wait3A, %dma_wait3A_908] : memref<16x5248xf32, #tpu.memory_space<vmem>> -> memref<16x128xf32, #tpu.memory_space<vmem>>
    %dma_wait3A_910 = arith.constant 0 : i32
    %dma_wait3A_911 = tpu.memref_slice %arg4[%dma_wait3A_910, %mul3A_2] : memref<16x160000xf32, #tpu.memory_space<hbm>> -> memref<16x128xf32, #tpu.memory_space<hbm>>
    %dma_wait3A_912 = arith.constant 0 : i32
    %dma_wait3A_913 = tpu.memref_slice %arg4[%dma_wait3A_912, %mul3A_2] : memref<16x160000xf32, #tpu.memory_space<hbm>> -> memref<16x128xf32, #tpu.memory_space<hbm>>
    %dma_wait3A_914 = arith.constant 0 : i32
    %dma_wait3A_915 = arith.constant 0 : i32
    %dma_wait3A_916 = tpu.memref_slice %arg7[%dma_wait3A_914, %dma_wait3A_915] : memref<16x5248xf32, #tpu.memory_space<vmem>> -> memref<16x128xf32, #tpu.memory_space<vmem>>
    tpu.wait_dma2 semaphore(%arg8 : memref<!tpu.dma_semaphore, #tpu.memory_space<semaphore_mem>>) src(%dma_wait3A_916 : memref<16x128xf32, #tpu.memory_space<vmem>>) dst(%dma_wait3A_913 : memref<16x128xf32, #tpu.memory_space<hbm>>)
    return
  }
}

module attributes {stable_mosaic.version = 14 : i64} {
  func.func @_node_body(%arg0: i32, %arg1: memref<1x1x5000xi32, #tpu.memory_space<vmem>>, %arg2: memref<5000x256xf32, #tpu.memory_space<vmem>>, %arg3: memref<16x128xf32, #tpu.memory_space<vmem>>, %arg4: memref<384x256xf32, #tpu.memory_space<vmem>>, %arg5: memref<1x256xf32, #tpu.memory_space<vmem>>, %arg6: memref<5000x256xf32, #tpu.memory_space<vmem>>) attributes {dimension_semantics = [#tpu.dimension_semantics<arbitrary>], iteration_bounds = array<i64: 2>, scalar_prefetch = 0 : i64, scratch_operands = 0 : i64, tpu.core_type = #tpu.core_type<tc>, window_params = [{transform_indices = @transform_0, window_bounds = array<i64: 1, 1, 5000>}, {transform_indices = @transform_1, window_bounds = array<i64: 5000, 256>}, {pipeline_mode = #tpu.pipeline_mode<synchronous>, transform_indices = @transform_2, window_bounds = array<i64: 16, 128>}, {pipeline_mode = #tpu.pipeline_mode<synchronous>, transform_indices = @transform_3, window_bounds = array<i64: 384, 256>}, {pipeline_mode = #tpu.pipeline_mode<synchronous>, transform_indices = @transform_4, window_bounds = array<i64: 1, 256>}, {transform_indices = @transform_5, window_bounds = array<i64: 5000, 256>}]} {
    %get3A = arith.constant 0 : index
    %get3A_0 = arith.constant 0 : index
    %get3A_1 = vector.load %arg3[%get3A, %get3A_0] : memref<16x128xf32, #tpu.memory_space<vmem>>, vector<16x128xf32>
    %get3A_2 = arith.constant 0 : index
    %get3A_3 = arith.constant 0 : index
    %get3A_4 = vector.load %arg4[%get3A_2, %get3A_3] : memref<384x256xf32, #tpu.memory_space<vmem>>, vector<128x256xf32>
    %dot_general3A = arith.constant dense<0.000000e+00> : vector<16x256xf32>
    %dot_general3A_5 = tpu.matmul %get3A_1, %get3A_4, %dot_general3A {dimension_numbers = #tpu.dot_dimension_numbers<[1], [0], [0], [1], [0, 0, 1, 1], [], []>, transpose_lhs_hint = false} : vector<16x128xf32>, vector<128x256xf32>, vector<16x256xf32> -> vector<16x256xf32>
    %get3A_6 = arith.constant 0 : index
    %get3A_7 = arith.constant 0 : index
    %get3A_8 = vector.load %arg5[%get3A_6, %get3A_7] : memref<1x256xf32, #tpu.memory_space<vmem>>, vector<1x256xf32>
    %add3A = vector.broadcast %get3A_8 : vector<1x256xf32> to vector<16x256xf32>
    %add3A_9 = arith.addf %dot_general3A_5, %add3A : vector<16x256xf32>
    %get3A_10 = arith.constant 0 : index
    %get3A_11 = arith.constant 0 : index
    %get3A_12 = arith.constant 0 : index
    %get3A_13 = vector.load %arg1[%get3A_10, %get3A_11, %get3A_12] : memref<1x1x5000xi32, #tpu.memory_space<vmem>>, vector<1x1x5000xi32>
    %get3A_14 = vector.shape_cast %get3A_13 : vector<1x1x5000xi32> to vector<5000xi32>
    %broadcast_in_dim3A = vector.shape_cast %get3A_14 : vector<5000xi32> to vector<5000x1xi32>
    %iota3A = tpu.iota {dimensions = array<i32: 1>} : vector<5000x16xi32>
    %eq3A = vector.broadcast %broadcast_in_dim3A : vector<5000x1xi32> to vector<5000x16xi32>
    %eq3A_15 = arith.cmpi eq, %eq3A, %iota3A : vector<5000x16xi32>
    %convert_element_type3A = arith.extui %eq3A_15 : vector<5000x16xi1> to vector<5000x16xi32>
    %convert_element_type3A_16 = arith.sitofp %convert_element_type3A : vector<5000x16xi32> to vector<5000x16xf32>
    %get3A_17 = arith.constant 0 : index
    %get3A_18 = arith.constant 0 : index
    %get3A_19 = vector.load %arg2[%get3A_17, %get3A_18] : memref<5000x256xf32, #tpu.memory_space<vmem>>, vector<5000x256xf32>
    %get3A_20 = arith.constant 128 : index
    %get3A_21 = arith.constant 0 : index
    %get3A_22 = vector.load %arg4[%get3A_20, %get3A_21] : memref<384x256xf32, #tpu.memory_space<vmem>>, vector<256x256xf32>
    %dot_general3A_23 = arith.constant dense<0.000000e+00> : vector<5000x256xf32>
    %dot_general3A_24 = tpu.matmul %get3A_19, %get3A_22, %dot_general3A_23 {dimension_numbers = #tpu.dot_dimension_numbers<[1], [0], [0], [1], [0, 0, 1, 1], [], []>, transpose_lhs_hint = false} : vector<5000x256xf32>, vector<256x256xf32>, vector<5000x256xf32> -> vector<5000x256xf32>
    %dot_general3A_25 = arith.constant dense<0.000000e+00> : vector<5000x256xf32>
    %dot_general3A_26 = tpu.matmul %convert_element_type3A_16, %add3A_9, %dot_general3A_25 {dimension_numbers = #tpu.dot_dimension_numbers<[1], [0], [0], [1], [0, 0, 1, 1], [], []>, transpose_lhs_hint = false} : vector<5000x16xf32>, vector<16x256xf32>, vector<5000x256xf32> -> vector<5000x256xf32>
    %add3A_27 = arith.addf %dot_general3A_24, %dot_general3A_26 : vector<5000x256xf32>
    %swap3A = arith.constant 0 : index
    %swap3A_28 = arith.constant 0 : index
    %swap3A_29 = vector.load %arg6[%swap3A, %swap3A_28] : memref<5000x256xf32, #tpu.memory_space<vmem>>, vector<5000x256xf32>
    tpu.vector_store %arg6[%swap3A, %swap3A_28], %add3A_27 {strides = array<i32>} : memref<5000x256xf32, #tpu.memory_space<vmem>>, vector<5000x256xf32>,
    return
  }
  func.func @transform_0(%arg0: i32) -> (i32, i32, i32) {
    %c0_i32 = arith.constant 0 : i32
    %c0_i32_0 = arith.constant 0 : i32
    %c0_i32_1 = arith.constant 0 : i32
    return %arg0, %c0_i32, %c0_i32_0 : i32, i32, i32
  }
  func.func @transform_1(%arg0: i32) -> (i32, i32) {
    %c0_i32 = arith.constant 0 : i32
    %c0_i32_0 = arith.constant 0 : i32
    return %arg0, %c0_i32 : i32, i32
  }
  func.func @transform_2(%arg0: i32) -> (i32, i32) {
    %c0_i32 = arith.constant 0 : i32
    %c0_i32_0 = arith.constant 0 : i32
    %c0_i32_1 = arith.constant 0 : i32
    return %c0_i32, %c0_i32_0 : i32, i32
  }
  func.func @transform_3(%arg0: i32) -> (i32, i32) {
    %c0_i32 = arith.constant 0 : i32
    %c0_i32_0 = arith.constant 0 : i32
    %c0_i32_1 = arith.constant 0 : i32
    return %c0_i32, %c0_i32_0 : i32, i32
  }
  func.func @transform_4(%arg0: i32) -> (i32, i32) {
    %c0_i32 = arith.constant 0 : i32
    %c0_i32_0 = arith.constant 0 : i32
    %c0_i32_1 = arith.constant 0 : i32
    return %c0_i32, %c0_i32_0 : i32, i32
  }
  func.func @transform_5(%arg0: i32) -> (i32, i32) {
    %c0_i32 = arith.constant 0 : i32
    %c0_i32_0 = arith.constant 0 : i32
    return %arg0, %c0_i32 : i32, i32
  }
}

</mosaic_0001>

<sc_bundles>
// kernel: kernel.4.cloned.1.call-start
scs
__scs_entry_jumppad:
0x0: {  	(pc) =	sbr.rel $0x88, $3  }
0x1: {  	(tag) =	ssettag $0x0;
	lr =	simm.s32 $0x1  }
0x2: {  	[smem:$0x3F9A] =	sst lr;
	_ =	strace $0xD0000000  }
0x3: {  	_ = 	snop  }
0x4: {  	_ = 	snop  }
0x5: {  	_ = 	snop  }
0x6: {  	_ = 	snop  }
0x7: {  	_ = 	snop  }
__scs_overlays_trampoline_lowered:
0x8: {  	[smem:$0x3FA9] =	sst s0  }
0x9: {  	[smem:$0x3FAA] =	sst s1  }
0xa: {  	[smem:$0x3FAB] =	sst s2  }
0xb: {  	[smem:$0x3FAC] =	sst s3  }
0xc: {  	[smem:$0x3FAD] =	sst s4  }
0xd: {  	[smem:$0x3FAE] =	sst s5  }
0xe: {  	[smem:$0x3FAF] =	sst s6  }
0xf: {  	[smem:$0x3FB0] =	sst s7  }
0x10: {  	[smem:$0x3FB1] =	sst s8  }
0x11: {  	[smem:$0x3FB2] =	sst s9;
	s0 =	simm.s32 @!p0 $0x0  }
0x12: {  	s1 =	sld [smem:$0x3F98];
	s0 =	simm.s32 @p0 $0x1  }
0x13: {  	[smem:$0x3FB3] =	sst s0;
	s0 =	simm.s32 @!p1 $0x0  }
0x14: {  	s2 =	sld [smem:$0x3F97];
	s0 =	simm.s32 @p1 $0x1  }
0x15: {  	[smem:$0x3FB4] =	sst s0;
	s0 =	simm.s32 @!p2 $0x0  }
0x16: {  	s3 =	sld [smem:$0x3FDB];
	s0 =	simm.s32 @p2 $0x1  }
0x17: {  	s4 =	simm.s32 $0x1BF5;
	[smem:$0x3FB6] =	sst s0  }
0x18: {  	s0 =	sld [smem:$0x3F99];
	_ =	swait.ge [sflag:s4], $0x0  }
0x19: {  	s7 =	sld [smem:$0x3F9A]  }
0x1a: {  	s8 =	sadd.s32 $0xFFFFE003, lr  }
0x1b: {  	s9 =	sadd.s32 $0xFFFFFEF7, lr;
	s5 =	simm.s32 $0xFFFFFFFF;
	p2 =	slt.u32 s8, $0xFFFFF086  }
0x1c: {  	p1 =	slt.u32 s9, $0xF7A;
	s5 =	simm.s32 @!p2 $0x0  }
0x1d: {  	s5 =	simm.s32 @p1 $0x1;
	p0 =	seq.s32 s7, s2  }
0x1e: {  	s7 =	smul.u32 @!p0 $0xF7A, s2;
	p2 =	seq.s32 @!p0 s5, $0x0  }
0x1f: {  	s9 =	smul.u32 $0xF7A, s1;
	s8 =	simm.s32 @!p0 $0x1BF5;
	p2 =	por !p2, p0  }
0x20: {  	[sflag:s8] =	ssyncset.s32 @!p0 $0xFFFFF086;
	s6 =	sadd.s32 @!p0 s3, s7;
	s7 =	simm.s32 @!p0 $0x108  }
0x21: {  	s3 =	sadd.s32 s3, s9;
	s6 =	sadd.s32 @!p0 $0x88, s6;
	s7 =	simm.s32 @p2 $0x1082  }
0x22: {  	[simem:s7], [sflag:s8] =	dma.local @!p0 [hbm:s6], $0xF7A  }
0x23: {  	s9 =	sor.u32 $0xD0000000, s2;
	s6 =	simm.s32 $0x108;
	_ =	swait.ge @!p0 [sflag:s8], $0x0  }
0x24: {  	s3 =	sadd.s32 $0x88, s3;
	s6 =	simm.s32 @!p1 $0x1082;
	[sflag:s4] =	ssyncset.s32 $0xFFFFF086  }
0x25: {  	[simem:s6], [sflag:s4] =	dma.local [hbm:s3], $0xF7A  }
0x26: {  	[smem:$0x3F9A] =	sst s1;
	(tag) =	ssettag s2;
	_ =	strace s9  }
0x27: {  	s1 =	sld [smem:$0x3FAA]  }
0x28: {  	s2 =	sld [smem:$0x3FAB]  }
0x29: {  	s4 =	sld [smem:$0x3FAD]  }
0x2a: {  	p0 =	seq.s32 s5, $0x0;
	s5 =	sld [smem:$0x3FAE]  }
0x2b: {  	s6 =	sld [smem:$0x3FAF]  }
0x2c: {  	s7 =	sld [smem:$0x3FB0]  }
0x2d: {  	s3 =	simm.s32 $0x108;
	s8 =	sld [smem:$0x3FB1]  }
0x2e: {  	s3 =	simm.s32 @!p0 $0x1082;
	s9 =	sld [smem:$0x3FB2]  }
0x2f: {  	lr =	sadd.s32 s0, s3;
	s0 =	sld [smem:$0x3FA9]  }
0x30: {  	s3 =	sld [smem:$0x3FAC]  }
0x31: {  	[smem:$0x3FB5] =	sst s10  }
0x32: {  	s10 =	sld [smem:$0x3FB3];
	_ =	sdelay $0x3  }
0x33: {  	p0 =	seq.s32 s10, $0x1;
	s10 =	sld [smem:$0x3FB5];
	_ =	sdelay $0x3  }
0x34: {  	[smem:$0x3FB5] =	sst s10  }
0x35: {  	s10 =	sld [smem:$0x3FB4];
	_ =	sdelay $0x3  }
0x36: {  	p1 =	seq.s32 s10, $0x1;
	s10 =	sld [smem:$0x3FB5];
	_ =	sdelay $0x3  }
0x37: {  	[smem:$0x3FB5] =	sst s10  }
0x38: {  	s10 =	sld [smem:$0x3FB6]  }
0x39: {  	_ = 	snop;
	(pc) =	sbr.ind lr, $3  }
0x3a: {  	_ = 	snop  }
0x3b: {  	_ = 	snop  }
0x3c: {  	p2 =	seq.s32 s10, $0x1;
	s10 =	sld [smem:$0x3FB5]  }
0x3d: {  	_ =	shalt  }
0x3e: {  	_ =	shalt  }
0x3f: {  	_ =	shalt  }
0x40: {  	_ =	shalt  }
0x41: {  	_ =	shalt  }
0x42: {  	_ =	shalt  }
0x43: {  	_ =	shalt  }
0x44: {  	_ =	shalt  }
0x45: {  	_ =	shalt  }
0x46: {  	_ =	shalt  }
0x47: {  	_ =	shalt  }
0x48: {  	_ =	shalt  }
0x49: {  	_ =	shalt  }
0x4a: {  	_ =	shalt  }
0x4b: {  	_ =	shalt  }
0x4c: {  	_ =	shalt  }
0x4d: {  	_ =	shalt  }
0x4e: {  	_ =	shalt  }
0x4f: {  	_ =	shalt  }
0x50: {  	_ =	shalt  }
0x51: {  	_ =	shalt  }
0x52: {  	_ =	shalt  }
0x53: {  	_ =	shalt  }
0x54: {  	_ =	shalt  }
0x55: {  	_ =	shalt  }
0x56: {  	_ =	shalt  }
0x57: {  	_ =	shalt  }
0x58: {  	_ =	shalt  }
0x59: {  	_ =	shalt  }
0x5a: {  	_ =	shalt  }
0x5b: {  	_ =	shalt  }
0x5c: {  	_ =	shalt  }
0x5d: {  	_ =	shalt  }
0x5e: {  	_ =	shalt  }
0x5f: {  	_ =	shalt  }
0x60: {  	_ =	shalt  }
0x61: {  	_ =	shalt  }
0x62: {  	_ =	shalt  }
0x63: {  	_ =	shalt  }
0x64: {  	_ =	shalt  }
0x65: {  	_ =	shalt  }
0x66: {  	_ =	shalt  }
0x67: {  	_ =	shalt  }
0x68: {  	_ =	shalt  }
0x69: {  	_ =	shalt  }
0x6a: {  	_ =	shalt  }
0x6b: {  	_ =	shalt  }
0x6c: {  	_ =	shalt  }
0x6d: {  	_ =	shalt  }
0x6e: {  	_ =	shalt  }
0x6f: {  	_ =	shalt  }
0x70: {  	_ =	shalt  }
0x71: {  	_ =	shalt  }
0x72: {  	_ =	shalt  }
0x73: {  	_ =	shalt  }
0x74: {  	_ =	shalt  }
0x75: {  	_ =	shalt  }
0x76: {  	_ =	shalt  }
0x77: {  	_ =	shalt  }
0x78: {  	_ =	shalt  }
0x79: {  	_ =	shalt  }
0x7a: {  	_ =	shalt  }
0x7b: {  	_ =	shalt  }
0x7c: {  	_ =	shalt  }
0x7d: {  	_ =	shalt  }
0x7e: {  	_ =	shalt  }
0x7f: {  	_ =	shalt  }
0x80: {  	_ =	shalt  }
0x81: {  	_ =	shalt  }
0x82: {  	_ =	shalt  }
0x83: {  	_ =	shalt  }
0x84: {  	_ =	shalt  }
0x85: {  	_ =	shalt  }
0x86: {  	_ =	shalt  }
0x87: {  	_ =	shalt  }
.Lfunc_end0:
.L_simem_size_0:
called_computation_lowered:
.L_overlay_start_0:
0x88: {  	s2 =	sld [smem:$0x3FD9]  }
0x89: {  	s3 =	sld [smem:$0x3FFE];
	_ =	sdelay $0x1  }
0x8a: {  	s1 =	srdreg.scid  }
0x8b: {  	s0 =	sand.u32 $0x1, s1  }
0x8c: {  	s15 =	sshll.u32 s0, $0xA;
	s2 =	sadd.s32 s3, s2  }
0x8d: {  	s2 =	sadd.s32 s2, s15  }
0x8e: {  	[smem:$0x3FC1] =	sst s2  }
0x8f: {  	_ = 	snop  }
0x90: {  	s2 =	sld [smem:$0x3FD0];
	_ =	sdelay $0x1  }
0x91: {  	s16 =	sld [smem:$0x3FC7]  }
0x92: {  	s5 =	simm.s32 $0xA;
	s6 =	simm.s32 $0x10;
	s4 =	sld [smem:$0x3FC5]  }
0x93: {  	[smem:s6], [sflag:s5] =	dma.local [hbm:s2], $0x1  }
0x94: {  	_ =	swait.eq [sflag:s5], $0x1  }
0x95: {  	[sflag:s5] =	ssyncset.done $0x0  }
0x96: {  	[sflag:s5] =	ssyncadd.s32 $0xFFFFFFFF  }
0x97: {  	s17 =	sld [smem:$0x11];
	(tm) =	ssettm $0x1  }
0x98: {  	s18 =	sld [smem:$0x3FFB];
	_ =	sdelay $0x3  }
0x99: {  	_ =	strace s18  }
0x9a: {  	s5 =	sld [smem:$0x3FFC];
	_ =	sdelay $0x3  }
0x9b: {  	_ =	strace s5  }
0x9c: {  	s5 =	sld [smem:$0x3FFD];
	_ =	sdelay $0x3  }
0x9d: {  	_ =	strace s5  }
0x9e: {  	_ =	strace $0x8FFFFFFF  }
0x9f: {  	s19 =	sld [smem:$0x3FDB];
	_ =	sdelay $0x1  }
0xa0: {  	s20 =	simm.s32 $_scs_section_size  }
0xa1: {  	s7 =	simm.s32 $_size__tile_overlayer_lowered;
	s8 =	simm.s32 $_tile_overlayer_lowered  }
0xa2: {  	s23 =	simm.s32 $0x1BFF;
	s22 =	sshll.u32 s8, $0x1;
	s5 =	sadd.s32 s20, s19  }
0xa3: {  	s9 =	simm.s32 $0x0;
	s21 =	sshll.u32 s7, $0x1;
	s7 =	sadd.s32 s22, s5  }
0xa4: {  	[timem:s9], [sflag:s23] =	dma.local [hbm:s7], s21  }
0xa5: {  	_ =	swait.ge [sflag:s23], s21  }
0xa6: {  	s6 =	ssub.s32 $0x0, s21;
	[sflag:s23] =	ssyncset.done $0x0  }
0xa7: {  	[sflag:s23] =	ssyncadd.s32 s6;
	_ =	sdelay $0x1  }
0xa8: {  	s24 =	simm.s32 $0x1B8B  }
0xa9: {  	_ =	swait.ge [sflag:s24], $0x1  }
0xaa: {  	[sflag:s24] =	ssyncset.done $0x0  }
0xab: {  	s25 =	simm.s32 $0x1B8E;
	[sflag:s24] =	ssyncadd.s32 $0xFFFFFFFF  }
0xac: {  	s26 =	simm.s32 $execute0_lowered;
	[smem:$0x3FD2] =	sst s25  }
0xad: {  	s6 =	sshll.u32 s26, $0x1;
	_ =	strace $0x80000046;
	[dreg:$0x1] =	wrdreg $0xFFFFFFFF  }
0xae: {  	s28 =	simm.s32 $_size_execute0_lowered;
	s5 =	sadd.s32 s5, s6;
	[dreg:$0x0] =	wrdreg $0x0  }
0xaf: {  	s6 =	sshll.u32 s28, $0x1;
	[dreg:$0x2] =	wrdreg s5  }
0xb0: {  	[dreg:$0x3] =	wrdreg s6  }
0xb1: {  	[dreg:$0x4] =	wrdreg $0xC0  }
0xb2: {  	_ =	task [dreg:s9], $0x5FFFF  }
0xb3: {  	[dreg:$0x1] =	wrdreg $0xFFFFFFFF  }
0xb4: {  	[dreg:$0x0] =	wrdreg $0x60  }
0xb5: {  	[dreg:$0x2] =	wrdreg s4  }
0xb6: {  	[dreg:$0x3] =	wrdreg s16  }
0xb7: {  	[dreg:$0x4] =	wrdreg s17  }
0xb8: {  	[dreg:$0x5] =	wrdreg $0x9  }
0xb9: {  	_ =	task.clear_ibuf [dreg:s9], $0x6FFFF;
	_ =	strace $0x90000046  }
0xba: {  	s29 =	simm.s32 $0x9;
	_ =	strace $0x80000048  }
0xbb: {  	_ =	swait.ge [sflag:s29], $0x1  }
0xbc: {  	[sflag:s29] =	ssyncadd.s32 $0xFFFFFFFF  }
0xbd: {  	_ =	strace $0x90000048  }
0xbe: {  	_ =	sfence  }
0xbf: {  	s30 =	sld [smem:$0x0];
	_ =	sdelay $0x2  }
0xc0: {  	s31 =	sshll.u32 s1, $0xD;
	s1 =	sshrl.u32 s1, $0x2  }
0xc1: {  	s3 =	sand.u32 $0x4000, s31;
	s1 =	sadd.s32 s1, s30  }
0xc2: {  	s0 =	sor.u32 s3, s0;
	s1 =	sshll.u32 s1, $0x11  }
0xc3: {  	s0 =	sor.u32 s1, s0  }
0xc4: {  	s0 =	sadd.s32 $0x8F2B, s0  }
0xc5: {  	[sflag:s0] =	ssyncadd.remote.s32 $0x1  }
0xc6: {  	_ =	sfence.sel $0xFFFF  }
0xc7: {  	[dreg:$0x0] =	wrdreg $0xFFFFFFFF;
	(pc) =	sbr.abs _section_cstart, $3  }
0xc8: {  	[dreg:$0x1] =	wrdreg $0xFFFFFFFF  }
0xc9: {  	_ =	task.clear_ibuf [dreg:s9], $0x2FFFF;
	_ =	strace $0x9FFFFFFF  }
0xca: {  	(tm) =	ssettm $0x7FFFFFFF  }
0xcb: {  	_ =	shalt  }
tec
execute0_lowered:
.L_overlay_start_1:
0x0: {  	(tag) =	ssettag $0x1  }
0x1: {  	s1 =	rddreg [dreg:$0x0]  }
0x2: {  	s5 =	rddreg [dreg:$0x1];
	s2 =	srdreg.scid  }
0x3: {  	s0 =	stileid.u32;
	s7 =	rddreg [dreg:$0x2]  }
0x4: {  	s3 =	simm.s32 $0x0;
	v0 =	vimm.s32 $0x0;
	vm0 =	vcmask $0x320;
	s6 =	sand.u32 $0x1, s2;
	s2 =	rddreg [dreg:$0x3]  }
0x5: {  	vm1 =	vcmask $0x720;
	vm2 =	vcmask $0xB20;
	vm3 =	vcmask $0xF20;
	s4 =	sshll.u32 s0, $0x1;
	[smem:$0x7FF] =	sst s3;
	s11 =	smul.u32 $0x2700, s0  }
0x6: {  	vm4 =	vcmask $0x1320;
	vm5 =	vcmask $0x1720;
	vm6 =	vcmask $0x1B20;
	s8 =	sor.u32 s6, s4;
	s9 =	ssub.s32 $0x2, s6;
	s31 =	smul.u32 $0x1380, s6  }
0x7: {  	v1 =	vimm.s32 $0x1;
	v2 =	vimm.s32 $0x2;
	v3 =	vimm.s32 $0x3;
	_ =	strace $0x80000047;
	s4 =	smul.u32 $0x1380, s8;
	s10 =	sshrl.u32 s9, $0x1  }
0x8: {  	v4 =	vimm.s32 $0x4;
	v5 =	vimm.s32 $0x5;
	v6 =	vimm.s32 $0x6;
	s7 =	sadd.s32 s11, s7;
	p0 =	sne.s32 s8, $0x1F;
	s8 =	simm.s32 $0x2  }
0x9: {  	v7 =	vimm.s32 $0x7;
	v8 =	vimm.s32 $0x8;
	v9 =	vimm.s32 $0x9;
	s11 =	simm.s32 $0x0;
	s9 =	ssub.s32 s9, s10;
	s7 =	sadd.s32 s31, s7  }
0xa: {  	v10 =	vimm.s32 $0xA;
	v11 =	vimm.s32 $0xB;
	v12 =	vimm.s32 $0xC;
	s10 =	simm.s32 $0x1;
	s4 =	sshrl.u32 s4, $0x3;
	s6 =	smax.u32 s9, $0x1  }
0xb: {  	v13 =	vimm.s32 $0xD;
	v14 =	vimm.s32 $0xE;
	v15 =	vimm.s32 $0xF;
	s9 =	simm.s32 $0x400;
	s4 =	sadd.s32 s5, s4;
	s5 =	sadd.s32 $0x4E00, s5  }
.LBB2_1:
0xc: {  	[tilespmem:s3], [sflag:$0x2] =	stream.linear.gather [hbm4b:s1+s3], $0x400, $0x38;
	[tilespmem:$0x16080] =	vst v63  }
0xd: {  	_ =	swait.ge [sflag:s8], $0x400  }
0xe: {  	[sflag:s8] =	ssyncset.done $0x0  }
0xf: {  	[sflag:s8] =	ssyncadd.s32 $0xFFFFFC00  }
0x10: {  	[tilespmem:s9], [sflag:$0x2] =	stream.linear.gather [hbm4b:s4+s3], $0x1380, $0x38;
	[tilespmem:$0x16080] =	vst v63  }
0x11: {  	_ =	swait.ge [sflag:s8], $0x1380  }
0x12: {  	[sflag:s8] =	ssyncset.done $0x0  }
0x13: {  	s12 =	simm.s32 @!p0 $0x0;
	s13 =	simm.s32 @!p0 $0x1780;
	[sflag:s8] =	ssyncadd.s32 $0xFFFFEC80  }
0x14: {  	[tilespmem:s13], [sflag:$0x2] =	stream.linear.gather @!p0 [hbm4b:s5+s12], $0x100, $0x38;
	[tilespmem:$0x16080] =	vst v63  }
0x15: {  	s12 =	simm.s32 @!p0 $0x2  }
0x16: {  	_ =	swait.ge @!p0 [sflag:s12], $0x100  }
0x17: {  	[sflag:s12] =	ssyncset.done @!p0 $0x0  }
0x18: {  	[sflag:s12] =	ssyncadd.s32 @!p0 $0xFFFFFF00  }
0x19: {  	v35 =	vld [tilespmem:$0x0]  }
0x1a: {  	v36 =	vld [tilespmem:$0x80]  }
0x1b: {  	v34 =	vld [tilespmem:$0x100]  }
0x1c: {  	v29 =	vld [tilespmem:$0x300];
	_ =	sdelay $0x2  }
0x1d: {  	v16 =	vperm.xlane v35, v0  }
0x1e: {  	v17 =	vperm.xlane v36, v0;
	v18 =	vperm.xlane v34, v0  }
0x1f: {  	v19 =	vperm.xlane v29, v0;
	v20 =	vperm.xlane v36, v1  }
0x20: {  	v31 =	vld [tilespmem:$0x380];
	v21 =	vperm.xlane v29, v1;
	v22 =	vperm.xlane v36, v2  }
0x21: {  	v23 =	vperm.xlane v36, v3;
	v24 =	vperm.xlane v36, v4  }
0x22: {  	v33 =	vld [tilespmem:$0x180];
	v25 =	vperm.xlane v36, v5;
	v26 =	vperm.xlane v36, v6  }
0x23: {  	v27 =	vperm.xlane v36, v7;
	v28 =	vperm.xlane v36, v8  }
0x24: {  	v30 =	vld [tilespmem:$0x280];
	v37 =	vperm.xlane v36, v9;
	v55 =	vperm.xlane v29, v9  }
0x25: {  	v32 =	vld [tilespmem:$0x200];
	v38 =	vperm.xlane v36, v10;
	v56 =	vperm.xlane v31, v9  }
0x26: {  	v57 =	vperm.xlane v29, v10;
	v39 =	vperm.xlane v36, v11  }
0x27: {  	v58 =	vperm.xlane v33, v11;
	v59 =	vperm.xlane v31, v10  }
0x28: {  	v60 =	vperm.xlane v35, v12;
	v61 =	vperm.xlane v36, v12  }
0x29: {  	v62 =	vperm.xlane v30, v11;
	v63 =	vperm.xlane v33, v12  }
0x2a: {  	v40 =	vperm.xlane v29, v11;
	v43 =	vperm.xlane v32, v12  }
0x2b: {  	v44 =	vperm.xlane v30, v12;
	v16 =	vsel vm0, v16, v17;
	v17 =	vperm.xlane v33, v0  }
0x2c: {  	v45 =	vperm.xlane v29, v12;
	v16 =	vsel vm1, v16, v18;
	v18 =	vperm.xlane v32, v0  }
0x2d: {  	v46 =	vperm.xlane v31, v11;
	v16 =	vsel vm2, v16, v17;
	v17 =	vperm.xlane v30, v0  }
0x2e: {  	v47 =	vperm.xlane v31, v12;
	v16 =	vsel vm3, v16, v18;
	v18 =	vperm.xlane v35, v1  }
0x2f: {  	v48 =	vperm.xlane v35, v13;
	v16 =	vsel vm4, v16, v17;
	v17 =	vperm.xlane v34, v1  }
0x30: {  	v16 =	vsel vm5, v16, v19;
	v18 =	vsel vm0, v18, v20;
	v19 =	vperm.xlane v33, v1  }
0x31: {  	v49 =	vperm.xlane v36, v13;
	v17 =	vsel vm1, v18, v17;
	v18 =	vperm.xlane v32, v1  }
0x32: {  	v50 =	vperm.xlane v34, v13;
	v17 =	vsel vm2, v17, v19;
	v19 =	vperm.xlane v30, v1  }
0x33: {  	v20 =	vperm.xlane v31, v0;
	v17 =	vsel vm3, v17, v18;
	v18 =	vperm.xlane v35, v2  }
0x34: {  	v51 =	vperm.xlane v33, v13;
	v17 =	vsel vm4, v17, v19;
	v19 =	vperm.xlane v34, v2  }
0x35: {  	v16 =	vsel vm6, v16, v20;
	v20 =	vperm.xlane v33, v2;
	v18 =	vsel vm0, v18, v22  }
0x36: {  	v52 =	vperm.xlane v32, v13;
	v18 =	vsel vm1, v18, v19;
	v19 =	vperm.xlane v32, v2  }
0x37: {  	v17 =	vsel vm5, v17, v21;
	v18 =	vsel vm2, v18, v20;
	v20 =	vperm.xlane v30, v2  }
0x38: {  	v21 =	vperm.xlane v31, v1;
	v18 =	vsel vm3, v18, v19;
	v19 =	vperm.xlane v35, v3  }
0x39: {  	v22 =	vperm.xlane v29, v2;
	v18 =	vsel vm4, v18, v20;
	v20 =	vperm.xlane v34, v3  }
0x3a: {  	v17 =	vsel vm6, v17, v21;
	v21 =	vperm.xlane v33, v3;
	v19 =	vsel vm0, v19, v23  }
0x3b: {  	v53 =	vperm.xlane v35, v14;
	v19 =	vsel vm1, v19, v20;
	v20 =	vperm.xlane v32, v3  }
0x3c: {  	v18 =	vsel vm5, v18, v22;
	v19 =	vsel vm2, v19, v21;
	v21 =	vperm.xlane v30, v3  }
0x3d: {  	v22 =	vperm.xlane v31, v2;
	v19 =	vsel vm3, v19, v20;
	v20 =	vperm.xlane v35, v4  }
0x3e: {  	v23 =	vperm.xlane v29, v3;
	v19 =	vsel vm4, v19, v21;
	v21 =	vperm.xlane v34, v4  }
0x3f: {  	v18 =	vsel vm6, v18, v22;
	v22 =	vperm.xlane v33, v4;
	v20 =	vsel vm0, v20, v24  }
0x40: {  	v41 =	vperm.xlane v36, v14;
	v20 =	vsel vm1, v20, v21;
	v21 =	vperm.xlane v32, v4  }
0x41: {  	v19 =	vsel vm5, v19, v23;
	v20 =	vsel vm2, v20, v22;
	v22 =	vperm.xlane v30, v4  }
0x42: {  	v23 =	vperm.xlane v31, v3;
	v20 =	vsel vm3, v20, v21;
	v21 =	vperm.xlane v35, v5  }
0x43: {  	v24 =	vperm.xlane v29, v4;
	v20 =	vsel vm4, v20, v22;
	v22 =	vperm.xlane v34, v5  }
0x44: {  	v19 =	vsel vm6, v19, v23;
	v23 =	vperm.xlane v33, v5;
	v21 =	vsel vm0, v21, v25  }
0x45: {  	v54 =	vperm.xlane v30, v13;
	v21 =	vsel vm1, v21, v22;
	v22 =	vperm.xlane v32, v5  }
0x46: {  	v20 =	vsel vm5, v20, v24;
	v21 =	vsel vm2, v21, v23;
	v23 =	vperm.xlane v30, v5  }
0x47: {  	v24 =	vperm.xlane v31, v4;
	v21 =	vsel vm3, v21, v22;
	v22 =	vperm.xlane v35, v6  }
0x48: {  	v25 =	vperm.xlane v29, v5;
	v21 =	vsel vm4, v21, v23;
	v23 =	vperm.xlane v34, v6  }
0x49: {  	v20 =	vsel vm6, v20, v24;
	v24 =	vperm.xlane v33, v6;
	v22 =	vsel vm0, v22, v26  }
0x4a: {  	v42 =	vperm.xlane v34, v14;
	v22 =	vsel vm1, v22, v23;
	v23 =	vperm.xlane v32, v6  }
0x4b: {  	v21 =	vsel vm5, v21, v25;
	v22 =	vsel vm2, v22, v24;
	v24 =	vperm.xlane v30, v6  }
0x4c: {  	v25 =	vperm.xlane v31, v5;
	v22 =	vsel vm3, v22, v23;
	v23 =	vperm.xlane v35, v7  }
0x4d: {  	v26 =	vperm.xlane v29, v6;
	v22 =	vsel vm4, v22, v24;
	v24 =	vperm.xlane v34, v7  }
0x4e: {  	v21 =	vsel vm6, v21, v25;
	v25 =	vperm.xlane v33, v7;
	v23 =	vsel vm0, v23, v27  }
0x4f: {  	v36 =	vperm.xlane v36, v15;
	v23 =	vsel vm1, v23, v24;
	v24 =	vperm.xlane v32, v7  }
0x50: {  	v22 =	vsel vm5, v22, v26;
	v23 =	vsel vm2, v23, v25;
	v25 =	vperm.xlane v30, v7  }
0x51: {  	v26 =	vperm.xlane v31, v6;
	v23 =	vsel vm3, v23, v24;
	v24 =	vperm.xlane v35, v8  }
0x52: {  	v27 =	vperm.xlane v29, v7;
	v23 =	vsel vm4, v23, v25;
	v25 =	vperm.xlane v34, v8  }
0x53: {  	v22 =	vsel vm6, v22, v26;
	v26 =	vperm.xlane v33, v8;
	v24 =	vsel vm0, v24, v28  }
0x54: {  	v23 =	vsel vm5, v23, v27;
	v24 =	vsel vm1, v24, v25;
	v25 =	vperm.xlane v32, v8  }
0x55: {  	v27 =	vperm.xlane v31, v7;
	v24 =	vsel vm2, v24, v26;
	v26 =	vperm.xlane v30, v8  }
0x56: {  	v28 =	vperm.xlane v29, v8;
	v24 =	vsel vm3, v24, v25;
	v25 =	vperm.xlane v35, v9  }
0x57: {  	v23 =	vsel vm6, v23, v27;
	v24 =	vsel vm4, v24, v26;
	v26 =	vperm.xlane v34, v9  }
0x58: {  	v27 =	vperm.xlane v33, v9;
	v24 =	vsel vm5, v24, v28;
	v25 =	vsel vm0, v25, v37  }
0x59: {  	v28 =	vperm.xlane v31, v8;
	v25 =	vsel vm1, v25, v26;
	v26 =	vperm.xlane v32, v9  }
0x5a: {  	v37 =	vsel vm0, v60, v61;
	v25 =	vsel vm2, v25, v27;
	v27 =	vperm.xlane v30, v9  }
0x5b: {  	v60 =	vperm.xlane v29, v14;
	v61 =	vperm.xlane v31, v14;
	v25 =	vsel vm3, v25, v26  }
0x5c: {  	v24 =	vsel vm6, v24, v28;
	v26 =	vperm.xlane v35, v10;
	v25 =	vsel vm4, v25, v27  }
0x5d: {  	v28 =	vperm.xlane v33, v10;
	v27 =	vperm.xlane v34, v10;
	v25 =	vsel vm5, v25, v55  }
0x5e: {  	v26 =	vsel vm0, v26, v38;
	v38 =	vsel vm0, v53, v41;
	v55 =	vperm.xlane v33, v14  }
0x5f: {  	v33 =	vperm.xlane v33, v15;
	v26 =	vsel vm1, v26, v27;
	v27 =	vperm.xlane v32, v10  }
0x60: {  	v25 =	vsel vm6, v25, v56;
	v38 =	vsel vm1, v38, v42;
	v56 =	vperm.xlane v32, v14  }
0x61: {  	v26 =	vsel vm2, v26, v28;
	v28 =	vperm.xlane v30, v10;
	v38 =	vsel vm2, v38, v55  }
0x62: {  	v26 =	vsel vm3, v26, v27;
	v27 =	vperm.xlane v35, v11;
	v35 =	vperm.xlane v35, v15  }
0x63: {  	v38 =	vsel vm3, v38, v56;
	v26 =	vsel vm4, v26, v28;
	v28 =	vperm.xlane v34, v11  }
0x64: {  	v26 =	vsel vm5, v26, v57;
	v27 =	vsel vm0, v27, v39;
	v57 =	vperm.xlane v29, v13  }
0x65: {  	v35 =	vsel vm0, v35, v36;
	v29 =	vperm.xlane v29, v15;
	v27 =	vsel vm1, v27, v28  }
0x66: {  	v28 =	vperm.xlane v32, v11;
	v26 =	vsel vm6, v26, v59;
	v59 =	vperm.xlane v31, v13  }
0x67: {  	v32 =	vperm.xlane v32, v15;
	v31 =	vperm.xlane v31, v15;
	v27 =	vsel vm2, v27, v58  }
0x68: {  	v58 =	vperm.xlane v30, v14;
	v27 =	vsel vm3, v27, v28;
	v28 =	vperm.xlane v34, v12  }
0x69: {  	v30 =	vperm.xlane v30, v15;
	v34 =	vperm.xlane v34, v15;
	v27 =	vsel vm4, v27, v62  }
0x6a: {  	v36 =	vsel vm4, v38, v58;
	v28 =	vsel vm1, v37, v28;
	v27 =	vsel vm5, v27, v40  }
0x6b: {  	v37 =	vsel vm0, v48, v49;
	v34 =	vsel vm1, v35, v34;
	v28 =	vsel vm2, v28, v63  }
0x6c: {  	v27 =	vsel vm6, v27, v46;
	v37 =	vsel vm1, v37, v50;
	v33 =	vsel vm2, v34, v33  }
0x6d: {  	v34 =	vsel vm5, v36, v60;
	v28 =	vsel vm3, v28, v43;
	v37 =	vsel vm2, v37, v51  }
0x6e: {  	v32 =	vsel vm3, v33, v32;
	v28 =	vsel vm4, v28, v44;
	v37 =	vsel vm3, v37, v52  }
0x6f: {  	s12 =	simm.s32 @!p0 $0x29;
	v30 =	vsel vm4, v32, v30;
	v28 =	vsel vm5, v28, v45;
	v37 =	vsel vm4, v37, v54  }
0x70: {  	s14 =	simm.s32 $0x0;
	s12 =	simm.s32 @p0 $0x27;
	v63 =	vsel vm5, v30, v29;
	v30 =	vsel vm6, v34, v61;
	v62 =	vsel vm5, v37, v57  }
0x71: {  	s15 =	smov.u32 s7;
	s13 =	simm.s32 $0x440;
	s12 =	sshll.u32 s12, $0xC;
	v28 =	vsel vm6, v28, v47;
	v31 =	vsel vm6, v63, v31;
	v29 =	vsel vm6, v62, v59  }
.LBB2_2:
0x72: {  	v32 =	vld [tilespmem:s13+$0xFFFFFFC0];
	_ =	sdelay $0x4  }
0x73: {  	v33 =	vperm.xlane v16, v32  }
0x74: {  	s16 =	sshra.s32 s14, $0x2;
	v34 =	vperm.xlane v17, v32  }
0x75: {  	v35 =	vperm.xlane v18, v32;
	[tilespmem:s16+$0x1880] =	vst v33  }
0x76: {  	v59 =	vperm.xlane v19, v32;
	[tilespmem:s16+$0x1900] =	vst v34  }
0x77: {  	v60 =	vperm.xlane v20, v32;
	[tilespmem:s16+$0x1980] =	vst v35  }
0x78: {  	v61 =	vperm.xlane v21, v32;
	[tilespmem:s16+$0x1A00] =	vst v59  }
0x79: {  	v62 =	vperm.xlane v22, v32;
	[tilespmem:s16+$0x1A80] =	vst v60  }
0x7a: {  	v63 =	vperm.xlane v23, v32;
	[tilespmem:s16+$0x1B00] =	vst v61  }
0x7b: {  	v36 =	vperm.xlane v24, v32;
	[tilespmem:s16+$0x1B80] =	vst v62  }
0x7c: {  	v37 =	vperm.xlane v25, v32;
	[tilespmem:s16+$0x1C00] =	vst v63  }
0x7d: {  	v38 =	vperm.xlane v26, v32;
	[tilespmem:s16+$0xBC80] =	vst v36  }
0x7e: {  	v39 =	vperm.xlane v27, v32;
	[tilespmem:s16+$0xBD00] =	vst v37  }
0x7f: {  	v40 =	vperm.xlane v28, v32;
	[tilespmem:s16+$0xBD80] =	vst v38  }
0x80: {  	v41 =	vperm.xlane v29, v32;
	[tilespmem:s16+$0xBE00] =	vst v39  }
0x81: {  	v42 =	vperm.xlane v30, v32;
	[tilespmem:s16+$0xBE80] =	vst v40  }
0x82: {  	v32 =	vperm.xlane v31, v32;
	[tilespmem:s16+$0xBF00] =	vst v41  }
0x83: {  	[tilespmem:s16+$0xBF80] =	vst v42  }
0x84: {  	[tilespmem:s16+$0xC000] =	vst v32  }
0x85: {  	v32 =	vld [tilespmem:s13+$0xFFFFFFD0];
	_ =	sdelay $0x4  }
0x86: {  	v43 =	vperm.xlane v16, v32  }
0x87: {  	v44 =	vperm.xlane v17, v32  }
0x88: {  	v45 =	vperm.xlane v18, v32;
	[tilespmem:s16+$0x1890] =	vst v43  }
0x89: {  	v46 =	vperm.xlane v19, v32;
	[tilespmem:s16+$0x1910] =	vst v44  }
0x8a: {  	v47 =	vperm.xlane v20, v32;
	[tilespmem:s16+$0x1990] =	vst v45  }
0x8b: {  	v48 =	vperm.xlane v21, v32;
	[tilespmem:s16+$0x1A10] =	vst v46  }
0x8c: {  	v49 =	vperm.xlane v22, v32;
	[tilespmem:s16+$0x1A90] =	vst v47  }
0x8d: {  	v50 =	vperm.xlane v23, v32;
	[tilespmem:s16+$0x1B10] =	vst v48  }
0x8e: {  	v51 =	vperm.xlane v24, v32;
	[tilespmem:s16+$0x1B90] =	vst v49  }
0x8f: {  	v52 =	vperm.xlane v25, v32;
	[tilespmem:s16+$0x1C10] =	vst v50  }
0x90: {  	v53 =	vperm.xlane v26, v32;
	[tilespmem:s16+$0xBC90] =	vst v51  }
0x91: {  	v54 =	vperm.xlane v27, v32;
	[tilespmem:s16+$0xBD10] =	vst v52  }
0x92: {  	v55 =	vperm.xlane v28, v32;
	[tilespmem:s16+$0xBD90] =	vst v53  }
0x93: {  	v56 =	vperm.xlane v29, v32;
	[tilespmem:s16+$0xBE10] =	vst v54  }
0x94: {  	v57 =	vperm.xlane v30, v32;
	[tilespmem:s16+$0xBE90] =	vst v55  }
0x95: {  	v32 =	vperm.xlane v31, v32;
	[tilespmem:s16+$0xBF10] =	vst v56  }
0x96: {  	[tilespmem:s16+$0xBF90] =	vst v57  }
0x97: {  	[tilespmem:s16+$0xC010] =	vst v32  }
0x98: {  	v32 =	vld [tilespmem:s13+$0xFFFFFFE0];
	_ =	sdelay $0x4  }
0x99: {  	v58 =	vperm.xlane v16, v32  }
0x9a: {  	v59 =	vperm.xlane v17, v32  }
0x9b: {  	v60 =	vperm.xlane v18, v32;
	[tilespmem:s16+$0x18A0] =	vst v58  }
0x9c: {  	v61 =	vperm.xlane v19, v32;
	[tilespmem:s16+$0x1920] =	vst v59  }
0x9d: {  	v62 =	vperm.xlane v20, v32;
	[tilespmem:s16+$0x19A0] =	vst v60  }
0x9e: {  	v63 =	vperm.xlane v21, v32;
	[tilespmem:s16+$0x1A20] =	vst v61  }
0x9f: {  	v36 =	vperm.xlane v22, v32;
	[tilespmem:s16+$0x1AA0] =	vst v62  }
0xa0: {  	v37 =	vperm.xlane v23, v32;
	[tilespmem:s16+$0x1B20] =	vst v63  }
0xa1: {  	v38 =	vperm.xlane v24, v32;
	[tilespmem:s16+$0x1BA0] =	vst v36  }
0xa2: {  	v39 =	vperm.xlane v25, v32;
	[tilespmem:s16+$0x1C20] =	vst v37  }
0xa3: {  	v40 =	vperm.xlane v26, v32;
	[tilespmem:s16+$0xBCA0] =	vst v38  }
0xa4: {  	v41 =	vperm.xlane v27, v32;
	[tilespmem:s16+$0xBD20] =	vst v39  }
0xa5: {  	v42 =	vperm.xlane v28, v32;
	[tilespmem:s16+$0xBDA0] =	vst v40  }
0xa6: {  	v43 =	vperm.xlane v29, v32;
	[tilespmem:s16+$0xBE20] =	vst v41  }
0xa7: {  	v44 =	vperm.xlane v30, v32;
	[tilespmem:s16+$0xBEA0] =	vst v42  }
0xa8: {  	v32 =	vperm.xlane v31, v32;
	[tilespmem:s16+$0xBF20] =	vst v43  }
0xa9: {  	[tilespmem:s16+$0xBFA0] =	vst v44  }
0xaa: {  	[tilespmem:s16+$0xC020] =	vst v32  }
0xab: {  	v32 =	vld [tilespmem:s13+$0xFFFFFFF0];
	_ =	sdelay $0x4  }
0xac: {  	v45 =	vperm.xlane v16, v32  }
0xad: {  	v46 =	vperm.xlane v17, v32  }
0xae: {  	v47 =	vperm.xlane v18, v32;
	[tilespmem:s16+$0x18B0] =	vst v45  }
0xaf: {  	v48 =	vperm.xlane v19, v32;
	[tilespmem:s16+$0x1930] =	vst v46  }
0xb0: {  	v49 =	vperm.xlane v20, v32;
	[tilespmem:s16+$0x19B0] =	vst v47  }
0xb1: {  	v50 =	vperm.xlane v21, v32;
	[tilespmem:s16+$0x1A30] =	vst v48  }
0xb2: {  	v51 =	vperm.xlane v22, v32;
	[tilespmem:s16+$0x1AB0] =	vst v49  }
0xb3: {  	v52 =	vperm.xlane v23, v32;
	[tilespmem:s16+$0x1B30] =	vst v50  }
0xb4: {  	v53 =	vperm.xlane v24, v32;
	[tilespmem:s16+$0x1BB0] =	vst v51  }
0xb5: {  	v54 =	vperm.xlane v25, v32;
	[tilespmem:s16+$0x1C30] =	vst v52  }
0xb6: {  	v55 =	vperm.xlane v26, v32;
	[tilespmem:s16+$0xBCB0] =	vst v53  }
0xb7: {  	v56 =	vperm.xlane v27, v32;
	[tilespmem:s16+$0xBD30] =	vst v54  }
0xb8: {  	v57 =	vperm.xlane v28, v32;
	[tilespmem:s16+$0xBDB0] =	vst v55  }
0xb9: {  	v58 =	vperm.xlane v29, v32;
	[tilespmem:s16+$0xBE30] =	vst v56  }
0xba: {  	v59 =	vperm.xlane v30, v32;
	[tilespmem:s16+$0xBEB0] =	vst v57  }
0xbb: {  	v32 =	vperm.xlane v31, v32;
	[tilespmem:s16+$0xBF30] =	vst v58  }
0xbc: {  	[tilespmem:s16+$0xBFB0] =	vst v59  }
0xbd: {  	[tilespmem:s16+$0xC030] =	vst v32  }
0xbe: {  	v32 =	vld [tilespmem:s13+$0x0];
	_ =	sdelay $0x4  }
0xbf: {  	v60 =	vperm.xlane v16, v32  }
0xc0: {  	v61 =	vperm.xlane v17, v32  }
0xc1: {  	v62 =	vperm.xlane v18, v32;
	[tilespmem:s16+$0x18C0] =	vst v60  }
0xc2: {  	v63 =	vperm.xlane v19, v32;
	[tilespmem:s16+$0x1940] =	vst v61  }
0xc3: {  	v36 =	vperm.xlane v20, v32;
	[tilespmem:s16+$0x19C0] =	vst v62  }
0xc4: {  	v37 =	vperm.xlane v21, v32;
	[tilespmem:s16+$0x1A40] =	vst v63  }
0xc5: {  	v38 =	vperm.xlane v22, v32;
	[tilespmem:s16+$0x1AC0] =	vst v36  }
0xc6: {  	v39 =	vperm.xlane v23, v32;
	[tilespmem:s16+$0x1B40] =	vst v37  }
0xc7: {  	v40 =	vperm.xlane v24, v32;
	[tilespmem:s16+$0x1BC0] =	vst v38  }
0xc8: {  	v41 =	vperm.xlane v25, v32;
	[tilespmem:s16+$0x1C40] =	vst v39  }
0xc9: {  	v42 =	vperm.xlane v26, v32;
	[tilespmem:s16+$0xBCC0] =	vst v40  }
0xca: {  	v43 =	vperm.xlane v27, v32;
	[tilespmem:s16+$0xBD40] =	vst v41  }
0xcb: {  	v44 =	vperm.xlane v28, v32;
	[tilespmem:s16+$0xBDC0] =	vst v42  }
0xcc: {  	v45 =	vperm.xlane v29, v32;
	[tilespmem:s16+$0xBE40] =	vst v43  }
0xcd: {  	v46 =	vperm.xlane v30, v32;
	[tilespmem:s16+$0xBEC0] =	vst v44  }
0xce: {  	v32 =	vperm.xlane v31, v32;
	[tilespmem:s16+$0xBF40] =	vst v45  }
0xcf: {  	[tilespmem:s16+$0xBFC0] =	vst v46  }
0xd0: {  	[tilespmem:s16+$0xC040] =	vst v32  }
0xd1: {  	v32 =	vld [tilespmem:s13+$0x10];
	_ =	sdelay $0x4  }
0xd2: {  	v47 =	vperm.xlane v16, v32  }
0xd3: {  	v48 =	vperm.xlane v17, v32  }
0xd4: {  	v49 =	vperm.xlane v18, v32;
	[tilespmem:s16+$0x18D0] =	vst v47  }
0xd5: {  	v50 =	vperm.xlane v19, v32;
	[tilespmem:s16+$0x1950] =	vst v48  }
0xd6: {  	v51 =	vperm.xlane v20, v32;
	[tilespmem:s16+$0x19D0] =	vst v49  }
0xd7: {  	v52 =	vperm.xlane v21, v32;
	[tilespmem:s16+$0x1A50] =	vst v50  }
0xd8: {  	v53 =	vperm.xlane v22, v32;
	[tilespmem:s16+$0x1AD0] =	vst v51  }
0xd9: {  	v54 =	vperm.xlane v23, v32;
	[tilespmem:s16+$0x1B50] =	vst v52  }
0xda: {  	v55 =	vperm.xlane v24, v32;
	[tilespmem:s16+$0x1BD0] =	vst v53  }
0xdb: {  	v56 =	vperm.xlane v25, v32;
	[tilespmem:s16+$0x1C50] =	vst v54  }
0xdc: {  	v57 =	vperm.xlane v26, v32;
	[tilespmem:s16+$0xBCD0] =	vst v55  }
0xdd: {  	v58 =	vperm.xlane v27, v32;
	[tilespmem:s16+$0xBD50] =	vst v56  }
0xde: {  	v59 =	vperm.xlane v28, v32;
	[tilespmem:s16+$0xBDD0] =	vst v57  }
0xdf: {  	v60 =	vperm.xlane v29, v32;
	[tilespmem:s16+$0xBE50] =	vst v58  }
0xe0: {  	v61 =	vperm.xlane v30, v32;
	[tilespmem:s16+$0xBED0] =	vst v59  }
0xe1: {  	v32 =	vperm.xlane v31, v32;
	[tilespmem:s16+$0xBF50] =	vst v60  }
0xe2: {  	[tilespmem:s16+$0xBFD0] =	vst v61  }
0xe3: {  	[tilespmem:s16+$0xC050] =	vst v32  }
0xe4: {  	v32 =	vld [tilespmem:s13+$0x20];
	_ =	sdelay $0x4  }
0xe5: {  	v62 =	vperm.xlane v16, v32  }
0xe6: {  	v63 =	vperm.xlane v17, v32  }
0xe7: {  	v36 =	vperm.xlane v18, v32;
	[tilespmem:s16+$0x18E0] =	vst v62  }
0xe8: {  	v37 =	vperm.xlane v19, v32;
	[tilespmem:s16+$0x1960] =	vst v63  }
0xe9: {  	v38 =	vperm.xlane v20, v32;
	[tilespmem:s16+$0x19E0] =	vst v36  }
0xea: {  	v39 =	vperm.xlane v21, v32;
	[tilespmem:s16+$0x1A60] =	vst v37  }
0xeb: {  	v40 =	vperm.xlane v22, v32;
	[tilespmem:s16+$0x1AE0] =	vst v38  }
0xec: {  	v41 =	vperm.xlane v23, v32;
	[tilespmem:s16+$0x1B60] =	vst v39  }
0xed: {  	v42 =	vperm.xlane v24, v32;
	[tilespmem:s16+$0x1BE0] =	vst v40  }
0xee: {  	v43 =	vperm.xlane v25, v32;
	[tilespmem:s16+$0x1C60] =	vst v41  }
0xef: {  	v44 =	vperm.xlane v26, v32;
	[tilespmem:s16+$0xBCE0] =	vst v42  }
0xf0: {  	v45 =	vperm.xlane v27, v32;
	[tilespmem:s16+$0xBD60] =	vst v43  }
0xf1: {  	v46 =	vperm.xlane v28, v32;
	[tilespmem:s16+$0xBDE0] =	vst v44  }
0xf2: {  	v47 =	vperm.xlane v29, v32;
	[tilespmem:s16+$0xBE60] =	vst v45  }
0xf3: {  	v48 =	vperm.xlane v30, v32;
	[tilespmem:s16+$0xBEE0] =	vst v46  }
0xf4: {  	v32 =	vperm.xlane v31, v32;
	[tilespmem:s16+$0xBF60] =	vst v47  }
0xf5: {  	[tilespmem:s16+$0xBFE0] =	vst v48  }
0xf6: {  	[tilespmem:s16+$0xC060] =	vst v32  }
0xf7: {  	v32 =	vld [tilespmem:s13+$0x30];
	_ =	sdelay $0x4  }
0xf8: {  	v49 =	vperm.xlane v16, v32  }
0xf9: {  	v50 =	vperm.xlane v17, v32  }
0xfa: {  	v51 =	vperm.xlane v18, v32;
	[tilespmem:s16+$0x18F0] =	vst v49  }
0xfb: {  	v52 =	vperm.xlane v19, v32;
	[tilespmem:s16+$0x1970] =	vst v50  }
0xfc: {  	v53 =	vperm.xlane v20, v32;
	[tilespmem:s16+$0x19F0] =	vst v51  }
0xfd: {  	v54 =	vperm.xlane v21, v32;
	[tilespmem:s16+$0x1A70] =	vst v52  }
0xfe: {  	v55 =	vperm.xlane v22, v32;
	[tilespmem:s16+$0x1AF0] =	vst v53  }
0xff: {  	v56 =	vperm.xlane v23, v32;
	[tilespmem:s16+$0x1B70] =	vst v54  }
0x100: {  	v57 =	vperm.xlane v24, v32;
	[tilespmem:s16+$0x1BF0] =	vst v55  }
0x101: {  	v58 =	vperm.xlane v25, v32;
	[tilespmem:s16+$0x1C70] =	vst v56  }
0x102: {  	v59 =	vperm.xlane v26, v32;
	[tilespmem:s16+$0xBCF0] =	vst v57  }
0x103: {  	v60 =	vperm.xlane v27, v32;
	[tilespmem:s16+$0xBD70] =	vst v58  }
0x104: {  	v61 =	vperm.xlane v28, v32;
	[tilespmem:s16+$0xBDF0] =	vst v59  }
0x105: {  	v62 =	vperm.xlane v29, v32;
	[tilespmem:s16+$0xBE70] =	vst v60  }
0x106: {  	v63 =	vperm.xlane v30, v32;
	[tilespmem:s16+$0xBEF0] =	vst v61  }
0x107: {  	v32 =	vperm.xlane v31, v32;
	[tilespmem:s16+$0xBF70] =	vst v62  }
0x108: {  	[tilespmem:s16+$0xBFF0] =	vst v63  }
0x109: {  	p1 =	seq.s32 s14, $0x0;
	s14 =	sadd.s32 $0x1000, s14;
	s17 =	sadd.s32 $0x1880, s16;
	[tilespmem:s16+$0xC070] =	vst v32  }
0x10a: {  	[hbm4b:s15+s3] =	stream.linear.scatter [tilespmem:s17], [sflag:$0x1], $0x400, $0x38;
	[tilespmem:$0x16080] =	vst v63  }
0x10b: {  	s31 =	sadd.s32 $0x27100, s15;
	p2 =	sne.s32 s12, s14;
	s16 =	sadd.s32 $0xBC80, s16  }
0x10c: {  	[hbm4b:s31+s3] =	stream.linear.scatter [tilespmem:s16], [sflag:$0x1], $0x400, $0x38;
	[tilespmem:$0x16080] =	vst v63  }
.Ltmp0:
0x10d: {  	_ = 	snop;
	(pc) =	sbr.rel @p2 .LBB2_2-.Ltmp0, $4  }
0x10e: {  	s16 =	simm.s32 @!p1 $0x1  }
0x10f: {  	_ =	swait.ge @!p1 [sflag:s16], $0x800  }
0x110: {  	[sflag:s16] =	ssyncset.done @!p1 $0x0  }
0x111: {  	s13 =	sadd.s32 $0x80, s13;
	s15 =	sadd.s32 $0x80, s15;
	[sflag:s16] =	ssyncadd.s32 @!p1 $0xFFFFF800  }
0x112: {  	s11 =	sadd.s32 $0x1, s11  }
0x113: {  	p1 =	sne.s32 s11, s6  }
.Ltmp1:
0x114: {  	_ = 	snop;
	(pc) =	sbr.rel @p1 .LBB2_1-.Ltmp1, $4  }
0x115: {  	_ = 	snop  }
0x116: {  	_ =	swait.ge [sflag:s10], $0x800  }
0x117: {  	[sflag:s10] =	ssyncset.done $0x0  }
0x118: {  	[sflag:s10] =	ssyncadd.s32 $0xFFFFF800  }
0x119: {  	_ =	sfence.sel $0x180000  }
0x11a: {  	[bflag:$0x0] =	sbarrier.arrive $0xFFFF  }
0x11b: {  	p0 =	sne.s32 s0, $0x0;
	_ =	strace $0x90000047  }
0x11c: {  	s0 =	sadd.s32 @!p0 $0x100000, s2;
	[bflag:$0x2] =	sbarrier.arrive $0xFFFF  }
0x11d: {  	[sflag:s0] =	ssyncadd.tile.s32 @!p0 $0x1;
	_ =	shalt  }
.Lfunc_end2:
_tile_overlayer_lowered:
.L_overlay_start_2:
0x11e: {  	(tag) =	ssettag $0x2  }
0x11f: {  	s0 =	rddreg [dreg:$0x0];
	s2 =	stileid.u32  }
0x120: {  	s1 =	rddreg [dreg:$0x1];
	p0 =	sne.s32 s2, $0x0  }
0x121: {  	s3 =	rddreg [dreg:$0x2];
	[bflag:$0x3] =	sbarrier.arrive $0xFFFF;
	s2 =	simm.s32 @!p0 $0x1C02  }
0x122: {  	[timem:s3], [sflag:s2] =	dma.local @!p0 [hbm:s0], s1  }
0x123: {  	s0 =	simm.s32 @!p0 $0x2  }
0x124: {  	_ =	swait.ge @!p0 [sflag:s0], s1  }
0x125: {  	s1 =	ssub.s32 @!p0 $0x0, s1;
	[sflag:s0] =	ssyncset.done @!p0 $0x0  }
0x126: {  	[sflag:s0] =	ssyncadd.s32 @!p0 s1  }
0x127: {  	[bflag:$0x3] =	sbarrier.arrive $0xFFFF  }
0x128: {  	_ =	shalt  }

</sc_bundles>
